<compile_context>
chip_gen: v7x
topology: tpu7x:2x2x1
jax: 0.10.2.dev20260603
libtpu: 0.0.44.dev20260713+nightly
codegen_flags: <defaults>
</compile_context>

<pallas_src>
import functools
import jax
import jax.numpy as jnp
from jax import lax
from jax.experimental import pallas as pl
from jax.experimental.pallas import tpu as pltpu
from jax.experimental.pallas import tpu_sc as plsc

_EPS = 1e-5
_NG = 64
_F = 1024
_N = 10000
_E = 160000

_NW = 32
_NT = 313
_NPAD = _NW * _NT
_ECH = 4000
_NCH = _E // _ECH
_CAP = 6000
_G = 128
_FC = 128
_NC_F = _F // _FC
_HROW = 5 * _NC_F


def _mm_block(a_ref, b_ref, o_ref):
    o_ref[...] = jnp.dot(a_ref[...], b_ref[...],
                         preferred_element_type=jnp.float32)


def _matmul(a, b, bm, bn):
    m, k = a.shape
    _, n = b.shape
    return pl.pallas_call(
        _mm_block,
        grid=(m // bm, n // bn),
        in_specs=[
            pl.BlockSpec((bm, k), lambda i, j: (i, 0)),
            pl.BlockSpec((k, bn), lambda i, j: (0, j)),
        ],
        out_specs=pl.BlockSpec((bm, bn), lambda i, j: (i, j)),
        out_shape=jax.ShapeDtypeStruct((m, n), jnp.float32),
    )(a, b)


def _sc_body(hflat, dst_h, src_h, sigs_h,
             m1, s1, m2, s2,
             dbuf, sbuf, dcomp, icomp, acc_m, acc_s, gbuf, sigv,
             sem):
    wid = lax.axis_index("s") * 2 + lax.axis_index("c")
    base = wid * _NT

    pltpu.sync_copy(sigs_h, sigv)

    def initc(i, _):
        icomp[pl.ds(16 * i, 16)] = jnp.zeros((16,), jnp.int32)
        return 0
    lax.fori_loop(0, (_CAP + 128) // 16, initc, 0)

    def do_pass(p, _):
        v = p >> 3
        c = p & 7
        toff = 16 + 16 * v + c

        def init_row(r, _):
            for j in range(_NC_F):
                acc_m[r, 0, pl.ds(16 * j, 16)] = jnp.full((16,), -3.0e38,
                                                          jnp.float32)
                acc_s[r, 0, pl.ds(16 * j, 16)] = jnp.zeros((16,), jnp.float32)
            return 0
        lax.fori_loop(0, _NT, init_row, 0)

        sgv = [sigv[v, c, pl.ds(16 * j, 16)] for j in range(_NC_F)]

        def flush(cnt):
            ng = (cnt + _G - 1) // _G

            def do_group(g, _):
                pltpu.async_copy(hflat.at[icomp.at[pl.ds(g * _G, _G)]],
                                 gbuf, sem).wait()
                gl = jnp.minimum(_G, cnt - g * _G)

                def do_edge(e, _):
                    dl = dcomp[pl.ds(g * _G + e, 16)][0]
                    for j in range(_NC_F):
                        b = gbuf[e, pl.ds(16 * j, 16)]
                        bs = b * sgv[j]
                        cur = acc_m[dl, 0, pl.ds(16 * j, 16)]
                        acc_m[dl, 0, pl.ds(16 * j, 16)] = jnp.maximum(cur, bs)
                        plsc.addupdate(acc_s.at[dl, 0, pl.ds(16 * j, 16)], b)
                    return 0
                lax.fori_loop(0, gl, do_edge, 0)
                return 0

            lax.fori_loop(0, ng, do_group, 0)

        def do_chunk(k, cnt_vec):
            pend = jnp.max(cnt_vec)

            @pl.when(pend > _CAP - _ECH)
            def _():
                flush(pend)
            cnt_vec = jnp.where(cnt_vec > _CAP - _ECH,
                                jnp.zeros((16,), jnp.int32), cnt_vec)

            pltpu.sync_copy(dst_h.at[pl.ds(k * _ECH, _ECH)], dbuf)
            pltpu.sync_copy(src_h.at[pl.ds(k * _ECH, _ECH)], sbuf)

            def scan(i, cv):
                d = dbuf[pl.ds(16 * i, 16)]
                s = sbuf[pl.ds(16 * i, 16)]
                msk = (d >= base) & (d < base + _NT)
                m32 = msk.astype(jnp.int32)
                pos = cv + plsc.cumsum(m32) - 1
                plsc.store_scatter(dcomp, [pos], d - base, mask=msk)
                plsc.store_scatter(icomp, [pos], s * _HROW + toff, mask=msk)
                return cv + plsc.all_reduce_population_count(msk)
            return lax.fori_loop(0, _ECH // 16, scan, cnt_vec)

        cnt_vec = lax.fori_loop(0, _NCH, do_chunk,
                                jnp.zeros((16,), jnp.int32))
        tail = jnp.max(cnt_vec)

        @pl.when(tail > 0)
        def _():
            flush(tail)

        @pl.when(v == 0)
        def _():
            pltpu.sync_copy(acc_m.at[pl.ds(0, _NT)],
                            m1.at[pl.ds(base, _NT), pl.ds(c, 1)])
            pltpu.sync_copy(acc_s.at[pl.ds(0, _NT)],
                            s1.at[pl.ds(base, _NT), pl.ds(c, 1)])

        @pl.when(v == 1)
        def _():
            pltpu.sync_copy(acc_m.at[pl.ds(0, _NT)],
                            m2.at[pl.ds(base, _NT), pl.ds(c, 1)])
            pltpu.sync_copy(acc_s.at[pl.ds(0, _NT)],
                            s2.at[pl.ds(base, _NT), pl.ds(c, 1)])
        return 0

    lax.fori_loop(0, 2 * _NC_F, do_pass, 0)


_out_sd = jax.ShapeDtypeStruct((_NPAD, _NC_F, _FC), jnp.float32)

_sc_call = functools.partial(
    pl.kernel,
    mesh=plsc.VectorSubcoreMesh(core_axis_name="c", subcore_axis_name="s"),
    compiler_params=pltpu.CompilerParams(needs_layout_passes=False),
    out_type=[_out_sd, _out_sd, _out_sd, _out_sd],
    scratch_types=[
        pltpu.VMEM((_ECH,), jnp.int32),
        pltpu.VMEM((_ECH,), jnp.int32),
        pltpu.VMEM((_CAP + 128,), jnp.int32),
        pltpu.VMEM((_CAP + 128,), jnp.int32),
        pltpu.VMEM((_NT, 1, _FC), jnp.float32),
        pltpu.VMEM((_NT, 1, _FC), jnp.float32),
        pltpu.VMEM((_G, _FC), jnp.float32),
        pltpu.VMEM((2, _NC_F, _FC), jnp.float32),
        pltpu.SemaphoreType.DMA,
    ],
)(_sc_body)


def kernel(x, edge_index, batch, W0, b0, g0, be0, W1, b1, g1, be1,
           W2, b2, g2, be2, Wr, br):
    src = edge_index[0]
    dst = edge_index[1]

    Wcat = jnp.concatenate([
        W0,
        W1[:_F] - W1[_F:], W1[_F:],
        W2[:_F] - W2[_F:], W2[_F:],
    ], axis=1)
    H = _matmul(x, Wcat, 400, 512)
    H0 = H[:, 0 * _F:1 * _F]
    A1 = H[:, 1 * _F:2 * _F]
    A2 = H[:, 3 * _F:4 * _F]

    hflat = H.reshape(_N * _HROW, _FC)
    sigs = jnp.stack([jnp.sign(g1).reshape(_NC_F, _FC),
                      jnp.sign(g2).reshape(_NC_F, _FC)])
    m1p, s1p, m2p, s2p = _sc_call(hflat, dst, src, sigs)
    M1 = m1p.reshape(_NPAD, _F)[:_N]
    S1 = s1p.reshape(_NPAD, _F)[:_N]
    M2 = m2p.reshape(_NPAD, _F)[:_N]
    S2 = s2p.reshape(_NPAD, _F)[:_N]

    cnt_dst = jax.ops.segment_sum(jnp.ones((_E,), jnp.float32), dst,
                                  num_segments=_N)
    cnt_src = jax.ops.segment_sum(jnp.ones((_E,), jnp.float32), src,
                                  num_segments=_N)

    P = (batch[None, :] == jnp.arange(_NG)[:, None]).astype(jnp.float32)
    Pn = P / jnp.maximum(P.sum(1, keepdims=True), 1.0)

    mu0 = jnp.mean(H0, axis=0) + b0
    var0 = jnp.mean((H0 + b0[None, :] - mu0[None, :]) ** 2, axis=0)
    s0 = g0 * jax.lax.rsqrt(var0 + _EPS)
    t0 = (b0 - mu0) * s0 + be0
    p0 = (Pn @ H0) * s0[None, :] + t0[None, :]

    def edgeconv2(A, B, S, M, b, g, be):
        sumA = cnt_dst @ A
        sumB = cnt_src @ B
        sumA2 = cnt_dst @ (A * A)
        sumB2 = cnt_src @ (B * B)
        cross = jnp.sum(A * S, axis=0)
        mu_nb = (sumA + sumB) / _E
        var = (sumA2 + sumB2 + 2.0 * cross) / _E - mu_nb ** 2
        s = g * jax.lax.rsqrt(var + _EPS)
        t = (b - mu_nb) * s + be
        mask = (cnt_dst > 0)[:, None]
        Mz = jnp.where(mask, M, 0.0)
        agg = A * s[None, :] + t[None, :] + jnp.abs(s)[None, :] * Mz
        agg = jnp.where(mask & jnp.isfinite(agg), agg, 0.0)
        return Pn @ agg

    B1 = H[:, 2 * _F:3 * _F]
    B2 = H[:, 4 * _F:5 * _F]
    p1 = edgeconv2(A1, B1, S1, M1, b1, g1, be1)
    p2 = edgeconv2(A2, B2, S2, M2, b2, g2, be2)
    acc = p0 + p1 + p2
    return acc @ Wr + br

# --- scband reference (transcript-rebuilt; emitter-appended) ---
"""Pipeline reference for scband-model-76338748719721 (READ-ONLY COPY).

The authoritative reference and input builder live on the scoring server;
editing this copy changes nothing except your own understanding.
"""

import jax, jax.numpy as jnp
import numpy as np

EPS = 1e-5
NUM_GRAPHS = 64


def setup_inputs(seed: int = 0) -> dict:
    key = jax.random.key(seed)
    ks = jax.random.split(key, 16)
    x = jax.random.normal(ks[0], (10000, 1024), dtype=jnp.float32)
    edge_index = jax.random.randint(ks[1], (2, 160000), 0, 10000, dtype=jnp.int32)
    batch = jnp.sort(jax.random.randint(ks[2], (10000,), 0, NUM_GRAPHS, dtype=jnp.int32))
    def lin(k, fan_in, fan_out):
        return jax.random.normal(k, (fan_in, fan_out), dtype=jnp.float32) / jnp.sqrt(float(fan_in))
    W0 = lin(ks[3], 1024, 1024); b0 = jnp.zeros((1024,), jnp.float32)
    g0 = jnp.ones((1024,), jnp.float32); be0 = jnp.zeros((1024,), jnp.float32)
    W1 = lin(ks[4], 2048, 1024); b1 = jnp.zeros((1024,), jnp.float32)
    g1 = jnp.ones((1024,), jnp.float32); be1 = jnp.zeros((1024,), jnp.float32)
    W2 = lin(ks[5], 2048, 1024); b2 = jnp.zeros((1024,), jnp.float32)
    g2 = jnp.ones((1024,), jnp.float32); be2 = jnp.zeros((1024,), jnp.float32)
    Wr = lin(ks[6], 1024, 2); br = jnp.zeros((2,), jnp.float32)
    return {"x": x, "edge_index": edge_index, "batch": batch,
            "W0": W0, "b0": b0, "g0": g0, "be0": be0,
            "W1": W1, "b1": b1, "g1": g1, "be1": be1,
            "W2": W2, "b2": b2, "g2": g2, "be2": be2,
            "Wr": Wr, "br": br}


def _bn(h, g, b):
    # BatchNorm1d, training-mode statistics (biased variance), deterministic
    mu = jnp.mean(h, axis=0)
    var = jnp.mean((h - mu) ** 2, axis=0)
    return (h - mu) * jax.lax.rsqrt(var + EPS) * g + b


def _mean_pool(h, batch, num_graphs):
    s = jax.ops.segment_sum(h, batch, num_segments=num_graphs)
    cnt = jax.ops.segment_sum(jnp.ones((h.shape[0], 1), h.dtype), batch, num_segments=num_graphs)
    return s / jnp.maximum(cnt, 1.0)


def reference(x, edge_index, batch, W0, b0, g0, be0, W1, b1, g1, be1, W2, b2, g2, be2, Wr, br):
    n_nodes = x.shape[0]
    src = edge_index[0]
    dst = edge_index[1]
    # Block 0: Subnet(1024 -> 1024) applied node-wise, then global_mean_pool
    h0 = _bn(x @ W0 + b0, g0, be0)
    p0 = _mean_pool(h0, batch, NUM_GRAPHS)
    # Blocks 1, 2: EdgeConv(Subnet(2048 -> 1024), aggr='max') then global_mean_pool
    def edgeconv(W, b, g, be):
        x_i = x[dst]
        x_j = x[src]
        e = jnp.concatenate([x_i, x_j - x_i], axis=1)
        m = _bn(e @ W + b, g, be)
        agg = jax.ops.segment_max(m, dst, num_segments=n_nodes)
        agg = jnp.where(jnp.isfinite(agg), agg, 0.0)  # nodes with no incoming edges -> 0
        return _mean_pool(agg, batch, NUM_GRAPHS)
    p1 = edgeconv(W1, b1, g1, be1)
    p2 = edgeconv(W2, b2, g2, be2)
    # dropout is identity in eval / deterministic reference
    acc = p0 + p1 + p2
    return acc @ Wr + br

if __name__ == "__main__":
    import jax
    _d = setup_inputs()
    print(jax.jit(kernel)(*tuple(_d.values())))

</pallas_src>

<mosaic_0001>
#map = affine_map<(d0, d1) -> (0, 0)>
#map1 = affine_map<(d0, d1) -> (0)>
#map2 = affine_map<(d0, d1) -> (0, 0, 0)>
module attributes {stable_mosaic.version = 14 : i64} {
  func.func @_sc_body(%arg0: i32, %arg1: i32, %arg2: memref<400000x128xf32, #tpu.memory_space<hbm>>, %arg3: memref<160000xi32, #tpu.memory_space<hbm>>, %arg4: memref<160000xi32, #tpu.memory_space<hbm>>, %arg5: memref<2x8x128xf32, #tpu.memory_space<hbm>>, %arg6: memref<10016x8x128xf32, #tpu.memory_space<hbm>>, %arg7: memref<10016x8x128xf32, #tpu.memory_space<hbm>>, %arg8: memref<10016x8x128xf32, #tpu.memory_space<hbm>>, %arg9: memref<10016x8x128xf32, #tpu.memory_space<hbm>>, %arg10: memref<4000xi32, #tpu.memory_space<vmem>>, %arg11: memref<4000xi32, #tpu.memory_space<vmem>>, %arg12: memref<6128xi32, #tpu.memory_space<vmem>>, %arg13: memref<6128xi32, #tpu.memory_space<vmem>>, %arg14: memref<313x1x128xf32, #tpu.memory_space<vmem>>, %arg15: memref<313x1x128xf32, #tpu.memory_space<vmem>>, %arg16: memref<128x128xf32, #tpu.memory_space<vmem>>, %arg17: memref<2x8x128xf32, #tpu.memory_space<vmem>>, %arg18: memref<!tpu.dma_semaphore, #tpu.memory_space<semaphore_mem>>) attributes {dimension_semantics = [#tpu.dimension_semantics<core_parallel>, #tpu.dimension_semantics<subcore_parallel>], iteration_bounds = array<i64: 2, 16>, scalar_prefetch = 0 : i64, scratch_operands = 9 : i64, tpu.core_type = #tpu.core_type<sc_vector_subcore>, window_params = [{transform_indices = #map}, {transform_indices = #map1}, {transform_indices = #map1}, {transform_indices = #map2}, {transform_indices = #map2}, {transform_indices = #map2}, {transform_indices = #map2}, {transform_indices = #map2}]} {
    %mul3A = arith.constant 2 : i32
    %mul3A_0 = arith.muli %arg1, %mul3A : i32
    %add3A = arith.addi %mul3A_0, %arg0 : i32
    %mul3A_1 = arith.constant 313 : i32
    %mul3A_2 = arith.muli %add3A, %mul3A_1 : i32
    "tpu.region"() ({
      %run_scoped3A = tpu.sem_alloc : memref<!tpu.dma_semaphore, #tpu.memory_space<semaphore_mem>>
      tpu.enqueue_dma source(%arg5 : memref<2x8x128xf32, #tpu.memory_space<hbm>>) target(%arg17 : memref<2x8x128xf32, #tpu.memory_space<vmem>>) target_semaphore(%run_scoped3A : memref<!tpu.dma_semaphore, #tpu.memory_space<semaphore_mem>>)
      tpu.wait_dma2 semaphore(%run_scoped3A : memref<!tpu.dma_semaphore, #tpu.memory_space<semaphore_mem>>) src(%arg5 : memref<2x8x128xf32, #tpu.memory_space<hbm>>) dst(%arg17 : memref<2x8x128xf32, #tpu.memory_space<vmem>>)
      tpu.yield
    }) : () -> ()
    %scan3A = arith.constant 0 : i32
    %scan3A_3 = arith.constant 0 : i32
    %scan3A_4 = arith.constant 383 : i32
    %scan3A_5 = arith.addi %scan3A_3, %scan3A_4 : i32
    %scan3A_6 = arith.constant 1 : i32
    %scan3A_7 = scf.for %scan3A_16 = %scan3A_3 to %scan3A_5 step %scan3A_6 iter_args(%scan3A_17 = %scan3A) -> (i32)  : i32 {
      %broadcast_in_dim3A = arith.constant 0 : i32
      %broadcast_in_dim3A_18 = vector.broadcast %broadcast_in_dim3A : i32 to vector<16xi32>
      %mul3A_19 = arith.constant 16 : i32
      %mul3A_20 = arith.muli %mul3A_19, %scan3A_16 : i32
      %swap3A = arith.index_cast %mul3A_20 : i32 to index
      %swap3A_21 = tpu.vector_load %arg13[%swap3A] {strides = array<i32>} : memref<6128xi32, #tpu.memory_space<vmem>>, vector<16xi32>,
      tpu.vector_store %arg13[%swap3A], %broadcast_in_dim3A_18 {strides = array<i32>} : memref<6128xi32, #tpu.memory_space<vmem>>, vector<16xi32>,
      %scan3A_22 = arith.constant 0 : i32
      scf.yield %scan3A_22 : i32
    }
    %scan3A_8 = arith.constant 383 : i32
    %scan3A_9 = arith.constant 0 : i32
    %scan3A_10 = arith.constant 0 : i32
    %scan3A_11 = arith.constant 16 : i32
    %scan3A_12 = arith.addi %scan3A_10, %scan3A_11 : i32
    %scan3A_13 = arith.constant 1 : i32
    %scan3A_14 = scf.for %scan3A_16 = %scan3A_10 to %scan3A_12 step %scan3A_13 iter_args(%scan3A_17 = %scan3A_9) -> (i32)  : i32 {
      %shift_right_arithmetic3A = arith.constant 3 : i32
      %shift_right_arithmetic3A_18 = arith.shrsi %scan3A_16, %shift_right_arithmetic3A : i32
      %and3A = arith.constant 7 : i32
      %and3A_19 = arith.andi %scan3A_16, %and3A : i32
      %mul3A_20 = arith.constant 16 : i32
      %mul3A_21 = arith.muli %mul3A_20, %shift_right_arithmetic3A_18 : i32
      %add3A_22 = arith.constant 16 : i32
      %add3A_23 = arith.addi %add3A_22, %mul3A_21 : i32
      %add3A_24 = arith.addi %add3A_23, %and3A_19 : i32
      %scan3A_25 = arith.constant 0 : i32
      %scan3A_26 = arith.constant 0 : i32
      %scan3A_27 = arith.constant 313 : i32
      %scan3A_28 = arith.addi %scan3A_26, %scan3A_27 : i32
      %scan3A_29 = arith.constant 1 : i32
      %scan3A_30 = scf.for %scan3A_89 = %scan3A_26 to %scan3A_28 step %scan3A_29 iter_args(%scan3A_90 = %scan3A_25) -> (i32)  : i32 {
        %broadcast_in_dim3A_91 = arith.constant -3.000000e+38 : f32
        %broadcast_in_dim3A_92 = vector.broadcast %broadcast_in_dim3A_91 : f32 to vector<16xf32>
        %swap3A = arith.constant 0 : i32
        %swap3A_93 = arith.index_cast %scan3A_89 : i32 to index
        %swap3A_94 = arith.index_cast %swap3A : i32 to index
        %swap3A_95 = arith.constant 0 : index
        %swap3A_96 = tpu.vector_load %arg14[%swap3A_93, %swap3A_94, %swap3A_95] {strides = array<i32>} : memref<313x1x128xf32, #tpu.memory_space<vmem>>, vector<16xf32>,
        tpu.vector_store %arg14[%swap3A_93, %swap3A_94, %swap3A_95], %broadcast_in_dim3A_92 {strides = array<i32>} : memref<313x1x128xf32, #tpu.memory_space<vmem>>, vector<16xf32>,
        %broadcast_in_dim3A_97 = arith.constant 0.000000e+00 : f32
        %broadcast_in_dim3A_98 = vector.broadcast %broadcast_in_dim3A_97 : f32 to vector<16xf32>
        %swap3A_99 = arith.constant 0 : i32
        %swap3A_100 = arith.index_cast %scan3A_89 : i32 to index
        %swap3A_101 = arith.index_cast %swap3A_99 : i32 to index
        %swap3A_102 = arith.constant 0 : index
        %swap3A_103 = tpu.vector_load %arg15[%swap3A_100, %swap3A_101, %swap3A_102] {strides = array<i32>} : memref<313x1x128xf32, #tpu.memory_space<vmem>>, vector<16xf32>,
        tpu.vector_store %arg15[%swap3A_100, %swap3A_101, %swap3A_102], %broadcast_in_dim3A_98 {strides = array<i32>} : memref<313x1x128xf32, #tpu.memory_space<vmem>>, vector<16xf32>,
        %broadcast_in_dim3A_104 = arith.constant -3.000000e+38 : f32
        %broadcast_in_dim3A_105 = vector.broadcast %broadcast_in_dim3A_104 : f32 to vector<16xf32>
        %swap3A_106 = arith.constant 0 : i32
        %swap3A_107 = arith.index_cast %scan3A_89 : i32 to index
        %swap3A_108 = arith.index_cast %swap3A_106 : i32 to index
        %swap3A_109 = arith.constant 16 : index
        %swap3A_110 = tpu.vector_load %arg14[%swap3A_107, %swap3A_108, %swap3A_109] {strides = array<i32>} : memref<313x1x128xf32, #tpu.memory_space<vmem>>, vector<16xf32>,
        tpu.vector_store %arg14[%swap3A_107, %swap3A_108, %swap3A_109], %broadcast_in_dim3A_105 {strides = array<i32>} : memref<313x1x128xf32, #tpu.memory_space<vmem>>, vector<16xf32>,
        %broadcast_in_dim3A_111 = arith.constant 0.000000e+00 : f32
        %broadcast_in_dim3A_112 = vector.broadcast %broadcast_in_dim3A_111 : f32 to vector<16xf32>
        %swap3A_113 = arith.constant 0 : i32
        %swap3A_114 = arith.index_cast %scan3A_89 : i32 to index
        %swap3A_115 = arith.index_cast %swap3A_113 : i32 to index
        %swap3A_116 = arith.constant 16 : index
        %swap3A_117 = tpu.vector_load %arg15[%swap3A_114, %swap3A_115, %swap3A_116] {strides = array<i32>} : memref<313x1x128xf32, #tpu.memory_space<vmem>>, vector<16xf32>,
        tpu.vector_store %arg15[%swap3A_114, %swap3A_115, %swap3A_116], %broadcast_in_dim3A_112 {strides = array<i32>} : memref<313x1x128xf32, #tpu.memory_space<vmem>>, vector<16xf32>,
        %broadcast_in_dim3A_118 = arith.constant -3.000000e+38 : f32
        %broadcast_in_dim3A_119 = vector.broadcast %broadcast_in_dim3A_118 : f32 to vector<16xf32>
        %swap3A_120 = arith.constant 0 : i32
        %swap3A_121 = arith.index_cast %scan3A_89 : i32 to index
        %swap3A_122 = arith.index_cast %swap3A_120 : i32 to index
        %swap3A_123 = arith.constant 32 : index
        %swap3A_124 = tpu.vector_load %arg14[%swap3A_121, %swap3A_122, %swap3A_123] {strides = array<i32>} : memref<313x1x128xf32, #tpu.memory_space<vmem>>, vector<16xf32>,
        tpu.vector_store %arg14[%swap3A_121, %swap3A_122, %swap3A_123], %broadcast_in_dim3A_119 {strides = array<i32>} : memref<313x1x128xf32, #tpu.memory_space<vmem>>, vector<16xf32>,
        %broadcast_in_dim3A_125 = arith.constant 0.000000e+00 : f32
        %broadcast_in_dim3A_126 = vector.broadcast %broadcast_in_dim3A_125 : f32 to vector<16xf32>
        %swap3A_127 = arith.constant 0 : i32
        %swap3A_128 = arith.index_cast %scan3A_89 : i32 to index
        %swap3A_129 = arith.index_cast %swap3A_127 : i32 to index
        %swap3A_130 = arith.constant 32 : index
        %swap3A_131 = tpu.vector_load %arg15[%swap3A_128, %swap3A_129, %swap3A_130] {strides = array<i32>} : memref<313x1x128xf32, #tpu.memory_space<vmem>>, vector<16xf32>,
        tpu.vector_store %arg15[%swap3A_128, %swap3A_129, %swap3A_130], %broadcast_in_dim3A_126 {strides = array<i32>} : memref<313x1x128xf32, #tpu.memory_space<vmem>>, vector<16xf32>,
        %broadcast_in_dim3A_132 = arith.constant -3.000000e+38 : f32
        %broadcast_in_dim3A_133 = vector.broadcast %broadcast_in_dim3A_132 : f32 to vector<16xf32>
        %swap3A_134 = arith.constant 0 : i32
        %swap3A_135 = arith.index_cast %scan3A_89 : i32 to index
        %swap3A_136 = arith.index_cast %swap3A_134 : i32 to index
        %swap3A_137 = arith.constant 48 : index
        %swap3A_138 = tpu.vector_load %arg14[%swap3A_135, %swap3A_136, %swap3A_137] {strides = array<i32>} : memref<313x1x128xf32, #tpu.memory_space<vmem>>, vector<16xf32>,
        tpu.vector_store %arg14[%swap3A_135, %swap3A_136, %swap3A_137], %broadcast_in_dim3A_133 {strides = array<i32>} : memref<313x1x128xf32, #tpu.memory_space<vmem>>, vector<16xf32>,
        %broadcast_in_dim3A_139 = arith.constant 0.000000e+00 : f32
        %broadcast_in_dim3A_140 = vector.broadcast %broadcast_in_dim3A_139 : f32 to vector<16xf32>
        %swap3A_141 = arith.constant 0 : i32
        %swap3A_142 = arith.index_cast %scan3A_89 : i32 to index
        %swap3A_143 = arith.index_cast %swap3A_141 : i32 to index
        %swap3A_144 = arith.constant 48 : index
        %swap3A_145 = tpu.vector_load %arg15[%swap3A_142, %swap3A_143, %swap3A_144] {strides = array<i32>} : memref<313x1x128xf32, #tpu.memory_space<vmem>>, vector<16xf32>,
        tpu.vector_store %arg15[%swap3A_142, %swap3A_143, %swap3A_144], %broadcast_in_dim3A_140 {strides = array<i32>} : memref<313x1x128xf32, #tpu.memory_space<vmem>>, vector<16xf32>,
        %broadcast_in_dim3A_146 = arith.constant -3.000000e+38 : f32
        %broadcast_in_dim3A_147 = vector.broadcast %broadcast_in_dim3A_146 : f32 to vector<16xf32>
        %swap3A_148 = arith.constant 0 : i32
        %swap3A_149 = arith.index_cast %scan3A_89 : i32 to index
        %swap3A_150 = arith.index_cast %swap3A_148 : i32 to index
        %swap3A_151 = arith.constant 64 : index
        %swap3A_152 = tpu.vector_load %arg14[%swap3A_149, %swap3A_150, %swap3A_151] {strides = array<i32>} : memref<313x1x128xf32, #tpu.memory_space<vmem>>, vector<16xf32>,
        tpu.vector_store %arg14[%swap3A_149, %swap3A_150, %swap3A_151], %broadcast_in_dim3A_147 {strides = array<i32>} : memref<313x1x128xf32, #tpu.memory_space<vmem>>, vector<16xf32>,
        %broadcast_in_dim3A_153 = arith.constant 0.000000e+00 : f32
        %broadcast_in_dim3A_154 = vector.broadcast %broadcast_in_dim3A_153 : f32 to vector<16xf32>
        %swap3A_155 = arith.constant 0 : i32
        %swap3A_156 = arith.index_cast %scan3A_89 : i32 to index
        %swap3A_157 = arith.index_cast %swap3A_155 : i32 to index
        %swap3A_158 = arith.constant 64 : index
        %swap3A_159 = tpu.vector_load %arg15[%swap3A_156, %swap3A_157, %swap3A_158] {strides = array<i32>} : memref<313x1x128xf32, #tpu.memory_space<vmem>>, vector<16xf32>,
        tpu.vector_store %arg15[%swap3A_156, %swap3A_157, %swap3A_158], %broadcast_in_dim3A_154 {strides = array<i32>} : memref<313x1x128xf32, #tpu.memory_space<vmem>>, vector<16xf32>,
        %broadcast_in_dim3A_160 = arith.constant -3.000000e+38 : f32
        %broadcast_in_dim3A_161 = vector.broadcast %broadcast_in_dim3A_160 : f32 to vector<16xf32>
        %swap3A_162 = arith.constant 0 : i32
        %swap3A_163 = arith.index_cast %scan3A_89 : i32 to index
        %swap3A_164 = arith.index_cast %swap3A_162 : i32 to index
        %swap3A_165 = arith.constant 80 : index
        %swap3A_166 = tpu.vector_load %arg14[%swap3A_163, %swap3A_164, %swap3A_165] {strides = array<i32>} : memref<313x1x128xf32, #tpu.memory_space<vmem>>, vector<16xf32>,
        tpu.vector_store %arg14[%swap3A_163, %swap3A_164, %swap3A_165], %broadcast_in_dim3A_161 {strides = array<i32>} : memref<313x1x128xf32, #tpu.memory_space<vmem>>, vector<16xf32>,
        %broadcast_in_dim3A_167 = arith.constant 0.000000e+00 : f32
        %broadcast_in_dim3A_168 = vector.broadcast %broadcast_in_dim3A_167 : f32 to vector<16xf32>
        %swap3A_169 = arith.constant 0 : i32
        %swap3A_170 = arith.index_cast %scan3A_89 : i32 to index
        %swap3A_171 = arith.index_cast %swap3A_169 : i32 to index
        %swap3A_172 = arith.constant 80 : index
        %swap3A_173 = tpu.vector_load %arg15[%swap3A_170, %swap3A_171, %swap3A_172] {strides = array<i32>} : memref<313x1x128xf32, #tpu.memory_space<vmem>>, vector<16xf32>,
        tpu.vector_store %arg15[%swap3A_170, %swap3A_171, %swap3A_172], %broadcast_in_dim3A_168 {strides = array<i32>} : memref<313x1x128xf32, #tpu.memory_space<vmem>>, vector<16xf32>,
        %broadcast_in_dim3A_174 = arith.constant -3.000000e+38 : f32
        %broadcast_in_dim3A_175 = vector.broadcast %broadcast_in_dim3A_174 : f32 to vector<16xf32>
        %swap3A_176 = arith.constant 0 : i32
        %swap3A_177 = arith.index_cast %scan3A_89 : i32 to index
        %swap3A_178 = arith.index_cast %swap3A_176 : i32 to index
        %swap3A_179 = arith.constant 96 : index
        %swap3A_180 = tpu.vector_load %arg14[%swap3A_177, %swap3A_178, %swap3A_179] {strides = array<i32>} : memref<313x1x128xf32, #tpu.memory_space<vmem>>, vector<16xf32>,
        tpu.vector_store %arg14[%swap3A_177, %swap3A_178, %swap3A_179], %broadcast_in_dim3A_175 {strides = array<i32>} : memref<313x1x128xf32, #tpu.memory_space<vmem>>, vector<16xf32>,
        %broadcast_in_dim3A_181 = arith.constant 0.000000e+00 : f32
        %broadcast_in_dim3A_182 = vector.broadcast %broadcast_in_dim3A_181 : f32 to vector<16xf32>
        %swap3A_183 = arith.constant 0 : i32
        %swap3A_184 = arith.index_cast %scan3A_89 : i32 to index
        %swap3A_185 = arith.index_cast %swap3A_183 : i32 to index
        %swap3A_186 = arith.constant 96 : index
        %swap3A_187 = tpu.vector_load %arg15[%swap3A_184, %swap3A_185, %swap3A_186] {strides = array<i32>} : memref<313x1x128xf32, #tpu.memory_space<vmem>>, vector<16xf32>,
        tpu.vector_store %arg15[%swap3A_184, %swap3A_185, %swap3A_186], %broadcast_in_dim3A_182 {strides = array<i32>} : memref<313x1x128xf32, #tpu.memory_space<vmem>>, vector<16xf32>,
        %broadcast_in_dim3A_188 = arith.constant -3.000000e+38 : f32
        %broadcast_in_dim3A_189 = vector.broadcast %broadcast_in_dim3A_188 : f32 to vector<16xf32>
        %swap3A_190 = arith.constant 0 : i32
        %swap3A_191 = arith.index_cast %scan3A_89 : i32 to index
        %swap3A_192 = arith.index_cast %swap3A_190 : i32 to index
        %swap3A_193 = arith.constant 112 : index
        %swap3A_194 = tpu.vector_load %arg14[%swap3A_191, %swap3A_192, %swap3A_193] {strides = array<i32>} : memref<313x1x128xf32, #tpu.memory_space<vmem>>, vector<16xf32>,
        tpu.vector_store %arg14[%swap3A_191, %swap3A_192, %swap3A_193], %broadcast_in_dim3A_189 {strides = array<i32>} : memref<313x1x128xf32, #tpu.memory_space<vmem>>, vector<16xf32>,
        %broadcast_in_dim3A_195 = arith.constant 0.000000e+00 : f32
        %broadcast_in_dim3A_196 = vector.broadcast %broadcast_in_dim3A_195 : f32 to vector<16xf32>
        %swap3A_197 = arith.constant 0 : i32
        %swap3A_198 = arith.index_cast %scan3A_89 : i32 to index
        %swap3A_199 = arith.index_cast %swap3A_197 : i32 to index
        %swap3A_200 = arith.constant 112 : index
        %swap3A_201 = tpu.vector_load %arg15[%swap3A_198, %swap3A_199, %swap3A_200] {strides = array<i32>} : memref<313x1x128xf32, #tpu.memory_space<vmem>>, vector<16xf32>,
        tpu.vector_store %arg15[%swap3A_198, %swap3A_199, %swap3A_200], %broadcast_in_dim3A_196 {strides = array<i32>} : memref<313x1x128xf32, #tpu.memory_space<vmem>>, vector<16xf32>,
        %scan3A_202 = arith.constant 0 : i32
        scf.yield %scan3A_202 : i32
      }
      %scan3A_31 = arith.constant 313 : i32
      %get3A = arith.index_cast %shift_right_arithmetic3A_18 : i32 to index
      %get3A_32 = arith.index_cast %and3A_19 : i32 to index
      %get3A_33 = arith.constant 0 : index
      %get3A_34 = tpu.vector_load %arg17[%get3A, %get3A_32, %get3A_33] {strides = array<i32>} : memref<2x8x128xf32, #tpu.memory_space<vmem>>, vector<16xf32>,
      %get3A_35 = arith.index_cast %shift_right_arithmetic3A_18 : i32 to index
      %get3A_36 = arith.index_cast %and3A_19 : i32 to index
      %get3A_37 = arith.constant 16 : index
      %get3A_38 = tpu.vector_load %arg17[%get3A_35, %get3A_36, %get3A_37] {strides = array<i32>} : memref<2x8x128xf32, #tpu.memory_space<vmem>>, vector<16xf32>,
      %get3A_39 = arith.index_cast %shift_right_arithmetic3A_18 : i32 to index
      %get3A_40 = arith.index_cast %and3A_19 : i32 to index
      %get3A_41 = arith.constant 32 : index
      %get3A_42 = tpu.vector_load %arg17[%get3A_39, %get3A_40, %get3A_41] {strides = array<i32>} : memref<2x8x128xf32, #tpu.memory_space<vmem>>, vector<16xf32>,
      %get3A_43 = arith.index_cast %shift_right_arithmetic3A_18 : i32 to index
      %get3A_44 = arith.index_cast %and3A_19 : i32 to index
      %get3A_45 = arith.constant 48 : index
      %get3A_46 = tpu.vector_load %arg17[%get3A_43, %get3A_44, %get3A_45] {strides = array<i32>} : memref<2x8x128xf32, #tpu.memory_space<vmem>>, vector<16xf32>,
      %get3A_47 = arith.index_cast %shift_right_arithmetic3A_18 : i32 to index
      %get3A_48 = arith.index_cast %and3A_19 : i32 to index
      %get3A_49 = arith.constant 64 : index
      %get3A_50 = tpu.vector_load %arg17[%get3A_47, %get3A_48, %get3A_49] {strides = array<i32>} : memref<2x8x128xf32, #tpu.memory_space<vmem>>, vector<16xf32>,
      %get3A_51 = arith.index_cast %shift_right_arithmetic3A_18 : i32 to index
      %get3A_52 = arith.index_cast %and3A_19 : i32 to index
      %get3A_53 = arith.constant 80 : index
      %get3A_54 = tpu.vector_load %arg17[%get3A_51, %get3A_52, %get3A_53] {strides = array<i32>} : memref<2x8x128xf32, #tpu.memory_space<vmem>>, vector<16xf32>,
      %get3A_55 = arith.index_cast %shift_right_arithmetic3A_18 : i32 to index
      %get3A_56 = arith.index_cast %and3A_19 : i32 to index
      %get3A_57 = arith.constant 96 : index
      %get3A_58 = tpu.vector_load %arg17[%get3A_55, %get3A_56, %get3A_57] {strides = array<i32>} : memref<2x8x128xf32, #tpu.memory_space<vmem>>, vector<16xf32>,
      %get3A_59 = arith.index_cast %shift_right_arithmetic3A_18 : i32 to index
      %get3A_60 = arith.index_cast %and3A_19 : i32 to index
      %get3A_61 = arith.constant 112 : index
      %get3A_62 = tpu.vector_load %arg17[%get3A_59, %get3A_60, %get3A_61] {strides = array<i32>} : memref<2x8x128xf32, #tpu.memory_space<vmem>>, vector<16xf32>,
      %broadcast_in_dim3A = arith.constant 0 : i32
      %broadcast_in_dim3A_63 = vector.broadcast %broadcast_in_dim3A : i32 to vector<16xi32>
      %scan3A_64 = arith.constant 0 : i32
      %scan3A_65 = arith.constant 40 : i32
      %scan3A_66 = arith.addi %scan3A_64, %scan3A_65 : i32
      %scan3A_67 = arith.constant 1 : i32
      %scan3A_68 = scf.for %scan3A_89 = %scan3A_64 to %scan3A_66 step %scan3A_67 iter_args(%scan3A_90 = %broadcast_in_dim3A_63) -> (vector<16xi32>)  : i32 {
        %reduce_max3A_91 = arith.constant true
        %reduce_max3A_92 = vector.broadcast %reduce_max3A_91 : i1 to vector<16xi1>
        %reduce_max3A_93 = arith.constant -2147483648 : i32
        %reduce_max3A_94 = vector.broadcast %reduce_max3A_93 : i32 to vector<16xi32>
        %reduce_max3A_95 = arith.xori %scan3A_90, %reduce_max3A_94 : vector<16xi32>
        %reduce_max3A_96 = tpu.scan <max>, %reduce_max3A_95 masked %reduce_max3A_92 : vector<16xi32>, vector<16xi1> -> vector<16xi32>
        %reduce_max3A_97 = arith.xori %reduce_max3A_96, %reduce_max3A_94 : vector<16xi32>
        %reduce_max3A_98 = vector.extract %reduce_max3A_97[15] : i32 from vector<16xi32>
        %gt3A_99 = arith.constant 2000 : i32
        %gt3A_100 = arith.cmpi sgt, %reduce_max3A_98, %gt3A_99 : i32
        %convert_element_type3A_101 = arith.extui %gt3A_100 : i1 to i32
        %cond3A_102 = arith.constant 0 : i32
        %cond3A_103 = arith.cmpi ne, %convert_element_type3A_101, %cond3A_102 : i32
        scf.if %cond3A_103 {
          %add3A_119 = arith.constant 128 : i32
          %add3A_120 = arith.addi %reduce_max3A_98, %add3A_119 : i32
          %sub3A = arith.constant 1 : i32
          %sub3A_121 = arith.subi %add3A_120, %sub3A : i32
          %jit3A = arith.constant 128 : i32
          %div3A = arith.divsi %sub3A_121, %jit3A : i32
          %sign3A = arith.constant 0 : i32
          %sign3A_122 = arith.cmpi sgt, %sub3A_121, %sign3A : i32
          %sign3A_123 = arith.extui %sign3A_122 : i1 to i32
          %sign3A_124 = arith.constant 0 : i32
          %sign3A_125 = arith.cmpi slt, %sub3A_121, %sign3A_124 : i32
          %sign3A_126 = arith.extui %sign3A_125 : i1 to i32
          %sign3A_127 = arith.subi %sign3A_123, %sign3A_126 : i32
          %sign3A_128 = arith.constant 0 : i32
          %sign3A_129 = arith.cmpi sgt, %jit3A, %sign3A_128 : i32
          %sign3A_130 = arith.extui %sign3A_129 : i1 to i32
          %sign3A_131 = arith.constant 0 : i32
          %sign3A_132 = arith.cmpi slt, %jit3A, %sign3A_131 : i32
          %sign3A_133 = arith.extui %sign3A_132 : i1 to i32
          %sign3A_134 = arith.subi %sign3A_130, %sign3A_133 : i32
          %ne3A = arith.cmpi ne, %sign3A_127, %sign3A_134 : i32
          %rem3A = arith.remsi %sub3A_121, %jit3A : i32
          %ne3A_135 = arith.constant 0 : i32
          %ne3A_136 = arith.cmpi ne, %rem3A, %ne3A_135 : i32
          %and3A_137 = arith.andi %ne3A, %ne3A_136 : i1
          %sub3A_138 = arith.constant 1 : i32
          %sub3A_139 = arith.subi %div3A, %sub3A_138 : i32
          %select_n3A_140 = arith.select %and3A_137, %sub3A_139, %div3A : i32
          %while3A = arith.constant 0 : i32
          %while3A_141 = arith.constant 0 : i32
          %while3A_142 = arith.subi %select_n3A_140, %while3A : i32
          %while3A_143 = arith.addi %while3A, %while3A_142 : i32
          %while3A_144 = arith.constant 1 : i32
          %while3A_145 = arith.divsi %while3A_142, %while3A_144 : i32
          %while3A_146 = arith.muli %while3A_145, %while3A_144 : i32
          %while3A_147 = arith.addi %while3A, %while3A_146 : i32
          %while3A_148 = arith.constant 1 : i32
          %while3A_149 = scf.for %while3A_152 = %while3A to %while3A_147 step %while3A_148 iter_args(%while3A_153 = %while3A_141) -> (i32)  : i32 {
            %mul3A_154 = arith.constant 128 : i32
            %mul3A_155 = arith.muli %while3A_152, %mul3A_154 : i32
            %dma_start3A = tpu.memref_slice %arg13[%mul3A_155] : memref<6128xi32, #tpu.memory_space<vmem>> -> memref<128xi32, #tpu.memory_space<vmem>>
            %dma_start3A_156 = arith.constant 0 : i32
            %dma_start3A_157 = arith.constant 0 : i32
            %dma_start3A_158 = tpu.memref_slice %arg2[%dma_start3A_156, %dma_start3A_157] : memref<400000x128xf32, #tpu.memory_space<hbm>> -> memref<400000x128xf32, #tpu.memory_space<hbm>>
            tpu.enqueue_indirect_dma source(%dma_start3A_158 : memref<400000x128xf32, #tpu.memory_space<hbm>>) target(%arg16 : memref<128x128xf32, #tpu.memory_space<vmem>>) offsets(%dma_start3A : memref<128xi32, #tpu.memory_space<vmem>>) semaphore(%arg18 : memref<!tpu.dma_semaphore, #tpu.memory_space<semaphore_mem>>)
            %dma_wait3A = tpu.memref_slice %arg13[%mul3A_155] : memref<6128xi32, #tpu.memory_space<vmem>> -> memref<128xi32, #tpu.memory_space<vmem>>
            %dma_wait3A_159 = arith.constant 0 : i32
            %dma_wait3A_160 = arith.constant 0 : i32
            %dma_wait3A_161 = tpu.memref_slice %arg2[%dma_wait3A_159, %dma_wait3A_160] : memref<400000x128xf32, #tpu.memory_space<hbm>> -> memref<400000x128xf32, #tpu.memory_space<hbm>>
            tpu.wait_indirect_dma semaphore(%arg18 : memref<!tpu.dma_semaphore, #tpu.memory_space<semaphore_mem>>) src(%dma_wait3A_161 : memref<400000x128xf32, #tpu.memory_space<hbm>>) dst(%arg16 : memref<128x128xf32, #tpu.memory_space<vmem>>)
            %mul3A_162 = arith.constant 128 : i32
            %mul3A_163 = arith.muli %while3A_152, %mul3A_162 : i32
            %sub3A_164 = arith.subi %reduce_max3A_98, %mul3A_163 : i32
            %min3A = arith.constant 128 : i32
            %min3A_165 = arith.minsi %min3A, %sub3A_164 : i32
            %while3A_166 = arith.constant 0 : i32
            %while3A_167 = arith.constant 0 : i32
            %while3A_168 = arith.subi %min3A_165, %while3A_166 : i32
            %while3A_169 = arith.addi %while3A_166, %while3A_168 : i32
            %while3A_170 = arith.constant 1 : i32
            %while3A_171 = arith.divsi %while3A_168, %while3A_170 : i32
            %while3A_172 = arith.muli %while3A_171, %while3A_170 : i32
            %while3A_173 = arith.addi %while3A_166, %while3A_172 : i32
            %while3A_174 = arith.constant 1 : i32
            %while3A_175 = scf.for %while3A_179 = %while3A_166 to %while3A_173 step %while3A_174 iter_args(%while3A_180 = %while3A_167) -> (i32)  : i32 {
              %mul3A_181 = arith.constant 128 : i32
              %mul3A_182 = arith.muli %while3A_152, %mul3A_181 : i32
              %add3A_183 = arith.addi %mul3A_182, %while3A_179 : i32
              %get3A_184 = arith.index_cast %add3A_183 : i32 to index
              %get3A_185 = tpu.vector_load %arg12[%get3A_184] {strides = array<i32>} : memref<6128xi32, #tpu.memory_space<vmem>>, vector<16xi32>,
              %slice3A = vector.extract_strided_slice %get3A_185 {offsets = [0], sizes = [1], strides = [1]} : vector<16xi32> to vector<1xi32>
              %squeeze3A = vector.extract %slice3A[0] : i32 from vector<1xi32>
              %get3A_186 = arith.index_cast %while3A_179 : i32 to index
              %get3A_187 = arith.constant 0 : index
              %get3A_188 = tpu.vector_load %arg16[%get3A_186, %get3A_187] {strides = array<i32>} : memref<128x128xf32, #tpu.memory_space<vmem>>, vector<16xf32>,
              %mul3A_189 = arith.mulf %get3A_188, %get3A_34 : vector<16xf32>
              %get3A_190 = arith.constant 0 : i32
              %get3A_191 = arith.index_cast %squeeze3A : i32 to index
              %get3A_192 = arith.index_cast %get3A_190 : i32 to index
              %get3A_193 = arith.constant 0 : index
              %get3A_194 = tpu.vector_load %arg14[%get3A_191, %get3A_192, %get3A_193] {strides = array<i32>} : memref<313x1x128xf32, #tpu.memory_space<vmem>>, vector<16xf32>,
              %max3A = arith.maximumf %get3A_194, %mul3A_189 : vector<16xf32>
              %swap3A = arith.constant 0 : i32
              %swap3A_195 = arith.index_cast %squeeze3A : i32 to index
              %swap3A_196 = arith.index_cast %swap3A : i32 to index
              %swap3A_197 = arith.constant 0 : index
              %swap3A_198 = tpu.vector_load %arg14[%swap3A_195, %swap3A_196, %swap3A_197] {strides = array<i32>} : memref<313x1x128xf32, #tpu.memory_space<vmem>>, vector<16xf32>,
              tpu.vector_store %arg14[%swap3A_195, %swap3A_196, %swap3A_197], %max3A {strides = array<i32>} : memref<313x1x128xf32, #tpu.memory_space<vmem>>, vector<16xf32>,
              %swap3A_199 = arith.constant 0 : i32
              %swap3A_200 = arith.index_cast %squeeze3A : i32 to index
              %swap3A_201 = arith.index_cast %swap3A_199 : i32 to index
              %swap3A_202 = arith.constant 0 : index
              %swap3A_203 = tpu.vector_load %arg15[%swap3A_200, %swap3A_201, %swap3A_202] {strides = array<i32>} : memref<313x1x128xf32, #tpu.memory_space<vmem>>, vector<16xf32>,
              tpu.vector_store %arg15[%swap3A_200, %swap3A_201, %swap3A_202], %get3A_188 {add = true, strides = array<i32>} : memref<313x1x128xf32, #tpu.memory_space<vmem>>, vector<16xf32>,
              %get3A_204 = arith.index_cast %while3A_179 : i32 to index
              %get3A_205 = arith.constant 16 : index
              %get3A_206 = tpu.vector_load %arg16[%get3A_204, %get3A_205] {strides = array<i32>} : memref<128x128xf32, #tpu.memory_space<vmem>>, vector<16xf32>,
              %mul3A_207 = arith.mulf %get3A_206, %get3A_38 : vector<16xf32>
              %get3A_208 = arith.constant 0 : i32
              %get3A_209 = arith.index_cast %squeeze3A : i32 to index
              %get3A_210 = arith.index_cast %get3A_208 : i32 to index
              %get3A_211 = arith.constant 16 : index
              %get3A_212 = tpu.vector_load %arg14[%get3A_209, %get3A_210, %get3A_211] {strides = array<i32>} : memref<313x1x128xf32, #tpu.memory_space<vmem>>, vector<16xf32>,
              %max3A_213 = arith.maximumf %get3A_212, %mul3A_207 : vector<16xf32>
              %swap3A_214 = arith.constant 0 : i32
              %swap3A_215 = arith.index_cast %squeeze3A : i32 to index
              %swap3A_216 = arith.index_cast %swap3A_214 : i32 to index
              %swap3A_217 = arith.constant 16 : index
              %swap3A_218 = tpu.vector_load %arg14[%swap3A_215, %swap3A_216, %swap3A_217] {strides = array<i32>} : memref<313x1x128xf32, #tpu.memory_space<vmem>>, vector<16xf32>,
              tpu.vector_store %arg14[%swap3A_215, %swap3A_216, %swap3A_217], %max3A_213 {strides = array<i32>} : memref<313x1x128xf32, #tpu.memory_space<vmem>>, vector<16xf32>,
              %swap3A_219 = arith.constant 0 : i32
              %swap3A_220 = arith.index_cast %squeeze3A : i32 to index
              %swap3A_221 = arith.index_cast %swap3A_219 : i32 to index
              %swap3A_222 = arith.constant 16 : index
              %swap3A_223 = tpu.vector_load %arg15[%swap3A_220, %swap3A_221, %swap3A_222] {strides = array<i32>} : memref<313x1x128xf32, #tpu.memory_space<vmem>>, vector<16xf32>,
              tpu.vector_store %arg15[%swap3A_220, %swap3A_221, %swap3A_222], %get3A_206 {add = true, strides = array<i32>} : memref<313x1x128xf32, #tpu.memory_space<vmem>>, vector<16xf32>,
              %get3A_224 = arith.index_cast %while3A_179 : i32 to index
              %get3A_225 = arith.constant 32 : index
              %get3A_226 = tpu.vector_load %arg16[%get3A_224, %get3A_225] {strides = array<i32>} : memref<128x128xf32, #tpu.memory_space<vmem>>, vector<16xf32>,
              %mul3A_227 = arith.mulf %get3A_226, %get3A_42 : vector<16xf32>
              %get3A_228 = arith.constant 0 : i32
              %get3A_229 = arith.index_cast %squeeze3A : i32 to index
              %get3A_230 = arith.index_cast %get3A_228 : i32 to index
              %get3A_231 = arith.constant 32 : index
              %get3A_232 = tpu.vector_load %arg14[%get3A_229, %get3A_230, %get3A_231] {strides = array<i32>} : memref<313x1x128xf32, #tpu.memory_space<vmem>>, vector<16xf32>,
              %max3A_233 = arith.maximumf %get3A_232, %mul3A_227 : vector<16xf32>
              %swap3A_234 = arith.constant 0 : i32
              %swap3A_235 = arith.index_cast %squeeze3A : i32 to index
              %swap3A_236 = arith.index_cast %swap3A_234 : i32 to index
              %swap3A_237 = arith.constant 32 : index
              %swap3A_238 = tpu.vector_load %arg14[%swap3A_235, %swap3A_236, %swap3A_237] {strides = array<i32>} : memref<313x1x128xf32, #tpu.memory_space<vmem>>, vector<16xf32>,
              tpu.vector_store %arg14[%swap3A_235, %swap3A_236, %swap3A_237], %max3A_233 {strides = array<i32>} : memref<313x1x128xf32, #tpu.memory_space<vmem>>, vector<16xf32>,
              %swap3A_239 = arith.constant 0 : i32
              %swap3A_240 = arith.index_cast %squeeze3A : i32 to index
              %swap3A_241 = arith.index_cast %swap3A_239 : i32 to index
              %swap3A_242 = arith.constant 32 : index
              %swap3A_243 = tpu.vector_load %arg15[%swap3A_240, %swap3A_241, %swap3A_242] {strides = array<i32>} : memref<313x1x128xf32, #tpu.memory_space<vmem>>, vector<16xf32>,
              tpu.vector_store %arg15[%swap3A_240, %swap3A_241, %swap3A_242], %get3A_226 {add = true, strides = array<i32>} : memref<313x1x128xf32, #tpu.memory_space<vmem>>, vector<16xf32>,
              %get3A_244 = arith.index_cast %while3A_179 : i32 to index
              %get3A_245 = arith.constant 48 : index
              %get3A_246 = tpu.vector_load %arg16[%get3A_244, %get3A_245] {strides = array<i32>} : memref<128x128xf32, #tpu.memory_space<vmem>>, vector<16xf32>,
              %mul3A_247 = arith.mulf %get3A_246, %get3A_46 : vector<16xf32>
              %get3A_248 = arith.constant 0 : i32
              %get3A_249 = arith.index_cast %squeeze3A : i32 to index
              %get3A_250 = arith.index_cast %get3A_248 : i32 to index
              %get3A_251 = arith.constant 48 : index
              %get3A_252 = tpu.vector_load %arg14[%get3A_249, %get3A_250, %get3A_251] {strides = array<i32>} : memref<313x1x128xf32, #tpu.memory_space<vmem>>, vector<16xf32>,
              %max3A_253 = arith.maximumf %get3A_252, %mul3A_247 : vector<16xf32>
              %swap3A_254 = arith.constant 0 : i32
              %swap3A_255 = arith.index_cast %squeeze3A : i32 to index
              %swap3A_256 = arith.index_cast %swap3A_254 : i32 to index
              %swap3A_257 = arith.constant 48 : index
              %swap3A_258 = tpu.vector_load %arg14[%swap3A_255, %swap3A_256, %swap3A_257] {strides = array<i32>} : memref<313x1x128xf32, #tpu.memory_space<vmem>>, vector<16xf32>,
              tpu.vector_store %arg14[%swap3A_255, %swap3A_256, %swap3A_257], %max3A_253 {strides = array<i32>} : memref<313x1x128xf32, #tpu.memory_space<vmem>>, vector<16xf32>,
              %swap3A_259 = arith.constant 0 : i32
              %swap3A_260 = arith.index_cast %squeeze3A : i32 to index
              %swap3A_261 = arith.index_cast %swap3A_259 : i32 to index
              %swap3A_262 = arith.constant 48 : index
              %swap3A_263 = tpu.vector_load %arg15[%swap3A_260, %swap3A_261, %swap3A_262] {strides = array<i32>} : memref<313x1x128xf32, #tpu.memory_space<vmem>>, vector<16xf32>,
              tpu.vector_store %arg15[%swap3A_260, %swap3A_261, %swap3A_262], %get3A_246 {add = true, strides = array<i32>} : memref<313x1x128xf32, #tpu.memory_space<vmem>>, vector<16xf32>,
              %get3A_264 = arith.index_cast %while3A_179 : i32 to index
              %get3A_265 = arith.constant 64 : index
              %get3A_266 = tpu.vector_load %arg16[%get3A_264, %get3A_265] {strides = array<i32>} : memref<128x128xf32, #tpu.memory_space<vmem>>, vector<16xf32>,
              %mul3A_267 = arith.mulf %get3A_266, %get3A_50 : vector<16xf32>
              %get3A_268 = arith.constant 0 : i32
              %get3A_269 = arith.index_cast %squeeze3A : i32 to index
              %get3A_270 = arith.index_cast %get3A_268 : i32 to index
              %get3A_271 = arith.constant 64 : index
              %get3A_272 = tpu.vector_load %arg14[%get3A_269, %get3A_270, %get3A_271] {strides = array<i32>} : memref<313x1x128xf32, #tpu.memory_space<vmem>>, vector<16xf32>,
              %max3A_273 = arith.maximumf %get3A_272, %mul3A_267 : vector<16xf32>
              %swap3A_274 = arith.constant 0 : i32
              %swap3A_275 = arith.index_cast %squeeze3A : i32 to index
              %swap3A_276 = arith.index_cast %swap3A_274 : i32 to index
              %swap3A_277 = arith.constant 64 : index
              %swap3A_278 = tpu.vector_load %arg14[%swap3A_275, %swap3A_276, %swap3A_277] {strides = array<i32>} : memref<313x1x128xf32, #tpu.memory_space<vmem>>, vector<16xf32>,
              tpu.vector_store %arg14[%swap3A_275, %swap3A_276, %swap3A_277], %max3A_273 {strides = array<i32>} : memref<313x1x128xf32, #tpu.memory_space<vmem>>, vector<16xf32>,
              %swap3A_279 = arith.constant 0 : i32
              %swap3A_280 = arith.index_cast %squeeze3A : i32 to index
              %swap3A_281 = arith.index_cast %swap3A_279 : i32 to index
              %swap3A_282 = arith.constant 64 : index
              %swap3A_283 = tpu.vector_load %arg15[%swap3A_280, %swap3A_281, %swap3A_282] {strides = array<i32>} : memref<313x1x128xf32, #tpu.memory_space<vmem>>, vector<16xf32>,
              tpu.vector_store %arg15[%swap3A_280, %swap3A_281, %swap3A_282], %get3A_266 {add = true, strides = array<i32>} : memref<313x1x128xf32, #tpu.memory_space<vmem>>, vector<16xf32>,
              %get3A_284 = arith.index_cast %while3A_179 : i32 to index
              %get3A_285 = arith.constant 80 : index
              %get3A_286 = tpu.vector_load %arg16[%get3A_284, %get3A_285] {strides = array<i32>} : memref<128x128xf32, #tpu.memory_space<vmem>>, vector<16xf32>,
              %mul3A_287 = arith.mulf %get3A_286, %get3A_54 : vector<16xf32>
              %get3A_288 = arith.constant 0 : i32
              %get3A_289 = arith.index_cast %squeeze3A : i32 to index
              %get3A_290 = arith.index_cast %get3A_288 : i32 to index
              %get3A_291 = arith.constant 80 : index
              %get3A_292 = tpu.vector_load %arg14[%get3A_289, %get3A_290, %get3A_291] {strides = array<i32>} : memref<313x1x128xf32, #tpu.memory_space<vmem>>, vector<16xf32>,
              %max3A_293 = arith.maximumf %get3A_292, %mul3A_287 : vector<16xf32>
              %swap3A_294 = arith.constant 0 : i32
              %swap3A_295 = arith.index_cast %squeeze3A : i32 to index
              %swap3A_296 = arith.index_cast %swap3A_294 : i32 to index
              %swap3A_297 = arith.constant 80 : index
              %swap3A_298 = tpu.vector_load %arg14[%swap3A_295, %swap3A_296, %swap3A_297] {strides = array<i32>} : memref<313x1x128xf32, #tpu.memory_space<vmem>>, vector<16xf32>,
              tpu.vector_store %arg14[%swap3A_295, %swap3A_296, %swap3A_297], %max3A_293 {strides = array<i32>} : memref<313x1x128xf32, #tpu.memory_space<vmem>>, vector<16xf32>,
              %swap3A_299 = arith.constant 0 : i32
              %swap3A_300 = arith.index_cast %squeeze3A : i32 to index
              %swap3A_301 = arith.index_cast %swap3A_299 : i32 to index
              %swap3A_302 = arith.constant 80 : index
              %swap3A_303 = tpu.vector_load %arg15[%swap3A_300, %swap3A_301, %swap3A_302] {strides = array<i32>} : memref<313x1x128xf32, #tpu.memory_space<vmem>>, vector<16xf32>,
              tpu.vector_store %arg15[%swap3A_300, %swap3A_301, %swap3A_302], %get3A_286 {add = true, strides = array<i32>} : memref<313x1x128xf32, #tpu.memory_space<vmem>>, vector<16xf32>,
              %get3A_304 = arith.index_cast %while3A_179 : i32 to index
              %get3A_305 = arith.constant 96 : index
              %get3A_306 = tpu.vector_load %arg16[%get3A_304, %get3A_305] {strides = array<i32>} : memref<128x128xf32, #tpu.memory_space<vmem>>, vector<16xf32>,
              %mul3A_307 = arith.mulf %get3A_306, %get3A_58 : vector<16xf32>
              %get3A_308 = arith.constant 0 : i32
              %get3A_309 = arith.index_cast %squeeze3A : i32 to index
              %get3A_310 = arith.index_cast %get3A_308 : i32 to index
              %get3A_311 = arith.constant 96 : index
              %get3A_312 = tpu.vector_load %arg14[%get3A_309, %get3A_310, %get3A_311] {strides = array<i32>} : memref<313x1x128xf32, #tpu.memory_space<vmem>>, vector<16xf32>,
              %max3A_313 = arith.maximumf %get3A_312, %mul3A_307 : vector<16xf32>
              %swap3A_314 = arith.constant 0 : i32
              %swap3A_315 = arith.index_cast %squeeze3A : i32 to index
              %swap3A_316 = arith.index_cast %swap3A_314 : i32 to index
              %swap3A_317 = arith.constant 96 : index
              %swap3A_318 = tpu.vector_load %arg14[%swap3A_315, %swap3A_316, %swap3A_317] {strides = array<i32>} : memref<313x1x128xf32, #tpu.memory_space<vmem>>, vector<16xf32>,
              tpu.vector_store %arg14[%swap3A_315, %swap3A_316, %swap3A_317], %max3A_313 {strides = array<i32>} : memref<313x1x128xf32, #tpu.memory_space<vmem>>, vector<16xf32>,
              %swap3A_319 = arith.constant 0 : i32
              %swap3A_320 = arith.index_cast %squeeze3A : i32 to index
              %swap3A_321 = arith.index_cast %swap3A_319 : i32 to index
              %swap3A_322 = arith.constant 96 : index
              %swap3A_323 = tpu.vector_load %arg15[%swap3A_320, %swap3A_321, %swap3A_322] {strides = array<i32>} : memref<313x1x128xf32, #tpu.memory_space<vmem>>, vector<16xf32>,
              tpu.vector_store %arg15[%swap3A_320, %swap3A_321, %swap3A_322], %get3A_306 {add = true, strides = array<i32>} : memref<313x1x128xf32, #tpu.memory_space<vmem>>, vector<16xf32>,
              %get3A_324 = arith.index_cast %while3A_179 : i32 to index
              %get3A_325 = arith.constant 112 : index
              %get3A_326 = tpu.vector_load %arg16[%get3A_324, %get3A_325] {strides = array<i32>} : memref<128x128xf32, #tpu.memory_space<vmem>>, vector<16xf32>,
              %mul3A_327 = arith.mulf %get3A_326, %get3A_62 : vector<16xf32>
              %get3A_328 = arith.constant 0 : i32
              %get3A_329 = arith.index_cast %squeeze3A : i32 to index
              %get3A_330 = arith.index_cast %get3A_328 : i32 to index
              %get3A_331 = arith.constant 112 : index
              %get3A_332 = tpu.vector_load %arg14[%get3A_329, %get3A_330, %get3A_331] {strides = array<i32>} : memref<313x1x128xf32, #tpu.memory_space<vmem>>, vector<16xf32>,
              %max3A_333 = arith.maximumf %get3A_332, %mul3A_327 : vector<16xf32>
              %swap3A_334 = arith.constant 0 : i32
              %swap3A_335 = arith.index_cast %squeeze3A : i32 to index
              %swap3A_336 = arith.index_cast %swap3A_334 : i32 to index
              %swap3A_337 = arith.constant 112 : index
              %swap3A_338 = tpu.vector_load %arg14[%swap3A_335, %swap3A_336, %swap3A_337] {strides = array<i32>} : memref<313x1x128xf32, #tpu.memory_space<vmem>>, vector<16xf32>,
              tpu.vector_store %arg14[%swap3A_335, %swap3A_336, %swap3A_337], %max3A_333 {strides = array<i32>} : memref<313x1x128xf32, #tpu.memory_space<vmem>>, vector<16xf32>,
              %swap3A_339 = arith.constant 0 : i32
              %swap3A_340 = arith.index_cast %squeeze3A : i32 to index
              %swap3A_341 = arith.index_cast %swap3A_339 : i32 to index
              %swap3A_342 = arith.constant 112 : index
              %swap3A_343 = tpu.vector_load %arg15[%swap3A_340, %swap3A_341, %swap3A_342] {strides = array<i32>} : memref<313x1x128xf32, #tpu.memory_space<vmem>>, vector<16xf32>,
              tpu.vector_store %arg15[%swap3A_340, %swap3A_341, %swap3A_342], %get3A_326 {add = true, strides = array<i32>} : memref<313x1x128xf32, #tpu.memory_space<vmem>>, vector<16xf32>,
              %while3A_344 = arith.constant 0 : i32
              scf.yield %while3A_344 : i32
            }
            %while3A_176 = arith.constant 1 : i32
            %while3A_177 = scf.for %while3A_179 = %while3A_173 to %while3A_169 step %while3A_176 iter_args(%while3A_180 = %while3A_175) -> (i32)  : i32 {
              %mul3A_181 = arith.constant 128 : i32
              %mul3A_182 = arith.muli %while3A_152, %mul3A_181 : i32
              %add3A_183 = arith.addi %mul3A_182, %while3A_179 : i32
              %get3A_184 = arith.index_cast %add3A_183 : i32 to index
              %get3A_185 = tpu.vector_load %arg12[%get3A_184] {strides = array<i32>} : memref<6128xi32, #tpu.memory_space<vmem>>, vector<16xi32>,
              %slice3A = vector.extract_strided_slice %get3A_185 {offsets = [0], sizes = [1], strides = [1]} : vector<16xi32> to vector<1xi32>
              %squeeze3A = vector.extract %slice3A[0] : i32 from vector<1xi32>
              %get3A_186 = arith.index_cast %while3A_179 : i32 to index
              %get3A_187 = arith.constant 0 : index
              %get3A_188 = tpu.vector_load %arg16[%get3A_186, %get3A_187] {strides = array<i32>} : memref<128x128xf32, #tpu.memory_space<vmem>>, vector<16xf32>,
              %mul3A_189 = arith.mulf %get3A_188, %get3A_34 : vector<16xf32>
              %get3A_190 = arith.constant 0 : i32
              %get3A_191 = arith.index_cast %squeeze3A : i32 to index
              %get3A_192 = arith.index_cast %get3A_190 : i32 to index
              %get3A_193 = arith.constant 0 : index
              %get3A_194 = tpu.vector_load %arg14[%get3A_191, %get3A_192, %get3A_193] {strides = array<i32>} : memref<313x1x128xf32, #tpu.memory_space<vmem>>, vector<16xf32>,
              %max3A = arith.maximumf %get3A_194, %mul3A_189 : vector<16xf32>
              %swap3A = arith.constant 0 : i32
              %swap3A_195 = arith.index_cast %squeeze3A : i32 to index
              %swap3A_196 = arith.index_cast %swap3A : i32 to index
              %swap3A_197 = arith.constant 0 : index
              %swap3A_198 = tpu.vector_load %arg14[%swap3A_195, %swap3A_196, %swap3A_197] {strides = array<i32>} : memref<313x1x128xf32, #tpu.memory_space<vmem>>, vector<16xf32>,
              tpu.vector_store %arg14[%swap3A_195, %swap3A_196, %swap3A_197], %max3A {strides = array<i32>} : memref<313x1x128xf32, #tpu.memory_space<vmem>>, vector<16xf32>,
              %swap3A_199 = arith.constant 0 : i32
              %swap3A_200 = arith.index_cast %squeeze3A : i32 to index
              %swap3A_201 = arith.index_cast %swap3A_199 : i32 to index
              %swap3A_202 = arith.constant 0 : index
              %swap3A_203 = tpu.vector_load %arg15[%swap3A_200, %swap3A_201, %swap3A_202] {strides = array<i32>} : memref<313x1x128xf32, #tpu.memory_space<vmem>>, vector<16xf32>,
              tpu.vector_store %arg15[%swap3A_200, %swap3A_201, %swap3A_202], %get3A_188 {add = true, strides = array<i32>} : memref<313x1x128xf32, #tpu.memory_space<vmem>>, vector<16xf32>,
              %get3A_204 = arith.index_cast %while3A_179 : i32 to index
              %get3A_205 = arith.constant 16 : index
              %get3A_206 = tpu.vector_load %arg16[%get3A_204, %get3A_205] {strides = array<i32>} : memref<128x128xf32, #tpu.memory_space<vmem>>, vector<16xf32>,
              %mul3A_207 = arith.mulf %get3A_206, %get3A_38 : vector<16xf32>
              %get3A_208 = arith.constant 0 : i32
              %get3A_209 = arith.index_cast %squeeze3A : i32 to index
              %get3A_210 = arith.index_cast %get3A_208 : i32 to index
              %get3A_211 = arith.constant 16 : index
              %get3A_212 = tpu.vector_load %arg14[%get3A_209, %get3A_210, %get3A_211] {strides = array<i32>} : memref<313x1x128xf32, #tpu.memory_space<vmem>>, vector<16xf32>,
              %max3A_213 = arith.maximumf %get3A_212, %mul3A_207 : vector<16xf32>
              %swap3A_214 = arith.constant 0 : i32
              %swap3A_215 = arith.index_cast %squeeze3A : i32 to index
              %swap3A_216 = arith.index_cast %swap3A_214 : i32 to index
              %swap3A_217 = arith.constant 16 : index
              %swap3A_218 = tpu.vector_load %arg14[%swap3A_215, %swap3A_216, %swap3A_217] {strides = array<i32>} : memref<313x1x128xf32, #tpu.memory_space<vmem>>, vector<16xf32>,
              tpu.vector_store %arg14[%swap3A_215, %swap3A_216, %swap3A_217], %max3A_213 {strides = array<i32>} : memref<313x1x128xf32, #tpu.memory_space<vmem>>, vector<16xf32>,
              %swap3A_219 = arith.constant 0 : i32
              %swap3A_220 = arith.index_cast %squeeze3A : i32 to index
              %swap3A_221 = arith.index_cast %swap3A_219 : i32 to index
              %swap3A_222 = arith.constant 16 : index
              %swap3A_223 = tpu.vector_load %arg15[%swap3A_220, %swap3A_221, %swap3A_222] {strides = array<i32>} : memref<313x1x128xf32, #tpu.memory_space<vmem>>, vector<16xf32>,
              tpu.vector_store %arg15[%swap3A_220, %swap3A_221, %swap3A_222], %get3A_206 {add = true, strides = array<i32>} : memref<313x1x128xf32, #tpu.memory_space<vmem>>, vector<16xf32>,
              %get3A_224 = arith.index_cast %while3A_179 : i32 to index
              %get3A_225 = arith.constant 32 : index
              %get3A_226 = tpu.vector_load %arg16[%get3A_224, %get3A_225] {strides = array<i32>} : memref<128x128xf32, #tpu.memory_space<vmem>>, vector<16xf32>,
              %mul3A_227 = arith.mulf %get3A_226, %get3A_42 : vector<16xf32>
              %get3A_228 = arith.constant 0 : i32
              %get3A_229 = arith.index_cast %squeeze3A : i32 to index
              %get3A_230 = arith.index_cast %get3A_228 : i32 to index
              %get3A_231 = arith.constant 32 : index
              %get3A_232 = tpu.vector_load %arg14[%get3A_229, %get3A_230, %get3A_231] {strides = array<i32>} : memref<313x1x128xf32, #tpu.memory_space<vmem>>, vector<16xf32>,
              %max3A_233 = arith.maximumf %get3A_232, %mul3A_227 : vector<16xf32>
              %swap3A_234 = arith.constant 0 : i32
              %swap3A_235 = arith.index_cast %squeeze3A : i32 to index
              %swap3A_236 = arith.index_cast %swap3A_234 : i32 to index
              %swap3A_237 = arith.constant 32 : index
              %swap3A_238 = tpu.vector_load %arg14[%swap3A_235, %swap3A_236, %swap3A_237] {strides = array<i32>} : memref<313x1x128xf32, #tpu.memory_space<vmem>>, vector<16xf32>,
              tpu.vector_store %arg14[%swap3A_235, %swap3A_236, %swap3A_237], %max3A_233 {strides = array<i32>} : memref<313x1x128xf32, #tpu.memory_space<vmem>>, vector<16xf32>,
              %swap3A_239 = arith.constant 0 : i32
              %swap3A_240 = arith.index_cast %squeeze3A : i32 to index
              %swap3A_241 = arith.index_cast %swap3A_239 : i32 to index
              %swap3A_242 = arith.constant 32 : index
              %swap3A_243 = tpu.vector_load %arg15[%swap3A_240, %swap3A_241, %swap3A_242] {strides = array<i32>} : memref<313x1x128xf32, #tpu.memory_space<vmem>>, vector<16xf32>,
              tpu.vector_store %arg15[%swap3A_240, %swap3A_241, %swap3A_242], %get3A_226 {add = true, strides = array<i32>} : memref<313x1x128xf32, #tpu.memory_space<vmem>>, vector<16xf32>,
              %get3A_244 = arith.index_cast %while3A_179 : i32 to index
              %get3A_245 = arith.constant 48 : index
              %get3A_246 = tpu.vector_load %arg16[%get3A_244, %get3A_245] {strides = array<i32>} : memref<128x128xf32, #tpu.memory_space<vmem>>, vector<16xf32>,
              %mul3A_247 = arith.mulf %get3A_246, %get3A_46 : vector<16xf32>
              %get3A_248 = arith.constant 0 : i32
              %get3A_249 = arith.index_cast %squeeze3A : i32 to index
              %get3A_250 = arith.index_cast %get3A_248 : i32 to index
              %get3A_251 = arith.constant 48 : index
              %get3A_252 = tpu.vector_load %arg14[%get3A_249, %get3A_250, %get3A_251] {strides = array<i32>} : memref<313x1x128xf32, #tpu.memory_space<vmem>>, vector<16xf32>,
              %max3A_253 = arith.maximumf %get3A_252, %mul3A_247 : vector<16xf32>
              %swap3A_254 = arith.constant 0 : i32
              %swap3A_255 = arith.index_cast %squeeze3A : i32 to index
              %swap3A_256 = arith.index_cast %swap3A_254 : i32 to index
              %swap3A_257 = arith.constant 48 : index
              %swap3A_258 = tpu.vector_load %arg14[%swap3A_255, %swap3A_256, %swap3A_257] {strides = array<i32>} : memref<313x1x128xf32, #tpu.memory_space<vmem>>, vector<16xf32>,
              tpu.vector_store %arg14[%swap3A_255, %swap3A_256, %swap3A_257], %max3A_253 {strides = array<i32>} : memref<313x1x128xf32, #tpu.memory_space<vmem>>, vector<16xf32>,
              %swap3A_259 = arith.constant 0 : i32
              %swap3A_260 = arith.index_cast %squeeze3A : i32 to index
              %swap3A_261 = arith.index_cast %swap3A_259 : i32 to index
              %swap3A_262 = arith.constant 48 : index
              %swap3A_263 = tpu.vector_load %arg15[%swap3A_260, %swap3A_261, %swap3A_262] {strides = array<i32>} : memref<313x1x128xf32, #tpu.memory_space<vmem>>, vector<16xf32>,
              tpu.vector_store %arg15[%swap3A_260, %swap3A_261, %swap3A_262], %get3A_246 {add = true, strides = array<i32>} : memref<313x1x128xf32, #tpu.memory_space<vmem>>, vector<16xf32>,
              %get3A_264 = arith.index_cast %while3A_179 : i32 to index
              %get3A_265 = arith.constant 64 : index
              %get3A_266 = tpu.vector_load %arg16[%get3A_264, %get3A_265] {strides = array<i32>} : memref<128x128xf32, #tpu.memory_space<vmem>>, vector<16xf32>,
              %mul3A_267 = arith.mulf %get3A_266, %get3A_50 : vector<16xf32>
              %get3A_268 = arith.constant 0 : i32
              %get3A_269 = arith.index_cast %squeeze3A : i32 to index
              %get3A_270 = arith.index_cast %get3A_268 : i32 to index
              %get3A_271 = arith.constant 64 : index
              %get3A_272 = tpu.vector_load %arg14[%get3A_269, %get3A_270, %get3A_271] {strides = array<i32>} : memref<313x1x128xf32, #tpu.memory_space<vmem>>, vector<16xf32>,
              %max3A_273 = arith.maximumf %get3A_272, %mul3A_267 : vector<16xf32>
              %swap3A_274 = arith.constant 0 : i32
              %swap3A_275 = arith.index_cast %squeeze3A : i32 to index
              %swap3A_276 = arith.index_cast %swap3A_274 : i32 to index
              %swap3A_277 = arith.constant 64 : index
              %swap3A_278 = tpu.vector_load %arg14[%swap3A_275, %swap3A_276, %swap3A_277] {strides = array<i32>} : memref<313x1x128xf32, #tpu.memory_space<vmem>>, vector<16xf32>,
              tpu.vector_store %arg14[%swap3A_275, %swap3A_276, %swap3A_277], %max3A_273 {strides = array<i32>} : memref<313x1x128xf32, #tpu.memory_space<vmem>>, vector<16xf32>,
              %swap3A_279 = arith.constant 0 : i32
              %swap3A_280 = arith.index_cast %squeeze3A : i32 to index
              %swap3A_281 = arith.index_cast %swap3A_279 : i32 to index
              %swap3A_282 = arith.constant 64 : index
              %swap3A_283 = tpu.vector_load %arg15[%swap3A_280, %swap3A_281, %swap3A_282] {strides = array<i32>} : memref<313x1x128xf32, #tpu.memory_space<vmem>>, vector<16xf32>,
              tpu.vector_store %arg15[%swap3A_280, %swap3A_281, %swap3A_282], %get3A_266 {add = true, strides = array<i32>} : memref<313x1x128xf32, #tpu.memory_space<vmem>>, vector<16xf32>,
              %get3A_284 = arith.index_cast %while3A_179 : i32 to index
              %get3A_285 = arith.constant 80 : index
              %get3A_286 = tpu.vector_load %arg16[%get3A_284, %get3A_285] {strides = array<i32>} : memref<128x128xf32, #tpu.memory_space<vmem>>, vector<16xf32>,
              %mul3A_287 = arith.mulf %get3A_286, %get3A_54 : vector<16xf32>
              %get3A_288 = arith.constant 0 : i32
              %get3A_289 = arith.index_cast %squeeze3A : i32 to index
              %get3A_290 = arith.index_cast %get3A_288 : i32 to index
              %get3A_291 = arith.constant 80 : index
              %get3A_292 = tpu.vector_load %arg14[%get3A_289, %get3A_290, %get3A_291] {strides = array<i32>} : memref<313x1x128xf32, #tpu.memory_space<vmem>>, vector<16xf32>,
              %max3A_293 = arith.maximumf %get3A_292, %mul3A_287 : vector<16xf32>
              %swap3A_294 = arith.constant 0 : i32
              %swap3A_295 = arith.index_cast %squeeze3A : i32 to index
              %swap3A_296 = arith.index_cast %swap3A_294 : i32 to index
              %swap3A_297 = arith.constant 80 : index
              %swap3A_298 = tpu.vector_load %arg14[%swap3A_295, %swap3A_296, %swap3A_297] {strides = array<i32>} : memref<313x1x128xf32, #tpu.memory_space<vmem>>, vector<16xf32>,
              tpu.vector_store %arg14[%swap3A_295, %swap3A_296, %swap3A_297], %max3A_293 {strides = array<i32>} : memref<313x1x128xf32, #tpu.memory_space<vmem>>, vector<16xf32>,
              %swap3A_299 = arith.constant 0 : i32
              %swap3A_300 = arith.index_cast %squeeze3A : i32 to index
              %swap3A_301 = arith.index_cast %swap3A_299 : i32 to index
              %swap3A_302 = arith.constant 80 : index
              %swap3A_303 = tpu.vector_load %arg15[%swap3A_300, %swap3A_301, %swap3A_302] {strides = array<i32>} : memref<313x1x128xf32, #tpu.memory_space<vmem>>, vector<16xf32>,
              tpu.vector_store %arg15[%swap3A_300, %swap3A_301, %swap3A_302], %get3A_286 {add = true, strides = array<i32>} : memref<313x1x128xf32, #tpu.memory_space<vmem>>, vector<16xf32>,
              %get3A_304 = arith.index_cast %while3A_179 : i32 to index
              %get3A_305 = arith.constant 96 : index
              %get3A_306 = tpu.vector_load %arg16[%get3A_304, %get3A_305] {strides = array<i32>} : memref<128x128xf32, #tpu.memory_space<vmem>>, vector<16xf32>,
              %mul3A_307 = arith.mulf %get3A_306, %get3A_58 : vector<16xf32>
              %get3A_308 = arith.constant 0 : i32
              %get3A_309 = arith.index_cast %squeeze3A : i32 to index
              %get3A_310 = arith.index_cast %get3A_308 : i32 to index
              %get3A_311 = arith.constant 96 : index
              %get3A_312 = tpu.vector_load %arg14[%get3A_309, %get3A_310, %get3A_311] {strides = array<i32>} : memref<313x1x128xf32, #tpu.memory_space<vmem>>, vector<16xf32>,
              %max3A_313 = arith.maximumf %get3A_312, %mul3A_307 : vector<16xf32>
              %swap3A_314 = arith.constant 0 : i32
              %swap3A_315 = arith.index_cast %squeeze3A : i32 to index
              %swap3A_316 = arith.index_cast %swap3A_314 : i32 to index
              %swap3A_317 = arith.constant 96 : index
              %swap3A_318 = tpu.vector_load %arg14[%swap3A_315, %swap3A_316, %swap3A_317] {strides = array<i32>} : memref<313x1x128xf32, #tpu.memory_space<vmem>>, vector<16xf32>,
              tpu.vector_store %arg14[%swap3A_315, %swap3A_316, %swap3A_317], %max3A_313 {strides = array<i32>} : memref<313x1x128xf32, #tpu.memory_space<vmem>>, vector<16xf32>,
              %swap3A_319 = arith.constant 0 : i32
              %swap3A_320 = arith.index_cast %squeeze3A : i32 to index
              %swap3A_321 = arith.index_cast %swap3A_319 : i32 to index
              %swap3A_322 = arith.constant 96 : index
              %swap3A_323 = tpu.vector_load %arg15[%swap3A_320, %swap3A_321, %swap3A_322] {strides = array<i32>} : memref<313x1x128xf32, #tpu.memory_space<vmem>>, vector<16xf32>,
              tpu.vector_store %arg15[%swap3A_320, %swap3A_321, %swap3A_322], %get3A_306 {add = true, strides = array<i32>} : memref<313x1x128xf32, #tpu.memory_space<vmem>>, vector<16xf32>,
              %get3A_324 = arith.index_cast %while3A_179 : i32 to index
              %get3A_325 = arith.constant 112 : index
              %get3A_326 = tpu.vector_load %arg16[%get3A_324, %get3A_325] {strides = array<i32>} : memref<128x128xf32, #tpu.memory_space<vmem>>, vector<16xf32>,
              %mul3A_327 = arith.mulf %get3A_326, %get3A_62 : vector<16xf32>
              %get3A_328 = arith.constant 0 : i32
              %get3A_329 = arith.index_cast %squeeze3A : i32 to index
              %get3A_330 = arith.index_cast %get3A_328 : i32 to index
              %get3A_331 = arith.constant 112 : index
              %get3A_332 = tpu.vector_load %arg14[%get3A_329, %get3A_330, %get3A_331] {strides = array<i32>} : memref<313x1x128xf32, #tpu.memory_space<vmem>>, vector<16xf32>,
              %max3A_333 = arith.maximumf %get3A_332, %mul3A_327 : vector<16xf32>
              %swap3A_334 = arith.constant 0 : i32
              %swap3A_335 = arith.index_cast %squeeze3A : i32 to index
              %swap3A_336 = arith.index_cast %swap3A_334 : i32 to index
              %swap3A_337 = arith.constant 112 : index
              %swap3A_338 = tpu.vector_load %arg14[%swap3A_335, %swap3A_336, %swap3A_337] {strides = array<i32>} : memref<313x1x128xf32, #tpu.memory_space<vmem>>, vector<16xf32>,
              tpu.vector_store %arg14[%swap3A_335, %swap3A_336, %swap3A_337], %max3A_333 {strides = array<i32>} : memref<313x1x128xf32, #tpu.memory_space<vmem>>, vector<16xf32>,
              %swap3A_339 = arith.constant 0 : i32
              %swap3A_340 = arith.index_cast %squeeze3A : i32 to index
              %swap3A_341 = arith.index_cast %swap3A_339 : i32 to index
              %swap3A_342 = arith.constant 112 : index
              %swap3A_343 = tpu.vector_load %arg15[%swap3A_340, %swap3A_341, %swap3A_342] {strides = array<i32>} : memref<313x1x128xf32, #tpu.memory_space<vmem>>, vector<16xf32>,
              tpu.vector_store %arg15[%swap3A_340, %swap3A_341, %swap3A_342], %get3A_326 {add = true, strides = array<i32>} : memref<313x1x128xf32, #tpu.memory_space<vmem>>, vector<16xf32>,
              %while3A_344 = arith.constant 0 : i32
              scf.yield %while3A_344 : i32
            }
            %while3A_178 = arith.constant 0 : i32
            scf.yield %while3A_178 : i32
          }
          %while3A_150 = arith.constant 1 : i32
          %while3A_151 = scf.for %while3A_152 = %while3A_147 to %while3A_143 step %while3A_150 iter_args(%while3A_153 = %while3A_149) -> (i32)  : i32 {
            %mul3A_154 = arith.constant 128 : i32
            %mul3A_155 = arith.muli %while3A_152, %mul3A_154 : i32
            %dma_start3A = tpu.memref_slice %arg13[%mul3A_155] : memref<6128xi32, #tpu.memory_space<vmem>> -> memref<128xi32, #tpu.memory_space<vmem>>
            %dma_start3A_156 = arith.constant 0 : i32
            %dma_start3A_157 = arith.constant 0 : i32
            %dma_start3A_158 = tpu.memref_slice %arg2[%dma_start3A_156, %dma_start3A_157] : memref<400000x128xf32, #tpu.memory_space<hbm>> -> memref<400000x128xf32, #tpu.memory_space<hbm>>
            tpu.enqueue_indirect_dma source(%dma_start3A_158 : memref<400000x128xf32, #tpu.memory_space<hbm>>) target(%arg16 : memref<128x128xf32, #tpu.memory_space<vmem>>) offsets(%dma_start3A : memref<128xi32, #tpu.memory_space<vmem>>) semaphore(%arg18 : memref<!tpu.dma_semaphore, #tpu.memory_space<semaphore_mem>>)
            %dma_wait3A = tpu.memref_slice %arg13[%mul3A_155] : memref<6128xi32, #tpu.memory_space<vmem>> -> memref<128xi32, #tpu.memory_space<vmem>>
            %dma_wait3A_159 = arith.constant 0 : i32
            %dma_wait3A_160 = arith.constant 0 : i32
            %dma_wait3A_161 = tpu.memref_slice %arg2[%dma_wait3A_159, %dma_wait3A_160] : memref<400000x128xf32, #tpu.memory_space<hbm>> -> memref<400000x128xf32, #tpu.memory_space<hbm>>
            tpu.wait_indirect_dma semaphore(%arg18 : memref<!tpu.dma_semaphore, #tpu.memory_space<semaphore_mem>>) src(%dma_wait3A_161 : memref<400000x128xf32, #tpu.memory_space<hbm>>) dst(%arg16 : memref<128x128xf32, #tpu.memory_space<vmem>>)
            %mul3A_162 = arith.constant 128 : i32
            %mul3A_163 = arith.muli %while3A_152, %mul3A_162 : i32
            %sub3A_164 = arith.subi %reduce_max3A_98, %mul3A_163 : i32
            %min3A = arith.constant 128 : i32
            %min3A_165 = arith.minsi %min3A, %sub3A_164 : i32
            %while3A_166 = arith.constant 0 : i32
            %while3A_167 = arith.constant 0 : i32
            %while3A_168 = arith.subi %min3A_165, %while3A_166 : i32
            %while3A_169 = arith.addi %while3A_166, %while3A_168 : i32
            %while3A_170 = arith.constant 1 : i32
            %while3A_171 = arith.divsi %while3A_168, %while3A_170 : i32
            %while3A_172 = arith.muli %while3A_171, %while3A_170 : i32
            %while3A_173 = arith.addi %while3A_166, %while3A_172 : i32
            %while3A_174 = arith.constant 1 : i32
            %while3A_175 = scf.for %while3A_179 = %while3A_166 to %while3A_173 step %while3A_174 iter_args(%while3A_180 = %while3A_167) -> (i32)  : i32 {
              %mul3A_181 = arith.constant 128 : i32
              %mul3A_182 = arith.muli %while3A_152, %mul3A_181 : i32
              %add3A_183 = arith.addi %mul3A_182, %while3A_179 : i32
              %get3A_184 = arith.index_cast %add3A_183 : i32 to index
              %get3A_185 = tpu.vector_load %arg12[%get3A_184] {strides = array<i32>} : memref<6128xi32, #tpu.memory_space<vmem>>, vector<16xi32>,
              %slice3A = vector.extract_strided_slice %get3A_185 {offsets = [0], sizes = [1], strides = [1]} : vector<16xi32> to vector<1xi32>
              %squeeze3A = vector.extract %slice3A[0] : i32 from vector<1xi32>
              %get3A_186 = arith.index_cast %while3A_179 : i32 to index
              %get3A_187 = arith.constant 0 : index
              %get3A_188 = tpu.vector_load %arg16[%get3A_186, %get3A_187] {strides = array<i32>} : memref<128x128xf32, #tpu.memory_space<vmem>>, vector<16xf32>,
              %mul3A_189 = arith.mulf %get3A_188, %get3A_34 : vector<16xf32>
              %get3A_190 = arith.constant 0 : i32
              %get3A_191 = arith.index_cast %squeeze3A : i32 to index
              %get3A_192 = arith.index_cast %get3A_190 : i32 to index
              %get3A_193 = arith.constant 0 : index
              %get3A_194 = tpu.vector_load %arg14[%get3A_191, %get3A_192, %get3A_193] {strides = array<i32>} : memref<313x1x128xf32, #tpu.memory_space<vmem>>, vector<16xf32>,
              %max3A = arith.maximumf %get3A_194, %mul3A_189 : vector<16xf32>
              %swap3A = arith.constant 0 : i32
              %swap3A_195 = arith.index_cast %squeeze3A : i32 to index
              %swap3A_196 = arith.index_cast %swap3A : i32 to index
              %swap3A_197 = arith.constant 0 : index
              %swap3A_198 = tpu.vector_load %arg14[%swap3A_195, %swap3A_196, %swap3A_197] {strides = array<i32>} : memref<313x1x128xf32, #tpu.memory_space<vmem>>, vector<16xf32>,
              tpu.vector_store %arg14[%swap3A_195, %swap3A_196, %swap3A_197], %max3A {strides = array<i32>} : memref<313x1x128xf32, #tpu.memory_space<vmem>>, vector<16xf32>,
              %swap3A_199 = arith.constant 0 : i32
              %swap3A_200 = arith.index_cast %squeeze3A : i32 to index
              %swap3A_201 = arith.index_cast %swap3A_199 : i32 to index
              %swap3A_202 = arith.constant 0 : index
              %swap3A_203 = tpu.vector_load %arg15[%swap3A_200, %swap3A_201, %swap3A_202] {strides = array<i32>} : memref<313x1x128xf32, #tpu.memory_space<vmem>>, vector<16xf32>,
              tpu.vector_store %arg15[%swap3A_200, %swap3A_201, %swap3A_202], %get3A_188 {add = true, strides = array<i32>} : memref<313x1x128xf32, #tpu.memory_space<vmem>>, vector<16xf32>,
              %get3A_204 = arith.index_cast %while3A_179 : i32 to index
              %get3A_205 = arith.constant 16 : index
              %get3A_206 = tpu.vector_load %arg16[%get3A_204, %get3A_205] {strides = array<i32>} : memref<128x128xf32, #tpu.memory_space<vmem>>, vector<16xf32>,
              %mul3A_207 = arith.mulf %get3A_206, %get3A_38 : vector<16xf32>
              %get3A_208 = arith.constant 0 : i32
              %get3A_209 = arith.index_cast %squeeze3A : i32 to index
              %get3A_210 = arith.index_cast %get3A_208 : i32 to index
              %get3A_211 = arith.constant 16 : index
              %get3A_212 = tpu.vector_load %arg14[%get3A_209, %get3A_210, %get3A_211] {strides = array<i32>} : memref<313x1x128xf32, #tpu.memory_space<vmem>>, vector<16xf32>,
              %max3A_213 = arith.maximumf %get3A_212, %mul3A_207 : vector<16xf32>
              %swap3A_214 = arith.constant 0 : i32
              %swap3A_215 = arith.index_cast %squeeze3A : i32 to index
              %swap3A_216 = arith.index_cast %swap3A_214 : i32 to index
              %swap3A_217 = arith.constant 16 : index
              %swap3A_218 = tpu.vector_load %arg14[%swap3A_215, %swap3A_216, %swap3A_217] {strides = array<i32>} : memref<313x1x128xf32, #tpu.memory_space<vmem>>, vector<16xf32>,
              tpu.vector_store %arg14[%swap3A_215, %swap3A_216, %swap3A_217], %max3A_213 {strides = array<i32>} : memref<313x1x128xf32, #tpu.memory_space<vmem>>, vector<16xf32>,
              %swap3A_219 = arith.constant 0 : i32
              %swap3A_220 = arith.index_cast %squeeze3A : i32 to index
              %swap3A_221 = arith.index_cast %swap3A_219 : i32 to index
              %swap3A_222 = arith.constant 16 : index
              %swap3A_223 = tpu.vector_load %arg15[%swap3A_220, %swap3A_221, %swap3A_222] {strides = array<i32>} : memref<313x1x128xf32, #tpu.memory_space<vmem>>, vector<16xf32>,
              tpu.vector_store %arg15[%swap3A_220, %swap3A_221, %swap3A_222], %get3A_206 {add = true, strides = array<i32>} : memref<313x1x128xf32, #tpu.memory_space<vmem>>, vector<16xf32>,
              %get3A_224 = arith.index_cast %while3A_179 : i32 to index
              %get3A_225 = arith.constant 32 : index
              %get3A_226 = tpu.vector_load %arg16[%get3A_224, %get3A_225] {strides = array<i32>} : memref<128x128xf32, #tpu.memory_space<vmem>>, vector<16xf32>,
              %mul3A_227 = arith.mulf %get3A_226, %get3A_42 : vector<16xf32>
              %get3A_228 = arith.constant 0 : i32
              %get3A_229 = arith.index_cast %squeeze3A : i32 to index
              %get3A_230 = arith.index_cast %get3A_228 : i32 to index
              %get3A_231 = arith.constant 32 : index
              %get3A_232 = tpu.vector_load %arg14[%get3A_229, %get3A_230, %get3A_231] {strides = array<i32>} : memref<313x1x128xf32, #tpu.memory_space<vmem>>, vector<16xf32>,
              %max3A_233 = arith.maximumf %get3A_232, %mul3A_227 : vector<16xf32>
              %swap3A_234 = arith.constant 0 : i32
              %swap3A_235 = arith.index_cast %squeeze3A : i32 to index
              %swap3A_236 = arith.index_cast %swap3A_234 : i32 to index
              %swap3A_237 = arith.constant 32 : index
              %swap3A_238 = tpu.vector_load %arg14[%swap3A_235, %swap3A_236, %swap3A_237] {strides = array<i32>} : memref<313x1x128xf32, #tpu.memory_space<vmem>>, vector<16xf32>,
              tpu.vector_store %arg14[%swap3A_235, %swap3A_236, %swap3A_237], %max3A_233 {strides = array<i32>} : memref<313x1x128xf32, #tpu.memory_space<vmem>>, vector<16xf32>,
              %swap3A_239 = arith.constant 0 : i32
              %swap3A_240 = arith.index_cast %squeeze3A : i32 to index
              %swap3A_241 = arith.index_cast %swap3A_239 : i32 to index
              %swap3A_242 = arith.constant 32 : index
              %swap3A_243 = tpu.vector_load %arg15[%swap3A_240, %swap3A_241, %swap3A_242] {strides = array<i32>} : memref<313x1x128xf32, #tpu.memory_space<vmem>>, vector<16xf32>,
              tpu.vector_store %arg15[%swap3A_240, %swap3A_241, %swap3A_242], %get3A_226 {add = true, strides = array<i32>} : memref<313x1x128xf32, #tpu.memory_space<vmem>>, vector<16xf32>,
              %get3A_244 = arith.index_cast %while3A_179 : i32 to index
              %get3A_245 = arith.constant 48 : index
              %get3A_246 = tpu.vector_load %arg16[%get3A_244, %get3A_245] {strides = array<i32>} : memref<128x128xf32, #tpu.memory_space<vmem>>, vector<16xf32>,
              %mul3A_247 = arith.mulf %get3A_246, %get3A_46 : vector<16xf32>
              %get3A_248 = arith.constant 0 : i32
              %get3A_249 = arith.index_cast %squeeze3A : i32 to index
              %get3A_250 = arith.index_cast %get3A_248 : i32 to index
              %get3A_251 = arith.constant 48 : index
              %get3A_252 = tpu.vector_load %arg14[%get3A_249, %get3A_250, %get3A_251] {strides = array<i32>} : memref<313x1x128xf32, #tpu.memory_space<vmem>>, vector<16xf32>,
              %max3A_253 = arith.maximumf %get3A_252, %mul3A_247 : vector<16xf32>
              %swap3A_254 = arith.constant 0 : i32
              %swap3A_255 = arith.index_cast %squeeze3A : i32 to index
              %swap3A_256 = arith.index_cast %swap3A_254 : i32 to index
              %swap3A_257 = arith.constant 48 : index
              %swap3A_258 = tpu.vector_load %arg14[%swap3A_255, %swap3A_256, %swap3A_257] {strides = array<i32>} : memref<313x1x128xf32, #tpu.memory_space<vmem>>, vector<16xf32>,
              tpu.vector_store %arg14[%swap3A_255, %swap3A_256, %swap3A_257], %max3A_253 {strides = array<i32>} : memref<313x1x128xf32, #tpu.memory_space<vmem>>, vector<16xf32>,
              %swap3A_259 = arith.constant 0 : i32
              %swap3A_260 = arith.index_cast %squeeze3A : i32 to index
              %swap3A_261 = arith.index_cast %swap3A_259 : i32 to index
              %swap3A_262 = arith.constant 48 : index
              %swap3A_263 = tpu.vector_load %arg15[%swap3A_260, %swap3A_261, %swap3A_262] {strides = array<i32>} : memref<313x1x128xf32, #tpu.memory_space<vmem>>, vector<16xf32>,
              tpu.vector_store %arg15[%swap3A_260, %swap3A_261, %swap3A_262], %get3A_246 {add = true, strides = array<i32>} : memref<313x1x128xf32, #tpu.memory_space<vmem>>, vector<16xf32>,
              %get3A_264 = arith.index_cast %while3A_179 : i32 to index
              %get3A_265 = arith.constant 64 : index
              %get3A_266 = tpu.vector_load %arg16[%get3A_264, %get3A_265] {strides = array<i32>} : memref<128x128xf32, #tpu.memory_space<vmem>>, vector<16xf32>,
              %mul3A_267 = arith.mulf %get3A_266, %get3A_50 : vector<16xf32>
              %get3A_268 = arith.constant 0 : i32
              %get3A_269 = arith.index_cast %squeeze3A : i32 to index
              %get3A_270 = arith.index_cast %get3A_268 : i32 to index
              %get3A_271 = arith.constant 64 : index
              %get3A_272 = tpu.vector_load %arg14[%get3A_269, %get3A_270, %get3A_271] {strides = array<i32>} : memref<313x1x128xf32, #tpu.memory_space<vmem>>, vector<16xf32>,
              %max3A_273 = arith.maximumf %get3A_272, %mul3A_267 : vector<16xf32>
              %swap3A_274 = arith.constant 0 : i32
              %swap3A_275 = arith.index_cast %squeeze3A : i32 to index
              %swap3A_276 = arith.index_cast %swap3A_274 : i32 to index
              %swap3A_277 = arith.constant 64 : index
              %swap3A_278 = tpu.vector_load %arg14[%swap3A_275, %swap3A_276, %swap3A_277] {strides = array<i32>} : memref<313x1x128xf32, #tpu.memory_space<vmem>>, vector<16xf32>,
              tpu.vector_store %arg14[%swap3A_275, %swap3A_276, %swap3A_277], %max3A_273 {strides = array<i32>} : memref<313x1x128xf32, #tpu.memory_space<vmem>>, vector<16xf32>,
              %swap3A_279 = arith.constant 0 : i32
              %swap3A_280 = arith.index_cast %squeeze3A : i32 to index
              %swap3A_281 = arith.index_cast %swap3A_279 : i32 to index
              %swap3A_282 = arith.constant 64 : index
              %swap3A_283 = tpu.vector_load %arg15[%swap3A_280, %swap3A_281, %swap3A_282] {strides = array<i32>} : memref<313x1x128xf32, #tpu.memory_space<vmem>>, vector<16xf32>,
              tpu.vector_store %arg15[%swap3A_280, %swap3A_281, %swap3A_282], %get3A_266 {add = true, strides = array<i32>} : memref<313x1x128xf32, #tpu.memory_space<vmem>>, vector<16xf32>,
              %get3A_284 = arith.index_cast %while3A_179 : i32 to index
              %get3A_285 = arith.constant 80 : index
              %get3A_286 = tpu.vector_load %arg16[%get3A_284, %get3A_285] {strides = array<i32>} : memref<128x128xf32, #tpu.memory_space<vmem>>, vector<16xf32>,
              %mul3A_287 = arith.mulf %get3A_286, %get3A_54 : vector<16xf32>
              %get3A_288 = arith.constant 0 : i32
              %get3A_289 = arith.index_cast %squeeze3A : i32 to index
              %get3A_290 = arith.index_cast %get3A_288 : i32 to index
              %get3A_291 = arith.constant 80 : index
              %get3A_292 = tpu.vector_load %arg14[%get3A_289, %get3A_290, %get3A_291] {strides = array<i32>} : memref<313x1x128xf32, #tpu.memory_space<vmem>>, vector<16xf32>,
              %max3A_293 = arith.maximumf %get3A_292, %mul3A_287 : vector<16xf32>
              %swap3A_294 = arith.constant 0 : i32
              %swap3A_295 = arith.index_cast %squeeze3A : i32 to index
              %swap3A_296 = arith.index_cast %swap3A_294 : i32 to index
              %swap3A_297 = arith.constant 80 : index
              %swap3A_298 = tpu.vector_load %arg14[%swap3A_295, %swap3A_296, %swap3A_297] {strides = array<i32>} : memref<313x1x128xf32, #tpu.memory_space<vmem>>, vector<16xf32>,
              tpu.vector_store %arg14[%swap3A_295, %swap3A_296, %swap3A_297], %max3A_293 {strides = array<i32>} : memref<313x1x128xf32, #tpu.memory_space<vmem>>, vector<16xf32>,
              %swap3A_299 = arith.constant 0 : i32
              %swap3A_300 = arith.index_cast %squeeze3A : i32 to index
              %swap3A_301 = arith.index_cast %swap3A_299 : i32 to index
              %swap3A_302 = arith.constant 80 : index
              %swap3A_303 = tpu.vector_load %arg15[%swap3A_300, %swap3A_301, %swap3A_302] {strides = array<i32>} : memref<313x1x128xf32, #tpu.memory_space<vmem>>, vector<16xf32>,
              tpu.vector_store %arg15[%swap3A_300, %swap3A_301, %swap3A_302], %get3A_286 {add = true, strides = array<i32>} : memref<313x1x128xf32, #tpu.memory_space<vmem>>, vector<16xf32>,
              %get3A_304 = arith.index_cast %while3A_179 : i32 to index
              %get3A_305 = arith.constant 96 : index
              %get3A_306 = tpu.vector_load %arg16[%get3A_304, %get3A_305] {strides = array<i32>} : memref<128x128xf32, #tpu.memory_space<vmem>>, vector<16xf32>,
              %mul3A_307 = arith.mulf %get3A_306, %get3A_58 : vector<16xf32>
              %get3A_308 = arith.constant 0 : i32
              %get3A_309 = arith.index_cast %squeeze3A : i32 to index
              %get3A_310 = arith.index_cast %get3A_308 : i32 to index
              %get3A_311 = arith.constant 96 : index
              %get3A_312 = tpu.vector_load %arg14[%get3A_309, %get3A_310, %get3A_311] {strides = array<i32>} : memref<313x1x128xf32, #tpu.memory_space<vmem>>, vector<16xf32>,
              %max3A_313 = arith.maximumf %get3A_312, %mul3A_307 : vector<16xf32>
              %swap3A_314 = arith.constant 0 : i32
              %swap3A_315 = arith.index_cast %squeeze3A : i32 to index
              %swap3A_316 = arith.index_cast %swap3A_314 : i32 to index
              %swap3A_317 = arith.constant 96 : index
              %swap3A_318 = tpu.vector_load %arg14[%swap3A_315, %swap3A_316, %swap3A_317] {strides = array<i32>} : memref<313x1x128xf32, #tpu.memory_space<vmem>>, vector<16xf32>,
              tpu.vector_store %arg14[%swap3A_315, %swap3A_316, %swap3A_317], %max3A_313 {strides = array<i32>} : memref<313x1x128xf32, #tpu.memory_space<vmem>>, vector<16xf32>,
              %swap3A_319 = arith.constant 0 : i32
              %swap3A_320 = arith.index_cast %squeeze3A : i32 to index
              %swap3A_321 = arith.index_cast %swap3A_319 : i32 to index
              %swap3A_322 = arith.constant 96 : index
              %swap3A_323 = tpu.vector_load %arg15[%swap3A_320, %swap3A_321, %swap3A_322] {strides = array<i32>} : memref<313x1x128xf32, #tpu.memory_space<vmem>>, vector<16xf32>,
              tpu.vector_store %arg15[%swap3A_320, %swap3A_321, %swap3A_322], %get3A_306 {add = true, strides = array<i32>} : memref<313x1x128xf32, #tpu.memory_space<vmem>>, vector<16xf32>,
              %get3A_324 = arith.index_cast %while3A_179 : i32 to index
              %get3A_325 = arith.constant 112 : index
              %get3A_326 = tpu.vector_load %arg16[%get3A_324, %get3A_325] {strides = array<i32>} : memref<128x128xf32, #tpu.memory_space<vmem>>, vector<16xf32>,
              %mul3A_327 = arith.mulf %get3A_326, %get3A_62 : vector<16xf32>
              %get3A_328 = arith.constant 0 : i32
              %get3A_329 = arith.index_cast %squeeze3A : i32 to index
              %get3A_330 = arith.index_cast %get3A_328 : i32 to index
              %get3A_331 = arith.constant 112 : index
              %get3A_332 = tpu.vector_load %arg14[%get3A_329, %get3A_330, %get3A_331] {strides = array<i32>} : memref<313x1x128xf32, #tpu.memory_space<vmem>>, vector<16xf32>,
              %max3A_333 = arith.maximumf %get3A_332, %mul3A_327 : vector<16xf32>
              %swap3A_334 = arith.constant 0 : i32
              %swap3A_335 = arith.index_cast %squeeze3A : i32 to index
              %swap3A_336 = arith.index_cast %swap3A_334 : i32 to index
              %swap3A_337 = arith.constant 112 : index
              %swap3A_338 = tpu.vector_load %arg14[%swap3A_335, %swap3A_336, %swap3A_337] {strides = array<i32>} : memref<313x1x128xf32, #tpu.memory_space<vmem>>, vector<16xf32>,
              tpu.vector_store %arg14[%swap3A_335, %swap3A_336, %swap3A_337], %max3A_333 {strides = array<i32>} : memref<313x1x128xf32, #tpu.memory_space<vmem>>, vector<16xf32>,
              %swap3A_339 = arith.constant 0 : i32
              %swap3A_340 = arith.index_cast %squeeze3A : i32 to index
              %swap3A_341 = arith.index_cast %swap3A_339 : i32 to index
              %swap3A_342 = arith.constant 112 : index
              %swap3A_343 = tpu.vector_load %arg15[%swap3A_340, %swap3A_341, %swap3A_342] {strides = array<i32>} : memref<313x1x128xf32, #tpu.memory_space<vmem>>, vector<16xf32>,
              tpu.vector_store %arg15[%swap3A_340, %swap3A_341, %swap3A_342], %get3A_326 {add = true, strides = array<i32>} : memref<313x1x128xf32, #tpu.memory_space<vmem>>, vector<16xf32>,
              %while3A_344 = arith.constant 0 : i32
              scf.yield %while3A_344 : i32
            }
            %while3A_176 = arith.constant 1 : i32
            %while3A_177 = scf.for %while3A_179 = %while3A_173 to %while3A_169 step %while3A_176 iter_args(%while3A_180 = %while3A_175) -> (i32)  : i32 {
              %mul3A_181 = arith.constant 128 : i32
              %mul3A_182 = arith.muli %while3A_152, %mul3A_181 : i32
              %add3A_183 = arith.addi %mul3A_182, %while3A_179 : i32
              %get3A_184 = arith.index_cast %add3A_183 : i32 to index
              %get3A_185 = tpu.vector_load %arg12[%get3A_184] {strides = array<i32>} : memref<6128xi32, #tpu.memory_space<vmem>>, vector<16xi32>,
              %slice3A = vector.extract_strided_slice %get3A_185 {offsets = [0], sizes = [1], strides = [1]} : vector<16xi32> to vector<1xi32>
              %squeeze3A = vector.extract %slice3A[0] : i32 from vector<1xi32>
              %get3A_186 = arith.index_cast %while3A_179 : i32 to index
              %get3A_187 = arith.constant 0 : index
              %get3A_188 = tpu.vector_load %arg16[%get3A_186, %get3A_187] {strides = array<i32>} : memref<128x128xf32, #tpu.memory_space<vmem>>, vector<16xf32>,
              %mul3A_189 = arith.mulf %get3A_188, %get3A_34 : vector<16xf32>
              %get3A_190 = arith.constant 0 : i32
              %get3A_191 = arith.index_cast %squeeze3A : i32 to index
              %get3A_192 = arith.index_cast %get3A_190 : i32 to index
              %get3A_193 = arith.constant 0 : index
              %get3A_194 = tpu.vector_load %arg14[%get3A_191, %get3A_192, %get3A_193] {strides = array<i32>} : memref<313x1x128xf32, #tpu.memory_space<vmem>>, vector<16xf32>,
              %max3A = arith.maximumf %get3A_194, %mul3A_189 : vector<16xf32>
              %swap3A = arith.constant 0 : i32
              %swap3A_195 = arith.index_cast %squeeze3A : i32 to index
              %swap3A_196 = arith.index_cast %swap3A : i32 to index
              %swap3A_197 = arith.constant 0 : index
              %swap3A_198 = tpu.vector_load %arg14[%swap3A_195, %swap3A_196, %swap3A_197] {strides = array<i32>} : memref<313x1x128xf32, #tpu.memory_space<vmem>>, vector<16xf32>,
              tpu.vector_store %arg14[%swap3A_195, %swap3A_196, %swap3A_197], %max3A {strides = array<i32>} : memref<313x1x128xf32, #tpu.memory_space<vmem>>, vector<16xf32>,
              %swap3A_199 = arith.constant 0 : i32
              %swap3A_200 = arith.index_cast %squeeze3A : i32 to index
              %swap3A_201 = arith.index_cast %swap3A_199 : i32 to index
              %swap3A_202 = arith.constant 0 : index
              %swap3A_203 = tpu.vector_load %arg15[%swap3A_200, %swap3A_201, %swap3A_202] {strides = array<i32>} : memref<313x1x128xf32, #tpu.memory_space<vmem>>, vector<16xf32>,
              tpu.vector_store %arg15[%swap3A_200, %swap3A_201, %swap3A_202], %get3A_188 {add = true, strides = array<i32>} : memref<313x1x128xf32, #tpu.memory_space<vmem>>, vector<16xf32>,
              %get3A_204 = arith.index_cast %while3A_179 : i32 to index
              %get3A_205 = arith.constant 16 : index
              %get3A_206 = tpu.vector_load %arg16[%get3A_204, %get3A_205] {strides = array<i32>} : memref<128x128xf32, #tpu.memory_space<vmem>>, vector<16xf32>,
              %mul3A_207 = arith.mulf %get3A_206, %get3A_38 : vector<16xf32>
              %get3A_208 = arith.constant 0 : i32
              %get3A_209 = arith.index_cast %squeeze3A : i32 to index
              %get3A_210 = arith.index_cast %get3A_208 : i32 to index
              %get3A_211 = arith.constant 16 : index
              %get3A_212 = tpu.vector_load %arg14[%get3A_209, %get3A_210, %get3A_211] {strides = array<i32>} : memref<313x1x128xf32, #tpu.memory_space<vmem>>, vector<16xf32>,
              %max3A_213 = arith.maximumf %get3A_212, %mul3A_207 : vector<16xf32>
              %swap3A_214 = arith.constant 0 : i32
              %swap3A_215 = arith.index_cast %squeeze3A : i32 to index
              %swap3A_216 = arith.index_cast %swap3A_214 : i32 to index
              %swap3A_217 = arith.constant 16 : index
              %swap3A_218 = tpu.vector_load %arg14[%swap3A_215, %swap3A_216, %swap3A_217] {strides = array<i32>} : memref<313x1x128xf32, #tpu.memory_space<vmem>>, vector<16xf32>,
              tpu.vector_store %arg14[%swap3A_215, %swap3A_216, %swap3A_217], %max3A_213 {strides = array<i32>} : memref<313x1x128xf32, #tpu.memory_space<vmem>>, vector<16xf32>,
              %swap3A_219 = arith.constant 0 : i32
              %swap3A_220 = arith.index_cast %squeeze3A : i32 to index
              %swap3A_221 = arith.index_cast %swap3A_219 : i32 to index
              %swap3A_222 = arith.constant 16 : index
              %swap3A_223 = tpu.vector_load %arg15[%swap3A_220, %swap3A_221, %swap3A_222] {strides = array<i32>} : memref<313x1x128xf32, #tpu.memory_space<vmem>>, vector<16xf32>,
              tpu.vector_store %arg15[%swap3A_220, %swap3A_221, %swap3A_222], %get3A_206 {add = true, strides = array<i32>} : memref<313x1x128xf32, #tpu.memory_space<vmem>>, vector<16xf32>,
              %get3A_224 = arith.index_cast %while3A_179 : i32 to index
              %get3A_225 = arith.constant 32 : index
              %get3A_226 = tpu.vector_load %arg16[%get3A_224, %get3A_225] {strides = array<i32>} : memref<128x128xf32, #tpu.memory_space<vmem>>, vector<16xf32>,
              %mul3A_227 = arith.mulf %get3A_226, %get3A_42 : vector<16xf32>
              %get3A_228 = arith.constant 0 : i32
              %get3A_229 = arith.index_cast %squeeze3A : i32 to index
              %get3A_230 = arith.index_cast %get3A_228 : i32 to index
              %get3A_231 = arith.constant 32 : index
              %get3A_232 = tpu.vector_load %arg14[%get3A_229, %get3A_230, %get3A_231] {strides = array<i32>} : memref<313x1x128xf32, #tpu.memory_space<vmem>>, vector<16xf32>,
              %max3A_233 = arith.maximumf %get3A_232, %mul3A_227 : vector<16xf32>
              %swap3A_234 = arith.constant 0 : i32
              %swap3A_235 = arith.index_cast %squeeze3A : i32 to index
              %swap3A_236 = arith.index_cast %swap3A_234 : i32 to index
              %swap3A_237 = arith.constant 32 : index
              %swap3A_238 = tpu.vector_load %arg14[%swap3A_235, %swap3A_236, %swap3A_237] {strides = array<i32>} : memref<313x1x128xf32, #tpu.memory_space<vmem>>, vector<16xf32>,
              tpu.vector_store %arg14[%swap3A_235, %swap3A_236, %swap3A_237], %max3A_233 {strides = array<i32>} : memref<313x1x128xf32, #tpu.memory_space<vmem>>, vector<16xf32>,
              %swap3A_239 = arith.constant 0 : i32
              %swap3A_240 = arith.index_cast %squeeze3A : i32 to index
              %swap3A_241 = arith.index_cast %swap3A_239 : i32 to index
              %swap3A_242 = arith.constant 32 : index
              %swap3A_243 = tpu.vector_load %arg15[%swap3A_240, %swap3A_241, %swap3A_242] {strides = array<i32>} : memref<313x1x128xf32, #tpu.memory_space<vmem>>, vector<16xf32>,
              tpu.vector_store %arg15[%swap3A_240, %swap3A_241, %swap3A_242], %get3A_226 {add = true, strides = array<i32>} : memref<313x1x128xf32, #tpu.memory_space<vmem>>, vector<16xf32>,
              %get3A_244 = arith.index_cast %while3A_179 : i32 to index
              %get3A_245 = arith.constant 48 : index
              %get3A_246 = tpu.vector_load %arg16[%get3A_244, %get3A_245] {strides = array<i32>} : memref<128x128xf32, #tpu.memory_space<vmem>>, vector<16xf32>,
              %mul3A_247 = arith.mulf %get3A_246, %get3A_46 : vector<16xf32>
              %get3A_248 = arith.constant 0 : i32
              %get3A_249 = arith.index_cast %squeeze3A : i32 to index
              %get3A_250 = arith.index_cast %get3A_248 : i32 to index
              %get3A_251 = arith.constant 48 : index
              %get3A_252 = tpu.vector_load %arg14[%get3A_249, %get3A_250, %get3A_251] {strides = array<i32>} : memref<313x1x128xf32, #tpu.memory_space<vmem>>, vector<16xf32>,
              %max3A_253 = arith.maximumf %get3A_252, %mul3A_247 : vector<16xf32>
              %swap3A_254 = arith.constant 0 : i32
              %swap3A_255 = arith.index_cast %squeeze3A : i32 to index
              %swap3A_256 = arith.index_cast %swap3A_254 : i32 to index
              %swap3A_257 = arith.constant 48 : index
              %swap3A_258 = tpu.vector_load %arg14[%swap3A_255, %swap3A_256, %swap3A_257] {strides = array<i32>} : memref<313x1x128xf32, #tpu.memory_space<vmem>>, vector<16xf32>,
              tpu.vector_store %arg14[%swap3A_255, %swap3A_256, %swap3A_257], %max3A_253 {strides = array<i32>} : memref<313x1x128xf32, #tpu.memory_space<vmem>>, vector<16xf32>,
              %swap3A_259 = arith.constant 0 : i32
              %swap3A_260 = arith.index_cast %squeeze3A : i32 to index
              %swap3A_261 = arith.index_cast %swap3A_259 : i32 to index
              %swap3A_262 = arith.constant 48 : index
              %swap3A_263 = tpu.vector_load %arg15[%swap3A_260, %swap3A_261, %swap3A_262] {strides = array<i32>} : memref<313x1x128xf32, #tpu.memory_space<vmem>>, vector<16xf32>,
              tpu.vector_store %arg15[%swap3A_260, %swap3A_261, %swap3A_262], %get3A_246 {add = true, strides = array<i32>} : memref<313x1x128xf32, #tpu.memory_space<vmem>>, vector<16xf32>,
              %get3A_264 = arith.index_cast %while3A_179 : i32 to index
              %get3A_265 = arith.constant 64 : index
              %get3A_266 = tpu.vector_load %arg16[%get3A_264, %get3A_265] {strides = array<i32>} : memref<128x128xf32, #tpu.memory_space<vmem>>, vector<16xf32>,
              %mul3A_267 = arith.mulf %get3A_266, %get3A_50 : vector<16xf32>
              %get3A_268 = arith.constant 0 : i32
              %get3A_269 = arith.index_cast %squeeze3A : i32 to index
              %get3A_270 = arith.index_cast %get3A_268 : i32 to index
              %get3A_271 = arith.constant 64 : index
              %get3A_272 = tpu.vector_load %arg14[%get3A_269, %get3A_270, %get3A_271] {strides = array<i32>} : memref<313x1x128xf32, #tpu.memory_space<vmem>>, vector<16xf32>,
              %max3A_273 = arith.maximumf %get3A_272, %mul3A_267 : vector<16xf32>
              %swap3A_274 = arith.constant 0 : i32
              %swap3A_275 = arith.index_cast %squeeze3A : i32 to index
              %swap3A_276 = arith.index_cast %swap3A_274 : i32 to index
              %swap3A_277 = arith.constant 64 : index
              %swap3A_278 = tpu.vector_load %arg14[%swap3A_275, %swap3A_276, %swap3A_277] {strides = array<i32>} : memref<313x1x128xf32, #tpu.memory_space<vmem>>, vector<16xf32>,
              tpu.vector_store %arg14[%swap3A_275, %swap3A_276, %swap3A_277], %max3A_273 {strides = array<i32>} : memref<313x1x128xf32, #tpu.memory_space<vmem>>, vector<16xf32>,
              %swap3A_279 = arith.constant 0 : i32
              %swap3A_280 = arith.index_cast %squeeze3A : i32 to index
              %swap3A_281 = arith.index_cast %swap3A_279 : i32 to index
              %swap3A_282 = arith.constant 64 : index
              %swap3A_283 = tpu.vector_load %arg15[%swap3A_280, %swap3A_281, %swap3A_282] {strides = array<i32>} : memref<313x1x128xf32, #tpu.memory_space<vmem>>, vector<16xf32>,
              tpu.vector_store %arg15[%swap3A_280, %swap3A_281, %swap3A_282], %get3A_266 {add = true, strides = array<i32>} : memref<313x1x128xf32, #tpu.memory_space<vmem>>, vector<16xf32>,
              %get3A_284 = arith.index_cast %while3A_179 : i32 to index
              %get3A_285 = arith.constant 80 : index
              %get3A_286 = tpu.vector_load %arg16[%get3A_284, %get3A_285] {strides = array<i32>} : memref<128x128xf32, #tpu.memory_space<vmem>>, vector<16xf32>,
              %mul3A_287 = arith.mulf %get3A_286, %get3A_54 : vector<16xf32>
              %get3A_288 = arith.constant 0 : i32
              %get3A_289 = arith.index_cast %squeeze3A : i32 to index
              %get3A_290 = arith.index_cast %get3A_288 : i32 to index
              %get3A_291 = arith.constant 80 : index
              %get3A_292 = tpu.vector_load %arg14[%get3A_289, %get3A_290, %get3A_291] {strides = array<i32>} : memref<313x1x128xf32, #tpu.memory_space<vmem>>, vector<16xf32>,
              %max3A_293 = arith.maximumf %get3A_292, %mul3A_287 : vector<16xf32>
              %swap3A_294 = arith.constant 0 : i32
              %swap3A_295 = arith.index_cast %squeeze3A : i32 to index
              %swap3A_296 = arith.index_cast %swap3A_294 : i32 to index
              %swap3A_297 = arith.constant 80 : index
              %swap3A_298 = tpu.vector_load %arg14[%swap3A_295, %swap3A_296, %swap3A_297] {strides = array<i32>} : memref<313x1x128xf32, #tpu.memory_space<vmem>>, vector<16xf32>,
              tpu.vector_store %arg14[%swap3A_295, %swap3A_296, %swap3A_297], %max3A_293 {strides = array<i32>} : memref<313x1x128xf32, #tpu.memory_space<vmem>>, vector<16xf32>,
              %swap3A_299 = arith.constant 0 : i32
              %swap3A_300 = arith.index_cast %squeeze3A : i32 to index
              %swap3A_301 = arith.index_cast %swap3A_299 : i32 to index
              %swap3A_302 = arith.constant 80 : index
              %swap3A_303 = tpu.vector_load %arg15[%swap3A_300, %swap3A_301, %swap3A_302] {strides = array<i32>} : memref<313x1x128xf32, #tpu.memory_space<vmem>>, vector<16xf32>,
              tpu.vector_store %arg15[%swap3A_300, %swap3A_301, %swap3A_302], %get3A_286 {add = true, strides = array<i32>} : memref<313x1x128xf32, #tpu.memory_space<vmem>>, vector<16xf32>,
              %get3A_304 = arith.index_cast %while3A_179 : i32 to index
              %get3A_305 = arith.constant 96 : index
              %get3A_306 = tpu.vector_load %arg16[%get3A_304, %get3A_305] {strides = array<i32>} : memref<128x128xf32, #tpu.memory_space<vmem>>, vector<16xf32>,
              %mul3A_307 = arith.mulf %get3A_306, %get3A_58 : vector<16xf32>
              %get3A_308 = arith.constant 0 : i32
              %get3A_309 = arith.index_cast %squeeze3A : i32 to index
              %get3A_310 = arith.index_cast %get3A_308 : i32 to index
              %get3A_311 = arith.constant 96 : index
              %get3A_312 = tpu.vector_load %arg14[%get3A_309, %get3A_310, %get3A_311] {strides = array<i32>} : memref<313x1x128xf32, #tpu.memory_space<vmem>>, vector<16xf32>,
              %max3A_313 = arith.maximumf %get3A_312, %mul3A_307 : vector<16xf32>
              %swap3A_314 = arith.constant 0 : i32
              %swap3A_315 = arith.index_cast %squeeze3A : i32 to index
              %swap3A_316 = arith.index_cast %swap3A_314 : i32 to index
              %swap3A_317 = arith.constant 96 : index
              %swap3A_318 = tpu.vector_load %arg14[%swap3A_315, %swap3A_316, %swap3A_317] {strides = array<i32>} : memref<313x1x128xf32, #tpu.memory_space<vmem>>, vector<16xf32>,
              tpu.vector_store %arg14[%swap3A_315, %swap3A_316, %swap3A_317], %max3A_313 {strides = array<i32>} : memref<313x1x128xf32, #tpu.memory_space<vmem>>, vector<16xf32>,
              %swap3A_319 = arith.constant 0 : i32
              %swap3A_320 = arith.index_cast %squeeze3A : i32 to index
              %swap3A_321 = arith.index_cast %swap3A_319 : i32 to index
              %swap3A_322 = arith.constant 96 : index
              %swap3A_323 = tpu.vector_load %arg15[%swap3A_320, %swap3A_321, %swap3A_322] {strides = array<i32>} : memref<313x1x128xf32, #tpu.memory_space<vmem>>, vector<16xf32>,
              tpu.vector_store %arg15[%swap3A_320, %swap3A_321, %swap3A_322], %get3A_306 {add = true, strides = array<i32>} : memref<313x1x128xf32, #tpu.memory_space<vmem>>, vector<16xf32>,
              %get3A_324 = arith.index_cast %while3A_179 : i32 to index
              %get3A_325 = arith.constant 112 : index
              %get3A_326 = tpu.vector_load %arg16[%get3A_324, %get3A_325] {strides = array<i32>} : memref<128x128xf32, #tpu.memory_space<vmem>>, vector<16xf32>,
              %mul3A_327 = arith.mulf %get3A_326, %get3A_62 : vector<16xf32>
              %get3A_328 = arith.constant 0 : i32
              %get3A_329 = arith.index_cast %squeeze3A : i32 to index
              %get3A_330 = arith.index_cast %get3A_328 : i32 to index
              %get3A_331 = arith.constant 112 : index
              %get3A_332 = tpu.vector_load %arg14[%get3A_329, %get3A_330, %get3A_331] {strides = array<i32>} : memref<313x1x128xf32, #tpu.memory_space<vmem>>, vector<16xf32>,
              %max3A_333 = arith.maximumf %get3A_332, %mul3A_327 : vector<16xf32>
              %swap3A_334 = arith.constant 0 : i32
              %swap3A_335 = arith.index_cast %squeeze3A : i32 to index
              %swap3A_336 = arith.index_cast %swap3A_334 : i32 to index
              %swap3A_337 = arith.constant 112 : index
              %swap3A_338 = tpu.vector_load %arg14[%swap3A_335, %swap3A_336, %swap3A_337] {strides = array<i32>} : memref<313x1x128xf32, #tpu.memory_space<vmem>>, vector<16xf32>,
              tpu.vector_store %arg14[%swap3A_335, %swap3A_336, %swap3A_337], %max3A_333 {strides = array<i32>} : memref<313x1x128xf32, #tpu.memory_space<vmem>>, vector<16xf32>,
              %swap3A_339 = arith.constant 0 : i32
              %swap3A_340 = arith.index_cast %squeeze3A : i32 to index
              %swap3A_341 = arith.index_cast %swap3A_339 : i32 to index
              %swap3A_342 = arith.constant 112 : index
              %swap3A_343 = tpu.vector_load %arg15[%swap3A_340, %swap3A_341, %swap3A_342] {strides = array<i32>} : memref<313x1x128xf32, #tpu.memory_space<vmem>>, vector<16xf32>,
              tpu.vector_store %arg15[%swap3A_340, %swap3A_341, %swap3A_342], %get3A_326 {add = true, strides = array<i32>} : memref<313x1x128xf32, #tpu.memory_space<vmem>>, vector<16xf32>,
              %while3A_344 = arith.constant 0 : i32
              scf.yield %while3A_344 : i32
            }
            %while3A_178 = arith.constant 0 : i32
            scf.yield %while3A_178 : i32
          }
        } else {
        }
        %gt3A_104 = arith.constant 2000 : i32
        %gt3A_105 = vector.broadcast %gt3A_104 : i32 to vector<16xi32>
        %gt3A_106 = arith.cmpi sgt, %scan3A_90, %gt3A_105 : vector<16xi32>
        %broadcast_in_dim3A_107 = arith.constant 0 : i32
        %broadcast_in_dim3A_108 = vector.broadcast %broadcast_in_dim3A_107 : i32 to vector<16xi32>
        %select_n3A = arith.select %gt3A_106, %broadcast_in_dim3A_108, %scan3A_90 : vector<16xi1>, vector<16xi32>
        %mul3A_109 = arith.constant 4000 : i32
        %mul3A_110 = arith.muli %scan3A_89, %mul3A_109 : i32
        "tpu.region"() ({
          %run_scoped3A = tpu.sem_alloc : memref<!tpu.dma_semaphore, #tpu.memory_space<semaphore_mem>>
          %dma_start3A = tpu.memref_slice %arg3[%mul3A_110] : memref<160000xi32, #tpu.memory_space<hbm>> -> memref<4000xi32, #tpu.memory_space<hbm>>
          %dma_start3A_119 = tpu.memref_slice %arg3[%mul3A_110] : memref<160000xi32, #tpu.memory_space<hbm>> -> memref<4000xi32, #tpu.memory_space<hbm>>
          tpu.enqueue_dma source(%dma_start3A_119 : memref<4000xi32, #tpu.memory_space<hbm>>) target(%arg10 : memref<4000xi32, #tpu.memory_space<vmem>>) target_semaphore(%run_scoped3A : memref<!tpu.dma_semaphore, #tpu.memory_space<semaphore_mem>>)
          %dma_wait3A = tpu.memref_slice %arg3[%mul3A_110] : memref<160000xi32, #tpu.memory_space<hbm>> -> memref<4000xi32, #tpu.memory_space<hbm>>
          %dma_wait3A_120 = tpu.memref_slice %arg3[%mul3A_110] : memref<160000xi32, #tpu.memory_space<hbm>> -> memref<4000xi32, #tpu.memory_space<hbm>>
          tpu.wait_dma2 semaphore(%run_scoped3A : memref<!tpu.dma_semaphore, #tpu.memory_space<semaphore_mem>>) src(%dma_wait3A_120 : memref<4000xi32, #tpu.memory_space<hbm>>) dst(%arg10 : memref<4000xi32, #tpu.memory_space<vmem>>)
          tpu.yield
        }) : () -> ()
        %mul3A_111 = arith.constant 4000 : i32
        %mul3A_112 = arith.muli %scan3A_89, %mul3A_111 : i32
        "tpu.region"() ({
          %run_scoped3A = tpu.sem_alloc : memref<!tpu.dma_semaphore, #tpu.memory_space<semaphore_mem>>
          %dma_start3A = tpu.memref_slice %arg4[%mul3A_112] : memref<160000xi32, #tpu.memory_space<hbm>> -> memref<4000xi32, #tpu.memory_space<hbm>>
          %dma_start3A_119 = tpu.memref_slice %arg4[%mul3A_112] : memref<160000xi32, #tpu.memory_space<hbm>> -> memref<4000xi32, #tpu.memory_space<hbm>>
          tpu.enqueue_dma source(%dma_start3A_119 : memref<4000xi32, #tpu.memory_space<hbm>>) target(%arg11 : memref<4000xi32, #tpu.memory_space<vmem>>) target_semaphore(%run_scoped3A : memref<!tpu.dma_semaphore, #tpu.memory_space<semaphore_mem>>)
          %dma_wait3A = tpu.memref_slice %arg4[%mul3A_112] : memref<160000xi32, #tpu.memory_space<hbm>> -> memref<4000xi32, #tpu.memory_space<hbm>>
          %dma_wait3A_120 = tpu.memref_slice %arg4[%mul3A_112] : memref<160000xi32, #tpu.memory_space<hbm>> -> memref<4000xi32, #tpu.memory_space<hbm>>
          tpu.wait_dma2 semaphore(%run_scoped3A : memref<!tpu.dma_semaphore, #tpu.memory_space<semaphore_mem>>) src(%dma_wait3A_120 : memref<4000xi32, #tpu.memory_space<hbm>>) dst(%arg11 : memref<4000xi32, #tpu.memory_space<vmem>>)
          tpu.yield
        }) : () -> ()
        %scan3A_113 = arith.constant 0 : i32
        %scan3A_114 = arith.constant 250 : i32
        %scan3A_115 = arith.addi %scan3A_113, %scan3A_114 : i32
        %scan3A_116 = arith.constant 1 : i32
        %scan3A_117 = scf.for %scan3A_119 = %scan3A_113 to %scan3A_115 step %scan3A_116 iter_args(%scan3A_120 = %select_n3A) -> (vector<16xi32>)  : i32 {
          %mul3A_121 = arith.constant 16 : i32
          %mul3A_122 = arith.muli %mul3A_121, %scan3A_119 : i32
          %get3A_123 = arith.index_cast %mul3A_122 : i32 to index
          %get3A_124 = tpu.vector_load %arg10[%get3A_123] {strides = array<i32>} : memref<4000xi32, #tpu.memory_space<vmem>>, vector<16xi32>,
          %mul3A_125 = arith.constant 16 : i32
          %mul3A_126 = arith.muli %mul3A_125, %scan3A_119 : i32
          %get3A_127 = arith.index_cast %mul3A_126 : i32 to index
          %get3A_128 = tpu.vector_load %arg11[%get3A_127] {strides = array<i32>} : memref<4000xi32, #tpu.memory_space<vmem>>, vector<16xi32>,
          %ge3A = vector.broadcast %mul3A_2 : i32 to vector<16xi32>
          %ge3A_129 = arith.cmpi sge, %get3A_124, %ge3A : vector<16xi32>
          %add3A_130 = arith.constant 313 : i32
          %add3A_131 = arith.addi %mul3A_2, %add3A_130 : i32
          %lt3A = vector.broadcast %add3A_131 : i32 to vector<16xi32>
          %lt3A_132 = arith.cmpi slt, %get3A_124, %lt3A : vector<16xi32>
          %and3A_133 = arith.andi %ge3A_129, %lt3A_132 : vector<16xi1>
          %convert_element_type3A_134 = arith.extui %and3A_133 : vector<16xi1> to vector<16xi32>
          %broadcast_in_dim3A_135 = arith.constant true
          %broadcast_in_dim3A_136 = vector.broadcast %broadcast_in_dim3A_135 : i1 to vector<16xi1>
          %masked_cumsum3A = tpu.scan <sum>, %convert_element_type3A_134 masked %broadcast_in_dim3A_136 : vector<16xi32>, vector<16xi1> -> vector<16xi32>
          %add3A_137 = arith.addi %scan3A_120, %masked_cumsum3A : vector<16xi32>
          %sub3A = arith.constant 1 : i32
          %sub3A_138 = vector.broadcast %sub3A : i32 to vector<16xi32>
          %sub3A_139 = arith.subi %add3A_137, %sub3A_138 : vector<16xi32>
          %sub3A_140 = vector.broadcast %mul3A_2 : i32 to vector<16xi32>
          %sub3A_141 = arith.subi %get3A_124, %sub3A_140 : vector<16xi32>
          tpu.vector_store_idx %arg12[%sub3A_139], %sub3A_141 masked %and3A_133 : memref<6128xi32, #tpu.memory_space<vmem>>[vector<16xi32>], vector<16xi32>, vector<16xi1>
          %mul3A_142 = arith.constant 40 : i32
          %mul3A_143 = vector.broadcast %mul3A_142 : i32 to vector<16xi32>
          %mul3A_144 = arith.muli %get3A_128, %mul3A_143 : vector<16xi32>
          %add3A_145 = vector.broadcast %add3A_24 : i32 to vector<16xi32>
          %add3A_146 = arith.addi %mul3A_144, %add3A_145 : vector<16xi32>
          tpu.vector_store_idx %arg13[%sub3A_139], %add3A_146 masked %and3A_133 : memref<6128xi32, #tpu.memory_space<vmem>>[vector<16xi32>], vector<16xi32>, vector<16xi1>
          %all_reduce_population_count3A = tpu.all_reduce %and3A_133 {dim = 0 : i64, kind = #tpu.reduction_kind<sum>} : vector<16xi1> -> vector<16xi32>
          %add3A_147 = arith.addi %scan3A_120, %all_reduce_population_count3A : vector<16xi32>
          scf.yield %add3A_147 : vector<16xi32>
        }
        %scan3A_118 = arith.constant 250 : i32
        scf.yield %scan3A_117 : vector<16xi32>
      }
      %scan3A_69 = arith.constant 40 : i32
      %reduce_max3A = arith.constant true
      %reduce_max3A_70 = vector.broadcast %reduce_max3A : i1 to vector<16xi1>
      %reduce_max3A_71 = arith.constant -2147483648 : i32
      %reduce_max3A_72 = vector.broadcast %reduce_max3A_71 : i32 to vector<16xi32>
      %reduce_max3A_73 = arith.xori %scan3A_68, %reduce_max3A_72 : vector<16xi32>
      %reduce_max3A_74 = tpu.scan <max>, %reduce_max3A_73 masked %reduce_max3A_70 : vector<16xi32>, vector<16xi1> -> vector<16xi32>
      %reduce_max3A_75 = arith.xori %reduce_max3A_74, %reduce_max3A_72 : vector<16xi32>
      %reduce_max3A_76 = vector.extract %reduce_max3A_75[15] : i32 from vector<16xi32>
      %gt3A = arith.constant 0 : i32
      %gt3A_77 = arith.cmpi sgt, %reduce_max3A_76, %gt3A : i32
      %convert_element_type3A = arith.extui %gt3A_77 : i1 to i32
      %cond3A = arith.constant 0 : i32
      %cond3A_78 = arith.cmpi ne, %convert_element_type3A, %cond3A : i32
      scf.if %cond3A_78 {
        %add3A_89 = arith.constant 128 : i32
        %add3A_90 = arith.addi %reduce_max3A_76, %add3A_89 : i32
        %sub3A = arith.constant 1 : i32
        %sub3A_91 = arith.subi %add3A_90, %sub3A : i32
        %jit3A = arith.constant 128 : i32
        %div3A = arith.divsi %sub3A_91, %jit3A : i32
        %sign3A = arith.constant 0 : i32
        %sign3A_92 = arith.cmpi sgt, %sub3A_91, %sign3A : i32
        %sign3A_93 = arith.extui %sign3A_92 : i1 to i32
        %sign3A_94 = arith.constant 0 : i32
        %sign3A_95 = arith.cmpi slt, %sub3A_91, %sign3A_94 : i32
        %sign3A_96 = arith.extui %sign3A_95 : i1 to i32
        %sign3A_97 = arith.subi %sign3A_93, %sign3A_96 : i32
        %sign3A_98 = arith.constant 0 : i32
        %sign3A_99 = arith.cmpi sgt, %jit3A, %sign3A_98 : i32
        %sign3A_100 = arith.extui %sign3A_99 : i1 to i32
        %sign3A_101 = arith.constant 0 : i32
        %sign3A_102 = arith.cmpi slt, %jit3A, %sign3A_101 : i32
        %sign3A_103 = arith.extui %sign3A_102 : i1 to i32
        %sign3A_104 = arith.subi %sign3A_100, %sign3A_103 : i32
        %ne3A = arith.cmpi ne, %sign3A_97, %sign3A_104 : i32
        %rem3A = arith.remsi %sub3A_91, %jit3A : i32
        %ne3A_105 = arith.constant 0 : i32
        %ne3A_106 = arith.cmpi ne, %rem3A, %ne3A_105 : i32
        %and3A_107 = arith.andi %ne3A, %ne3A_106 : i1
        %sub3A_108 = arith.constant 1 : i32
        %sub3A_109 = arith.subi %div3A, %sub3A_108 : i32
        %select_n3A = arith.select %and3A_107, %sub3A_109, %div3A : i32
        %while3A = arith.constant 0 : i32
        %while3A_110 = arith.constant 0 : i32
        %while3A_111 = arith.subi %select_n3A, %while3A : i32
        %while3A_112 = arith.addi %while3A, %while3A_111 : i32
        %while3A_113 = arith.constant 1 : i32
        %while3A_114 = arith.divsi %while3A_111, %while3A_113 : i32
        %while3A_115 = arith.muli %while3A_114, %while3A_113 : i32
        %while3A_116 = arith.addi %while3A, %while3A_115 : i32
        %while3A_117 = arith.constant 1 : i32
        %while3A_118 = scf.for %while3A_121 = %while3A to %while3A_116 step %while3A_117 iter_args(%while3A_122 = %while3A_110) -> (i32)  : i32 {
          %mul3A_123 = arith.constant 128 : i32
          %mul3A_124 = arith.muli %while3A_121, %mul3A_123 : i32
          %dma_start3A = tpu.memref_slice %arg13[%mul3A_124] : memref<6128xi32, #tpu.memory_space<vmem>> -> memref<128xi32, #tpu.memory_space<vmem>>
          %dma_start3A_125 = arith.constant 0 : i32
          %dma_start3A_126 = arith.constant 0 : i32
          %dma_start3A_127 = tpu.memref_slice %arg2[%dma_start3A_125, %dma_start3A_126] : memref<400000x128xf32, #tpu.memory_space<hbm>> -> memref<400000x128xf32, #tpu.memory_space<hbm>>
          tpu.enqueue_indirect_dma source(%dma_start3A_127 : memref<400000x128xf32, #tpu.memory_space<hbm>>) target(%arg16 : memref<128x128xf32, #tpu.memory_space<vmem>>) offsets(%dma_start3A : memref<128xi32, #tpu.memory_space<vmem>>) semaphore(%arg18 : memref<!tpu.dma_semaphore, #tpu.memory_space<semaphore_mem>>)
          %dma_wait3A = tpu.memref_slice %arg13[%mul3A_124] : memref<6128xi32, #tpu.memory_space<vmem>> -> memref<128xi32, #tpu.memory_space<vmem>>
          %dma_wait3A_128 = arith.constant 0 : i32
          %dma_wait3A_129 = arith.constant 0 : i32
          %dma_wait3A_130 = tpu.memref_slice %arg2[%dma_wait3A_128, %dma_wait3A_129] : memref<400000x128xf32, #tpu.memory_space<hbm>> -> memref<400000x128xf32, #tpu.memory_space<hbm>>
          tpu.wait_indirect_dma semaphore(%arg18 : memref<!tpu.dma_semaphore, #tpu.memory_space<semaphore_mem>>) src(%dma_wait3A_130 : memref<400000x128xf32, #tpu.memory_space<hbm>>) dst(%arg16 : memref<128x128xf32, #tpu.memory_space<vmem>>)
          %mul3A_131 = arith.constant 128 : i32
          %mul3A_132 = arith.muli %while3A_121, %mul3A_131 : i32
          %sub3A_133 = arith.subi %reduce_max3A_76, %mul3A_132 : i32
          %min3A = arith.constant 128 : i32
          %min3A_134 = arith.minsi %min3A, %sub3A_133 : i32
          %while3A_135 = arith.constant 0 : i32
          %while3A_136 = arith.constant 0 : i32
          %while3A_137 = arith.subi %min3A_134, %while3A_135 : i32
          %while3A_138 = arith.addi %while3A_135, %while3A_137 : i32
          %while3A_139 = arith.constant 1 : i32
          %while3A_140 = arith.divsi %while3A_137, %while3A_139 : i32
          %while3A_141 = arith.muli %while3A_140, %while3A_139 : i32
          %while3A_142 = arith.addi %while3A_135, %while3A_141 : i32
          %while3A_143 = arith.constant 1 : i32
          %while3A_144 = scf.for %while3A_148 = %while3A_135 to %while3A_142 step %while3A_143 iter_args(%while3A_149 = %while3A_136) -> (i32)  : i32 {
            %mul3A_150 = arith.constant 128 : i32
            %mul3A_151 = arith.muli %while3A_121, %mul3A_150 : i32
            %add3A_152 = arith.addi %mul3A_151, %while3A_148 : i32
            %get3A_153 = arith.index_cast %add3A_152 : i32 to index
            %get3A_154 = tpu.vector_load %arg12[%get3A_153] {strides = array<i32>} : memref<6128xi32, #tpu.memory_space<vmem>>, vector<16xi32>,
            %slice3A = vector.extract_strided_slice %get3A_154 {offsets = [0], sizes = [1], strides = [1]} : vector<16xi32> to vector<1xi32>
            %squeeze3A = vector.extract %slice3A[0] : i32 from vector<1xi32>
            %get3A_155 = arith.index_cast %while3A_148 : i32 to index
            %get3A_156 = arith.constant 0 : index
            %get3A_157 = tpu.vector_load %arg16[%get3A_155, %get3A_156] {strides = array<i32>} : memref<128x128xf32, #tpu.memory_space<vmem>>, vector<16xf32>,
            %mul3A_158 = arith.mulf %get3A_157, %get3A_34 : vector<16xf32>
            %get3A_159 = arith.constant 0 : i32
            %get3A_160 = arith.index_cast %squeeze3A : i32 to index
            %get3A_161 = arith.index_cast %get3A_159 : i32 to index
            %get3A_162 = arith.constant 0 : index
            %get3A_163 = tpu.vector_load %arg14[%get3A_160, %get3A_161, %get3A_162] {strides = array<i32>} : memref<313x1x128xf32, #tpu.memory_space<vmem>>, vector<16xf32>,
            %max3A = arith.maximumf %get3A_163, %mul3A_158 : vector<16xf32>
            %swap3A = arith.constant 0 : i32
            %swap3A_164 = arith.index_cast %squeeze3A : i32 to index
            %swap3A_165 = arith.index_cast %swap3A : i32 to index
            %swap3A_166 = arith.constant 0 : index
            %swap3A_167 = tpu.vector_load %arg14[%swap3A_164, %swap3A_165, %swap3A_166] {strides = array<i32>} : memref<313x1x128xf32, #tpu.memory_space<vmem>>, vector<16xf32>,
            tpu.vector_store %arg14[%swap3A_164, %swap3A_165, %swap3A_166], %max3A {strides = array<i32>} : memref<313x1x128xf32, #tpu.memory_space<vmem>>, vector<16xf32>,
            %swap3A_168 = arith.constant 0 : i32
            %swap3A_169 = arith.index_cast %squeeze3A : i32 to index
            %swap3A_170 = arith.index_cast %swap3A_168 : i32 to index
            %swap3A_171 = arith.constant 0 : index
            %swap3A_172 = tpu.vector_load %arg15[%swap3A_169, %swap3A_170, %swap3A_171] {strides = array<i32>} : memref<313x1x128xf32, #tpu.memory_space<vmem>>, vector<16xf32>,
            tpu.vector_store %arg15[%swap3A_169, %swap3A_170, %swap3A_171], %get3A_157 {add = true, strides = array<i32>} : memref<313x1x128xf32, #tpu.memory_space<vmem>>, vector<16xf32>,
            %get3A_173 = arith.index_cast %while3A_148 : i32 to index
            %get3A_174 = arith.constant 16 : index
            %get3A_175 = tpu.vector_load %arg16[%get3A_173, %get3A_174] {strides = array<i32>} : memref<128x128xf32, #tpu.memory_space<vmem>>, vector<16xf32>,
            %mul3A_176 = arith.mulf %get3A_175, %get3A_38 : vector<16xf32>
            %get3A_177 = arith.constant 0 : i32
            %get3A_178 = arith.index_cast %squeeze3A : i32 to index
            %get3A_179 = arith.index_cast %get3A_177 : i32 to index
            %get3A_180 = arith.constant 16 : index
            %get3A_181 = tpu.vector_load %arg14[%get3A_178, %get3A_179, %get3A_180] {strides = array<i32>} : memref<313x1x128xf32, #tpu.memory_space<vmem>>, vector<16xf32>,
            %max3A_182 = arith.maximumf %get3A_181, %mul3A_176 : vector<16xf32>
            %swap3A_183 = arith.constant 0 : i32
            %swap3A_184 = arith.index_cast %squeeze3A : i32 to index
            %swap3A_185 = arith.index_cast %swap3A_183 : i32 to index
            %swap3A_186 = arith.constant 16 : index
            %swap3A_187 = tpu.vector_load %arg14[%swap3A_184, %swap3A_185, %swap3A_186] {strides = array<i32>} : memref<313x1x128xf32, #tpu.memory_space<vmem>>, vector<16xf32>,
            tpu.vector_store %arg14[%swap3A_184, %swap3A_185, %swap3A_186], %max3A_182 {strides = array<i32>} : memref<313x1x128xf32, #tpu.memory_space<vmem>>, vector<16xf32>,
            %swap3A_188 = arith.constant 0 : i32
            %swap3A_189 = arith.index_cast %squeeze3A : i32 to index
            %swap3A_190 = arith.index_cast %swap3A_188 : i32 to index
            %swap3A_191 = arith.constant 16 : index
            %swap3A_192 = tpu.vector_load %arg15[%swap3A_189, %swap3A_190, %swap3A_191] {strides = array<i32>} : memref<313x1x128xf32, #tpu.memory_space<vmem>>, vector<16xf32>,
            tpu.vector_store %arg15[%swap3A_189, %swap3A_190, %swap3A_191], %get3A_175 {add = true, strides = array<i32>} : memref<313x1x128xf32, #tpu.memory_space<vmem>>, vector<16xf32>,
            %get3A_193 = arith.index_cast %while3A_148 : i32 to index
            %get3A_194 = arith.constant 32 : index
            %get3A_195 = tpu.vector_load %arg16[%get3A_193, %get3A_194] {strides = array<i32>} : memref<128x128xf32, #tpu.memory_space<vmem>>, vector<16xf32>,
            %mul3A_196 = arith.mulf %get3A_195, %get3A_42 : vector<16xf32>
            %get3A_197 = arith.constant 0 : i32
            %get3A_198 = arith.index_cast %squeeze3A : i32 to index
            %get3A_199 = arith.index_cast %get3A_197 : i32 to index
            %get3A_200 = arith.constant 32 : index
            %get3A_201 = tpu.vector_load %arg14[%get3A_198, %get3A_199, %get3A_200] {strides = array<i32>} : memref<313x1x128xf32, #tpu.memory_space<vmem>>, vector<16xf32>,
            %max3A_202 = arith.maximumf %get3A_201, %mul3A_196 : vector<16xf32>
            %swap3A_203 = arith.constant 0 : i32
            %swap3A_204 = arith.index_cast %squeeze3A : i32 to index
            %swap3A_205 = arith.index_cast %swap3A_203 : i32 to index
            %swap3A_206 = arith.constant 32 : index
            %swap3A_207 = tpu.vector_load %arg14[%swap3A_204, %swap3A_205, %swap3A_206] {strides = array<i32>} : memref<313x1x128xf32, #tpu.memory_space<vmem>>, vector<16xf32>,
            tpu.vector_store %arg14[%swap3A_204, %swap3A_205, %swap3A_206], %max3A_202 {strides = array<i32>} : memref<313x1x128xf32, #tpu.memory_space<vmem>>, vector<16xf32>,
            %swap3A_208 = arith.constant 0 : i32
            %swap3A_209 = arith.index_cast %squeeze3A : i32 to index
            %swap3A_210 = arith.index_cast %swap3A_208 : i32 to index
            %swap3A_211 = arith.constant 32 : index
            %swap3A_212 = tpu.vector_load %arg15[%swap3A_209, %swap3A_210, %swap3A_211] {strides = array<i32>} : memref<313x1x128xf32, #tpu.memory_space<vmem>>, vector<16xf32>,
            tpu.vector_store %arg15[%swap3A_209, %swap3A_210, %swap3A_211], %get3A_195 {add = true, strides = array<i32>} : memref<313x1x128xf32, #tpu.memory_space<vmem>>, vector<16xf32>,
            %get3A_213 = arith.index_cast %while3A_148 : i32 to index
            %get3A_214 = arith.constant 48 : index
            %get3A_215 = tpu.vector_load %arg16[%get3A_213, %get3A_214] {strides = array<i32>} : memref<128x128xf32, #tpu.memory_space<vmem>>, vector<16xf32>,
            %mul3A_216 = arith.mulf %get3A_215, %get3A_46 : vector<16xf32>
            %get3A_217 = arith.constant 0 : i32
            %get3A_218 = arith.index_cast %squeeze3A : i32 to index
            %get3A_219 = arith.index_cast %get3A_217 : i32 to index
            %get3A_220 = arith.constant 48 : index
            %get3A_221 = tpu.vector_load %arg14[%get3A_218, %get3A_219, %get3A_220] {strides = array<i32>} : memref<313x1x128xf32, #tpu.memory_space<vmem>>, vector<16xf32>,
            %max3A_222 = arith.maximumf %get3A_221, %mul3A_216 : vector<16xf32>
            %swap3A_223 = arith.constant 0 : i32
            %swap3A_224 = arith.index_cast %squeeze3A : i32 to index
            %swap3A_225 = arith.index_cast %swap3A_223 : i32 to index
            %swap3A_226 = arith.constant 48 : index
            %swap3A_227 = tpu.vector_load %arg14[%swap3A_224, %swap3A_225, %swap3A_226] {strides = array<i32>} : memref<313x1x128xf32, #tpu.memory_space<vmem>>, vector<16xf32>,
            tpu.vector_store %arg14[%swap3A_224, %swap3A_225, %swap3A_226], %max3A_222 {strides = array<i32>} : memref<313x1x128xf32, #tpu.memory_space<vmem>>, vector<16xf32>,
            %swap3A_228 = arith.constant 0 : i32
            %swap3A_229 = arith.index_cast %squeeze3A : i32 to index
            %swap3A_230 = arith.index_cast %swap3A_228 : i32 to index
            %swap3A_231 = arith.constant 48 : index
            %swap3A_232 = tpu.vector_load %arg15[%swap3A_229, %swap3A_230, %swap3A_231] {strides = array<i32>} : memref<313x1x128xf32, #tpu.memory_space<vmem>>, vector<16xf32>,
            tpu.vector_store %arg15[%swap3A_229, %swap3A_230, %swap3A_231], %get3A_215 {add = true, strides = array<i32>} : memref<313x1x128xf32, #tpu.memory_space<vmem>>, vector<16xf32>,
            %get3A_233 = arith.index_cast %while3A_148 : i32 to index
            %get3A_234 = arith.constant 64 : index
            %get3A_235 = tpu.vector_load %arg16[%get3A_233, %get3A_234] {strides = array<i32>} : memref<128x128xf32, #tpu.memory_space<vmem>>, vector<16xf32>,
            %mul3A_236 = arith.mulf %get3A_235, %get3A_50 : vector<16xf32>
            %get3A_237 = arith.constant 0 : i32
            %get3A_238 = arith.index_cast %squeeze3A : i32 to index
            %get3A_239 = arith.index_cast %get3A_237 : i32 to index
            %get3A_240 = arith.constant 64 : index
            %get3A_241 = tpu.vector_load %arg14[%get3A_238, %get3A_239, %get3A_240] {strides = array<i32>} : memref<313x1x128xf32, #tpu.memory_space<vmem>>, vector<16xf32>,
            %max3A_242 = arith.maximumf %get3A_241, %mul3A_236 : vector<16xf32>
            %swap3A_243 = arith.constant 0 : i32
            %swap3A_244 = arith.index_cast %squeeze3A : i32 to index
            %swap3A_245 = arith.index_cast %swap3A_243 : i32 to index
            %swap3A_246 = arith.constant 64 : index
            %swap3A_247 = tpu.vector_load %arg14[%swap3A_244, %swap3A_245, %swap3A_246] {strides = array<i32>} : memref<313x1x128xf32, #tpu.memory_space<vmem>>, vector<16xf32>,
            tpu.vector_store %arg14[%swap3A_244, %swap3A_245, %swap3A_246], %max3A_242 {strides = array<i32>} : memref<313x1x128xf32, #tpu.memory_space<vmem>>, vector<16xf32>,
            %swap3A_248 = arith.constant 0 : i32
            %swap3A_249 = arith.index_cast %squeeze3A : i32 to index
            %swap3A_250 = arith.index_cast %swap3A_248 : i32 to index
            %swap3A_251 = arith.constant 64 : index
            %swap3A_252 = tpu.vector_load %arg15[%swap3A_249, %swap3A_250, %swap3A_251] {strides = array<i32>} : memref<313x1x128xf32, #tpu.memory_space<vmem>>, vector<16xf32>,
            tpu.vector_store %arg15[%swap3A_249, %swap3A_250, %swap3A_251], %get3A_235 {add = true, strides = array<i32>} : memref<313x1x128xf32, #tpu.memory_space<vmem>>, vector<16xf32>,
            %get3A_253 = arith.index_cast %while3A_148 : i32 to index
            %get3A_254 = arith.constant 80 : index
            %get3A_255 = tpu.vector_load %arg16[%get3A_253, %get3A_254] {strides = array<i32>} : memref<128x128xf32, #tpu.memory_space<vmem>>, vector<16xf32>,
            %mul3A_256 = arith.mulf %get3A_255, %get3A_54 : vector<16xf32>
            %get3A_257 = arith.constant 0 : i32
            %get3A_258 = arith.index_cast %squeeze3A : i32 to index
            %get3A_259 = arith.index_cast %get3A_257 : i32 to index
            %get3A_260 = arith.constant 80 : index
            %get3A_261 = tpu.vector_load %arg14[%get3A_258, %get3A_259, %get3A_260] {strides = array<i32>} : memref<313x1x128xf32, #tpu.memory_space<vmem>>, vector<16xf32>,
            %max3A_262 = arith.maximumf %get3A_261, %mul3A_256 : vector<16xf32>
            %swap3A_263 = arith.constant 0 : i32
            %swap3A_264 = arith.index_cast %squeeze3A : i32 to index
            %swap3A_265 = arith.index_cast %swap3A_263 : i32 to index
            %swap3A_266 = arith.constant 80 : index
            %swap3A_267 = tpu.vector_load %arg14[%swap3A_264, %swap3A_265, %swap3A_266] {strides = array<i32>} : memref<313x1x128xf32, #tpu.memory_space<vmem>>, vector<16xf32>,
            tpu.vector_store %arg14[%swap3A_264, %swap3A_265, %swap3A_266], %max3A_262 {strides = array<i32>} : memref<313x1x128xf32, #tpu.memory_space<vmem>>, vector<16xf32>,
            %swap3A_268 = arith.constant 0 : i32
            %swap3A_269 = arith.index_cast %squeeze3A : i32 to index
            %swap3A_270 = arith.index_cast %swap3A_268 : i32 to index
            %swap3A_271 = arith.constant 80 : index
            %swap3A_272 = tpu.vector_load %arg15[%swap3A_269, %swap3A_270, %swap3A_271] {strides = array<i32>} : memref<313x1x128xf32, #tpu.memory_space<vmem>>, vector<16xf32>,
            tpu.vector_store %arg15[%swap3A_269, %swap3A_270, %swap3A_271], %get3A_255 {add = true, strides = array<i32>} : memref<313x1x128xf32, #tpu.memory_space<vmem>>, vector<16xf32>,
            %get3A_273 = arith.index_cast %while3A_148 : i32 to index
            %get3A_274 = arith.constant 96 : index
            %get3A_275 = tpu.vector_load %arg16[%get3A_273, %get3A_274] {strides = array<i32>} : memref<128x128xf32, #tpu.memory_space<vmem>>, vector<16xf32>,
            %mul3A_276 = arith.mulf %get3A_275, %get3A_58 : vector<16xf32>
            %get3A_277 = arith.constant 0 : i32
            %get3A_278 = arith.index_cast %squeeze3A : i32 to index
            %get3A_279 = arith.index_cast %get3A_277 : i32 to index
            %get3A_280 = arith.constant 96 : index
            %get3A_281 = tpu.vector_load %arg14[%get3A_278, %get3A_279, %get3A_280] {strides = array<i32>} : memref<313x1x128xf32, #tpu.memory_space<vmem>>, vector<16xf32>,
            %max3A_282 = arith.maximumf %get3A_281, %mul3A_276 : vector<16xf32>
            %swap3A_283 = arith.constant 0 : i32
            %swap3A_284 = arith.index_cast %squeeze3A : i32 to index
            %swap3A_285 = arith.index_cast %swap3A_283 : i32 to index
            %swap3A_286 = arith.constant 96 : index
            %swap3A_287 = tpu.vector_load %arg14[%swap3A_284, %swap3A_285, %swap3A_286] {strides = array<i32>} : memref<313x1x128xf32, #tpu.memory_space<vmem>>, vector<16xf32>,
            tpu.vector_store %arg14[%swap3A_284, %swap3A_285, %swap3A_286], %max3A_282 {strides = array<i32>} : memref<313x1x128xf32, #tpu.memory_space<vmem>>, vector<16xf32>,
            %swap3A_288 = arith.constant 0 : i32
            %swap3A_289 = arith.index_cast %squeeze3A : i32 to index
            %swap3A_290 = arith.index_cast %swap3A_288 : i32 to index
            %swap3A_291 = arith.constant 96 : index
            %swap3A_292 = tpu.vector_load %arg15[%swap3A_289, %swap3A_290, %swap3A_291] {strides = array<i32>} : memref<313x1x128xf32, #tpu.memory_space<vmem>>, vector<16xf32>,
            tpu.vector_store %arg15[%swap3A_289, %swap3A_290, %swap3A_291], %get3A_275 {add = true, strides = array<i32>} : memref<313x1x128xf32, #tpu.memory_space<vmem>>, vector<16xf32>,
            %get3A_293 = arith.index_cast %while3A_148 : i32 to index
            %get3A_294 = arith.constant 112 : index
            %get3A_295 = tpu.vector_load %arg16[%get3A_293, %get3A_294] {strides = array<i32>} : memref<128x128xf32, #tpu.memory_space<vmem>>, vector<16xf32>,
            %mul3A_296 = arith.mulf %get3A_295, %get3A_62 : vector<16xf32>
            %get3A_297 = arith.constant 0 : i32
            %get3A_298 = arith.index_cast %squeeze3A : i32 to index
            %get3A_299 = arith.index_cast %get3A_297 : i32 to index
            %get3A_300 = arith.constant 112 : index
            %get3A_301 = tpu.vector_load %arg14[%get3A_298, %get3A_299, %get3A_300] {strides = array<i32>} : memref<313x1x128xf32, #tpu.memory_space<vmem>>, vector<16xf32>,
            %max3A_302 = arith.maximumf %get3A_301, %mul3A_296 : vector<16xf32>
            %swap3A_303 = arith.constant 0 : i32
            %swap3A_304 = arith.index_cast %squeeze3A : i32 to index
            %swap3A_305 = arith.index_cast %swap3A_303 : i32 to index
            %swap3A_306 = arith.constant 112 : index
            %swap3A_307 = tpu.vector_load %arg14[%swap3A_304, %swap3A_305, %swap3A_306] {strides = array<i32>} : memref<313x1x128xf32, #tpu.memory_space<vmem>>, vector<16xf32>,
            tpu.vector_store %arg14[%swap3A_304, %swap3A_305, %swap3A_306], %max3A_302 {strides = array<i32>} : memref<313x1x128xf32, #tpu.memory_space<vmem>>, vector<16xf32>,
            %swap3A_308 = arith.constant 0 : i32
            %swap3A_309 = arith.index_cast %squeeze3A : i32 to index
            %swap3A_310 = arith.index_cast %swap3A_308 : i32 to index
            %swap3A_311 = arith.constant 112 : index
            %swap3A_312 = tpu.vector_load %arg15[%swap3A_309, %swap3A_310, %swap3A_311] {strides = array<i32>} : memref<313x1x128xf32, #tpu.memory_space<vmem>>, vector<16xf32>,
            tpu.vector_store %arg15[%swap3A_309, %swap3A_310, %swap3A_311], %get3A_295 {add = true, strides = array<i32>} : memref<313x1x128xf32, #tpu.memory_space<vmem>>, vector<16xf32>,
            %while3A_313 = arith.constant 0 : i32
            scf.yield %while3A_313 : i32
          }
          %while3A_145 = arith.constant 1 : i32
          %while3A_146 = scf.for %while3A_148 = %while3A_142 to %while3A_138 step %while3A_145 iter_args(%while3A_149 = %while3A_144) -> (i32)  : i32 {
            %mul3A_150 = arith.constant 128 : i32
            %mul3A_151 = arith.muli %while3A_121, %mul3A_150 : i32
            %add3A_152 = arith.addi %mul3A_151, %while3A_148 : i32
            %get3A_153 = arith.index_cast %add3A_152 : i32 to index
            %get3A_154 = tpu.vector_load %arg12[%get3A_153] {strides = array<i32>} : memref<6128xi32, #tpu.memory_space<vmem>>, vector<16xi32>,
            %slice3A = vector.extract_strided_slice %get3A_154 {offsets = [0], sizes = [1], strides = [1]} : vector<16xi32> to vector<1xi32>
            %squeeze3A = vector.extract %slice3A[0] : i32 from vector<1xi32>
            %get3A_155 = arith.index_cast %while3A_148 : i32 to index
            %get3A_156 = arith.constant 0 : index
            %get3A_157 = tpu.vector_load %arg16[%get3A_155, %get3A_156] {strides = array<i32>} : memref<128x128xf32, #tpu.memory_space<vmem>>, vector<16xf32>,
            %mul3A_158 = arith.mulf %get3A_157, %get3A_34 : vector<16xf32>
            %get3A_159 = arith.constant 0 : i32
            %get3A_160 = arith.index_cast %squeeze3A : i32 to index
            %get3A_161 = arith.index_cast %get3A_159 : i32 to index
            %get3A_162 = arith.constant 0 : index
            %get3A_163 = tpu.vector_load %arg14[%get3A_160, %get3A_161, %get3A_162] {strides = array<i32>} : memref<313x1x128xf32, #tpu.memory_space<vmem>>, vector<16xf32>,
            %max3A = arith.maximumf %get3A_163, %mul3A_158 : vector<16xf32>
            %swap3A = arith.constant 0 : i32
            %swap3A_164 = arith.index_cast %squeeze3A : i32 to index
            %swap3A_165 = arith.index_cast %swap3A : i32 to index
            %swap3A_166 = arith.constant 0 : index
            %swap3A_167 = tpu.vector_load %arg14[%swap3A_164, %swap3A_165, %swap3A_166] {strides = array<i32>} : memref<313x1x128xf32, #tpu.memory_space<vmem>>, vector<16xf32>,
            tpu.vector_store %arg14[%swap3A_164, %swap3A_165, %swap3A_166], %max3A {strides = array<i32>} : memref<313x1x128xf32, #tpu.memory_space<vmem>>, vector<16xf32>,
            %swap3A_168 = arith.constant 0 : i32
            %swap3A_169 = arith.index_cast %squeeze3A : i32 to index
            %swap3A_170 = arith.index_cast %swap3A_168 : i32 to index
            %swap3A_171 = arith.constant 0 : index
            %swap3A_172 = tpu.vector_load %arg15[%swap3A_169, %swap3A_170, %swap3A_171] {strides = array<i32>} : memref<313x1x128xf32, #tpu.memory_space<vmem>>, vector<16xf32>,
            tpu.vector_store %arg15[%swap3A_169, %swap3A_170, %swap3A_171], %get3A_157 {add = true, strides = array<i32>} : memref<313x1x128xf32, #tpu.memory_space<vmem>>, vector<16xf32>,
            %get3A_173 = arith.index_cast %while3A_148 : i32 to index
            %get3A_174 = arith.constant 16 : index
            %get3A_175 = tpu.vector_load %arg16[%get3A_173, %get3A_174] {strides = array<i32>} : memref<128x128xf32, #tpu.memory_space<vmem>>, vector<16xf32>,
            %mul3A_176 = arith.mulf %get3A_175, %get3A_38 : vector<16xf32>
            %get3A_177 = arith.constant 0 : i32
            %get3A_178 = arith.index_cast %squeeze3A : i32 to index
            %get3A_179 = arith.index_cast %get3A_177 : i32 to index
            %get3A_180 = arith.constant 16 : index
            %get3A_181 = tpu.vector_load %arg14[%get3A_178, %get3A_179, %get3A_180] {strides = array<i32>} : memref<313x1x128xf32, #tpu.memory_space<vmem>>, vector<16xf32>,
            %max3A_182 = arith.maximumf %get3A_181, %mul3A_176 : vector<16xf32>
            %swap3A_183 = arith.constant 0 : i32
            %swap3A_184 = arith.index_cast %squeeze3A : i32 to index
            %swap3A_185 = arith.index_cast %swap3A_183 : i32 to index
            %swap3A_186 = arith.constant 16 : index
            %swap3A_187 = tpu.vector_load %arg14[%swap3A_184, %swap3A_185, %swap3A_186] {strides = array<i32>} : memref<313x1x128xf32, #tpu.memory_space<vmem>>, vector<16xf32>,
            tpu.vector_store %arg14[%swap3A_184, %swap3A_185, %swap3A_186], %max3A_182 {strides = array<i32>} : memref<313x1x128xf32, #tpu.memory_space<vmem>>, vector<16xf32>,
            %swap3A_188 = arith.constant 0 : i32
            %swap3A_189 = arith.index_cast %squeeze3A : i32 to index
            %swap3A_190 = arith.index_cast %swap3A_188 : i32 to index
            %swap3A_191 = arith.constant 16 : index
            %swap3A_192 = tpu.vector_load %arg15[%swap3A_189, %swap3A_190, %swap3A_191] {strides = array<i32>} : memref<313x1x128xf32, #tpu.memory_space<vmem>>, vector<16xf32>,
            tpu.vector_store %arg15[%swap3A_189, %swap3A_190, %swap3A_191], %get3A_175 {add = true, strides = array<i32>} : memref<313x1x128xf32, #tpu.memory_space<vmem>>, vector<16xf32>,
            %get3A_193 = arith.index_cast %while3A_148 : i32 to index
            %get3A_194 = arith.constant 32 : index
            %get3A_195 = tpu.vector_load %arg16[%get3A_193, %get3A_194] {strides = array<i32>} : memref<128x128xf32, #tpu.memory_space<vmem>>, vector<16xf32>,
            %mul3A_196 = arith.mulf %get3A_195, %get3A_42 : vector<16xf32>
            %get3A_197 = arith.constant 0 : i32
            %get3A_198 = arith.index_cast %squeeze3A : i32 to index
            %get3A_199 = arith.index_cast %get3A_197 : i32 to index
            %get3A_200 = arith.constant 32 : index
            %get3A_201 = tpu.vector_load %arg14[%get3A_198, %get3A_199, %get3A_200] {strides = array<i32>} : memref<313x1x128xf32, #tpu.memory_space<vmem>>, vector<16xf32>,
            %max3A_202 = arith.maximumf %get3A_201, %mul3A_196 : vector<16xf32>
            %swap3A_203 = arith.constant 0 : i32
            %swap3A_204 = arith.index_cast %squeeze3A : i32 to index
            %swap3A_205 = arith.index_cast %swap3A_203 : i32 to index
            %swap3A_206 = arith.constant 32 : index
            %swap3A_207 = tpu.vector_load %arg14[%swap3A_204, %swap3A_205, %swap3A_206] {strides = array<i32>} : memref<313x1x128xf32, #tpu.memory_space<vmem>>, vector<16xf32>,
            tpu.vector_store %arg14[%swap3A_204, %swap3A_205, %swap3A_206], %max3A_202 {strides = array<i32>} : memref<313x1x128xf32, #tpu.memory_space<vmem>>, vector<16xf32>,
            %swap3A_208 = arith.constant 0 : i32
            %swap3A_209 = arith.index_cast %squeeze3A : i32 to index
            %swap3A_210 = arith.index_cast %swap3A_208 : i32 to index
            %swap3A_211 = arith.constant 32 : index
            %swap3A_212 = tpu.vector_load %arg15[%swap3A_209, %swap3A_210, %swap3A_211] {strides = array<i32>} : memref<313x1x128xf32, #tpu.memory_space<vmem>>, vector<16xf32>,
            tpu.vector_store %arg15[%swap3A_209, %swap3A_210, %swap3A_211], %get3A_195 {add = true, strides = array<i32>} : memref<313x1x128xf32, #tpu.memory_space<vmem>>, vector<16xf32>,
            %get3A_213 = arith.index_cast %while3A_148 : i32 to index
            %get3A_214 = arith.constant 48 : index
            %get3A_215 = tpu.vector_load %arg16[%get3A_213, %get3A_214] {strides = array<i32>} : memref<128x128xf32, #tpu.memory_space<vmem>>, vector<16xf32>,
            %mul3A_216 = arith.mulf %get3A_215, %get3A_46 : vector<16xf32>
            %get3A_217 = arith.constant 0 : i32
            %get3A_218 = arith.index_cast %squeeze3A : i32 to index
            %get3A_219 = arith.index_cast %get3A_217 : i32 to index
            %get3A_220 = arith.constant 48 : index
            %get3A_221 = tpu.vector_load %arg14[%get3A_218, %get3A_219, %get3A_220] {strides = array<i32>} : memref<313x1x128xf32, #tpu.memory_space<vmem>>, vector<16xf32>,
            %max3A_222 = arith.maximumf %get3A_221, %mul3A_216 : vector<16xf32>
            %swap3A_223 = arith.constant 0 : i32
            %swap3A_224 = arith.index_cast %squeeze3A : i32 to index
            %swap3A_225 = arith.index_cast %swap3A_223 : i32 to index
            %swap3A_226 = arith.constant 48 : index
            %swap3A_227 = tpu.vector_load %arg14[%swap3A_224, %swap3A_225, %swap3A_226] {strides = array<i32>} : memref<313x1x128xf32, #tpu.memory_space<vmem>>, vector<16xf32>,
            tpu.vector_store %arg14[%swap3A_224, %swap3A_225, %swap3A_226], %max3A_222 {strides = array<i32>} : memref<313x1x128xf32, #tpu.memory_space<vmem>>, vector<16xf32>,
            %swap3A_228 = arith.constant 0 : i32
            %swap3A_229 = arith.index_cast %squeeze3A : i32 to index
            %swap3A_230 = arith.index_cast %swap3A_228 : i32 to index
            %swap3A_231 = arith.constant 48 : index
            %swap3A_232 = tpu.vector_load %arg15[%swap3A_229, %swap3A_230, %swap3A_231] {strides = array<i32>} : memref<313x1x128xf32, #tpu.memory_space<vmem>>, vector<16xf32>,
            tpu.vector_store %arg15[%swap3A_229, %swap3A_230, %swap3A_231], %get3A_215 {add = true, strides = array<i32>} : memref<313x1x128xf32, #tpu.memory_space<vmem>>, vector<16xf32>,
            %get3A_233 = arith.index_cast %while3A_148 : i32 to index
            %get3A_234 = arith.constant 64 : index
            %get3A_235 = tpu.vector_load %arg16[%get3A_233, %get3A_234] {strides = array<i32>} : memref<128x128xf32, #tpu.memory_space<vmem>>, vector<16xf32>,
            %mul3A_236 = arith.mulf %get3A_235, %get3A_50 : vector<16xf32>
            %get3A_237 = arith.constant 0 : i32
            %get3A_238 = arith.index_cast %squeeze3A : i32 to index
            %get3A_239 = arith.index_cast %get3A_237 : i32 to index
            %get3A_240 = arith.constant 64 : index
            %get3A_241 = tpu.vector_load %arg14[%get3A_238, %get3A_239, %get3A_240] {strides = array<i32>} : memref<313x1x128xf32, #tpu.memory_space<vmem>>, vector<16xf32>,
            %max3A_242 = arith.maximumf %get3A_241, %mul3A_236 : vector<16xf32>
            %swap3A_243 = arith.constant 0 : i32
            %swap3A_244 = arith.index_cast %squeeze3A : i32 to index
            %swap3A_245 = arith.index_cast %swap3A_243 : i32 to index
            %swap3A_246 = arith.constant 64 : index
            %swap3A_247 = tpu.vector_load %arg14[%swap3A_244, %swap3A_245, %swap3A_246] {strides = array<i32>} : memref<313x1x128xf32, #tpu.memory_space<vmem>>, vector<16xf32>,
            tpu.vector_store %arg14[%swap3A_244, %swap3A_245, %swap3A_246], %max3A_242 {strides = array<i32>} : memref<313x1x128xf32, #tpu.memory_space<vmem>>, vector<16xf32>,
            %swap3A_248 = arith.constant 0 : i32
            %swap3A_249 = arith.index_cast %squeeze3A : i32 to index
            %swap3A_250 = arith.index_cast %swap3A_248 : i32 to index
            %swap3A_251 = arith.constant 64 : index
            %swap3A_252 = tpu.vector_load %arg15[%swap3A_249, %swap3A_250, %swap3A_251] {strides = array<i32>} : memref<313x1x128xf32, #tpu.memory_space<vmem>>, vector<16xf32>,
            tpu.vector_store %arg15[%swap3A_249, %swap3A_250, %swap3A_251], %get3A_235 {add = true, strides = array<i32>} : memref<313x1x128xf32, #tpu.memory_space<vmem>>, vector<16xf32>,
            %get3A_253 = arith.index_cast %while3A_148 : i32 to index
            %get3A_254 = arith.constant 80 : index
            %get3A_255 = tpu.vector_load %arg16[%get3A_253, %get3A_254] {strides = array<i32>} : memref<128x128xf32, #tpu.memory_space<vmem>>, vector<16xf32>,
            %mul3A_256 = arith.mulf %get3A_255, %get3A_54 : vector<16xf32>
            %get3A_257 = arith.constant 0 : i32
            %get3A_258 = arith.index_cast %squeeze3A : i32 to index
            %get3A_259 = arith.index_cast %get3A_257 : i32 to index
            %get3A_260 = arith.constant 80 : index
            %get3A_261 = tpu.vector_load %arg14[%get3A_258, %get3A_259, %get3A_260] {strides = array<i32>} : memref<313x1x128xf32, #tpu.memory_space<vmem>>, vector<16xf32>,
            %max3A_262 = arith.maximumf %get3A_261, %mul3A_256 : vector<16xf32>
            %swap3A_263 = arith.constant 0 : i32
            %swap3A_264 = arith.index_cast %squeeze3A : i32 to index
            %swap3A_265 = arith.index_cast %swap3A_263 : i32 to index
            %swap3A_266 = arith.constant 80 : index
            %swap3A_267 = tpu.vector_load %arg14[%swap3A_264, %swap3A_265, %swap3A_266] {strides = array<i32>} : memref<313x1x128xf32, #tpu.memory_space<vmem>>, vector<16xf32>,
            tpu.vector_store %arg14[%swap3A_264, %swap3A_265, %swap3A_266], %max3A_262 {strides = array<i32>} : memref<313x1x128xf32, #tpu.memory_space<vmem>>, vector<16xf32>,
            %swap3A_268 = arith.constant 0 : i32
            %swap3A_269 = arith.index_cast %squeeze3A : i32 to index
            %swap3A_270 = arith.index_cast %swap3A_268 : i32 to index
            %swap3A_271 = arith.constant 80 : index
            %swap3A_272 = tpu.vector_load %arg15[%swap3A_269, %swap3A_270, %swap3A_271] {strides = array<i32>} : memref<313x1x128xf32, #tpu.memory_space<vmem>>, vector<16xf32>,
            tpu.vector_store %arg15[%swap3A_269, %swap3A_270, %swap3A_271], %get3A_255 {add = true, strides = array<i32>} : memref<313x1x128xf32, #tpu.memory_space<vmem>>, vector<16xf32>,
            %get3A_273 = arith.index_cast %while3A_148 : i32 to index
            %get3A_274 = arith.constant 96 : index
            %get3A_275 = tpu.vector_load %arg16[%get3A_273, %get3A_274] {strides = array<i32>} : memref<128x128xf32, #tpu.memory_space<vmem>>, vector<16xf32>,
            %mul3A_276 = arith.mulf %get3A_275, %get3A_58 : vector<16xf32>
            %get3A_277 = arith.constant 0 : i32
            %get3A_278 = arith.index_cast %squeeze3A : i32 to index
            %get3A_279 = arith.index_cast %get3A_277 : i32 to index
            %get3A_280 = arith.constant 96 : index
            %get3A_281 = tpu.vector_load %arg14[%get3A_278, %get3A_279, %get3A_280] {strides = array<i32>} : memref<313x1x128xf32, #tpu.memory_space<vmem>>, vector<16xf32>,
            %max3A_282 = arith.maximumf %get3A_281, %mul3A_276 : vector<16xf32>
            %swap3A_283 = arith.constant 0 : i32
            %swap3A_284 = arith.index_cast %squeeze3A : i32 to index
            %swap3A_285 = arith.index_cast %swap3A_283 : i32 to index
            %swap3A_286 = arith.constant 96 : index
            %swap3A_287 = tpu.vector_load %arg14[%swap3A_284, %swap3A_285, %swap3A_286] {strides = array<i32>} : memref<313x1x128xf32, #tpu.memory_space<vmem>>, vector<16xf32>,
            tpu.vector_store %arg14[%swap3A_284, %swap3A_285, %swap3A_286], %max3A_282 {strides = array<i32>} : memref<313x1x128xf32, #tpu.memory_space<vmem>>, vector<16xf32>,
            %swap3A_288 = arith.constant 0 : i32
            %swap3A_289 = arith.index_cast %squeeze3A : i32 to index
            %swap3A_290 = arith.index_cast %swap3A_288 : i32 to index
            %swap3A_291 = arith.constant 96 : index
            %swap3A_292 = tpu.vector_load %arg15[%swap3A_289, %swap3A_290, %swap3A_291] {strides = array<i32>} : memref<313x1x128xf32, #tpu.memory_space<vmem>>, vector<16xf32>,
            tpu.vector_store %arg15[%swap3A_289, %swap3A_290, %swap3A_291], %get3A_275 {add = true, strides = array<i32>} : memref<313x1x128xf32, #tpu.memory_space<vmem>>, vector<16xf32>,
            %get3A_293 = arith.index_cast %while3A_148 : i32 to index
            %get3A_294 = arith.constant 112 : index
            %get3A_295 = tpu.vector_load %arg16[%get3A_293, %get3A_294] {strides = array<i32>} : memref<128x128xf32, #tpu.memory_space<vmem>>, vector<16xf32>,
            %mul3A_296 = arith.mulf %get3A_295, %get3A_62 : vector<16xf32>
            %get3A_297 = arith.constant 0 : i32
            %get3A_298 = arith.index_cast %squeeze3A : i32 to index
            %get3A_299 = arith.index_cast %get3A_297 : i32 to index
            %get3A_300 = arith.constant 112 : index
            %get3A_301 = tpu.vector_load %arg14[%get3A_298, %get3A_299, %get3A_300] {strides = array<i32>} : memref<313x1x128xf32, #tpu.memory_space<vmem>>, vector<16xf32>,
            %max3A_302 = arith.maximumf %get3A_301, %mul3A_296 : vector<16xf32>
            %swap3A_303 = arith.constant 0 : i32
            %swap3A_304 = arith.index_cast %squeeze3A : i32 to index
            %swap3A_305 = arith.index_cast %swap3A_303 : i32 to index
            %swap3A_306 = arith.constant 112 : index
            %swap3A_307 = tpu.vector_load %arg14[%swap3A_304, %swap3A_305, %swap3A_306] {strides = array<i32>} : memref<313x1x128xf32, #tpu.memory_space<vmem>>, vector<16xf32>,
            tpu.vector_store %arg14[%swap3A_304, %swap3A_305, %swap3A_306], %max3A_302 {strides = array<i32>} : memref<313x1x128xf32, #tpu.memory_space<vmem>>, vector<16xf32>,
            %swap3A_308 = arith.constant 0 : i32
            %swap3A_309 = arith.index_cast %squeeze3A : i32 to index
            %swap3A_310 = arith.index_cast %swap3A_308 : i32 to index
            %swap3A_311 = arith.constant 112 : index
            %swap3A_312 = tpu.vector_load %arg15[%swap3A_309, %swap3A_310, %swap3A_311] {strides = array<i32>} : memref<313x1x128xf32, #tpu.memory_space<vmem>>, vector<16xf32>,
            tpu.vector_store %arg15[%swap3A_309, %swap3A_310, %swap3A_311], %get3A_295 {add = true, strides = array<i32>} : memref<313x1x128xf32, #tpu.memory_space<vmem>>, vector<16xf32>,
            %while3A_313 = arith.constant 0 : i32
            scf.yield %while3A_313 : i32
          }
          %while3A_147 = arith.constant 0 : i32
          scf.yield %while3A_147 : i32
        }
        %while3A_119 = arith.constant 1 : i32
        %while3A_120 = scf.for %while3A_121 = %while3A_116 to %while3A_112 step %while3A_119 iter_args(%while3A_122 = %while3A_118) -> (i32)  : i32 {
          %mul3A_123 = arith.constant 128 : i32
          %mul3A_124 = arith.muli %while3A_121, %mul3A_123 : i32
          %dma_start3A = tpu.memref_slice %arg13[%mul3A_124] : memref<6128xi32, #tpu.memory_space<vmem>> -> memref<128xi32, #tpu.memory_space<vmem>>
          %dma_start3A_125 = arith.constant 0 : i32
          %dma_start3A_126 = arith.constant 0 : i32
          %dma_start3A_127 = tpu.memref_slice %arg2[%dma_start3A_125, %dma_start3A_126] : memref<400000x128xf32, #tpu.memory_space<hbm>> -> memref<400000x128xf32, #tpu.memory_space<hbm>>
          tpu.enqueue_indirect_dma source(%dma_start3A_127 : memref<400000x128xf32, #tpu.memory_space<hbm>>) target(%arg16 : memref<128x128xf32, #tpu.memory_space<vmem>>) offsets(%dma_start3A : memref<128xi32, #tpu.memory_space<vmem>>) semaphore(%arg18 : memref<!tpu.dma_semaphore, #tpu.memory_space<semaphore_mem>>)
          %dma_wait3A = tpu.memref_slice %arg13[%mul3A_124] : memref<6128xi32, #tpu.memory_space<vmem>> -> memref<128xi32, #tpu.memory_space<vmem>>
          %dma_wait3A_128 = arith.constant 0 : i32
          %dma_wait3A_129 = arith.constant 0 : i32
          %dma_wait3A_130 = tpu.memref_slice %arg2[%dma_wait3A_128, %dma_wait3A_129] : memref<400000x128xf32, #tpu.memory_space<hbm>> -> memref<400000x128xf32, #tpu.memory_space<hbm>>
          tpu.wait_indirect_dma semaphore(%arg18 : memref<!tpu.dma_semaphore, #tpu.memory_space<semaphore_mem>>) src(%dma_wait3A_130 : memref<400000x128xf32, #tpu.memory_space<hbm>>) dst(%arg16 : memref<128x128xf32, #tpu.memory_space<vmem>>)
          %mul3A_131 = arith.constant 128 : i32
          %mul3A_132 = arith.muli %while3A_121, %mul3A_131 : i32
          %sub3A_133 = arith.subi %reduce_max3A_76, %mul3A_132 : i32
          %min3A = arith.constant 128 : i32
          %min3A_134 = arith.minsi %min3A, %sub3A_133 : i32
          %while3A_135 = arith.constant 0 : i32
          %while3A_136 = arith.constant 0 : i32
          %while3A_137 = arith.subi %min3A_134, %while3A_135 : i32
          %while3A_138 = arith.addi %while3A_135, %while3A_137 : i32
          %while3A_139 = arith.constant 1 : i32
          %while3A_140 = arith.divsi %while3A_137, %while3A_139 : i32
          %while3A_141 = arith.muli %while3A_140, %while3A_139 : i32
          %while3A_142 = arith.addi %while3A_135, %while3A_141 : i32
          %while3A_143 = arith.constant 1 : i32
          %while3A_144 = scf.for %while3A_148 = %while3A_135 to %while3A_142 step %while3A_143 iter_args(%while3A_149 = %while3A_136) -> (i32)  : i32 {
            %mul3A_150 = arith.constant 128 : i32
            %mul3A_151 = arith.muli %while3A_121, %mul3A_150 : i32
            %add3A_152 = arith.addi %mul3A_151, %while3A_148 : i32
            %get3A_153 = arith.index_cast %add3A_152 : i32 to index
            %get3A_154 = tpu.vector_load %arg12[%get3A_153] {strides = array<i32>} : memref<6128xi32, #tpu.memory_space<vmem>>, vector<16xi32>,
            %slice3A = vector.extract_strided_slice %get3A_154 {offsets = [0], sizes = [1], strides = [1]} : vector<16xi32> to vector<1xi32>
            %squeeze3A = vector.extract %slice3A[0] : i32 from vector<1xi32>
            %get3A_155 = arith.index_cast %while3A_148 : i32 to index
            %get3A_156 = arith.constant 0 : index
            %get3A_157 = tpu.vector_load %arg16[%get3A_155, %get3A_156] {strides = array<i32>} : memref<128x128xf32, #tpu.memory_space<vmem>>, vector<16xf32>,
            %mul3A_158 = arith.mulf %get3A_157, %get3A_34 : vector<16xf32>
            %get3A_159 = arith.constant 0 : i32
            %get3A_160 = arith.index_cast %squeeze3A : i32 to index
            %get3A_161 = arith.index_cast %get3A_159 : i32 to index
            %get3A_162 = arith.constant 0 : index
            %get3A_163 = tpu.vector_load %arg14[%get3A_160, %get3A_161, %get3A_162] {strides = array<i32>} : memref<313x1x128xf32, #tpu.memory_space<vmem>>, vector<16xf32>,
            %max3A = arith.maximumf %get3A_163, %mul3A_158 : vector<16xf32>
            %swap3A = arith.constant 0 : i32
            %swap3A_164 = arith.index_cast %squeeze3A : i32 to index
            %swap3A_165 = arith.index_cast %swap3A : i32 to index
            %swap3A_166 = arith.constant 0 : index
            %swap3A_167 = tpu.vector_load %arg14[%swap3A_164, %swap3A_165, %swap3A_166] {strides = array<i32>} : memref<313x1x128xf32, #tpu.memory_space<vmem>>, vector<16xf32>,
            tpu.vector_store %arg14[%swap3A_164, %swap3A_165, %swap3A_166], %max3A {strides = array<i32>} : memref<313x1x128xf32, #tpu.memory_space<vmem>>, vector<16xf32>,
            %swap3A_168 = arith.constant 0 : i32
            %swap3A_169 = arith.index_cast %squeeze3A : i32 to index
            %swap3A_170 = arith.index_cast %swap3A_168 : i32 to index
            %swap3A_171 = arith.constant 0 : index
            %swap3A_172 = tpu.vector_load %arg15[%swap3A_169, %swap3A_170, %swap3A_171] {strides = array<i32>} : memref<313x1x128xf32, #tpu.memory_space<vmem>>, vector<16xf32>,
            tpu.vector_store %arg15[%swap3A_169, %swap3A_170, %swap3A_171], %get3A_157 {add = true, strides = array<i32>} : memref<313x1x128xf32, #tpu.memory_space<vmem>>, vector<16xf32>,
            %get3A_173 = arith.index_cast %while3A_148 : i32 to index
            %get3A_174 = arith.constant 16 : index
            %get3A_175 = tpu.vector_load %arg16[%get3A_173, %get3A_174] {strides = array<i32>} : memref<128x128xf32, #tpu.memory_space<vmem>>, vector<16xf32>,
            %mul3A_176 = arith.mulf %get3A_175, %get3A_38 : vector<16xf32>
            %get3A_177 = arith.constant 0 : i32
            %get3A_178 = arith.index_cast %squeeze3A : i32 to index
            %get3A_179 = arith.index_cast %get3A_177 : i32 to index
            %get3A_180 = arith.constant 16 : index
            %get3A_181 = tpu.vector_load %arg14[%get3A_178, %get3A_179, %get3A_180] {strides = array<i32>} : memref<313x1x128xf32, #tpu.memory_space<vmem>>, vector<16xf32>,
            %max3A_182 = arith.maximumf %get3A_181, %mul3A_176 : vector<16xf32>
            %swap3A_183 = arith.constant 0 : i32
            %swap3A_184 = arith.index_cast %squeeze3A : i32 to index
            %swap3A_185 = arith.index_cast %swap3A_183 : i32 to index
            %swap3A_186 = arith.constant 16 : index
            %swap3A_187 = tpu.vector_load %arg14[%swap3A_184, %swap3A_185, %swap3A_186] {strides = array<i32>} : memref<313x1x128xf32, #tpu.memory_space<vmem>>, vector<16xf32>,
            tpu.vector_store %arg14[%swap3A_184, %swap3A_185, %swap3A_186], %max3A_182 {strides = array<i32>} : memref<313x1x128xf32, #tpu.memory_space<vmem>>, vector<16xf32>,
            %swap3A_188 = arith.constant 0 : i32
            %swap3A_189 = arith.index_cast %squeeze3A : i32 to index
            %swap3A_190 = arith.index_cast %swap3A_188 : i32 to index
            %swap3A_191 = arith.constant 16 : index
            %swap3A_192 = tpu.vector_load %arg15[%swap3A_189, %swap3A_190, %swap3A_191] {strides = array<i32>} : memref<313x1x128xf32, #tpu.memory_space<vmem>>, vector<16xf32>,
            tpu.vector_store %arg15[%swap3A_189, %swap3A_190, %swap3A_191], %get3A_175 {add = true, strides = array<i32>} : memref<313x1x128xf32, #tpu.memory_space<vmem>>, vector<16xf32>,
            %get3A_193 = arith.index_cast %while3A_148 : i32 to index
            %get3A_194 = arith.constant 32 : index
            %get3A_195 = tpu.vector_load %arg16[%get3A_193, %get3A_194] {strides = array<i32>} : memref<128x128xf32, #tpu.memory_space<vmem>>, vector<16xf32>,
            %mul3A_196 = arith.mulf %get3A_195, %get3A_42 : vector<16xf32>
            %get3A_197 = arith.constant 0 : i32
            %get3A_198 = arith.index_cast %squeeze3A : i32 to index
            %get3A_199 = arith.index_cast %get3A_197 : i32 to index
            %get3A_200 = arith.constant 32 : index
            %get3A_201 = tpu.vector_load %arg14[%get3A_198, %get3A_199, %get3A_200] {strides = array<i32>} : memref<313x1x128xf32, #tpu.memory_space<vmem>>, vector<16xf32>,
            %max3A_202 = arith.maximumf %get3A_201, %mul3A_196 : vector<16xf32>
            %swap3A_203 = arith.constant 0 : i32
            %swap3A_204 = arith.index_cast %squeeze3A : i32 to index
            %swap3A_205 = arith.index_cast %swap3A_203 : i32 to index
            %swap3A_206 = arith.constant 32 : index
            %swap3A_207 = tpu.vector_load %arg14[%swap3A_204, %swap3A_205, %swap3A_206] {strides = array<i32>} : memref<313x1x128xf32, #tpu.memory_space<vmem>>, vector<16xf32>,
            tpu.vector_store %arg14[%swap3A_204, %swap3A_205, %swap3A_206], %max3A_202 {strides = array<i32>} : memref<313x1x128xf32, #tpu.memory_space<vmem>>, vector<16xf32>,
            %swap3A_208 = arith.constant 0 : i32
            %swap3A_209 = arith.index_cast %squeeze3A : i32 to index
            %swap3A_210 = arith.index_cast %swap3A_208 : i32 to index
            %swap3A_211 = arith.constant 32 : index
            %swap3A_212 = tpu.vector_load %arg15[%swap3A_209, %swap3A_210, %swap3A_211] {strides = array<i32>} : memref<313x1x128xf32, #tpu.memory_space<vmem>>, vector<16xf32>,
            tpu.vector_store %arg15[%swap3A_209, %swap3A_210, %swap3A_211], %get3A_195 {add = true, strides = array<i32>} : memref<313x1x128xf32, #tpu.memory_space<vmem>>, vector<16xf32>,
            %get3A_213 = arith.index_cast %while3A_148 : i32 to index
            %get3A_214 = arith.constant 48 : index
            %get3A_215 = tpu.vector_load %arg16[%get3A_213, %get3A_214] {strides = array<i32>} : memref<128x128xf32, #tpu.memory_space<vmem>>, vector<16xf32>,
            %mul3A_216 = arith.mulf %get3A_215, %get3A_46 : vector<16xf32>
            %get3A_217 = arith.constant 0 : i32
            %get3A_218 = arith.index_cast %squeeze3A : i32 to index
            %get3A_219 = arith.index_cast %get3A_217 : i32 to index
            %get3A_220 = arith.constant 48 : index
            %get3A_221 = tpu.vector_load %arg14[%get3A_218, %get3A_219, %get3A_220] {strides = array<i32>} : memref<313x1x128xf32, #tpu.memory_space<vmem>>, vector<16xf32>,
            %max3A_222 = arith.maximumf %get3A_221, %mul3A_216 : vector<16xf32>
            %swap3A_223 = arith.constant 0 : i32
            %swap3A_224 = arith.index_cast %squeeze3A : i32 to index
            %swap3A_225 = arith.index_cast %swap3A_223 : i32 to index
            %swap3A_226 = arith.constant 48 : index
            %swap3A_227 = tpu.vector_load %arg14[%swap3A_224, %swap3A_225, %swap3A_226] {strides = array<i32>} : memref<313x1x128xf32, #tpu.memory_space<vmem>>, vector<16xf32>,
            tpu.vector_store %arg14[%swap3A_224, %swap3A_225, %swap3A_226], %max3A_222 {strides = array<i32>} : memref<313x1x128xf32, #tpu.memory_space<vmem>>, vector<16xf32>,
            %swap3A_228 = arith.constant 0 : i32
            %swap3A_229 = arith.index_cast %squeeze3A : i32 to index
            %swap3A_230 = arith.index_cast %swap3A_228 : i32 to index
            %swap3A_231 = arith.constant 48 : index
            %swap3A_232 = tpu.vector_load %arg15[%swap3A_229, %swap3A_230, %swap3A_231] {strides = array<i32>} : memref<313x1x128xf32, #tpu.memory_space<vmem>>, vector<16xf32>,
            tpu.vector_store %arg15[%swap3A_229, %swap3A_230, %swap3A_231], %get3A_215 {add = true, strides = array<i32>} : memref<313x1x128xf32, #tpu.memory_space<vmem>>, vector<16xf32>,
            %get3A_233 = arith.index_cast %while3A_148 : i32 to index
            %get3A_234 = arith.constant 64 : index
            %get3A_235 = tpu.vector_load %arg16[%get3A_233, %get3A_234] {strides = array<i32>} : memref<128x128xf32, #tpu.memory_space<vmem>>, vector<16xf32>,
            %mul3A_236 = arith.mulf %get3A_235, %get3A_50 : vector<16xf32>
            %get3A_237 = arith.constant 0 : i32
            %get3A_238 = arith.index_cast %squeeze3A : i32 to index
            %get3A_239 = arith.index_cast %get3A_237 : i32 to index
            %get3A_240 = arith.constant 64 : index
            %get3A_241 = tpu.vector_load %arg14[%get3A_238, %get3A_239, %get3A_240] {strides = array<i32>} : memref<313x1x128xf32, #tpu.memory_space<vmem>>, vector<16xf32>,
            %max3A_242 = arith.maximumf %get3A_241, %mul3A_236 : vector<16xf32>
            %swap3A_243 = arith.constant 0 : i32
            %swap3A_244 = arith.index_cast %squeeze3A : i32 to index
            %swap3A_245 = arith.index_cast %swap3A_243 : i32 to index
            %swap3A_246 = arith.constant 64 : index
            %swap3A_247 = tpu.vector_load %arg14[%swap3A_244, %swap3A_245, %swap3A_246] {strides = array<i32>} : memref<313x1x128xf32, #tpu.memory_space<vmem>>, vector<16xf32>,
            tpu.vector_store %arg14[%swap3A_244, %swap3A_245, %swap3A_246], %max3A_242 {strides = array<i32>} : memref<313x1x128xf32, #tpu.memory_space<vmem>>, vector<16xf32>,
            %swap3A_248 = arith.constant 0 : i32
            %swap3A_249 = arith.index_cast %squeeze3A : i32 to index
            %swap3A_250 = arith.index_cast %swap3A_248 : i32 to index
            %swap3A_251 = arith.constant 64 : index
            %swap3A_252 = tpu.vector_load %arg15[%swap3A_249, %swap3A_250, %swap3A_251] {strides = array<i32>} : memref<313x1x128xf32, #tpu.memory_space<vmem>>, vector<16xf32>,
            tpu.vector_store %arg15[%swap3A_249, %swap3A_250, %swap3A_251], %get3A_235 {add = true, strides = array<i32>} : memref<313x1x128xf32, #tpu.memory_space<vmem>>, vector<16xf32>,
            %get3A_253 = arith.index_cast %while3A_148 : i32 to index
            %get3A_254 = arith.constant 80 : index
            %get3A_255 = tpu.vector_load %arg16[%get3A_253, %get3A_254] {strides = array<i32>} : memref<128x128xf32, #tpu.memory_space<vmem>>, vector<16xf32>,
            %mul3A_256 = arith.mulf %get3A_255, %get3A_54 : vector<16xf32>
            %get3A_257 = arith.constant 0 : i32
            %get3A_258 = arith.index_cast %squeeze3A : i32 to index
            %get3A_259 = arith.index_cast %get3A_257 : i32 to index
            %get3A_260 = arith.constant 80 : index
            %get3A_261 = tpu.vector_load %arg14[%get3A_258, %get3A_259, %get3A_260] {strides = array<i32>} : memref<313x1x128xf32, #tpu.memory_space<vmem>>, vector<16xf32>,
            %max3A_262 = arith.maximumf %get3A_261, %mul3A_256 : vector<16xf32>
            %swap3A_263 = arith.constant 0 : i32
            %swap3A_264 = arith.index_cast %squeeze3A : i32 to index
            %swap3A_265 = arith.index_cast %swap3A_263 : i32 to index
            %swap3A_266 = arith.constant 80 : index
            %swap3A_267 = tpu.vector_load %arg14[%swap3A_264, %swap3A_265, %swap3A_266] {strides = array<i32>} : memref<313x1x128xf32, #tpu.memory_space<vmem>>, vector<16xf32>,
            tpu.vector_store %arg14[%swap3A_264, %swap3A_265, %swap3A_266], %max3A_262 {strides = array<i32>} : memref<313x1x128xf32, #tpu.memory_space<vmem>>, vector<16xf32>,
            %swap3A_268 = arith.constant 0 : i32
            %swap3A_269 = arith.index_cast %squeeze3A : i32 to index
            %swap3A_270 = arith.index_cast %swap3A_268 : i32 to index
            %swap3A_271 = arith.constant 80 : index
            %swap3A_272 = tpu.vector_load %arg15[%swap3A_269, %swap3A_270, %swap3A_271] {strides = array<i32>} : memref<313x1x128xf32, #tpu.memory_space<vmem>>, vector<16xf32>,
            tpu.vector_store %arg15[%swap3A_269, %swap3A_270, %swap3A_271], %get3A_255 {add = true, strides = array<i32>} : memref<313x1x128xf32, #tpu.memory_space<vmem>>, vector<16xf32>,
            %get3A_273 = arith.index_cast %while3A_148 : i32 to index
            %get3A_274 = arith.constant 96 : index
            %get3A_275 = tpu.vector_load %arg16[%get3A_273, %get3A_274] {strides = array<i32>} : memref<128x128xf32, #tpu.memory_space<vmem>>, vector<16xf32>,
            %mul3A_276 = arith.mulf %get3A_275, %get3A_58 : vector<16xf32>
            %get3A_277 = arith.constant 0 : i32
            %get3A_278 = arith.index_cast %squeeze3A : i32 to index
            %get3A_279 = arith.index_cast %get3A_277 : i32 to index
            %get3A_280 = arith.constant 96 : index
            %get3A_281 = tpu.vector_load %arg14[%get3A_278, %get3A_279, %get3A_280] {strides = array<i32>} : memref<313x1x128xf32, #tpu.memory_space<vmem>>, vector<16xf32>,
            %max3A_282 = arith.maximumf %get3A_281, %mul3A_276 : vector<16xf32>
            %swap3A_283 = arith.constant 0 : i32
            %swap3A_284 = arith.index_cast %squeeze3A : i32 to index
            %swap3A_285 = arith.index_cast %swap3A_283 : i32 to index
            %swap3A_286 = arith.constant 96 : index
            %swap3A_287 = tpu.vector_load %arg14[%swap3A_284, %swap3A_285, %swap3A_286] {strides = array<i32>} : memref<313x1x128xf32, #tpu.memory_space<vmem>>, vector<16xf32>,
            tpu.vector_store %arg14[%swap3A_284, %swap3A_285, %swap3A_286], %max3A_282 {strides = array<i32>} : memref<313x1x128xf32, #tpu.memory_space<vmem>>, vector<16xf32>,
            %swap3A_288 = arith.constant 0 : i32
            %swap3A_289 = arith.index_cast %squeeze3A : i32 to index
            %swap3A_290 = arith.index_cast %swap3A_288 : i32 to index
            %swap3A_291 = arith.constant 96 : index
            %swap3A_292 = tpu.vector_load %arg15[%swap3A_289, %swap3A_290, %swap3A_291] {strides = array<i32>} : memref<313x1x128xf32, #tpu.memory_space<vmem>>, vector<16xf32>,
            tpu.vector_store %arg15[%swap3A_289, %swap3A_290, %swap3A_291], %get3A_275 {add = true, strides = array<i32>} : memref<313x1x128xf32, #tpu.memory_space<vmem>>, vector<16xf32>,
            %get3A_293 = arith.index_cast %while3A_148 : i32 to index
            %get3A_294 = arith.constant 112 : index
            %get3A_295 = tpu.vector_load %arg16[%get3A_293, %get3A_294] {strides = array<i32>} : memref<128x128xf32, #tpu.memory_space<vmem>>, vector<16xf32>,
            %mul3A_296 = arith.mulf %get3A_295, %get3A_62 : vector<16xf32>
            %get3A_297 = arith.constant 0 : i32
            %get3A_298 = arith.index_cast %squeeze3A : i32 to index
            %get3A_299 = arith.index_cast %get3A_297 : i32 to index
            %get3A_300 = arith.constant 112 : index
            %get3A_301 = tpu.vector_load %arg14[%get3A_298, %get3A_299, %get3A_300] {strides = array<i32>} : memref<313x1x128xf32, #tpu.memory_space<vmem>>, vector<16xf32>,
            %max3A_302 = arith.maximumf %get3A_301, %mul3A_296 : vector<16xf32>
            %swap3A_303 = arith.constant 0 : i32
            %swap3A_304 = arith.index_cast %squeeze3A : i32 to index
            %swap3A_305 = arith.index_cast %swap3A_303 : i32 to index
            %swap3A_306 = arith.constant 112 : index
            %swap3A_307 = tpu.vector_load %arg14[%swap3A_304, %swap3A_305, %swap3A_306] {strides = array<i32>} : memref<313x1x128xf32, #tpu.memory_space<vmem>>, vector<16xf32>,
            tpu.vector_store %arg14[%swap3A_304, %swap3A_305, %swap3A_306], %max3A_302 {strides = array<i32>} : memref<313x1x128xf32, #tpu.memory_space<vmem>>, vector<16xf32>,
            %swap3A_308 = arith.constant 0 : i32
            %swap3A_309 = arith.index_cast %squeeze3A : i32 to index
            %swap3A_310 = arith.index_cast %swap3A_308 : i32 to index
            %swap3A_311 = arith.constant 112 : index
            %swap3A_312 = tpu.vector_load %arg15[%swap3A_309, %swap3A_310, %swap3A_311] {strides = array<i32>} : memref<313x1x128xf32, #tpu.memory_space<vmem>>, vector<16xf32>,
            tpu.vector_store %arg15[%swap3A_309, %swap3A_310, %swap3A_311], %get3A_295 {add = true, strides = array<i32>} : memref<313x1x128xf32, #tpu.memory_space<vmem>>, vector<16xf32>,
            %while3A_313 = arith.constant 0 : i32
            scf.yield %while3A_313 : i32
          }
          %while3A_145 = arith.constant 1 : i32
          %while3A_146 = scf.for %while3A_148 = %while3A_142 to %while3A_138 step %while3A_145 iter_args(%while3A_149 = %while3A_144) -> (i32)  : i32 {
            %mul3A_150 = arith.constant 128 : i32
            %mul3A_151 = arith.muli %while3A_121, %mul3A_150 : i32
            %add3A_152 = arith.addi %mul3A_151, %while3A_148 : i32
            %get3A_153 = arith.index_cast %add3A_152 : i32 to index
            %get3A_154 = tpu.vector_load %arg12[%get3A_153] {strides = array<i32>} : memref<6128xi32, #tpu.memory_space<vmem>>, vector<16xi32>,
            %slice3A = vector.extract_strided_slice %get3A_154 {offsets = [0], sizes = [1], strides = [1]} : vector<16xi32> to vector<1xi32>
            %squeeze3A = vector.extract %slice3A[0] : i32 from vector<1xi32>
            %get3A_155 = arith.index_cast %while3A_148 : i32 to index
            %get3A_156 = arith.constant 0 : index
            %get3A_157 = tpu.vector_load %arg16[%get3A_155, %get3A_156] {strides = array<i32>} : memref<128x128xf32, #tpu.memory_space<vmem>>, vector<16xf32>,
            %mul3A_158 = arith.mulf %get3A_157, %get3A_34 : vector<16xf32>
            %get3A_159 = arith.constant 0 : i32
            %get3A_160 = arith.index_cast %squeeze3A : i32 to index
            %get3A_161 = arith.index_cast %get3A_159 : i32 to index
            %get3A_162 = arith.constant 0 : index
            %get3A_163 = tpu.vector_load %arg14[%get3A_160, %get3A_161, %get3A_162] {strides = array<i32>} : memref<313x1x128xf32, #tpu.memory_space<vmem>>, vector<16xf32>,
            %max3A = arith.maximumf %get3A_163, %mul3A_158 : vector<16xf32>
            %swap3A = arith.constant 0 : i32
            %swap3A_164 = arith.index_cast %squeeze3A : i32 to index
            %swap3A_165 = arith.index_cast %swap3A : i32 to index
            %swap3A_166 = arith.constant 0 : index
            %swap3A_167 = tpu.vector_load %arg14[%swap3A_164, %swap3A_165, %swap3A_166] {strides = array<i32>} : memref<313x1x128xf32, #tpu.memory_space<vmem>>, vector<16xf32>,
            tpu.vector_store %arg14[%swap3A_164, %swap3A_165, %swap3A_166], %max3A {strides = array<i32>} : memref<313x1x128xf32, #tpu.memory_space<vmem>>, vector<16xf32>,
            %swap3A_168 = arith.constant 0 : i32
            %swap3A_169 = arith.index_cast %squeeze3A : i32 to index
            %swap3A_170 = arith.index_cast %swap3A_168 : i32 to index
            %swap3A_171 = arith.constant 0 : index
            %swap3A_172 = tpu.vector_load %arg15[%swap3A_169, %swap3A_170, %swap3A_171] {strides = array<i32>} : memref<313x1x128xf32, #tpu.memory_space<vmem>>, vector<16xf32>,
            tpu.vector_store %arg15[%swap3A_169, %swap3A_170, %swap3A_171], %get3A_157 {add = true, strides = array<i32>} : memref<313x1x128xf32, #tpu.memory_space<vmem>>, vector<16xf32>,
            %get3A_173 = arith.index_cast %while3A_148 : i32 to index
            %get3A_174 = arith.constant 16 : index
            %get3A_175 = tpu.vector_load %arg16[%get3A_173, %get3A_174] {strides = array<i32>} : memref<128x128xf32, #tpu.memory_space<vmem>>, vector<16xf32>,
            %mul3A_176 = arith.mulf %get3A_175, %get3A_38 : vector<16xf32>
            %get3A_177 = arith.constant 0 : i32
            %get3A_178 = arith.index_cast %squeeze3A : i32 to index
            %get3A_179 = arith.index_cast %get3A_177 : i32 to index
            %get3A_180 = arith.constant 16 : index
            %get3A_181 = tpu.vector_load %arg14[%get3A_178, %get3A_179, %get3A_180] {strides = array<i32>} : memref<313x1x128xf32, #tpu.memory_space<vmem>>, vector<16xf32>,
            %max3A_182 = arith.maximumf %get3A_181, %mul3A_176 : vector<16xf32>
            %swap3A_183 = arith.constant 0 : i32
            %swap3A_184 = arith.index_cast %squeeze3A : i32 to index
            %swap3A_185 = arith.index_cast %swap3A_183 : i32 to index
            %swap3A_186 = arith.constant 16 : index
            %swap3A_187 = tpu.vector_load %arg14[%swap3A_184, %swap3A_185, %swap3A_186] {strides = array<i32>} : memref<313x1x128xf32, #tpu.memory_space<vmem>>, vector<16xf32>,
            tpu.vector_store %arg14[%swap3A_184, %swap3A_185, %swap3A_186], %max3A_182 {strides = array<i32>} : memref<313x1x128xf32, #tpu.memory_space<vmem>>, vector<16xf32>,
            %swap3A_188 = arith.constant 0 : i32
            %swap3A_189 = arith.index_cast %squeeze3A : i32 to index
            %swap3A_190 = arith.index_cast %swap3A_188 : i32 to index
            %swap3A_191 = arith.constant 16 : index
            %swap3A_192 = tpu.vector_load %arg15[%swap3A_189, %swap3A_190, %swap3A_191] {strides = array<i32>} : memref<313x1x128xf32, #tpu.memory_space<vmem>>, vector<16xf32>,
            tpu.vector_store %arg15[%swap3A_189, %swap3A_190, %swap3A_191], %get3A_175 {add = true, strides = array<i32>} : memref<313x1x128xf32, #tpu.memory_space<vmem>>, vector<16xf32>,
            %get3A_193 = arith.index_cast %while3A_148 : i32 to index
            %get3A_194 = arith.constant 32 : index
            %get3A_195 = tpu.vector_load %arg16[%get3A_193, %get3A_194] {strides = array<i32>} : memref<128x128xf32, #tpu.memory_space<vmem>>, vector<16xf32>,
            %mul3A_196 = arith.mulf %get3A_195, %get3A_42 : vector<16xf32>
            %get3A_197 = arith.constant 0 : i32
            %get3A_198 = arith.index_cast %squeeze3A : i32 to index
            %get3A_199 = arith.index_cast %get3A_197 : i32 to index
            %get3A_200 = arith.constant 32 : index
            %get3A_201 = tpu.vector_load %arg14[%get3A_198, %get3A_199, %get3A_200] {strides = array<i32>} : memref<313x1x128xf32, #tpu.memory_space<vmem>>, vector<16xf32>,
            %max3A_202 = arith.maximumf %get3A_201, %mul3A_196 : vector<16xf32>
            %swap3A_203 = arith.constant 0 : i32
            %swap3A_204 = arith.index_cast %squeeze3A : i32 to index
            %swap3A_205 = arith.index_cast %swap3A_203 : i32 to index
            %swap3A_206 = arith.constant 32 : index
            %swap3A_207 = tpu.vector_load %arg14[%swap3A_204, %swap3A_205, %swap3A_206] {strides = array<i32>} : memref<313x1x128xf32, #tpu.memory_space<vmem>>, vector<16xf32>,
            tpu.vector_store %arg14[%swap3A_204, %swap3A_205, %swap3A_206], %max3A_202 {strides = array<i32>} : memref<313x1x128xf32, #tpu.memory_space<vmem>>, vector<16xf32>,
            %swap3A_208 = arith.constant 0 : i32
            %swap3A_209 = arith.index_cast %squeeze3A : i32 to index
            %swap3A_210 = arith.index_cast %swap3A_208 : i32 to index
            %swap3A_211 = arith.constant 32 : index
            %swap3A_212 = tpu.vector_load %arg15[%swap3A_209, %swap3A_210, %swap3A_211] {strides = array<i32>} : memref<313x1x128xf32, #tpu.memory_space<vmem>>, vector<16xf32>,
            tpu.vector_store %arg15[%swap3A_209, %swap3A_210, %swap3A_211], %get3A_195 {add = true, strides = array<i32>} : memref<313x1x128xf32, #tpu.memory_space<vmem>>, vector<16xf32>,
            %get3A_213 = arith.index_cast %while3A_148 : i32 to index
            %get3A_214 = arith.constant 48 : index
            %get3A_215 = tpu.vector_load %arg16[%get3A_213, %get3A_214] {strides = array<i32>} : memref<128x128xf32, #tpu.memory_space<vmem>>, vector<16xf32>,
            %mul3A_216 = arith.mulf %get3A_215, %get3A_46 : vector<16xf32>
            %get3A_217 = arith.constant 0 : i32
            %get3A_218 = arith.index_cast %squeeze3A : i32 to index
            %get3A_219 = arith.index_cast %get3A_217 : i32 to index
            %get3A_220 = arith.constant 48 : index
            %get3A_221 = tpu.vector_load %arg14[%get3A_218, %get3A_219, %get3A_220] {strides = array<i32>} : memref<313x1x128xf32, #tpu.memory_space<vmem>>, vector<16xf32>,
            %max3A_222 = arith.maximumf %get3A_221, %mul3A_216 : vector<16xf32>
            %swap3A_223 = arith.constant 0 : i32
            %swap3A_224 = arith.index_cast %squeeze3A : i32 to index
            %swap3A_225 = arith.index_cast %swap3A_223 : i32 to index
            %swap3A_226 = arith.constant 48 : index
            %swap3A_227 = tpu.vector_load %arg14[%swap3A_224, %swap3A_225, %swap3A_226] {strides = array<i32>} : memref<313x1x128xf32, #tpu.memory_space<vmem>>, vector<16xf32>,
            tpu.vector_store %arg14[%swap3A_224, %swap3A_225, %swap3A_226], %max3A_222 {strides = array<i32>} : memref<313x1x128xf32, #tpu.memory_space<vmem>>, vector<16xf32>,
            %swap3A_228 = arith.constant 0 : i32
            %swap3A_229 = arith.index_cast %squeeze3A : i32 to index
            %swap3A_230 = arith.index_cast %swap3A_228 : i32 to index
            %swap3A_231 = arith.constant 48 : index
            %swap3A_232 = tpu.vector_load %arg15[%swap3A_229, %swap3A_230, %swap3A_231] {strides = array<i32>} : memref<313x1x128xf32, #tpu.memory_space<vmem>>, vector<16xf32>,
            tpu.vector_store %arg15[%swap3A_229, %swap3A_230, %swap3A_231], %get3A_215 {add = true, strides = array<i32>} : memref<313x1x128xf32, #tpu.memory_space<vmem>>, vector<16xf32>,
            %get3A_233 = arith.index_cast %while3A_148 : i32 to index
            %get3A_234 = arith.constant 64 : index
            %get3A_235 = tpu.vector_load %arg16[%get3A_233, %get3A_234] {strides = array<i32>} : memref<128x128xf32, #tpu.memory_space<vmem>>, vector<16xf32>,
            %mul3A_236 = arith.mulf %get3A_235, %get3A_50 : vector<16xf32>
            %get3A_237 = arith.constant 0 : i32
            %get3A_238 = arith.index_cast %squeeze3A : i32 to index
            %get3A_239 = arith.index_cast %get3A_237 : i32 to index
            %get3A_240 = arith.constant 64 : index
            %get3A_241 = tpu.vector_load %arg14[%get3A_238, %get3A_239, %get3A_240] {strides = array<i32>} : memref<313x1x128xf32, #tpu.memory_space<vmem>>, vector<16xf32>,
            %max3A_242 = arith.maximumf %get3A_241, %mul3A_236 : vector<16xf32>
            %swap3A_243 = arith.constant 0 : i32
            %swap3A_244 = arith.index_cast %squeeze3A : i32 to index
            %swap3A_245 = arith.index_cast %swap3A_243 : i32 to index
            %swap3A_246 = arith.constant 64 : index
            %swap3A_247 = tpu.vector_load %arg14[%swap3A_244, %swap3A_245, %swap3A_246] {strides = array<i32>} : memref<313x1x128xf32, #tpu.memory_space<vmem>>, vector<16xf32>,
            tpu.vector_store %arg14[%swap3A_244, %swap3A_245, %swap3A_246], %max3A_242 {strides = array<i32>} : memref<313x1x128xf32, #tpu.memory_space<vmem>>, vector<16xf32>,
            %swap3A_248 = arith.constant 0 : i32
            %swap3A_249 = arith.index_cast %squeeze3A : i32 to index
            %swap3A_250 = arith.index_cast %swap3A_248 : i32 to index
            %swap3A_251 = arith.constant 64 : index
            %swap3A_252 = tpu.vector_load %arg15[%swap3A_249, %swap3A_250, %swap3A_251] {strides = array<i32>} : memref<313x1x128xf32, #tpu.memory_space<vmem>>, vector<16xf32>,
            tpu.vector_store %arg15[%swap3A_249, %swap3A_250, %swap3A_251], %get3A_235 {add = true, strides = array<i32>} : memref<313x1x128xf32, #tpu.memory_space<vmem>>, vector<16xf32>,
            %get3A_253 = arith.index_cast %while3A_148 : i32 to index
            %get3A_254 = arith.constant 80 : index
            %get3A_255 = tpu.vector_load %arg16[%get3A_253, %get3A_254] {strides = array<i32>} : memref<128x128xf32, #tpu.memory_space<vmem>>, vector<16xf32>,
            %mul3A_256 = arith.mulf %get3A_255, %get3A_54 : vector<16xf32>
            %get3A_257 = arith.constant 0 : i32
            %get3A_258 = arith.index_cast %squeeze3A : i32 to index
            %get3A_259 = arith.index_cast %get3A_257 : i32 to index
            %get3A_260 = arith.constant 80 : index
            %get3A_261 = tpu.vector_load %arg14[%get3A_258, %get3A_259, %get3A_260] {strides = array<i32>} : memref<313x1x128xf32, #tpu.memory_space<vmem>>, vector<16xf32>,
            %max3A_262 = arith.maximumf %get3A_261, %mul3A_256 : vector<16xf32>
            %swap3A_263 = arith.constant 0 : i32
            %swap3A_264 = arith.index_cast %squeeze3A : i32 to index
            %swap3A_265 = arith.index_cast %swap3A_263 : i32 to index
            %swap3A_266 = arith.constant 80 : index
            %swap3A_267 = tpu.vector_load %arg14[%swap3A_264, %swap3A_265, %swap3A_266] {strides = array<i32>} : memref<313x1x128xf32, #tpu.memory_space<vmem>>, vector<16xf32>,
            tpu.vector_store %arg14[%swap3A_264, %swap3A_265, %swap3A_266], %max3A_262 {strides = array<i32>} : memref<313x1x128xf32, #tpu.memory_space<vmem>>, vector<16xf32>,
            %swap3A_268 = arith.constant 0 : i32
            %swap3A_269 = arith.index_cast %squeeze3A : i32 to index
            %swap3A_270 = arith.index_cast %swap3A_268 : i32 to index
            %swap3A_271 = arith.constant 80 : index
            %swap3A_272 = tpu.vector_load %arg15[%swap3A_269, %swap3A_270, %swap3A_271] {strides = array<i32>} : memref<313x1x128xf32, #tpu.memory_space<vmem>>, vector<16xf32>,
            tpu.vector_store %arg15[%swap3A_269, %swap3A_270, %swap3A_271], %get3A_255 {add = true, strides = array<i32>} : memref<313x1x128xf32, #tpu.memory_space<vmem>>, vector<16xf32>,
            %get3A_273 = arith.index_cast %while3A_148 : i32 to index
            %get3A_274 = arith.constant 96 : index
            %get3A_275 = tpu.vector_load %arg16[%get3A_273, %get3A_274] {strides = array<i32>} : memref<128x128xf32, #tpu.memory_space<vmem>>, vector<16xf32>,
            %mul3A_276 = arith.mulf %get3A_275, %get3A_58 : vector<16xf32>
            %get3A_277 = arith.constant 0 : i32
            %get3A_278 = arith.index_cast %squeeze3A : i32 to index
            %get3A_279 = arith.index_cast %get3A_277 : i32 to index
            %get3A_280 = arith.constant 96 : index
            %get3A_281 = tpu.vector_load %arg14[%get3A_278, %get3A_279, %get3A_280] {strides = array<i32>} : memref<313x1x128xf32, #tpu.memory_space<vmem>>, vector<16xf32>,
            %max3A_282 = arith.maximumf %get3A_281, %mul3A_276 : vector<16xf32>
            %swap3A_283 = arith.constant 0 : i32
            %swap3A_284 = arith.index_cast %squeeze3A : i32 to index
            %swap3A_285 = arith.index_cast %swap3A_283 : i32 to index
            %swap3A_286 = arith.constant 96 : index
            %swap3A_287 = tpu.vector_load %arg14[%swap3A_284, %swap3A_285, %swap3A_286] {strides = array<i32>} : memref<313x1x128xf32, #tpu.memory_space<vmem>>, vector<16xf32>,
            tpu.vector_store %arg14[%swap3A_284, %swap3A_285, %swap3A_286], %max3A_282 {strides = array<i32>} : memref<313x1x128xf32, #tpu.memory_space<vmem>>, vector<16xf32>,
            %swap3A_288 = arith.constant 0 : i32
            %swap3A_289 = arith.index_cast %squeeze3A : i32 to index
            %swap3A_290 = arith.index_cast %swap3A_288 : i32 to index
            %swap3A_291 = arith.constant 96 : index
            %swap3A_292 = tpu.vector_load %arg15[%swap3A_289, %swap3A_290, %swap3A_291] {strides = array<i32>} : memref<313x1x128xf32, #tpu.memory_space<vmem>>, vector<16xf32>,
            tpu.vector_store %arg15[%swap3A_289, %swap3A_290, %swap3A_291], %get3A_275 {add = true, strides = array<i32>} : memref<313x1x128xf32, #tpu.memory_space<vmem>>, vector<16xf32>,
            %get3A_293 = arith.index_cast %while3A_148 : i32 to index
            %get3A_294 = arith.constant 112 : index
            %get3A_295 = tpu.vector_load %arg16[%get3A_293, %get3A_294] {strides = array<i32>} : memref<128x128xf32, #tpu.memory_space<vmem>>, vector<16xf32>,
            %mul3A_296 = arith.mulf %get3A_295, %get3A_62 : vector<16xf32>
            %get3A_297 = arith.constant 0 : i32
            %get3A_298 = arith.index_cast %squeeze3A : i32 to index
            %get3A_299 = arith.index_cast %get3A_297 : i32 to index
            %get3A_300 = arith.constant 112 : index
            %get3A_301 = tpu.vector_load %arg14[%get3A_298, %get3A_299, %get3A_300] {strides = array<i32>} : memref<313x1x128xf32, #tpu.memory_space<vmem>>, vector<16xf32>,
            %max3A_302 = arith.maximumf %get3A_301, %mul3A_296 : vector<16xf32>
            %swap3A_303 = arith.constant 0 : i32
            %swap3A_304 = arith.index_cast %squeeze3A : i32 to index
            %swap3A_305 = arith.index_cast %swap3A_303 : i32 to index
            %swap3A_306 = arith.constant 112 : index
            %swap3A_307 = tpu.vector_load %arg14[%swap3A_304, %swap3A_305, %swap3A_306] {strides = array<i32>} : memref<313x1x128xf32, #tpu.memory_space<vmem>>, vector<16xf32>,
            tpu.vector_store %arg14[%swap3A_304, %swap3A_305, %swap3A_306], %max3A_302 {strides = array<i32>} : memref<313x1x128xf32, #tpu.memory_space<vmem>>, vector<16xf32>,
            %swap3A_308 = arith.constant 0 : i32
            %swap3A_309 = arith.index_cast %squeeze3A : i32 to index
            %swap3A_310 = arith.index_cast %swap3A_308 : i32 to index
            %swap3A_311 = arith.constant 112 : index
            %swap3A_312 = tpu.vector_load %arg15[%swap3A_309, %swap3A_310, %swap3A_311] {strides = array<i32>} : memref<313x1x128xf32, #tpu.memory_space<vmem>>, vector<16xf32>,
            tpu.vector_store %arg15[%swap3A_309, %swap3A_310, %swap3A_311], %get3A_295 {add = true, strides = array<i32>} : memref<313x1x128xf32, #tpu.memory_space<vmem>>, vector<16xf32>,
            %while3A_313 = arith.constant 0 : i32
            scf.yield %while3A_313 : i32
          }
          %while3A_147 = arith.constant 0 : i32
          scf.yield %while3A_147 : i32
        }
      } else {
      }
      %eq3A = arith.constant 0 : i32
      %eq3A_79 = arith.cmpi eq, %shift_right_arithmetic3A_18, %eq3A : i32
      %convert_element_type3A_80 = arith.extui %eq3A_79 : i1 to i32
      %cond3A_81 = arith.constant 0 : i32
      %cond3A_82 = arith.cmpi ne, %convert_element_type3A_80, %cond3A_81 : i32
      scf.if %cond3A_82 {
        "tpu.region"() ({
          %run_scoped3A = tpu.sem_alloc : memref<!tpu.dma_semaphore, #tpu.memory_space<semaphore_mem>>
          %dma_start3A = arith.constant 0 : i32
          %dma_start3A_89 = arith.constant 0 : i32
          %dma_start3A_90 = arith.constant 0 : i32
          %dma_start3A_91 = tpu.memref_slice %arg14[%dma_start3A, %dma_start3A_89, %dma_start3A_90] : memref<313x1x128xf32, #tpu.memory_space<vmem>> -> memref<313x1x128xf32, #tpu.memory_space<vmem>>
          %dma_start3A_92 = arith.constant 0 : i32
          %dma_start3A_93 = tpu.memref_slice %arg6[%mul3A_2, %and3A_19, %dma_start3A_92] : memref<10016x8x128xf32, #tpu.memory_space<hbm>> -> memref<313x1x128xf32, #tpu.memory_space<hbm>>
          %dma_start3A_94 = arith.constant 0 : i32
          %dma_start3A_95 = tpu.memref_slice %arg6[%mul3A_2, %and3A_19, %dma_start3A_94] : memref<10016x8x128xf32, #tpu.memory_space<hbm>> -> memref<313x1x128xf32, #tpu.memory_space<hbm>>
          %dma_start3A_96 = arith.constant 0 : i32
          %dma_start3A_97 = arith.constant 0 : i32
          %dma_start3A_98 = arith.constant 0 : i32
          %dma_start3A_99 = tpu.memref_slice %arg14[%dma_start3A_96, %dma_start3A_97, %dma_start3A_98] : memref<313x1x128xf32, #tpu.memory_space<vmem>> -> memref<313x1x128xf32, #tpu.memory_space<vmem>>
          tpu.enqueue_dma source(%dma_start3A_99 : memref<313x1x128xf32, #tpu.memory_space<vmem>>) target(%dma_start3A_95 : memref<313x1x128xf32, #tpu.memory_space<hbm>>) target_semaphore(%run_scoped3A : memref<!tpu.dma_semaphore, #tpu.memory_space<semaphore_mem>>)
          %dma_wait3A = arith.constant 0 : i32
          %dma_wait3A_100 = arith.constant 0 : i32
          %dma_wait3A_101 = arith.constant 0 : i32
          %dma_wait3A_102 = tpu.memref_slice %arg14[%dma_wait3A, %dma_wait3A_100, %dma_wait3A_101] : memref<313x1x128xf32, #tpu.memory_space<vmem>> -> memref<313x1x128xf32, #tpu.memory_space<vmem>>
          %dma_wait3A_103 = arith.constant 0 : i32
          %dma_wait3A_104 = tpu.memref_slice %arg6[%mul3A_2, %and3A_19, %dma_wait3A_103] : memref<10016x8x128xf32, #tpu.memory_space<hbm>> -> memref<313x1x128xf32, #tpu.memory_space<hbm>>
          %dma_wait3A_105 = arith.constant 0 : i32
          %dma_wait3A_106 = tpu.memref_slice %arg6[%mul3A_2, %and3A_19, %dma_wait3A_105] : memref<10016x8x128xf32, #tpu.memory_space<hbm>> -> memref<313x1x128xf32, #tpu.memory_space<hbm>>
          %dma_wait3A_107 = arith.constant 0 : i32
          %dma_wait3A_108 = arith.constant 0 : i32
          %dma_wait3A_109 = arith.constant 0 : i32
          %dma_wait3A_110 = tpu.memref_slice %arg14[%dma_wait3A_107, %dma_wait3A_108, %dma_wait3A_109] : memref<313x1x128xf32, #tpu.memory_space<vmem>> -> memref<313x1x128xf32, #tpu.memory_space<vmem>>
          tpu.wait_dma2 semaphore(%run_scoped3A : memref<!tpu.dma_semaphore, #tpu.memory_space<semaphore_mem>>) src(%dma_wait3A_110 : memref<313x1x128xf32, #tpu.memory_space<vmem>>) dst(%dma_wait3A_106 : memref<313x1x128xf32, #tpu.memory_space<hbm>>)
          tpu.yield
        }) : () -> ()
        "tpu.region"() ({
          %run_scoped3A = tpu.sem_alloc : memref<!tpu.dma_semaphore, #tpu.memory_space<semaphore_mem>>
          %dma_start3A = arith.constant 0 : i32
          %dma_start3A_89 = arith.constant 0 : i32
          %dma_start3A_90 = arith.constant 0 : i32
          %dma_start3A_91 = tpu.memref_slice %arg15[%dma_start3A, %dma_start3A_89, %dma_start3A_90] : memref<313x1x128xf32, #tpu.memory_space<vmem>> -> memref<313x1x128xf32, #tpu.memory_space<vmem>>
          %dma_start3A_92 = arith.constant 0 : i32
          %dma_start3A_93 = tpu.memref_slice %arg7[%mul3A_2, %and3A_19, %dma_start3A_92] : memref<10016x8x128xf32, #tpu.memory_space<hbm>> -> memref<313x1x128xf32, #tpu.memory_space<hbm>>
          %dma_start3A_94 = arith.constant 0 : i32
          %dma_start3A_95 = tpu.memref_slice %arg7[%mul3A_2, %and3A_19, %dma_start3A_94] : memref<10016x8x128xf32, #tpu.memory_space<hbm>> -> memref<313x1x128xf32, #tpu.memory_space<hbm>>
          %dma_start3A_96 = arith.constant 0 : i32
          %dma_start3A_97 = arith.constant 0 : i32
          %dma_start3A_98 = arith.constant 0 : i32
          %dma_start3A_99 = tpu.memref_slice %arg15[%dma_start3A_96, %dma_start3A_97, %dma_start3A_98] : memref<313x1x128xf32, #tpu.memory_space<vmem>> -> memref<313x1x128xf32, #tpu.memory_space<vmem>>
          tpu.enqueue_dma source(%dma_start3A_99 : memref<313x1x128xf32, #tpu.memory_space<vmem>>) target(%dma_start3A_95 : memref<313x1x128xf32, #tpu.memory_space<hbm>>) target_semaphore(%run_scoped3A : memref<!tpu.dma_semaphore, #tpu.memory_space<semaphore_mem>>)
          %dma_wait3A = arith.constant 0 : i32
          %dma_wait3A_100 = arith.constant 0 : i32
          %dma_wait3A_101 = arith.constant 0 : i32
          %dma_wait3A_102 = tpu.memref_slice %arg15[%dma_wait3A, %dma_wait3A_100, %dma_wait3A_101] : memref<313x1x128xf32, #tpu.memory_space<vmem>> -> memref<313x1x128xf32, #tpu.memory_space<vmem>>
          %dma_wait3A_103 = arith.constant 0 : i32
          %dma_wait3A_104 = tpu.memref_slice %arg7[%mul3A_2, %and3A_19, %dma_wait3A_103] : memref<10016x8x128xf32, #tpu.memory_space<hbm>> -> memref<313x1x128xf32, #tpu.memory_space<hbm>>
          %dma_wait3A_105 = arith.constant 0 : i32
          %dma_wait3A_106 = tpu.memref_slice %arg7[%mul3A_2, %and3A_19, %dma_wait3A_105] : memref<10016x8x128xf32, #tpu.memory_space<hbm>> -> memref<313x1x128xf32, #tpu.memory_space<hbm>>
          %dma_wait3A_107 = arith.constant 0 : i32
          %dma_wait3A_108 = arith.constant 0 : i32
          %dma_wait3A_109 = arith.constant 0 : i32
          %dma_wait3A_110 = tpu.memref_slice %arg15[%dma_wait3A_107, %dma_wait3A_108, %dma_wait3A_109] : memref<313x1x128xf32, #tpu.memory_space<vmem>> -> memref<313x1x128xf32, #tpu.memory_space<vmem>>
          tpu.wait_dma2 semaphore(%run_scoped3A : memref<!tpu.dma_semaphore, #tpu.memory_space<semaphore_mem>>) src(%dma_wait3A_110 : memref<313x1x128xf32, #tpu.memory_space<vmem>>) dst(%dma_wait3A_106 : memref<313x1x128xf32, #tpu.memory_space<hbm>>)
          tpu.yield
        }) : () -> ()
      } else {
      }
      %eq3A_83 = arith.constant 1 : i32
      %eq3A_84 = arith.cmpi eq, %shift_right_arithmetic3A_18, %eq3A_83 : i32
      %convert_element_type3A_85 = arith.extui %eq3A_84 : i1 to i32
      %cond3A_86 = arith.constant 0 : i32
      %cond3A_87 = arith.cmpi ne, %convert_element_type3A_85, %cond3A_86 : i32
      scf.if %cond3A_87 {
        "tpu.region"() ({
          %run_scoped3A = tpu.sem_alloc : memref<!tpu.dma_semaphore, #tpu.memory_space<semaphore_mem>>
          %dma_start3A = arith.constant 0 : i32
          %dma_start3A_89 = arith.constant 0 : i32
          %dma_start3A_90 = arith.constant 0 : i32
          %dma_start3A_91 = tpu.memref_slice %arg14[%dma_start3A, %dma_start3A_89, %dma_start3A_90] : memref<313x1x128xf32, #tpu.memory_space<vmem>> -> memref<313x1x128xf32, #tpu.memory_space<vmem>>
          %dma_start3A_92 = arith.constant 0 : i32
          %dma_start3A_93 = tpu.memref_slice %arg8[%mul3A_2, %and3A_19, %dma_start3A_92] : memref<10016x8x128xf32, #tpu.memory_space<hbm>> -> memref<313x1x128xf32, #tpu.memory_space<hbm>>
          %dma_start3A_94 = arith.constant 0 : i32
          %dma_start3A_95 = tpu.memref_slice %arg8[%mul3A_2, %and3A_19, %dma_start3A_94] : memref<10016x8x128xf32, #tpu.memory_space<hbm>> -> memref<313x1x128xf32, #tpu.memory_space<hbm>>
          %dma_start3A_96 = arith.constant 0 : i32
          %dma_start3A_97 = arith.constant 0 : i32
          %dma_start3A_98 = arith.constant 0 : i32
          %dma_start3A_99 = tpu.memref_slice %arg14[%dma_start3A_96, %dma_start3A_97, %dma_start3A_98] : memref<313x1x128xf32, #tpu.memory_space<vmem>> -> memref<313x1x128xf32, #tpu.memory_space<vmem>>
          tpu.enqueue_dma source(%dma_start3A_99 : memref<313x1x128xf32, #tpu.memory_space<vmem>>) target(%dma_start3A_95 : memref<313x1x128xf32, #tpu.memory_space<hbm>>) target_semaphore(%run_scoped3A : memref<!tpu.dma_semaphore, #tpu.memory_space<semaphore_mem>>)
          %dma_wait3A = arith.constant 0 : i32
          %dma_wait3A_100 = arith.constant 0 : i32
          %dma_wait3A_101 = arith.constant 0 : i32
          %dma_wait3A_102 = tpu.memref_slice %arg14[%dma_wait3A, %dma_wait3A_100, %dma_wait3A_101] : memref<313x1x128xf32, #tpu.memory_space<vmem>> -> memref<313x1x128xf32, #tpu.memory_space<vmem>>
          %dma_wait3A_103 = arith.constant 0 : i32
          %dma_wait3A_104 = tpu.memref_slice %arg8[%mul3A_2, %and3A_19, %dma_wait3A_103] : memref<10016x8x128xf32, #tpu.memory_space<hbm>> -> memref<313x1x128xf32, #tpu.memory_space<hbm>>
          %dma_wait3A_105 = arith.constant 0 : i32
          %dma_wait3A_106 = tpu.memref_slice %arg8[%mul3A_2, %and3A_19, %dma_wait3A_105] : memref<10016x8x128xf32, #tpu.memory_space<hbm>> -> memref<313x1x128xf32, #tpu.memory_space<hbm>>
          %dma_wait3A_107 = arith.constant 0 : i32
          %dma_wait3A_108 = arith.constant 0 : i32
          %dma_wait3A_109 = arith.constant 0 : i32
          %dma_wait3A_110 = tpu.memref_slice %arg14[%dma_wait3A_107, %dma_wait3A_108, %dma_wait3A_109] : memref<313x1x128xf32, #tpu.memory_space<vmem>> -> memref<313x1x128xf32, #tpu.memory_space<vmem>>
          tpu.wait_dma2 semaphore(%run_scoped3A : memref<!tpu.dma_semaphore, #tpu.memory_space<semaphore_mem>>) src(%dma_wait3A_110 : memref<313x1x128xf32, #tpu.memory_space<vmem>>) dst(%dma_wait3A_106 : memref<313x1x128xf32, #tpu.memory_space<hbm>>)
          tpu.yield
        }) : () -> ()
        "tpu.region"() ({
          %run_scoped3A = tpu.sem_alloc : memref<!tpu.dma_semaphore, #tpu.memory_space<semaphore_mem>>
          %dma_start3A = arith.constant 0 : i32
          %dma_start3A_89 = arith.constant 0 : i32
          %dma_start3A_90 = arith.constant 0 : i32
          %dma_start3A_91 = tpu.memref_slice %arg15[%dma_start3A, %dma_start3A_89, %dma_start3A_90] : memref<313x1x128xf32, #tpu.memory_space<vmem>> -> memref<313x1x128xf32, #tpu.memory_space<vmem>>
          %dma_start3A_92 = arith.constant 0 : i32
          %dma_start3A_93 = tpu.memref_slice %arg9[%mul3A_2, %and3A_19, %dma_start3A_92] : memref<10016x8x128xf32, #tpu.memory_space<hbm>> -> memref<313x1x128xf32, #tpu.memory_space<hbm>>
          %dma_start3A_94 = arith.constant 0 : i32
          %dma_start3A_95 = tpu.memref_slice %arg9[%mul3A_2, %and3A_19, %dma_start3A_94] : memref<10016x8x128xf32, #tpu.memory_space<hbm>> -> memref<313x1x128xf32, #tpu.memory_space<hbm>>
          %dma_start3A_96 = arith.constant 0 : i32
          %dma_start3A_97 = arith.constant 0 : i32
          %dma_start3A_98 = arith.constant 0 : i32
          %dma_start3A_99 = tpu.memref_slice %arg15[%dma_start3A_96, %dma_start3A_97, %dma_start3A_98] : memref<313x1x128xf32, #tpu.memory_space<vmem>> -> memref<313x1x128xf32, #tpu.memory_space<vmem>>
          tpu.enqueue_dma source(%dma_start3A_99 : memref<313x1x128xf32, #tpu.memory_space<vmem>>) target(%dma_start3A_95 : memref<313x1x128xf32, #tpu.memory_space<hbm>>) target_semaphore(%run_scoped3A : memref<!tpu.dma_semaphore, #tpu.memory_space<semaphore_mem>>)
          %dma_wait3A = arith.constant 0 : i32
          %dma_wait3A_100 = arith.constant 0 : i32
          %dma_wait3A_101 = arith.constant 0 : i32
          %dma_wait3A_102 = tpu.memref_slice %arg15[%dma_wait3A, %dma_wait3A_100, %dma_wait3A_101] : memref<313x1x128xf32, #tpu.memory_space<vmem>> -> memref<313x1x128xf32, #tpu.memory_space<vmem>>
          %dma_wait3A_103 = arith.constant 0 : i32
          %dma_wait3A_104 = tpu.memref_slice %arg9[%mul3A_2, %and3A_19, %dma_wait3A_103] : memref<10016x8x128xf32, #tpu.memory_space<hbm>> -> memref<313x1x128xf32, #tpu.memory_space<hbm>>
          %dma_wait3A_105 = arith.constant 0 : i32
          %dma_wait3A_106 = tpu.memref_slice %arg9[%mul3A_2, %and3A_19, %dma_wait3A_105] : memref<10016x8x128xf32, #tpu.memory_space<hbm>> -> memref<313x1x128xf32, #tpu.memory_space<hbm>>
          %dma_wait3A_107 = arith.constant 0 : i32
          %dma_wait3A_108 = arith.constant 0 : i32
          %dma_wait3A_109 = arith.constant 0 : i32
          %dma_wait3A_110 = tpu.memref_slice %arg15[%dma_wait3A_107, %dma_wait3A_108, %dma_wait3A_109] : memref<313x1x128xf32, #tpu.memory_space<vmem>> -> memref<313x1x128xf32, #tpu.memory_space<vmem>>
          tpu.wait_dma2 semaphore(%run_scoped3A : memref<!tpu.dma_semaphore, #tpu.memory_space<semaphore_mem>>) src(%dma_wait3A_110 : memref<313x1x128xf32, #tpu.memory_space<vmem>>) dst(%dma_wait3A_106 : memref<313x1x128xf32, #tpu.memory_space<hbm>>)
          tpu.yield
        }) : () -> ()
      } else {
      }
      %scan3A_88 = arith.constant 0 : i32
      scf.yield %scan3A_88 : i32
    }
    %scan3A_15 = arith.constant 16 : i32
    return
  }
}

module attributes {stable_mosaic.version = 14 : i64} {
  func.func @_mm_block(%arg0: i32, %arg1: i32, %arg2: memref<400x1024xf32, #tpu.memory_space<vmem>>, %arg3: memref<1024x512xf32, #tpu.memory_space<vmem>>, %arg4: memref<400x512xf32, #tpu.memory_space<vmem>>) attributes {dimension_semantics = [#tpu.dimension_semantics<arbitrary>, #tpu.dimension_semantics<arbitrary>], iteration_bounds = array<i64: 25, 10>, scalar_prefetch = 0 : i64, scratch_operands = 0 : i64, tpu.core_type = #tpu.core_type<tc>, window_params = [{transform_indices = @transform_0, window_bounds = array<i64: 400, 1024>}, {transform_indices = @transform_1, window_bounds = array<i64: 1024, 512>}, {transform_indices = @transform_2, window_bounds = array<i64: 400, 512>}]} {
    %get3A = arith.constant 0 : index
    %get3A_0 = arith.constant 0 : index
    %get3A_1 = vector.load %arg2[%get3A, %get3A_0] : memref<400x1024xf32, #tpu.memory_space<vmem>>, vector<400x1024xf32>
    %get3A_2 = arith.constant 0 : index
    %get3A_3 = arith.constant 0 : index
    %get3A_4 = vector.load %arg3[%get3A_2, %get3A_3] : memref<1024x512xf32, #tpu.memory_space<vmem>>, vector<1024x512xf32>
    %dot_general3A = arith.constant dense<0.000000e+00> : vector<400x512xf32>
    %dot_general3A_5 = tpu.matmul %get3A_1, %get3A_4, %dot_general3A {dimension_numbers = #tpu.dot_dimension_numbers<[1], [0], [0], [1], [0, 0, 1, 1], [], []>, transpose_lhs_hint = false} : vector<400x1024xf32>, vector<1024x512xf32>, vector<400x512xf32> -> vector<400x512xf32>
    %swap3A = arith.constant 0 : index
    %swap3A_6 = arith.constant 0 : index
    %swap3A_7 = vector.load %arg4[%swap3A, %swap3A_6] : memref<400x512xf32, #tpu.memory_space<vmem>>, vector<400x512xf32>
    tpu.vector_store %arg4[%swap3A, %swap3A_6], %dot_general3A_5 {strides = array<i32>} : memref<400x512xf32, #tpu.memory_space<vmem>>, vector<400x512xf32>,
    return
  }
  func.func @transform_0(%arg0: i32, %arg1: i32) -> (i32, i32) {
    %c0_i32 = arith.constant 0 : i32
    %c0_i32_0 = arith.constant 0 : i32
    return %arg0, %c0_i32 : i32, i32
  }
  func.func @transform_1(%arg0: i32, %arg1: i32) -> (i32, i32) {
    %c0_i32 = arith.constant 0 : i32
    %c0_i32_0 = arith.constant 0 : i32
    return %c0_i32, %arg1 : i32, i32
  }
  func.func @transform_2(%arg0: i32, %arg1: i32) -> (i32, i32) {
    %c0_i32 = arith.constant 0 : i32
    return %arg0, %arg1 : i32, i32
  }
}

</mosaic_0001>

<sc_bundles>
// kernel: kernel.4.cloned.1.call-start
scs
__scs_entry_jumppad:
0x0: {  	(pc) =	sbr.rel $0x88, $3  }
0x1: {  	(tag) =	ssettag $0x0;
	lr =	simm.s32 $0x1  }
0x2: {  	[smem:$0x3F90] =	sst lr;
	_ =	strace $0xD0000000  }
0x3: {  	_ = 	snop  }
0x4: {  	_ = 	snop  }
0x5: {  	_ = 	snop  }
0x6: {  	_ = 	snop  }
0x7: {  	_ = 	snop  }
__scs_overlays_trampoline_lowered:
0x8: {  	[smem:$0x3F9F] =	sst s0  }
0x9: {  	[smem:$0x3FA0] =	sst s1  }
0xa: {  	[smem:$0x3FA1] =	sst s2  }
0xb: {  	[smem:$0x3FA2] =	sst s3  }
0xc: {  	[smem:$0x3FA3] =	sst s4  }
0xd: {  	[smem:$0x3FA4] =	sst s5  }
0xe: {  	[smem:$0x3FA5] =	sst s6  }
0xf: {  	[smem:$0x3FA6] =	sst s7  }
0x10: {  	[smem:$0x3FA7] =	sst s8  }
0x11: {  	[smem:$0x3FA8] =	sst s9;
	s0 =	simm.s32 @!p0 $0x0  }
0x12: {  	s1 =	sld [smem:$0x3F8E];
	s0 =	simm.s32 @p0 $0x1  }
0x13: {  	[smem:$0x3FA9] =	sst s0;
	s0 =	simm.s32 @!p1 $0x0  }
0x14: {  	s2 =	sld [smem:$0x3F8D];
	s0 =	simm.s32 @p1 $0x1  }
0x15: {  	[smem:$0x3FAA] =	sst s0;
	s0 =	simm.s32 @!p2 $0x0  }
0x16: {  	s3 =	sld [smem:$0x3FDB];
	s0 =	simm.s32 @p2 $0x1  }
0x17: {  	s4 =	simm.s32 $0x1BF5;
	[smem:$0x3FAC] =	sst s0  }
0x18: {  	s0 =	sld [smem:$0x3F8F];
	_ =	swait.ge [sflag:s4], $0x0  }
0x19: {  	s7 =	sld [smem:$0x3F90]  }
0x1a: {  	s8 =	sadd.s32 $0xFFFFE003, lr  }
0x1b: {  	s9 =	sadd.s32 $0xFFFFFEF7, lr;
	s5 =	simm.s32 $0xFFFFFFFF;
	p2 =	slt.u32 s8, $0xFFFFF086  }
0x1c: {  	p1 =	slt.u32 s9, $0xF7A;
	s5 =	simm.s32 @!p2 $0x0  }
0x1d: {  	s5 =	simm.s32 @p1 $0x1;
	p0 =	seq.s32 s7, s2  }
0x1e: {  	s7 =	smul.u32 @!p0 $0xF7A, s2;
	p2 =	seq.s32 @!p0 s5, $0x0  }
0x1f: {  	s9 =	smul.u32 $0xF7A, s1;
	s8 =	simm.s32 @!p0 $0x1BF5;
	p2 =	por !p2, p0  }
0x20: {  	[sflag:s8] =	ssyncset.s32 @!p0 $0xFFFFF086;
	s6 =	sadd.s32 @!p0 s3, s7;
	s7 =	simm.s32 @!p0 $0x108  }
0x21: {  	s3 =	sadd.s32 s3, s9;
	s6 =	sadd.s32 @!p0 $0x88, s6;
	s7 =	simm.s32 @p2 $0x1082  }
0x22: {  	[simem:s7], [sflag:s8] =	dma.local @!p0 [hbm:s6], $0xF7A  }
0x23: {  	s9 =	sor.u32 $0xD0000000, s2;
	s6 =	simm.s32 $0x108;
	_ =	swait.ge @!p0 [sflag:s8], $0x0  }
0x24: {  	s3 =	sadd.s32 $0x88, s3;
	s6 =	simm.s32 @!p1 $0x1082;
	[sflag:s4] =	ssyncset.s32 $0xFFFFF086  }
0x25: {  	[simem:s6], [sflag:s4] =	dma.local [hbm:s3], $0xF7A  }
0x26: {  	[smem:$0x3F90] =	sst s1;
	(tag) =	ssettag s2;
	_ =	strace s9  }
0x27: {  	s1 =	sld [smem:$0x3FA0]  }
0x28: {  	s2 =	sld [smem:$0x3FA1]  }
0x29: {  	s4 =	sld [smem:$0x3FA3]  }
0x2a: {  	p0 =	seq.s32 s5, $0x0;
	s5 =	sld [smem:$0x3FA4]  }
0x2b: {  	s6 =	sld [smem:$0x3FA5]  }
0x2c: {  	s7 =	sld [smem:$0x3FA6]  }
0x2d: {  	s3 =	simm.s32 $0x108;
	s8 =	sld [smem:$0x3FA7]  }
0x2e: {  	s3 =	simm.s32 @!p0 $0x1082;
	s9 =	sld [smem:$0x3FA8]  }
0x2f: {  	lr =	sadd.s32 s0, s3;
	s0 =	sld [smem:$0x3F9F]  }
0x30: {  	s3 =	sld [smem:$0x3FA2]  }
0x31: {  	[smem:$0x3FAB] =	sst s10  }
0x32: {  	s10 =	sld [smem:$0x3FA9];
	_ =	sdelay $0x3  }
0x33: {  	p0 =	seq.s32 s10, $0x1;
	s10 =	sld [smem:$0x3FAB];
	_ =	sdelay $0x3  }
0x34: {  	[smem:$0x3FAB] =	sst s10  }
0x35: {  	s10 =	sld [smem:$0x3FAA];
	_ =	sdelay $0x3  }
0x36: {  	p1 =	seq.s32 s10, $0x1;
	s10 =	sld [smem:$0x3FAB];
	_ =	sdelay $0x3  }
0x37: {  	[smem:$0x3FAB] =	sst s10  }
0x38: {  	s10 =	sld [smem:$0x3FAC]  }
0x39: {  	_ = 	snop;
	(pc) =	sbr.ind lr, $3  }
0x3a: {  	_ = 	snop  }
0x3b: {  	_ = 	snop  }
0x3c: {  	p2 =	seq.s32 s10, $0x1;
	s10 =	sld [smem:$0x3FAB]  }
0x3d: {  	_ =	shalt  }
0x3e: {  	_ =	shalt  }
0x3f: {  	_ =	shalt  }
0x40: {  	_ =	shalt  }
0x41: {  	_ =	shalt  }
0x42: {  	_ =	shalt  }
0x43: {  	_ =	shalt  }
0x44: {  	_ =	shalt  }
0x45: {  	_ =	shalt  }
0x46: {  	_ =	shalt  }
0x47: {  	_ =	shalt  }
0x48: {  	_ =	shalt  }
0x49: {  	_ =	shalt  }
0x4a: {  	_ =	shalt  }
0x4b: {  	_ =	shalt  }
0x4c: {  	_ =	shalt  }
0x4d: {  	_ =	shalt  }
0x4e: {  	_ =	shalt  }
0x4f: {  	_ =	shalt  }
0x50: {  	_ =	shalt  }
0x51: {  	_ =	shalt  }
0x52: {  	_ =	shalt  }
0x53: {  	_ =	shalt  }
0x54: {  	_ =	shalt  }
0x55: {  	_ =	shalt  }
0x56: {  	_ =	shalt  }
0x57: {  	_ =	shalt  }
0x58: {  	_ =	shalt  }
0x59: {  	_ =	shalt  }
0x5a: {  	_ =	shalt  }
0x5b: {  	_ =	shalt  }
0x5c: {  	_ =	shalt  }
0x5d: {  	_ =	shalt  }
0x5e: {  	_ =	shalt  }
0x5f: {  	_ =	shalt  }
0x60: {  	_ =	shalt  }
0x61: {  	_ =	shalt  }
0x62: {  	_ =	shalt  }
0x63: {  	_ =	shalt  }
0x64: {  	_ =	shalt  }
0x65: {  	_ =	shalt  }
0x66: {  	_ =	shalt  }
0x67: {  	_ =	shalt  }
0x68: {  	_ =	shalt  }
0x69: {  	_ =	shalt  }
0x6a: {  	_ =	shalt  }
0x6b: {  	_ =	shalt  }
0x6c: {  	_ =	shalt  }
0x6d: {  	_ =	shalt  }
0x6e: {  	_ =	shalt  }
0x6f: {  	_ =	shalt  }
0x70: {  	_ =	shalt  }
0x71: {  	_ =	shalt  }
0x72: {  	_ =	shalt  }
0x73: {  	_ =	shalt  }
0x74: {  	_ =	shalt  }
0x75: {  	_ =	shalt  }
0x76: {  	_ =	shalt  }
0x77: {  	_ =	shalt  }
0x78: {  	_ =	shalt  }
0x79: {  	_ =	shalt  }
0x7a: {  	_ =	shalt  }
0x7b: {  	_ =	shalt  }
0x7c: {  	_ =	shalt  }
0x7d: {  	_ =	shalt  }
0x7e: {  	_ =	shalt  }
0x7f: {  	_ =	shalt  }
0x80: {  	_ =	shalt  }
0x81: {  	_ =	shalt  }
0x82: {  	_ =	shalt  }
0x83: {  	_ =	shalt  }
0x84: {  	_ =	shalt  }
0x85: {  	_ =	shalt  }
0x86: {  	_ =	shalt  }
0x87: {  	_ =	shalt  }
.Lfunc_end0:
.L_simem_size_0:
called_computation.2_lowered:
.L_overlay_start_0:
0x88: {  	s2 =	sld [smem:$0x3FD9]  }
0x89: {  	s3 =	sld [smem:$0x3FFE];
	_ =	sdelay $0x1  }
0x8a: {  	s1 =	srdreg.scid  }
0x8b: {  	s0 =	sand.u32 $0x1, s1  }
0x8c: {  	s17 =	sshll.u32 s0, $0xA;
	s2 =	sadd.s32 s3, s2  }
0x8d: {  	s2 =	sadd.s32 s2, s17  }
0x8e: {  	[smem:$0x3FB7] =	sst s2  }
0x8f: {  	_ = 	snop  }
0x90: {  	(tm) =	ssettm $0x1  }
0x91: {  	s18 =	sld [smem:$0x3FFB];
	_ =	sdelay $0x3  }
0x92: {  	_ =	strace s18  }
0x93: {  	s2 =	sld [smem:$0x3FFC];
	_ =	sdelay $0x3  }
0x94: {  	_ =	strace s2  }
0x95: {  	s2 =	sld [smem:$0x3FFD];
	_ =	sdelay $0x3  }
0x96: {  	_ =	strace s2  }
0x97: {  	_ =	strace $0x8FFFFFFF  }
0x98: {  	s19 =	sld [smem:$0x3FDB];
	_ =	sdelay $0x1  }
0x99: {  	s20 =	simm.s32 $_scs_section_size  }
0x9a: {  	s4 =	simm.s32 $_size__tile_overlayer_lowered;
	s5 =	simm.s32 $_tile_overlayer_lowered  }
0x9b: {  	s6 =	simm.s32 $0x1BFF;
	s21 =	sshll.u32 s5, $0x1;
	s3 =	sadd.s32 s20, s19  }
0x9c: {  	s22 =	simm.s32 $0x0;
	s4 =	sshll.u32 s4, $0x1;
	s5 =	sadd.s32 s21, s3  }
0x9d: {  	[timem:s22], [sflag:s6] =	dma.local [hbm:s5], s4  }
0x9e: {  	_ =	swait.ge [sflag:s6], s4  }
0x9f: {  	s4 =	ssub.s32 $0x0, s4;
	[sflag:s6] =	ssyncset.done $0x0  }
0xa0: {  	[sflag:s6] =	ssyncadd.s32 s4;
	_ =	sdelay $0x1  }
0xa1: {  	s23 =	simm.s32 $0x1B8B  }
0xa2: {  	_ =	swait.ge [sflag:s23], $0x1  }
0xa3: {  	[sflag:s23] =	ssyncset.done $0x0  }
0xa4: {  	[sflag:s23] =	ssyncadd.s32 $0xFFFFFFFF  }
0xa5: {  	s4 =	sld [smem:$0x0]  }
0xa6: {  	s5 =	sand.u32 $0xFFFFFFFE, s1  }
0xa7: {  	p0 =	sne.s32 s1, s5  }
0xa8: {  	s5 =	sshll.u32 @p0 s5, $0xE  }
0xa9: {  	s5 =	sadd.s32 @p0 $0x11B8D, s5;
	s6 =	sshll.u32 @p0 s4, $0x11  }
0xaa: {  	s5 =	sor.u32 @p0 s6, s5  }
0xab: {  	[sflag:s5] =	ssyncadd.remote.s32 @p0 $0x1;
	_ =	sdelay $0x1  }
0xac: {  	s5 =	simm.s32 @p0 $0x1B8D  }
0xad: {  	_ =	swait.eq @p0 [sflag:s5], $0x1  }
0xae: {  	[sflag:s5] =	ssyncadd.s32 @p0 $0xFFFFFFFF  }
0xaf: {  	s6 =	sshll.u32 @!p0 s1, $0xE  }
0xb0: {  	s6 =	sor.u32 @!p0 $0x4000, s6;
	s5 =	simm.s32 @!p0 $0x1B8D  }
0xb1: {  	s4 =	sshll.u32 @!p0 s4, $0x11;
	s6 =	sadd.s32 @!p0 $0x11B8D, s6;
	_ =	swait.eq @!p0 [sflag:s5], $0x1  }
0xb2: {  	s4 =	sor.u32 @!p0 s4, s6;
	[sflag:s5] =	ssyncadd.s32 @!p0 $0xFFFFFFFF  }
0xb3: {  	s25 =	simm.s32 $0x1B8E;
	s24 =	sld [smem:$0x3FFE];
	[sflag:s4] =	ssyncadd.remote.s32 @!p0 $0x1  }
0xb4: {  	s26 =	simm.s32 $execute0_lowered;
	[smem:$0x3FD2] =	sst s25  }
0xb5: {  	s5 =	sshll.u32 s26, $0x1;
	_ =	strace $0x80000052;
	[dreg:$0x1] =	wrdreg $0xFFFFFFFF  }
0xb6: {  	s28 =	simm.s32 $_size_execute0_lowered;
	s3 =	sadd.s32 s3, s5;
	[dreg:$0x0] =	wrdreg $0x0  }
0xb7: {  	s5 =	sshll.u32 s28, $0x1;
	[dreg:$0x2] =	wrdreg s3  }
0xb8: {  	[dreg:$0x3] =	wrdreg s5  }
0xb9: {  	[dreg:$0x4] =	wrdreg $0xC0  }
0xba: {  	_ =	task [dreg:s22], $0x5FFFF  }
0xbb: {  	[dreg:$0x1] =	wrdreg $0xFFFFFFFF  }
0xbc: {  	[dreg:$0x0] =	wrdreg $0x60  }
0xbd: {  	[dreg:$0x2] =	wrdreg s24  }
0xbe: {  	[dreg:$0x3] =	wrdreg $0xD  }
0xbf: {  	_ =	task.clear_ibuf [dreg:s22], $0x4FFFF;
	_ =	strace $0x90000052  }
0xc0: {  	s29 =	simm.s32 $0xD;
	_ =	strace $0x80000054  }
0xc1: {  	_ =	swait.ge [sflag:s29], $0x1  }
0xc2: {  	[sflag:s29] =	ssyncadd.s32 $0xFFFFFFFF  }
0xc3: {  	_ =	strace $0x90000054  }
0xc4: {  	_ =	sfence  }
0xc5: {  	s30 =	sld [smem:$0x0];
	_ =	sdelay $0x2  }
0xc6: {  	s31 =	sshll.u32 s1, $0xD;
	s1 =	sshrl.u32 s1, $0x2  }
0xc7: {  	s4 =	sand.u32 $0x4000, s31;
	s1 =	sadd.s32 s1, s30  }
0xc8: {  	s0 =	sor.u32 s4, s0;
	s1 =	sshll.u32 s1, $0x11  }
0xc9: {  	s0 =	sor.u32 s1, s0  }
0xca: {  	s0 =	sadd.s32 $0x8F2B, s0  }
0xcb: {  	[sflag:s0] =	ssyncadd.remote.s32 $0x1  }
0xcc: {  	_ =	sfence.sel $0xFFFF  }
0xcd: {  	[dreg:$0x0] =	wrdreg $0xFFFFFFFF;
	(pc) =	sbr.abs _section_cstart, $3  }
0xce: {  	[dreg:$0x1] =	wrdreg $0xFFFFFFFF  }
0xcf: {  	_ =	task.clear_ibuf [dreg:s22], $0x2FFFF;
	_ =	strace $0x9FFFFFFF  }
0xd0: {  	(tm) =	ssettm $0x7FFFFFFF  }
0xd1: {  	_ =	shalt  }
tec
execute0_lowered:
.L_overlay_start_1:
0x0: {  	(tag) =	ssettag $0x1  }
0x1: {  	s0 =	rddreg [dreg:$0x0];
	s1 =	simm.s32 $0x0  }
0x2: {  	s28 =	srdreg.scid;
	s2 =	stileid.u32;
	s15 =	simm.s32 $0x80  }
0x3: {  	s16 =	simm.s32 $0x18900;
	s17 =	simm.s32 $0x1;
	s18 =	simm.s32 $0x3  }
0x4: {  	s19 =	simm.s32 $0x1000;
	s20 =	simm.s32 $0x2000;
	s21 =	simm.s32 $0x3800  }
0x5: {  	s22 =	simm.s32 $0x400;
	s23 =	simm.s32 $0x5000;
	s24 =	simm.s32 $0xEC80  }
0x6: {  	[smem:$0x7FF] =	sst s1;
	s3 =	sadd.s32 $0x6E3400, s0;
	s4 =	sadd.s32 $0xA9C00, s0  }
0x7: {  	s1 =	sand.u32 $0x1, s28;
	s5 =	sadd.s32 $0xA4C00, s0;
	s6 =	sadd.s32 $0xBE800, s0  }
0x8: {  	s2 =	sshll.u32 s2, $0x1;
	s7 =	sadd.s32 $0xF6FC00, s0;
	s8 =	sadd.s32 $0xCFDC00, s0  }
.Ltmp0:
0x9: {  	s2 =	sor.u32 s1, s2;
	s1 =	ssub.s32 $0x2, s1;
	(pc) =	sbr.rel .LBB2_1-.Ltmp0, $4  }
0xa: {  	s9 =	sadd.s32 $0x10A8C00, s0;
	s29 =	smul.u32 $0x139, s2;
	s11 =	sshrl.u32 s1, $0x1  }
0xb: {  	s10 =	sadd.s32 $0xE36C00, s0;
	_ =	strace $0x80000053;
	s30 =	ssub.s32 s1, s11  }
0xc: {  	v2 =	vimm.s32 $0x0;
	v3 =	vimm.f32 $-3.000000010e+38;
	[dreg:$0x2] =	wrdreg s6;
	s31 =	sadd.s32 $0x139, s29;
	s0 =	smax.u32 s30, $0x1  }
0xd: {  	v4 =	vimm.f32 $0.0e+00;
	s11 =	smul.u32 $0x4E400, s2;
	s1 =	simm.s32 $0x0;
	v0 =	vmov s29;
	[dreg:$0x3] =	wrdreg s0;
	v1 =	vmov s31  }
.LBB2_25:
0xe: {  	s1 =	rddreg [dreg:$0x4]  }
0xf: {  	s0 =	rddreg [dreg:$0x3];
	s1 =	sadd.s32 $0x1, s1  }
0x10: {  	p0 =	sne.s32 s1, s0  }
.Ltmp1:
0x11: {  	_ = 	snop;
	(pc) =	sbr.rel @!p0 .LBB2_26-.Ltmp1, $1  }
0x12: {  	_ =	sdelay $0x3  }
.LBB2_1:
0x13: {  	[dreg:$0x4] =	wrdreg s1;
	s0 =	simm.s32 $0x0  }
0x14: {  	s30 =	rddreg [dreg:$0x2];
	s2 =	simm.s32 $0x1C900;
	s31 =	simm.s32 $0x2  }
0x15: {  	[tilespmem:s2], [sflag:$0x2] =	stream.linear.gather [hbm4b:s30+s0], $0x800, $0x38;
	[tilespmem:$0x1D100] =	vst v63  }
0x16: {  	_ =	swait.ge [sflag:s31], $0x800  }
0x17: {  	[sflag:s31] =	ssyncset.done $0x0  }
0x18: {  	s1 =	simm.s32 $0x0;
	s0 =	simm.s32 $0x40;
	[sflag:s31] =	ssyncadd.s32 $0xFFFFF800  }
.LBB2_2:
0x19: {  	p0 =	sne.s32 s0, $0x5F80;
	[tilespmem:s1+$0x3800] =	vst v2;
	s1 =	smov.u32 s0;
	s0 =	sadd.s32 $0x40, s0  }
.Ltmp2:
0x1a: {  	(pc) =	sbr.rel @p0 .LBB2_2-.Ltmp2, $2  }
0x1b: {  	_ =	sdelay $0x2  }
0x1c: {  	s1 =	sshra.s32 s1, $0x2  }
.Ltmp3:
0x1d: {  	(pc) =	sbr.rel .LBB2_4-.Ltmp3, $2  }
0x1e: {  	_ =	sdelay $0x2  }
0x1f: {  	[tilespmem:s1+$0x3800] =	vst v2;
	s26 =	simm.s32 $0x0  }
.LBB2_24:
0x20: {  	s0 =	sand.u32 $0x1, s29  }
0x21: {  	s1 =	smov.u32 s7;
	p0 =	seq.s32 s0, $0x1;
	s31 =	sor.u32 s11, s28  }
0x22: {  	s0 =	sshrl.u32 s31, $0x3;
	s1 =	smov.u32 @p0 s9  }
0x23: {  	s2 =	simm.s32 $0x2;
	s26 =	sadd.s32 $0x1, s26;
	s1 =	sadd.s32 s1, s0  }
0x24: {  	[hbm4b:s1+s15] =	stream.strided.scatter [tilespmem:s23], [sflag:$0x3], $0x9C80, s22, s15, $0x38;
	[tilespmem:$0x1D100] =	vst v63  }
0x25: {  	s2 =	simm.s32 @!p0 $0x3;
	s1 =	smov.u32 s8;
	_ =	swait.ge [sflag:s18], $0x9C80  }
0x26: {  	s1 =	smov.u32 @p0 s10;
	p0 =	sne.s32 s26, $0x10;
	[sflag:s18] =	ssyncset.done $0x0  }
.Ltmp4:
0x27: {  	s0 =	sadd.s32 s1, s0;
	[sflag:s18] =	ssyncadd.s32 $0xFFFF6380;
	(pc) =	sbr.rel @!p0 .LBB2_25-.Ltmp4, $4  }
0x28: {  	[hbm4b:s0+s15] =	stream.strided.scatter [tilespmem:s24], [sflag:s2], $0x9C80, s22, s15, $0x38;
	[tilespmem:$0x1D100] =	vst v63  }
0x29: {  	_ =	swait.ge [sflag:s2], $0x9C80  }
0x2a: {  	[sflag:s2] =	ssyncset.done $0x0  }
0x2b: {  	[sflag:s2] =	ssyncadd.s32 $0xFFFF6380  }
.LBB2_4:
0x2c: {  	s0 =	simm.s32 $0x0;
	s1 =	simm.s32 $0x200  }
.LBB2_5:
0x2d: {  	p0 =	sne.s32 s1, $0x27000;
	[tilespmem:s0+$0xECF0] =	vst v4  }
0x2e: {  	[tilespmem:s0+$0x5000] =	vst v3  }
0x2f: {  	[tilespmem:s0+$0xEC80] =	vst v4  }
0x30: {  	[tilespmem:s0+$0x5010] =	vst v3  }
0x31: {  	[tilespmem:s0+$0xEC90] =	vst v4  }
0x32: {  	[tilespmem:s0+$0x5020] =	vst v3  }
0x33: {  	[tilespmem:s0+$0xECA0] =	vst v4  }
0x34: {  	[tilespmem:s0+$0x5030] =	vst v3  }
0x35: {  	[tilespmem:s0+$0xECB0] =	vst v4  }
0x36: {  	[tilespmem:s0+$0x5040] =	vst v3  }
0x37: {  	[tilespmem:s0+$0xECC0] =	vst v4  }
.Ltmp5:
0x38: {  	[tilespmem:s0+$0x5050] =	vst v3;
	(pc) =	sbr.rel @p0 .LBB2_5-.Ltmp5, $4  }
0x39: {  	[tilespmem:s0+$0xECD0] =	vst v4  }
0x3a: {  	[tilespmem:s0+$0x5060] =	vst v3  }
0x3b: {  	[tilespmem:s0+$0xECE0] =	vst v4  }
0x3c: {  	[tilespmem:s0+$0x5070] =	vst v3;
	s0 =	sshra.s32 s1, $0x2;
	s1 =	sadd.s32 $0x200, s1  }
0x3d: {  	[tilespmem:s0+$0xECF0] =	vst v4  }
0x3e: {  	[tilespmem:s0+$0x5000] =	vst v3  }
0x3f: {  	[tilespmem:s0+$0xEC80] =	vst v4  }
0x40: {  	[tilespmem:s0+$0x5010] =	vst v3  }
0x41: {  	[tilespmem:s0+$0xEC90] =	vst v4  }
0x42: {  	[tilespmem:s0+$0x5020] =	vst v3  }
0x43: {  	[tilespmem:s0+$0xECA0] =	vst v4  }
0x44: {  	[tilespmem:s0+$0x5030] =	vst v3  }
0x45: {  	[tilespmem:s0+$0xECB0] =	vst v4  }
0x46: {  	[tilespmem:s0+$0x5040] =	vst v3  }
0x47: {  	[tilespmem:s0+$0xECC0] =	vst v4  }
0x48: {  	[tilespmem:s0+$0x5050] =	vst v3  }
0x49: {  	[tilespmem:s0+$0xECD0] =	vst v4  }
0x4a: {  	[tilespmem:s0+$0x5060] =	vst v3;
	s1 =	sand.u32 $0x7, s26;
	s2 =	sshll.u32 s26, $0x7  }
0x4b: {  	[tilespmem:s0+$0xECE0] =	vst v4;
	s28 =	sshll.u32 s1, $0x7;
	s2 =	sand.u32 $0x3FFFFC00, s2  }
0x4c: {  	[tilespmem:s0+$0x5070] =	vst v3;
	s25 =	sor.u32 s28, s2  }
0x4d: {  	s2 =	sadd.s32 $0x1C900, s25;
	v5 =	vld [tilespmem:s25+$0x1C900]  }
0x4e: {  	v6 =	vld [tilespmem:s2+$0x10]  }
0x4f: {  	v7 =	vld [tilespmem:s2+$0x20]  }
0x50: {  	s29 =	sshrl.u32 s26, $0x3;
	v8 =	vld [tilespmem:s2+$0x30]  }
0x51: {  	s31 =	sshll.u32 s29, $0x4;
	v9 =	vld [tilespmem:s2+$0x40]  }
0x52: {  	s0 =	sor.u32 s1, s31;
	v10 =	vld [tilespmem:s2+$0x50]  }
0x53: {  	s0 =	sadd.s32 $0x10, s0;
	v11 =	vld [tilespmem:s2+$0x60]  }
0x54: {  	s30 =	simm.s32 $0x0;
	v14 =	vimm.s32 $0x0;
	v12 =	vld [tilespmem:s2+$0x70];
	v13 =	vmov s0  }
.LBB2_7:
0x55: {  	v15 =	vxor.u32 $0x80000000, v14  }
0x56: {  	(xrf0) =	vmax.scan.msk.u32 $0xffff, v15;
	_ =	sdelay $0x5  }
0x57: {  	v15, _, _ =	vpop (xrf0)  }
0x58: {  	(v2sf) =	vpush v15, $0xF;
	_ =	sdelay $0xe  }
0x59: {  	s0 =	spop (v2sf)  }
0x5a: {  	s1 =	sxor.u32 $0x80000000, s0  }
0x5b: {  	p0 =	slt.s32 s1, $0x7D1  }
0x5c: {  	s0 =	sadd.s32 @!p0 $0x8000007F, s0  }
0x5d: {  	s2 =	sand.u32 @!p0 $0x7F, s0  }
0x5e: {  	p1 =	slt.s32 @!p0 s0, $0x1;
	p2 =	sne.s32 @!p0 s2, $0x0  }
0x5f: {  	s2 =	sshra.s32 @!p0 s0, $0x1F;
	p1 =	por @!p0 !p1, !p2  }
0x60: {  	s2 =	sshrl.u32 @!p0 s2, $0x19;
	p1 =	por @!p0 !p1, !p1  }
0x61: {  	s0 =	sadd.s32 @!p0 s2, s0;
	s2 =	simm.s32 @!p0 $0x1;
	p1 =	por !p1, p0  }
0x62: {  	s0 =	sshra.s32 @!p0 s0, $0x7;
	s2 =	simm.s32 @p1 $0x0  }
0x63: {  	s0 =	ssub.s32 @!p0 s0, s2  }
0x64: {  	p1 =	slt.s32 @!p0 s0, $0x1  }
0x65: {  	p1 =	por p0, p1  }
.Ltmp6:
0x66: {  	_ = 	snop;
	(pc) =	sbr.rel @p1 .LBB2_14-.Ltmp6, $1  }
0x67: {  	_ =	sdelay $0x3  }
.Ltmp7:
0x68: {  	(pc) =	sbr.rel .LBB2_9-.Ltmp7, $2  }
0x69: {  	_ =	sdelay $0x2  }
0x6a: {  	s2 =	simm.s32 @!p0 $0x0;
	s25 =	simm.s32 @!p0 $0x2000;
	s31 =	smov.u32 s1  }
.LBB2_12:
0x6b: {  	[tilespmem:s12+$0x5070] =	vst v15  }
.LBB2_13:
0x6c: {  	s2 =	sadd.s32 $0x1, s2  }
0x6d: {  	p0 =	sne.s32 s2, s0  }
.Ltmp8:
0x6e: {  	_ = 	snop;
	(pc) =	sbr.rel @!p0 .LBB2_14-.Ltmp8, $2  }
0x6f: {  	_ =	sdelay $0x2  }
0x70: {  	s31 =	sadd.s32 $0xFFFFFF80, s31;
	s25 =	sadd.s32 $0x80, s25  }
.LBB2_9:
0x71: {  	s12 =	sshll.u32 s2, $0x7  }
0x72: {  	s6 =	sshll.u32 s2, $0x9;
	s14 =	ssub.s32 s1, s12  }
0x73: {  	s6 =	sshra.s32 s6, $0x2;
	p0 =	slt.s32 s14, $0x1  }
.Ltmp9:
0x74: {  	s6 =	sadd.s32 $0x3800, s6;
	(pc) =	sbr.rel @p0 .LBB2_13-.Ltmp9, $4  }
0x75: {  	[tilespmem:s16], [sflag:$0x1] =	stream.indirect.gather [hbm4b:s3+s15], $0x80, s6, s15, $0xb8;
	[tilespmem:$0x1D100] =	vst v63  }
0x76: {  	_ =	swait.ge [sflag:s17], $0x4000  }
0x77: {  	[sflag:s17] =	ssyncset.done $0x0  }
0x78: {  	[sflag:s17] =	ssyncadd.s32 $0xFFFFC000  }
0x79: {  	v15 =	vld [tilespmem:s25+$0x0];
	_ =	sdelay $0x4  }
0x7a: {  	(v2sf) =	vpush v15, $0x0;
	_ =	sdelay $0xd  }
0x7b: {  	s6 =	simm.s32 $0x18940  }
0x7c: {  	v15 =	vld [tilespmem:s6+$0xFFFFFFC0];
	s12 =	spop (v2sf)  }
0x7d: {  	s12 =	sshll.u32 s12, $0x7  }
0x7e: {  	v16 =	vld [tilespmem:s12+$0x5000];
	_ =	sdelay $0x2  }
0x7f: {  	v17 =	vmul.f32 v15, v5;
	_ =	sdelay $0x1  }
0x80: {  	[tilespmem:s12+$0xEC80] =	vst.add.f32.msk $0xffff, v15;
	v16 =	vmax.f32 v16, v17  }
0x81: {  	[tilespmem:s12+$0x5000] =	vst v16  }
0x82: {  	v15 =	vld [tilespmem:s6+$0xFFFFFFD0];
	_ =	sdelay $0x1  }
0x83: {  	v16 =	vld [tilespmem:s12+$0x5010];
	_ =	sdelay $0x2  }
0x84: {  	v17 =	vmul.f32 v15, v6;
	_ =	sdelay $0x1  }
0x85: {  	[tilespmem:s12+$0xEC90] =	vst.add.f32.msk $0xffff, v15;
	v16 =	vmax.f32 v16, v17  }
0x86: {  	[tilespmem:s12+$0x5010] =	vst v16  }
0x87: {  	v15 =	vld [tilespmem:s6+$0xFFFFFFE0];
	_ =	sdelay $0x1  }
0x88: {  	v16 =	vld [tilespmem:s12+$0x5020];
	_ =	sdelay $0x2  }
0x89: {  	v17 =	vmul.f32 v15, v7;
	_ =	sdelay $0x1  }
0x8a: {  	[tilespmem:s12+$0xECA0] =	vst.add.f32.msk $0xffff, v15;
	v16 =	vmax.f32 v16, v17  }
0x8b: {  	[tilespmem:s12+$0x5020] =	vst v16  }
0x8c: {  	v15 =	vld [tilespmem:s6+$0xFFFFFFF0];
	_ =	sdelay $0x1  }
0x8d: {  	v16 =	vld [tilespmem:s12+$0x5030];
	_ =	sdelay $0x2  }
0x8e: {  	v17 =	vmul.f32 v15, v8;
	_ =	sdelay $0x1  }
0x8f: {  	[tilespmem:s12+$0xECB0] =	vst.add.f32.msk $0xffff, v15;
	v15 =	vmax.f32 v16, v17  }
0x90: {  	[tilespmem:s12+$0x5030] =	vst v15  }
0x91: {  	v15 =	vld [tilespmem:s6+$0x0];
	_ =	sdelay $0x1  }
0x92: {  	v16 =	vld [tilespmem:s12+$0x5040];
	_ =	sdelay $0x2  }
0x93: {  	v17 =	vmul.f32 v15, v9;
	_ =	sdelay $0x1  }
0x94: {  	[tilespmem:s12+$0xECC0] =	vst.add.f32.msk $0xffff, v15;
	v15 =	vmax.f32 v16, v17  }
0x95: {  	[tilespmem:s12+$0x5040] =	vst v15  }
0x96: {  	v15 =	vld [tilespmem:s6+$0x10];
	_ =	sdelay $0x1  }
0x97: {  	v16 =	vld [tilespmem:s12+$0x5050];
	_ =	sdelay $0x2  }
0x98: {  	v17 =	vmul.f32 v15, v10;
	_ =	sdelay $0x1  }
0x99: {  	[tilespmem:s12+$0xECD0] =	vst.add.f32.msk $0xffff, v15;
	v15 =	vmax.f32 v16, v17  }
0x9a: {  	[tilespmem:s12+$0x5050] =	vst v15  }
0x9b: {  	v15 =	vld [tilespmem:s6+$0x20];
	_ =	sdelay $0x1  }
0x9c: {  	v16 =	vld [tilespmem:s12+$0x5060];
	_ =	sdelay $0x2  }
0x9d: {  	v17 =	vmul.f32 v15, v11;
	_ =	sdelay $0x1  }
0x9e: {  	[tilespmem:s12+$0xECE0] =	vst.add.f32.msk $0xffff, v15;
	v15 =	vmax.f32 v16, v17  }
0x9f: {  	p0 =	sgt.s32 s31, $0x1;
	s13 =	smov.u32 s31;
	[tilespmem:s12+$0x5060] =	vst v15  }
0xa0: {  	s13 =	simm.s32 @!p0 $0x1;
	v15 =	vld [tilespmem:s6+$0x30]  }
0xa1: {  	s13 =	smin.u32 s13, $0x80  }
0xa2: {  	p0 =	sne.s32 s13, $0x1;
	v16 =	vld [tilespmem:s12+$0x5070]  }
.Ltmp10:
0xa3: {  	_ = 	snop;
	(pc) =	sbr.rel @!p0 .LBB2_12-.Ltmp10, $3  }
0xa4: {  	_ = 	snop  }
0xa5: {  	v17 =	vmul.f32 v15, v12;
	_ =	sdelay $0x1  }
0xa6: {  	s14 =	sadd.s32 $0xFFFFFFFF, s13;
	s13 =	smov.u32 s25;
	[tilespmem:s12+$0xECF0] =	vst.add.f32.msk $0xffff, v15;
	v15 =	vmax.f32 v16, v17  }
.LBB2_11:
0xa7: {  	p0 =	sne.s32 s14, $0x1;
	[tilespmem:s12+$0x5070] =	vst v15;
	s13 =	sadd.s32 $0x1, s13;
	s6 =	sadd.s32 $0x80, s6  }
0xa8: {  	s14 =	sadd.s32 $0xFFFFFFFF, s14;
	v15 =	vld [tilespmem:s13+$0x0];
	_ =	sdelay $0x4  }
0xa9: {  	(v2sf) =	vpush v15, $0x0;
	_ =	sdelay $0xe  }
0xaa: {  	v15 =	vld [tilespmem:s6+$0xFFFFFFC0];
	s12 =	spop (v2sf)  }
0xab: {  	s12 =	sshll.u32 s12, $0x7  }
0xac: {  	v16 =	vld [tilespmem:s12+$0x5000];
	_ =	sdelay $0x2  }
0xad: {  	v17 =	vmul.f32 v15, v5;
	_ =	sdelay $0x1  }
0xae: {  	v16 =	vmax.f32 v16, v17;
	[tilespmem:s12+$0xEC80] =	vst.add.f32.msk $0xffff, v15  }
0xaf: {  	[tilespmem:s12+$0x5000] =	vst v16  }
0xb0: {  	v15 =	vld [tilespmem:s6+$0xFFFFFFD0];
	_ =	sdelay $0x1  }
0xb1: {  	v16 =	vld [tilespmem:s12+$0x5010];
	_ =	sdelay $0x2  }
0xb2: {  	v17 =	vmul.f32 v15, v6;
	_ =	sdelay $0x1  }
0xb3: {  	v16 =	vmax.f32 v16, v17;
	[tilespmem:s12+$0xEC90] =	vst.add.f32.msk $0xffff, v15  }
0xb4: {  	[tilespmem:s12+$0x5010] =	vst v16  }
0xb5: {  	v15 =	vld [tilespmem:s6+$0xFFFFFFE0];
	_ =	sdelay $0x1  }
0xb6: {  	v16 =	vld [tilespmem:s12+$0x5020];
	_ =	sdelay $0x2  }
0xb7: {  	v17 =	vmul.f32 v15, v7;
	_ =	sdelay $0x1  }
0xb8: {  	v16 =	vmax.f32 v16, v17;
	[tilespmem:s12+$0xECA0] =	vst.add.f32.msk $0xffff, v15  }
0xb9: {  	[tilespmem:s12+$0x5020] =	vst v16  }
0xba: {  	v15 =	vld [tilespmem:s6+$0xFFFFFFF0];
	_ =	sdelay $0x1  }
0xbb: {  	v16 =	vld [tilespmem:s12+$0x5030];
	_ =	sdelay $0x2  }
0xbc: {  	v17 =	vmul.f32 v15, v8;
	[tilespmem:s12+$0xECB0] =	vst.add.f32.msk $0xffff, v15;
	_ =	sdelay $0x1  }
0xbd: {  	v15 =	vmax.f32 v16, v17  }
0xbe: {  	[tilespmem:s12+$0x5030] =	vst v15  }
0xbf: {  	v15 =	vld [tilespmem:s6+$0x0];
	_ =	sdelay $0x1  }
0xc0: {  	v16 =	vld [tilespmem:s12+$0x5040];
	_ =	sdelay $0x2  }
0xc1: {  	v17 =	vmul.f32 v15, v9;
	[tilespmem:s12+$0xECC0] =	vst.add.f32.msk $0xffff, v15;
	_ =	sdelay $0x1  }
0xc2: {  	v15 =	vmax.f32 v16, v17  }
0xc3: {  	[tilespmem:s12+$0x5040] =	vst v15  }
0xc4: {  	v15 =	vld [tilespmem:s6+$0x10];
	_ =	sdelay $0x1  }
0xc5: {  	v16 =	vld [tilespmem:s12+$0x5050];
	_ =	sdelay $0x2  }
0xc6: {  	v17 =	vmul.f32 v15, v10;
	[tilespmem:s12+$0xECD0] =	vst.add.f32.msk $0xffff, v15;
	_ =	sdelay $0x1  }
0xc7: {  	v15 =	vmax.f32 v16, v17  }
0xc8: {  	[tilespmem:s12+$0x5050] =	vst v15  }
0xc9: {  	v15 =	vld [tilespmem:s6+$0x20];
	_ =	sdelay $0x1  }
0xca: {  	v16 =	vld [tilespmem:s12+$0x5060];
	_ =	sdelay $0x2  }
0xcb: {  	v17 =	vmul.f32 v15, v11;
	[tilespmem:s12+$0xECE0] =	vst.add.f32.msk $0xffff, v15;
	_ =	sdelay $0x1  }
0xcc: {  	v15 =	vmax.f32 v16, v17  }
0xcd: {  	[tilespmem:s12+$0x5060] =	vst v15  }
0xce: {  	v15 =	vld [tilespmem:s6+$0x30];
	_ =	sdelay $0x1  }
0xcf: {  	v16 =	vld [tilespmem:s12+$0x5070]  }
.Ltmp11:
0xd0: {  	(pc) =	sbr.rel @p0 .LBB2_11-.Ltmp11, $3  }
0xd1: {  	_ = 	snop  }
0xd2: {  	v17 =	vmul.f32 v15, v12;
	[tilespmem:s12+$0xECF0] =	vst.add.f32.msk $0xffff, v15;
	_ =	sdelay $0x1  }
0xd3: {  	v15 =	vmax.f32 v16, v17  }
.Ltmp12:
0xd4: {  	_ = 	snop;
	(pc) =	sbr.rel .LBB2_12-.Ltmp12, $1  }
0xd5: {  	_ =	sdelay $0x3  }
.LBB2_14:
0xd6: {  	s0 =	smul.u32 $0x1F4, s30;
	_ =	sdelay $0x1  }
0xd7: {  	s2 =	simm.s32 $0x0;
	s1 =	sadd.s32 s4, s0  }
0xd8: {  	[tilespmem:s2], [sflag:$0x3] =	stream.linear.gather [hbm4b:s1+s2], $0xFA0, $0x38;
	[tilespmem:$0x1D100] =	vst v63  }
0xd9: {  	_ =	swait.ge [sflag:s18], $0xFA0  }
0xda: {  	[sflag:s18] =	ssyncset.done $0x0  }
0xdb: {  	s0 =	sadd.s32 s5, s0;
	[sflag:s18] =	ssyncadd.s32 $0xFFFFF060  }
0xdc: {  	[tilespmem:s19], [sflag:$0x3] =	stream.linear.gather [hbm4b:s0+s2], $0xFA0, $0x38;
	[tilespmem:$0x1D100] =	vst v63  }
0xdd: {  	_ =	swait.ge [sflag:s18], $0xFA0  }
0xde: {  	vm0 =	vgt.s32 v14, $0x7D0;
	[sflag:s18] =	ssyncset.done $0x0  }
0xdf: {  	v14 =	vsel vm0, $0x0, v14;
	s1 =	simm.s32 $0x0;
	[sflag:s18] =	ssyncadd.s32 $0xFFFFF060  }
0xe0: {  	v15 =	vmov v14;
	s0 =	simm.s32 $0x40;
	v16 =	vld [tilespmem:s1+$0x0]  }
.LBB2_15:
0xe1: {  	p0 =	sne.s32 s0, $0x3E40;
	_ =	sdelay $0x3  }
0xe2: {  	vm0 =	vge.s32 v16, v0;
	vm1 =	vlt.s32 v16, v1  }
0xe3: {  	vm0 =	vmand vm0, vm1  }
0xe4: {  	v17 =	vsel vm0, $0x1, v2;
	v18 =	vmpcnt.ones.xlane vm0  }
0xe5: {  	(xrf0) =	vadd.scan.msk.s32 $0xffff, v17  }
0xe6: {  	v14 =	vadd.s32 v14, v18;
	_ =	sdelay $0x4  }
0xe7: {  	v17 =	vld [tilespmem:s1+$0x1000];
	v18, _, _ =	vpop (xrf0)  }
0xe8: {  	v18 =	vadd.s32 v18, v15;
	v15 =	vmov v14  }
0xe9: {  	v18 =	vadd.s32 $0xFFFFFFFF, v18;
	_ =	sdelay $0x2  }
.Ltmp13:
0xea: {  	v17 =	vmul.u32 $0x28, v17;
	(pc) =	sbr.rel @p0 .LBB2_15-.Ltmp13, $4  }
0xeb: {  	v16 =	vsub.s32 v16, v0  }
0xec: {  	[tilespmem:v18+s20+$0x0] =	vst.idx.msk vm0, v16;
	v16 =	vadd.s32 v13, v17  }
0xed: {  	s1 =	sshra.s32 s0, $0x2;
	[tilespmem:v18+s21+$0x0] =	vst.idx.msk vm0, v16  }
0xee: {  	s0 =	sadd.s32 $0x40, s0;
	v16 =	vld [tilespmem:s1+$0x0]  }
0xef: {  	_ =	sdelay $0x3  }
0xf0: {  	vm0 =	vge.s32 v16, v0;
	vm1 =	vlt.s32 v16, v1  }
0xf1: {  	vm0 =	vmand vm0, vm1  }
0xf2: {  	v17 =	vsel vm0, $0x1, v2  }
0xf3: {  	(xrf0) =	vadd.scan.msk.s32 $0xffff, v17;
	_ =	sdelay $0x5  }
0xf4: {  	v60 =	vld [tilespmem:s1+$0x1000];
	v18, _, _ =	vpop (xrf0)  }
0xf5: {  	v15 =	vadd.s32 v18, v15  }
0xf6: {  	s30 =	sadd.s32 $0x1, s30;
	v15 =	vadd.s32 $0xFFFFFFFF, v15  }
0xf7: {  	p0 =	sne.s32 s30, $0x28  }
.Ltmp14:
0xf8: {  	_ = 	snop;
	(pc) =	sbr.rel @p0 .LBB2_7-.Ltmp14, $4  }
0xf9: {  	v17 =	vmul.u32 $0x28, v60  }
0xfa: {  	v62 =	vsub.s32 v16, v0;
	v61 =	vmpcnt.ones.xlane vm0  }
0xfb: {  	v63 =	vadd.s32 v13, v17;
	[tilespmem:v15+s20+$0x0] =	vst.idx.msk vm0, v62  }
0xfc: {  	v14 =	vadd.s32 v14, v61;
	[tilespmem:v15+s21+$0x0] =	vst.idx.msk vm0, v63  }
0xfd: {  	v13 =	vxor.u32 $0x80000000, v14  }
0xfe: {  	(xrf0) =	vmax.scan.msk.u32 $0xffff, v13;
	_ =	sdelay $0x5  }
0xff: {  	v13, _, _ =	vpop (xrf0)  }
0x100: {  	(v2sf) =	vpush v13, $0xF;
	_ =	sdelay $0xe  }
0x101: {  	s0 =	spop (v2sf)  }
0x102: {  	s30 =	sxor.u32 $0x80000000, s0  }
0x103: {  	p0 =	slt.s32 s30, $0x1  }
0x104: {  	s0 =	sadd.s32 @!p0 $0x8000007F, s0  }
0x105: {  	s1 =	sand.u32 @!p0 $0x7F, s0  }
0x106: {  	p1 =	slt.s32 @!p0 s0, $0x1;
	p2 =	sne.s32 @!p0 s1, $0x0  }
0x107: {  	s1 =	sshra.s32 @!p0 s0, $0x1F;
	p1 =	por @!p0 !p1, !p2  }
0x108: {  	s1 =	sshrl.u32 @!p0 s1, $0x19;
	p1 =	por @!p0 !p1, !p1  }
0x109: {  	s0 =	sadd.s32 @!p0 s1, s0;
	s1 =	simm.s32 @!p0 $0x1;
	p1 =	por !p1, p0  }
0x10a: {  	s0 =	sshra.s32 @!p0 s0, $0x7;
	s1 =	simm.s32 @p1 $0x0  }
0x10b: {  	s0 =	ssub.s32 @!p0 s0, s1  }
0x10c: {  	p1 =	slt.s32 @!p0 s0, $0x1  }
0x10d: {  	p1 =	por p0, p1  }
.Ltmp15:
0x10e: {  	_ = 	snop;
	(pc) =	sbr.rel @p1 .LBB2_24-.Ltmp15, $1  }
0x10f: {  	_ =	sdelay $0x3  }
.Ltmp16:
0x110: {  	(pc) =	sbr.rel .LBB2_19-.Ltmp16, $2  }
0x111: {  	_ =	sdelay $0x2  }
0x112: {  	s2 =	simm.s32 @!p0 $0x0;
	s13 =	simm.s32 @!p0 $0x2000;
	s1 =	smov.u32 s30  }
.LBB2_22:
0x113: {  	[tilespmem:s12+$0x5070] =	vst v13  }
.LBB2_23:
0x114: {  	s2 =	sadd.s32 $0x1, s2  }
0x115: {  	p0 =	sne.s32 s2, s0  }
.Ltmp17:
0x116: {  	_ = 	snop;
	(pc) =	sbr.rel @!p0 .LBB2_24-.Ltmp17, $2  }
0x117: {  	_ =	sdelay $0x2  }
0x118: {  	s1 =	sadd.s32 $0xFFFFFF80, s1;
	s13 =	sadd.s32 $0x80, s13  }
.LBB2_19:
0x119: {  	s12 =	sshll.u32 s2, $0x7  }
0x11a: {  	s6 =	sshll.u32 s2, $0x9;
	s31 =	ssub.s32 s30, s12  }
0x11b: {  	s6 =	sshra.s32 s6, $0x2;
	p0 =	slt.s32 s31, $0x1  }
.Ltmp18:
0x11c: {  	s6 =	sadd.s32 $0x3800, s6;
	(pc) =	sbr.rel @p0 .LBB2_23-.Ltmp18, $4  }
0x11d: {  	[tilespmem:s16], [sflag:$0x1] =	stream.indirect.gather [hbm4b:s3+s15], $0x80, s6, s15, $0xb8;
	[tilespmem:$0x1D100] =	vst v63  }
0x11e: {  	_ =	swait.ge [sflag:s17], $0x4000  }
0x11f: {  	[sflag:s17] =	ssyncset.done $0x0  }
0x120: {  	[sflag:s17] =	ssyncadd.s32 $0xFFFFC000  }
0x121: {  	v13 =	vld [tilespmem:s13+$0x0];
	_ =	sdelay $0x4  }
0x122: {  	(v2sf) =	vpush v13, $0x0;
	_ =	sdelay $0xd  }
0x123: {  	s6 =	simm.s32 $0x18940  }
0x124: {  	v13 =	vld [tilespmem:s6+$0xFFFFFFC0];
	s12 =	spop (v2sf)  }
0x125: {  	s12 =	sshll.u32 s12, $0x7  }
0x126: {  	v14 =	vld [tilespmem:s12+$0x5000];
	_ =	sdelay $0x2  }
0x127: {  	v15 =	vmul.f32 v13, v5;
	_ =	sdelay $0x1  }
0x128: {  	[tilespmem:s12+$0xEC80] =	vst.add.f32.msk $0xffff, v13;
	v14 =	vmax.f32 v14, v15  }
0x129: {  	[tilespmem:s12+$0x5000] =	vst v14  }
0x12a: {  	v13 =	vld [tilespmem:s6+$0xFFFFFFD0];
	_ =	sdelay $0x1  }
0x12b: {  	v14 =	vld [tilespmem:s12+$0x5010];
	_ =	sdelay $0x2  }
0x12c: {  	v15 =	vmul.f32 v13, v6;
	_ =	sdelay $0x1  }
0x12d: {  	[tilespmem:s12+$0xEC90] =	vst.add.f32.msk $0xffff, v13;
	v14 =	vmax.f32 v14, v15  }
0x12e: {  	[tilespmem:s12+$0x5010] =	vst v14  }
0x12f: {  	v13 =	vld [tilespmem:s6+$0xFFFFFFE0];
	_ =	sdelay $0x1  }
0x130: {  	v14 =	vld [tilespmem:s12+$0x5020];
	_ =	sdelay $0x2  }
0x131: {  	v15 =	vmul.f32 v13, v7;
	_ =	sdelay $0x1  }
0x132: {  	[tilespmem:s12+$0xECA0] =	vst.add.f32.msk $0xffff, v13;
	v14 =	vmax.f32 v14, v15  }
0x133: {  	[tilespmem:s12+$0x5020] =	vst v14  }
0x134: {  	v13 =	vld [tilespmem:s6+$0xFFFFFFF0];
	_ =	sdelay $0x1  }
0x135: {  	v14 =	vld [tilespmem:s12+$0x5030];
	_ =	sdelay $0x2  }
0x136: {  	v15 =	vmul.f32 v13, v8;
	_ =	sdelay $0x1  }
0x137: {  	[tilespmem:s12+$0xECB0] =	vst.add.f32.msk $0xffff, v13;
	v13 =	vmax.f32 v14, v15  }
0x138: {  	[tilespmem:s12+$0x5030] =	vst v13  }
0x139: {  	v13 =	vld [tilespmem:s6+$0x0];
	_ =	sdelay $0x1  }
0x13a: {  	v14 =	vld [tilespmem:s12+$0x5040];
	_ =	sdelay $0x2  }
0x13b: {  	v15 =	vmul.f32 v13, v9;
	_ =	sdelay $0x1  }
0x13c: {  	[tilespmem:s12+$0xECC0] =	vst.add.f32.msk $0xffff, v13;
	v13 =	vmax.f32 v14, v15  }
0x13d: {  	[tilespmem:s12+$0x5040] =	vst v13  }
0x13e: {  	v13 =	vld [tilespmem:s6+$0x10];
	_ =	sdelay $0x1  }
0x13f: {  	v14 =	vld [tilespmem:s12+$0x5050];
	_ =	sdelay $0x2  }
0x140: {  	v15 =	vmul.f32 v13, v10;
	_ =	sdelay $0x1  }
0x141: {  	[tilespmem:s12+$0xECD0] =	vst.add.f32.msk $0xffff, v13;
	v13 =	vmax.f32 v14, v15  }
0x142: {  	[tilespmem:s12+$0x5050] =	vst v13  }
0x143: {  	v13 =	vld [tilespmem:s6+$0x20];
	_ =	sdelay $0x1  }
0x144: {  	v14 =	vld [tilespmem:s12+$0x5060];
	_ =	sdelay $0x2  }
0x145: {  	v15 =	vmul.f32 v13, v11;
	_ =	sdelay $0x1  }
0x146: {  	[tilespmem:s12+$0xECE0] =	vst.add.f32.msk $0xffff, v13;
	v13 =	vmax.f32 v14, v15  }
0x147: {  	p0 =	sgt.s32 s1, $0x1;
	s14 =	smov.u32 s1;
	[tilespmem:s12+$0x5060] =	vst v13  }
0x148: {  	s14 =	simm.s32 @!p0 $0x1;
	v13 =	vld [tilespmem:s6+$0x30]  }
0x149: {  	s14 =	smin.u32 s14, $0x80  }
0x14a: {  	p0 =	sne.s32 s14, $0x1;
	v14 =	vld [tilespmem:s12+$0x5070]  }
.Ltmp19:
0x14b: {  	_ = 	snop;
	(pc) =	sbr.rel @!p0 .LBB2_22-.Ltmp19, $3  }
0x14c: {  	_ = 	snop  }
0x14d: {  	v15 =	vmul.f32 v13, v12;
	_ =	sdelay $0x1  }
0x14e: {  	s25 =	smov.u32 s13;
	s14 =	sadd.s32 $0xFFFFFFFF, s14;
	[tilespmem:s12+$0xECF0] =	vst.add.f32.msk $0xffff, v13;
	v13 =	vmax.f32 v14, v15  }
.LBB2_21:
0x14f: {  	p0 =	sne.s32 s14, $0x1;
	[tilespmem:s12+$0x5070] =	vst v13;
	s25 =	sadd.s32 $0x1, s25;
	s6 =	sadd.s32 $0x80, s6  }
0x150: {  	s14 =	sadd.s32 $0xFFFFFFFF, s14;
	v13 =	vld [tilespmem:s25+$0x0];
	_ =	sdelay $0x4  }
0x151: {  	(v2sf) =	vpush v13, $0x0;
	_ =	sdelay $0xe  }
0x152: {  	v13 =	vld [tilespmem:s6+$0xFFFFFFC0];
	s12 =	spop (v2sf)  }
0x153: {  	s12 =	sshll.u32 s12, $0x7  }
0x154: {  	v14 =	vld [tilespmem:s12+$0x5000];
	_ =	sdelay $0x2  }
0x155: {  	v15 =	vmul.f32 v13, v5;
	_ =	sdelay $0x1  }
0x156: {  	v14 =	vmax.f32 v14, v15;
	[tilespmem:s12+$0xEC80] =	vst.add.f32.msk $0xffff, v13  }
0x157: {  	[tilespmem:s12+$0x5000] =	vst v14  }
0x158: {  	v13 =	vld [tilespmem:s6+$0xFFFFFFD0];
	_ =	sdelay $0x1  }
0x159: {  	v14 =	vld [tilespmem:s12+$0x5010];
	_ =	sdelay $0x2  }
0x15a: {  	v15 =	vmul.f32 v13, v6;
	_ =	sdelay $0x1  }
0x15b: {  	v14 =	vmax.f32 v14, v15;
	[tilespmem:s12+$0xEC90] =	vst.add.f32.msk $0xffff, v13  }
0x15c: {  	[tilespmem:s12+$0x5010] =	vst v14  }
0x15d: {  	v13 =	vld [tilespmem:s6+$0xFFFFFFE0];
	_ =	sdelay $0x1  }
0x15e: {  	v14 =	vld [tilespmem:s12+$0x5020];
	_ =	sdelay $0x2  }
0x15f: {  	v15 =	vmul.f32 v13, v7;
	_ =	sdelay $0x1  }
0x160: {  	v14 =	vmax.f32 v14, v15;
	[tilespmem:s12+$0xECA0] =	vst.add.f32.msk $0xffff, v13  }
0x161: {  	[tilespmem:s12+$0x5020] =	vst v14  }
0x162: {  	v13 =	vld [tilespmem:s6+$0xFFFFFFF0];
	_ =	sdelay $0x1  }
0x163: {  	v14 =	vld [tilespmem:s12+$0x5030];
	_ =	sdelay $0x2  }
0x164: {  	v15 =	vmul.f32 v13, v8;
	[tilespmem:s12+$0xECB0] =	vst.add.f32.msk $0xffff, v13;
	_ =	sdelay $0x1  }
0x165: {  	v13 =	vmax.f32 v14, v15  }
0x166: {  	[tilespmem:s12+$0x5030] =	vst v13  }
0x167: {  	v13 =	vld [tilespmem:s6+$0x0];
	_ =	sdelay $0x1  }
0x168: {  	v14 =	vld [tilespmem:s12+$0x5040];
	_ =	sdelay $0x2  }
0x169: {  	v15 =	vmul.f32 v13, v9;
	[tilespmem:s12+$0xECC0] =	vst.add.f32.msk $0xffff, v13;
	_ =	sdelay $0x1  }
0x16a: {  	v13 =	vmax.f32 v14, v15  }
0x16b: {  	[tilespmem:s12+$0x5040] =	vst v13  }
0x16c: {  	v13 =	vld [tilespmem:s6+$0x10];
	_ =	sdelay $0x1  }
0x16d: {  	v14 =	vld [tilespmem:s12+$0x5050];
	_ =	sdelay $0x2  }
0x16e: {  	v15 =	vmul.f32 v13, v10;
	[tilespmem:s12+$0xECD0] =	vst.add.f32.msk $0xffff, v13;
	_ =	sdelay $0x1  }
0x16f: {  	v13 =	vmax.f32 v14, v15  }
0x170: {  	[tilespmem:s12+$0x5050] =	vst v13  }
0x171: {  	v13 =	vld [tilespmem:s6+$0x20];
	_ =	sdelay $0x1  }
0x172: {  	v14 =	vld [tilespmem:s12+$0x5060];
	_ =	sdelay $0x2  }
0x173: {  	v15 =	vmul.f32 v13, v11;
	[tilespmem:s12+$0xECE0] =	vst.add.f32.msk $0xffff, v13;
	_ =	sdelay $0x1  }
0x174: {  	v13 =	vmax.f32 v14, v15  }
0x175: {  	[tilespmem:s12+$0x5060] =	vst v13  }
0x176: {  	v13 =	vld [tilespmem:s6+$0x30];
	_ =	sdelay $0x1  }
0x177: {  	v14 =	vld [tilespmem:s12+$0x5070]  }
.Ltmp20:
0x178: {  	(pc) =	sbr.rel @p0 .LBB2_21-.Ltmp20, $3  }
0x179: {  	_ = 	snop  }
0x17a: {  	v15 =	vmul.f32 v13, v12;
	[tilespmem:s12+$0xECF0] =	vst.add.f32.msk $0xffff, v13;
	_ =	sdelay $0x1  }
0x17b: {  	v13 =	vmax.f32 v14, v15  }
.Ltmp21:
0x17c: {  	_ = 	snop;
	(pc) =	sbr.rel .LBB2_22-.Ltmp21, $1  }
0x17d: {  	_ =	sdelay $0x3  }
.LBB2_26:
0x17e: {  	_ =	sfence.sel $0x180000  }
0x17f: {  	[bflag:$0x0] =	sbarrier.arrive $0xFFFF  }
0x180: {  	_ =	strace $0x90000053  }
0x181: {  	s0 =	stileid.u32;
	[bflag:$0x2] =	sbarrier.arrive $0xFFFF  }
0x182: {  	p0 =	sne.s32 s0, $0x0;
	s0 =	rddreg [dreg:$0x1]  }
0x183: {  	s0 =	sadd.s32 @!p0 $0x100000, s0  }
0x184: {  	[sflag:s0] =	ssyncadd.tile.s32 @!p0 $0x1;
	_ =	shalt  }
.Lfunc_end2:
_tile_overlayer_lowered:
.L_overlay_start_2:
0x185: {  	(tag) =	ssettag $0x2  }
0x186: {  	s0 =	rddreg [dreg:$0x0];
	s2 =	stileid.u32  }
0x187: {  	s1 =	rddreg [dreg:$0x1];
	p0 =	sne.s32 s2, $0x0  }
0x188: {  	s3 =	rddreg [dreg:$0x2];
	[bflag:$0x3] =	sbarrier.arrive $0xFFFF;
	s2 =	simm.s32 @!p0 $0x1C02  }
0x189: {  	[timem:s3], [sflag:s2] =	dma.local @!p0 [hbm:s0], s1  }
0x18a: {  	s0 =	simm.s32 @!p0 $0x2  }
0x18b: {  	_ =	swait.ge @!p0 [sflag:s0], s1  }
0x18c: {  	s1 =	ssub.s32 @!p0 $0x0, s1;
	[sflag:s0] =	ssyncset.done @!p0 $0x0  }
0x18d: {  	[sflag:s0] =	ssyncadd.s32 @!p0 s1  }
0x18e: {  	[bflag:$0x3] =	sbarrier.arrive $0xFFFF  }
0x18f: {  	_ =	shalt  }

// kernel: scatter_offload_async_start.1
scs
__scs_entry_jumppad:
0x0: {  	(pc) =	sbr.rel $0x88, $3  }
0x1: {  	(tag) =	ssettag $0x0;
	lr =	simm.s32 $0x1  }
0x2: {  	[smem:$0x3F90] =	sst lr;
	_ =	strace $0xD0000000  }
0x3: {  	_ = 	snop  }
0x4: {  	_ = 	snop  }
0x5: {  	_ = 	snop  }
0x6: {  	_ = 	snop  }
0x7: {  	_ = 	snop  }
__scs_overlays_trampoline_lowered:
0x8: {  	[smem:$0x3F9F] =	sst s0  }
0x9: {  	[smem:$0x3FA0] =	sst s1  }
0xa: {  	[smem:$0x3FA1] =	sst s2  }
0xb: {  	[smem:$0x3FA2] =	sst s3  }
0xc: {  	[smem:$0x3FA3] =	sst s4  }
0xd: {  	[smem:$0x3FA4] =	sst s5  }
0xe: {  	[smem:$0x3FA5] =	sst s6  }
0xf: {  	[smem:$0x3FA6] =	sst s7  }
0x10: {  	[smem:$0x3FA7] =	sst s8  }
0x11: {  	[smem:$0x3FA8] =	sst s9;
	s0 =	simm.s32 @!p0 $0x0  }
0x12: {  	s1 =	sld [smem:$0x3F8E];
	s0 =	simm.s32 @p0 $0x1  }
0x13: {  	[smem:$0x3FA9] =	sst s0;
	s0 =	simm.s32 @!p1 $0x0  }
0x14: {  	s2 =	sld [smem:$0x3F8D];
	s0 =	simm.s32 @p1 $0x1  }
0x15: {  	[smem:$0x3FAA] =	sst s0;
	s0 =	simm.s32 @!p2 $0x0  }
0x16: {  	s3 =	sld [smem:$0x3FDB];
	s0 =	simm.s32 @p2 $0x1  }
0x17: {  	s4 =	simm.s32 $0x1BF5;
	[smem:$0x3FAC] =	sst s0  }
0x18: {  	s0 =	sld [smem:$0x3F8F];
	_ =	swait.ge [sflag:s4], $0x0  }
0x19: {  	s7 =	sld [smem:$0x3F90]  }
0x1a: {  	s8 =	sadd.s32 $0xFFFFE003, lr  }
0x1b: {  	s9 =	sadd.s32 $0xFFFFFEF7, lr;
	s5 =	simm.s32 $0xFFFFFFFF;
	p2 =	slt.u32 s8, $0xFFFFF086  }
0x1c: {  	p1 =	slt.u32 s9, $0xF7A;
	s5 =	simm.s32 @!p2 $0x0  }
0x1d: {  	s5 =	simm.s32 @p1 $0x1;
	p0 =	seq.s32 s7, s2  }
0x1e: {  	s7 =	smul.u32 @!p0 $0xF7A, s2;
	p2 =	seq.s32 @!p0 s5, $0x0  }
0x1f: {  	s9 =	smul.u32 $0xF7A, s1;
	s8 =	simm.s32 @!p0 $0x1BF5;
	p2 =	por !p2, p0  }
0x20: {  	[sflag:s8] =	ssyncset.s32 @!p0 $0xFFFFF086;
	s6 =	sadd.s32 @!p0 s3, s7;
	s7 =	simm.s32 @!p0 $0x108  }
0x21: {  	s3 =	sadd.s32 s3, s9;
	s6 =	sadd.s32 @!p0 $0x88, s6;
	s7 =	simm.s32 @p2 $0x1082  }
0x22: {  	[simem:s7], [sflag:s8] =	dma.local @!p0 [hbm:s6], $0xF7A  }
0x23: {  	s9 =	sor.u32 $0xD0000000, s2;
	s6 =	simm.s32 $0x108;
	_ =	swait.ge @!p0 [sflag:s8], $0x0  }
0x24: {  	s3 =	sadd.s32 $0x88, s3;
	s6 =	simm.s32 @!p1 $0x1082;
	[sflag:s4] =	ssyncset.s32 $0xFFFFF086  }
0x25: {  	[simem:s6], [sflag:s4] =	dma.local [hbm:s3], $0xF7A  }
0x26: {  	[smem:$0x3F90] =	sst s1;
	(tag) =	ssettag s2;
	_ =	strace s9  }
0x27: {  	s1 =	sld [smem:$0x3FA0]  }
0x28: {  	s2 =	sld [smem:$0x3FA1]  }
0x29: {  	s4 =	sld [smem:$0x3FA3]  }
0x2a: {  	p0 =	seq.s32 s5, $0x0;
	s5 =	sld [smem:$0x3FA4]  }
0x2b: {  	s6 =	sld [smem:$0x3FA5]  }
0x2c: {  	s7 =	sld [smem:$0x3FA6]  }
0x2d: {  	s3 =	simm.s32 $0x108;
	s8 =	sld [smem:$0x3FA7]  }
0x2e: {  	s3 =	simm.s32 @!p0 $0x1082;
	s9 =	sld [smem:$0x3FA8]  }
0x2f: {  	lr =	sadd.s32 s0, s3;
	s0 =	sld [smem:$0x3F9F]  }
0x30: {  	s3 =	sld [smem:$0x3FA2]  }
0x31: {  	[smem:$0x3FAB] =	sst s10  }
0x32: {  	s10 =	sld [smem:$0x3FA9];
	_ =	sdelay $0x3  }
0x33: {  	p0 =	seq.s32 s10, $0x1;
	s10 =	sld [smem:$0x3FAB];
	_ =	sdelay $0x3  }
0x34: {  	[smem:$0x3FAB] =	sst s10  }
0x35: {  	s10 =	sld [smem:$0x3FAA];
	_ =	sdelay $0x3  }
0x36: {  	p1 =	seq.s32 s10, $0x1;
	s10 =	sld [smem:$0x3FAB];
	_ =	sdelay $0x3  }
0x37: {  	[smem:$0x3FAB] =	sst s10  }
0x38: {  	s10 =	sld [smem:$0x3FAC]  }
0x39: {  	_ = 	snop;
	(pc) =	sbr.ind lr, $3  }
0x3a: {  	_ = 	snop  }
0x3b: {  	_ = 	snop  }
0x3c: {  	p2 =	seq.s32 s10, $0x1;
	s10 =	sld [smem:$0x3FAB]  }
0x3d: {  	_ =	shalt  }
0x3e: {  	_ =	shalt  }
0x3f: {  	_ =	shalt  }
0x40: {  	_ =	shalt  }
0x41: {  	_ =	shalt  }
0x42: {  	_ =	shalt  }
0x43: {  	_ =	shalt  }
0x44: {  	_ =	shalt  }
0x45: {  	_ =	shalt  }
0x46: {  	_ =	shalt  }
0x47: {  	_ =	shalt  }
0x48: {  	_ =	shalt  }
0x49: {  	_ =	shalt  }
0x4a: {  	_ =	shalt  }
0x4b: {  	_ =	shalt  }
0x4c: {  	_ =	shalt  }
0x4d: {  	_ =	shalt  }
0x4e: {  	_ =	shalt  }
0x4f: {  	_ =	shalt  }
0x50: {  	_ =	shalt  }
0x51: {  	_ =	shalt  }
0x52: {  	_ =	shalt  }
0x53: {  	_ =	shalt  }
0x54: {  	_ =	shalt  }
0x55: {  	_ =	shalt  }
0x56: {  	_ =	shalt  }
0x57: {  	_ =	shalt  }
0x58: {  	_ =	shalt  }
0x59: {  	_ =	shalt  }
0x5a: {  	_ =	shalt  }
0x5b: {  	_ =	shalt  }
0x5c: {  	_ =	shalt  }
0x5d: {  	_ =	shalt  }
0x5e: {  	_ =	shalt  }
0x5f: {  	_ =	shalt  }
0x60: {  	_ =	shalt  }
0x61: {  	_ =	shalt  }
0x62: {  	_ =	shalt  }
0x63: {  	_ =	shalt  }
0x64: {  	_ =	shalt  }
0x65: {  	_ =	shalt  }
0x66: {  	_ =	shalt  }
0x67: {  	_ =	shalt  }
0x68: {  	_ =	shalt  }
0x69: {  	_ =	shalt  }
0x6a: {  	_ =	shalt  }
0x6b: {  	_ =	shalt  }
0x6c: {  	_ =	shalt  }
0x6d: {  	_ =	shalt  }
0x6e: {  	_ =	shalt  }
0x6f: {  	_ =	shalt  }
0x70: {  	_ =	shalt  }
0x71: {  	_ =	shalt  }
0x72: {  	_ =	shalt  }
0x73: {  	_ =	shalt  }
0x74: {  	_ =	shalt  }
0x75: {  	_ =	shalt  }
0x76: {  	_ =	shalt  }
0x77: {  	_ =	shalt  }
0x78: {  	_ =	shalt  }
0x79: {  	_ =	shalt  }
0x7a: {  	_ =	shalt  }
0x7b: {  	_ =	shalt  }
0x7c: {  	_ =	shalt  }
0x7d: {  	_ =	shalt  }
0x7e: {  	_ =	shalt  }
0x7f: {  	_ =	shalt  }
0x80: {  	_ =	shalt  }
0x81: {  	_ =	shalt  }
0x82: {  	_ =	shalt  }
0x83: {  	_ =	shalt  }
0x84: {  	_ =	shalt  }
0x85: {  	_ =	shalt  }
0x86: {  	_ =	shalt  }
0x87: {  	_ =	shalt  }
.Lfunc_end0:
.L_simem_size_0:
called_computation.1_lowered:
.L_overlay_start_0:
0x88: {  	s0 =	sld [smem:$0x3FD9]  }
0x89: {  	s1 =	sld [smem:$0x3FFE];
	_ =	sdelay $0x3  }
0x8a: {  	s0 =	sadd.s32 s1, s0  }
0x8b: {  	[smem:$0x3FB7] =	sst s0  }
0x8c: {  	_ = 	snop  }
0x8d: {  	(tm) =	ssettm $0x1  }
0x8e: {  	s14 =	sld [smem:$0x3FFB];
	_ =	sdelay $0x3  }
0x8f: {  	_ =	strace s14  }
0x90: {  	s0 =	sld [smem:$0x3FFC];
	_ =	sdelay $0x3  }
0x91: {  	_ =	strace s0  }
0x92: {  	s0 =	sld [smem:$0x3FFD];
	_ =	sdelay $0x3  }
0x93: {  	_ =	strace s0  }
0x94: {  	_ =	strace $0x8FFFFFFF  }
0x95: {  	s15 =	sld [smem:$0x3FDB];
	_ =	sdelay $0x1  }
0x96: {  	s16 =	simm.s32 $_scs_section_size  }
0x97: {  	s2 =	simm.s32 $_size__tile_overlayer_lowered;
	s3 =	simm.s32 $_tile_overlayer_lowered  }
0x98: {  	s4 =	simm.s32 $0x1BFF;
	s17 =	sshll.u32 s3, $0x1;
	s1 =	sadd.s32 s16, s15  }
0x99: {  	s18 =	simm.s32 $0x0;
	s2 =	sshll.u32 s2, $0x1;
	s3 =	sadd.s32 s17, s1  }
0x9a: {  	[timem:s18], [sflag:s4] =	dma.local [hbm:s3], s2  }
0x9b: {  	_ =	swait.ge [sflag:s4], s2  }
0x9c: {  	s2 =	ssub.s32 $0x0, s2;
	[sflag:s4] =	ssyncset.done $0x0  }
0x9d: {  	[sflag:s4] =	ssyncadd.s32 s2;
	_ =	sdelay $0x1  }
0x9e: {  	s19 =	simm.s32 $0x1B8B  }
0x9f: {  	_ =	swait.ge [sflag:s19], $0x1  }
0xa0: {  	[sflag:s19] =	ssyncset.done $0x0  }
0xa1: {  	s21 =	simm.s32 $0x1B8E;
	s20 =	sld [smem:$0x3FFE];
	[sflag:s19] =	ssyncadd.s32 $0xFFFFFFFF  }
0xa2: {  	s22 =	simm.s32 $execute0_lowered;
	[smem:$0x3FD2] =	sst s21  }
0xa3: {  	s3 =	sshll.u32 s22, $0x1;
	_ =	strace $0x8000004C;
	[dreg:$0x1] =	wrdreg $0xFFFFFFFF  }
0xa4: {  	s23 =	simm.s32 $_size_execute0_lowered;
	s3 =	sadd.s32 s1, s3;
	[dreg:$0x0] =	wrdreg $0x0  }
0xa5: {  	s4 =	sshll.u32 s23, $0x1;
	[dreg:$0x2] =	wrdreg s3  }
0xa6: {  	[dreg:$0x3] =	wrdreg s4  }
0xa7: {  	[dreg:$0x4] =	wrdreg $0xC0  }
0xa8: {  	s24 =	simm.s32 $execute1_lowered;
	_ =	task [dreg:s18], $0x5FFFF  }
0xa9: {  	s3 =	sshll.u32 s24, $0x1;
	[dreg:$0x1] =	wrdreg $0xFFFFFFFF  }
0xaa: {  	s1 =	sadd.s32 s1, s3;
	[dreg:$0x0] =	wrdreg $0x60  }
0xab: {  	[dreg:$0x2] =	wrdreg s1  }
0xac: {  	[dreg:$0x3] =	wrdreg s20  }
0xad: {  	[dreg:$0x4] =	wrdreg $0xB  }
0xae: {  	_ =	task.clear_ibuf [dreg:s18], $0x5FFFF;
	_ =	strace $0x9000004C  }
0xaf: {  	s25 =	simm.s32 $0xB;
	_ =	strace $0x8000004E  }
0xb0: {  	_ =	swait.ge [sflag:s25], $0x1  }
0xb1: {  	[sflag:s25] =	ssyncadd.s32 $0xFFFFFFFF  }
0xb2: {  	_ =	strace $0x9000004E  }
0xb3: {  	_ =	strace $0x8000004F;
	[dreg:$0x1] =	wrdreg $0xFFFFFFFF  }
0xb4: {  	[dreg:$0x0] =	wrdreg $0x2030  }
0xb5: {  	[dreg:$0x2] =	wrdreg s20  }
0xb6: {  	[dreg:$0x3] =	wrdreg $0xC  }
0xb7: {  	_ =	task.clear_ibuf [dreg:s18], $0x4FFFF;
	_ =	strace $0x9000004F  }
0xb8: {  	s26 =	simm.s32 $0xC;
	_ =	strace $0x80000051  }
0xb9: {  	_ =	swait.ge [sflag:s26], $0x1  }
0xba: {  	[sflag:s26] =	ssyncadd.s32 $0xFFFFFFFF  }
0xbb: {  	_ =	strace $0x90000051  }
0xbc: {  	_ =	sfence  }
0xbd: {  	s28 =	sld [smem:$0x0];
	_ =	sdelay $0x1  }
0xbe: {  	s29 =	srdreg.scid  }
0xbf: {  	s30 =	sshll.u32 s29, $0xD;
	s31 =	sshrl.u32 s29, $0x2  }
0xc0: {  	s2 =	sand.u32 $0x1, s29;
	s3 =	sand.u32 $0x4000, s30;
	s1 =	sadd.s32 s31, s28  }
0xc1: {  	s2 =	sor.u32 s3, s2;
	s1 =	sshll.u32 s1, $0x11  }
0xc2: {  	s1 =	sor.u32 s1, s2  }
0xc3: {  	s1 =	sadd.s32 $0x8F2B, s1  }
0xc4: {  	[sflag:s1] =	ssyncadd.remote.s32 $0x1  }
0xc5: {  	_ =	sfence.sel $0xFFFF  }
0xc6: {  	[dreg:$0x0] =	wrdreg $0xFFFFFFFF;
	(pc) =	sbr.abs _section_cstart, $3  }
0xc7: {  	[dreg:$0x1] =	wrdreg $0xFFFFFFFF  }
0xc8: {  	_ =	task.clear_ibuf [dreg:s18], $0x2FFFF;
	_ =	strace $0x9FFFFFFF  }
0xc9: {  	(tm) =	ssettm $0x7FFFFFFF  }
tec
execute0_lowered:
.L_overlay_start_1:
0x0: {  	(tag) =	ssettag $0x1  }
0x1: {  	s2 =	rddreg [dreg:$0x0]  }
0x2: {  	s4 =	rddreg [dreg:$0x1]  }
0x3: {  	s0 =	rddreg [dreg:$0x2];
	s3 =	stileid.u32  }
0x4: {  	[bflag:$0x3] =	sbarrier.arrive $0xFFFF;
	s1 =	simm.s32 $_size_execute1_lowered;
	p0 =	sne.s32 s3, $0x0  }
0x5: {  	s1 =	sshll.u32 s1, $0x1;
	s5 =	simm.s32 @!p0 $0x1C3F;
	s6 =	simm.s32 @!p0 $0x4060  }
0x6: {  	[timem:s6], [sflag:s5] =	dma.local @!p0 [hbm:s2], s1  }
0x7: {  	s2 =	smul.u32 $0x280, s3  }
.Ltmp0:
0x8: {  	s31 =	simm.s32 $0x2;
	s7 =	simm.s32 $0x280;
	(pc) =	sbr.rel .LBB2_1-.Ltmp0, $4  }
0x9: {  	s8 =	simm.s32 $0x780;
	s10 =	simm.s32 $0x0;
	s9 =	simm.s32 $0x0  }
0xa: {  	s3 =	simm.s32 $0x1;
	_ =	strace $0x8000004D;
	s30 =	sshrl.u32 s2, $0x3  }
0xb: {  	s6 =	simm.s32 $0x0;
	[sflag:s3] =	ssyncpa.u1 $0x0;
	s5 =	sadd.s32 s30, s4  }
0xc: {  	s4 =	sadd.s32 $0xAEC00, s4;
	[sflag:s31] =	ssyncpa.u1 $0x0;
	s5 =	sadd.s32 $0xBDC00, s5  }
.LBB2_8:
0xd: {  	p1 =	seq.s32 s9, $0x2  }
.Ltmp1:
0xe: {  	_ = 	snop;
	(pc) =	sbr.rel @p1 .LBB2_10-.Ltmp1, $1  }
0xf: {  	_ =	sdelay $0x3  }
.LBB2_9:
0x10: {  	s9 =	sadd.s32 $0x1, s9;
	s10 =	smov.u32 s2  }
.LBB2_1:
0x11: {  	p1 =	sne.s32 s9, $0x0  }
.Ltmp2:
0x12: {  	_ = 	snop;
	(pc) =	sbr.rel @!p1 .LBB2_2-.Ltmp2, $1  }
0x13: {  	_ =	sdelay $0x3  }
0x14: {  	s11 =	sand.u32 $0x1, s9  }
0x15: {  	p1 =	seq.s32 s11, $0x0  }
.Ltmp3:
0x16: {  	_ = 	snop;
	(pc) =	sbr.rel @p1 .LBB2_8-.Ltmp3, $1  }
0x17: {  	_ =	sdelay $0x3  }
0x18: {  	_ =	swait.ge [sflag:s3], $0x280  }
0x19: {  	[sflag:s3] =	ssyncset.done $0x0  }
0x1a: {  	s11 =	simm.s32 $0x0;
	p1 =	por $0x1, $0x1;
	[sflag:s3] =	ssyncadd.s32 $0xFFFFFD80  }
.LBB2_5:
0x1b: {  	v0 =	vld [tilespmem:s11+$0x280]  }
0x1c: {  	v1 =	vld [tilespmem:s11+$0x290]  }
0x1d: {  	v2 =	vld [tilespmem:s11+$0x2A0]  }
0x1e: {  	v3 =	vld [tilespmem:s11+$0x2B0]  }
0x1f: {  	v4 =	vld [tilespmem:s11+$0x2C0]  }
0x20: {  	v53 =	vld [tilespmem:s11+$0x2D0];
	[tilespmem:s11+$0x780] =	vst v0  }
0x21: {  	v54 =	vld [tilespmem:s11+$0x2E0];
	[tilespmem:s11+$0x790] =	vst v1  }
0x22: {  	v55 =	vld [tilespmem:s11+$0x2F0];
	[tilespmem:s11+$0x7A0] =	vst v2  }
0x23: {  	v56 =	vld [tilespmem:s11+$0x300];
	[tilespmem:s11+$0x7B0] =	vst v3  }
0x24: {  	v57 =	vld [tilespmem:s11+$0x310];
	[tilespmem:s11+$0x7C0] =	vst v4  }
0x25: {  	v58 =	vld [tilespmem:s11+$0x320];
	[tilespmem:s11+$0x7D0] =	vst v53  }
0x26: {  	v59 =	vld [tilespmem:s11+$0x330];
	[tilespmem:s11+$0x7E0] =	vst v54  }
0x27: {  	v60 =	vld [tilespmem:s11+$0x340];
	[tilespmem:s11+$0x7F0] =	vst v55  }
0x28: {  	v61 =	vld [tilespmem:s11+$0x350];
	[tilespmem:s11+$0x800] =	vst v56  }
0x29: {  	v62 =	vld [tilespmem:s11+$0x360];
	[tilespmem:s11+$0x810] =	vst v57  }
0x2a: {  	v63 =	vld [tilespmem:s11+$0x370];
	p2 =	por p1, p1;
	[tilespmem:s11+$0x820] =	vst v58  }
.Ltmp4:
0x2b: {  	[tilespmem:s11+$0x830] =	vst v59;
	(pc) =	sbr.rel @p2 .LBB2_5-.Ltmp4, $4  }
0x2c: {  	[tilespmem:s11+$0x840] =	vst v60  }
0x2d: {  	[tilespmem:s11+$0x850] =	vst v61  }
0x2e: {  	s12 =	simm.s32 $0x1F0;
	s13 =	simm.s32 $0x980;
	[tilespmem:s11+$0x860] =	vst v62  }
0x2f: {  	s14 =	simm.s32 $0x480;
	p1 =	por $0x0, $0x0;
	[tilespmem:s11+$0x870] =	vst v63;
	s11 =	simm.s32 $0x100  }
.LBB2_6:
0x30: {  	s12 =	sadd.s32 $0x10, s12  }
0x31: {  	v0 =	vld [tilespmem:s14+$0x0];
	p1 =	slt.u32 s12, $0x270  }
.Ltmp5:
0x32: {  	_ = 	snop;
	(pc) =	sbr.rel @p1 .LBB2_6-.Ltmp5, $2  }
0x33: {  	_ =	sdelay $0x2  }
0x34: {  	s14 =	sadd.s32 $0x10, s14;
	[tilespmem:s13+$0x0] =	vst v0;
	s13 =	sadd.s32 $0x10, s13  }
.Ltmp6:
0x35: {  	(pc) =	sbr.rel .LBB2_8-.Ltmp6, $4  }
0x36: {  	_ = 	snop  }
0x37: {  	s10 =	sshrl.u32 s10, $0x3  }
0x38: {  	s10 =	sadd.s32 s4, s10  }
0x39: {  	[hbm4b:s10+s6] =	stream.linear.scatter [tilespmem:s8], [sflag:$0x2], $0x280, $0x38;
	[tilespmem:$0xA00] =	vst v63  }
.LBB2_2:
.Ltmp7:
0x3a: {  	(pc) =	sbr.rel .LBB2_9-.Ltmp7, $2  }
0x3b: {  	_ =	sdelay $0x2  }
0x3c: {  	[tilespmem:s7], [sflag:$0x1] =	stream.linear.gather [hbm4b:s5+s6], $0x280, $0x38;
	[tilespmem:$0xA00] =	vst v63  }
.LBB2_10:
0x3d: {  	s2 =	simm.s32 $0x2  }
0x3e: {  	_ =	swait.ge [sflag:s2], $0x280  }
0x3f: {  	[sflag:s2] =	ssyncset.done $0x0  }
0x40: {  	[sflag:s2] =	ssyncadd.s32 $0xFFFFFD80  }
0x41: {  	_ =	sfence.sel $0x180000  }
0x42: {  	s3 =	simm.s32 $0x1;
	[bflag:$0x0] =	sbarrier.arrive $0xFFFF  }
0x43: {  	[sflag:s3] =	ssyncpa.u1 $0x1  }
0x44: {  	[sflag:s2] =	ssyncpa.u1 $0x1  }
0x45: {  	_ =	strace $0x9000004D  }
0x46: {  	s0 =	sadd.s32 @!p0 $0x100000, s0;
	[bflag:$0x2] =	sbarrier.arrive $0xFFFF  }
0x47: {  	[sflag:s0] =	ssyncadd.tile.s32 @!p0 $0x1;
	s0 =	simm.s32 @!p0 $0x3F  }
0x48: {  	_ =	swait.ge @!p0 [sflag:s0], s1  }
0x49: {  	s1 =	ssub.s32 @!p0 $0x0, s1;
	[sflag:s0] =	ssyncset.done @!p0 $0x0  }
0x4a: {  	[sflag:s0] =	ssyncadd.s32 @!p0 s1  }
0x4b: {  	[bflag:$0x3] =	sbarrier.arrive $0xFFFF  }
0x4c: {  	_ =	shalt  }
.Lfunc_end2:
execute1_lowered:
.L_overlay_start_2:
0x4d: {  	(tag) =	ssettag $0x2  }
0x4e: {  	s0 =	rddreg [dreg:$0x0]  }
0x4f: {  	s14 =	stileid.u32;
	_ =	strace $0x80000050;
	s2 =	simm.s32 $0x1  }
0x50: {  	v1 =	vimm.s32 $0xFFFFFFFF;
	s1 =	smin.u32 s14, $0x4;
	[sflag:s2] =	ssyncpa.u1 $0x0  }
0x51: {  	s1 =	sadd.s32 s14, s1;
	[tilespmem:$0x10] =	vst v1  }
0x52: {  	v0 =	vimm.f32 $0.0e+00;
	p0 =	slt.u32 s14, $0x4;
	[tilespmem:$0x20] =	vst v1;
	s3 =	smul.u32 $0x1F40, s1;
	s1 =	simm.s32 $0x3E80  }
0x53: {  	[tilespmem:$0x30] =	vst v0;
	s1 =	simm.s32 @!p0 $0x1F40  }
0x54: {  	[tilespmem:$0x40] =	vst v0;
	s1 =	sadd.s32 s1, s3  }
0x55: {  	[tilespmem:$0x50] =	vst v0;
	s4 =	smin.u32 s1, $0x27100  }
0x56: {  	[tilespmem:$0x60] =	vst v1;
	s9 =	ssub.s32 s4, s3  }
0x57: {  	s7 =	simm.s32 $0x2;
	s8 =	simm.s32 $0x8;
	[tilespmem:$0x70] =	vst v1;
	p0 =	sgt.s32 s9, $0x0  }
0x58: {  	s31 =	simm.s32 $0x9;
	s16 =	simm.s32 $0x0;
	[tilespmem:$0x80] =	vst v1;
	s9 =	simm.s32 @!p0 $0x0  }
0x59: {  	s17 =	simm.s32 $0xF0;
	s18 =	simm.s32 $0xFFFFFFFF;
	v1 =	vimm.s32 $0x0;
	[tilespmem:$0xB0] =	vst v0;
	s5 =	smulhi.u32 $0x10624DD3, s9  }
0x5a: {  	s19 =	simm.s32 $0xFFFFC280;
	s20 =	simm.s32 $0xFFFFFFFE;
	s21 =	simm.s32 $0xF;
	[tilespmem:$0x90] =	vst v1  }
0x5b: {  	[tilespmem:$0xA0] =	vst v1;
	[sflag:s7] =	ssyncpa.u1 $0x0;
	s7 =	simm.s32 $0x7;
	s10 =	sshrl.u32 s5, $0x9  }
0x5c: {  	s25 =	simm.s32 $0x0;
	[sflag:s7] =	ssyncpa.u1 $0x0;
	s11 =	smul.u32 $0x1F40, s10  }
0x5d: {  	s24 =	simm.s32 $0x0;
	s6 =	sadd.s32 $0xC3C00, s0;
	[sflag:s8] =	ssyncpa.u1 $0x0  }
.Ltmp8:
0x5e: {  	s23 =	smov.u32 s3;
	p0 =	sne.s32 s9, s11;
	(pc) =	sbr.rel .LBB3_1-.Ltmp8, $4  }
0x5f: {  	s1 =	sadd.s32 $0xAEC00, s0;
	[sflag:s31] =	ssyncpa.u1 $0x0;
	s2 =	simm.s32 @!p0 $0x0  }
0x60: {  	s5 =	sadd.s32 $0xBEC00, s0;
	p0 =	por $0x0, $0x0;
	s9 =	sadd.s32 s2, s10  }
0x61: {  	vm0 =	vmmov $0xffff;
	v2 =	vlaneseq.u32;
	s10 =	sshll.u32 s14, $0x1;
	s14 =	sshllo.u32 s14, $0x1;
	s11 =	sadd.s32 $0x1, s9  }
0x62: {  	vm1 =	vmxor vm1, vm1;
	vm2 =	vmmov $0x1;
	vm3 =	vcmask $0x3F3C;
	s12 =	sadd.s32 $0x2, s9;
	s13 =	sor.u32 $0x81, s10;
	s15 =	sor.u32 $0x80, s10  }
.LBB3_9:
0x63: {  	p1 =	slt.u32 s24, $0x3  }
0x64: {  	s0 =	simm.s32 @!p1 $0x2  }
0x65: {  	_ =	swait.ge @!p1 [sflag:s0], $0x1F40  }
0x66: {  	[sflag:s0] =	ssyncset.done @!p1 $0x0  }
0x67: {  	[sflag:s0] =	ssyncadd.s32 @!p1 $0xFFFFE0C0;
	s0 =	simm.s32 @!p1 $0x9  }
0x68: {  	_ =	swait.ge @!p1 [sflag:s0], $0x10  }
0x69: {  	[sflag:s0] =	ssyncset.done @!p1 $0x0  }
0x6a: {  	[sflag:s0] =	ssyncadd.s32 @!p1 $0xFFFFFFF0;
	p1 =	sne.s32 s24, s12  }
.Ltmp9:
0x6b: {  	s2 =	sadd.s32 $0x1F40, s23;
	(pc) =	sbr.rel @!p1 .LBB3_10-.Ltmp9, $4  }
0x6c: {  	s22 =	smov.u32 s3;
	s31 =	sadd.s32 $0x1, s24;
	s17 =	sadd.s32 $0x1F40, s17  }
0x6d: {  	s18 =	sadd.s32 $0x1, s18;
	s25 =	smov.u32 s23;
	p2 =	slt.s32 s2, s4  }
0x6e: {  	p0 =	por !p0, !p0;
	s19 =	sadd.s32 $0x1F40, s19;
	s22 =	smov.u32 @p2 s2  }
0x6f: {  	s20 =	sadd.s32 $0x1, s20;
	s23 =	smov.u32 s22;
	s24 =	smov.u32 s31  }
.LBB3_1:
0x70: {  	p1 =	sge.u32 s24, s9  }
0x71: {  	s0 =	smulhi.u32 @!p1 $0xAAAAAAAB, s24;
	_ =	sdelay $0x1  }
0x72: {  	s0 =	sshrl.u32 @!p1 s0, $0x1  }
0x73: {  	s0 =	smul.u32 @!p1 $0x3, s0;
	_ =	sdelay $0x1  }
0x74: {  	s0 =	ssub.s32 @!p1 s24, s0  }
0x75: {  	s0 =	smul.u32 @!p1 $0x7D00, s0;
	_ =	sdelay $0x1  }
0x76: {  	s2 =	sshrl.u32 @!p1 s23, $0x3;
	s0 =	sshrl.u32 @!p1 s0, $0x2  }
0x77: {  	s22 =	sand.u32 @!p1 $0x7, s23;
	s2 =	sadd.s32 @!p1 s5, s2;
	s0 =	sadd.s32 @!p1 $0x100, s0  }
0x78: {  	[tilespmem:s0], [sflag:$0x7] =	stream.linear.gather @!p1 [hbm4b:s2+s22], $0x1F40, $0x38;
	[tilespmem:$0x11A60] =	vst v63  }
0x79: {  	s0 =	sadd.s32 $0xFFFFFFFF, s24  }
0x7a: {  	p1 =	sge.u32 s0, s9  }
.Ltmp10:
0x7b: {  	_ = 	snop;
	(pc) =	sbr.rel @p1 .LBB3_5-.Ltmp10, $1  }
0x7c: {  	_ =	sdelay $0x3  }
0x7d: {  	s2 =	smulhi.u32 $0xAAAAAAAB, s0;
	_ =	sdelay $0x1  }
0x7e: {  	s2 =	sshrl.u32 s2, $0x1  }
0x7f: {  	s2 =	smul.u32 $0x3, s2;
	_ =	sdelay $0x1  }
0x80: {  	s2 =	ssub.s32 s0, s2  }
0x81: {  	s2 =	smul.u32 $0x7D00, s2  }
0x82: {  	_ =	swait.ge [sflag:s7], $0x1F40  }
0x83: {  	[sflag:s7] =	ssyncset.done $0x0;
	s2 =	sshrl.u32 s2, $0x2  }
0x84: {  	[sflag:s7] =	ssyncadd.s32 $0xFFFFE0C0;
	(ifvalue) =	ssetifvalue $0xFFFFFFFF;
	v3 =	vld.msk [tilespmem:s2+$0x100 ss:$0x1], $0xffff;
	_ =	sdelay $0x2  }
0x85: {  	s30 =	smulhi.u32 $0xAAAAAAAB, s18;
	p1 =	sne.s32 s24, $0x1  }
0x86: {  	v4 =	vimm.s32 @!p1 $0x0  }
0x87: {  	s2 =	sshrl.u32 s30, $0x1;
	v4 =	vperm.xlane @!p1 v3, v4  }
0x88: {  	s22 =	sshll.u32 s24, $0x4;
	s2 =	smul.u32 $0xFFFE8900, s2;
	vm4 =	vlt.u32 v3, $0x2800  }
0x89: {  	s22 =	sand.u32 $0x10, s22;
	v3 =	vnsel vm4, $0xFFFFFFFE, v3;
	vm4 =	vlt.u32 @!p1 v4, $0x2800  }
0x8a: {  	s2 =	sshra.s32 s2, $0x2;
	[tilespmem:s22+$0x60] =	vst v3;
	v3 =	vnsel @!p1 vm4, $0xFFFFFFFE, v4  }
0x8b: {  	s28 =	sadd.s32 s2, s17;
	[tilespmem:$0x80] =	vst @!p1 v3  }
0x8c: {  	v3 =	vld.msk [tilespmem:s28+$0x0 ss:$0x1], $0xffff;
	_ =	sdelay $0x4  }
0x8d: {  	(xrf1) =	vunique.msk.u32 $0xffff, v3;
	_ =	sdelay $0xd  }
0x8e: {  	v4 =	vimm.s32 $0xFFFFFFFF;
	v5, _, _ =	vpop (xrf1)  }
0x8f: {  	vm5 =	vne.s32 v3, v4;
	vm4 =	veq.s32 v5, v2  }
0x90: {  	vm6 =	vlt.u32 v3, $0x2800;
	vm4 =	vmand vm5, vm4  }
0x91: {  	vm4 =	vmand vm6, vm4  }
0x92: {  	v4 =	vnsel vm4, $0xFFFFFFFF, v3  }
0x93: {  	s31 =	sand.u32 $0x1, s0  }
0x94: {  	s0 =	simm.s32 $0x1F40;
	p1 =	seq.s32 s31, $0x1  }
0x95: {  	s0 =	simm.s32 @!p1 $0x0  }
0x96: {  	s26 =	sadd.s32 $0x7DF0, s0;
	(ifvalue) =	ssetifvalue $0xFFFFFFFF  }
0x97: {  	v3 =	vperm.xlane v3, v1;
	[tilespmem:s26], [sflag:$0x8] =	stream.indirect_vreg.gather [hbm4b:s1+s16], $0x1, v4, vm0, $0x4038;
	v4 =	vnsel vm6, $0xFFFFFFFE, v4;
	[tilespmem:$0x11A60] =	vst v63  }
0x98: {  	s2 =	simm.s32 $0x0;
	s22 =	sadd.s32 $0xFFFFFFF0, s28;
	[tilespmem:s28+$0x0] =	vst v4  }
.LBB3_3:
0x99: {  	v4 =	vld.msk [tilespmem:s22+$0x0 ss:$0x1], $0xffff;
	s2 =	sadd.s32 $0x10, s2;
	v5 =	vmov v3;
	s28 =	smov.u32 s22  }
0x9a: {  	p1 =	slt.u32 s2, $0x1F30;
	_ =	sdelay $0x4  }
0x9b: {  	v3 =	vperm.xlane v4, v1;
	(xrf1) =	vunique.msk.u32 $0xffff, v4;
	_ =	sdelay $0xd  }
0x9c: {  	v6, _, _ =	vpop (xrf1)  }
0x9d: {  	vm5 =	vne.s32 v4, v5;
	vm4 =	veq.s32 v6, v2  }
0x9e: {  	vm6 =	vlt.u32 v4, $0x2800;
	vm4 =	vmand vm5, vm4  }
0x9f: {  	vm4 =	vmand vm6, vm4  }
0xa0: {  	v4 =	vnsel vm4, $0xFFFFFFFF, v4  }
.Ltmp11:
0xa1: {  	v5 =	vnsel vm6, $0xFFFFFFFE, v4;
	(pc) =	sbr.rel @p1 .LBB3_3-.Ltmp11, $3  }
0xa2: {  	_ =	sdelay $0x1  }
0xa3: {  	s22 =	sadd.s32 $0xFFFFFFF0, s22;
	s26 =	sadd.s32 $0xFFFFFFF0, s26;
	(ifvalue) =	ssetifvalue $0xFFFFFFFF  }
0xa4: {  	[tilespmem:s26], [sflag:$0x8] =	stream.indirect_vreg.gather [hbm4b:s1+s16], $0x1, v4, vm0, $0x4038;
	[tilespmem:s28+$0x0] =	vst v5  }
0xa5: {  	s2 =	sshrl.u32 s25, $0x3  }
0xa6: {  	s0 =	sadd.s32 $0x9D40, s0;
	s2 =	sadd.s32 s6, s2  }
0xa7: {  	[tilespmem:s0], [sflag:$0x8] =	stream.linear.gather [hbm:s2], $0x1F40, $0x38;
	[tilespmem:$0x11A60] =	vst v63  }
.LBB3_5:
0xa8: {  	p1 =	slt.u32 s24, $0x2  }
0xa9: {  	p2 =	sge.u32 @!p1 s24, s12  }
0xaa: {  	p1 =	por p1, p2  }
.Ltmp12:
0xab: {  	_ = 	snop;
	(pc) =	sbr.rel @p1 .LBB3_9-.Ltmp12, $1  }
0xac: {  	_ =	sdelay $0x3  }
0xad: {  	s0 =	sadd.s32 $0xFFFFFFFE, s24  }
0xae: {  	s2 =	smulhi.u32 $0xAAAAAAAB, s0;
	_ =	sdelay $0x1  }
0xaf: {  	s2 =	sshrl.u32 s2, $0x1  }
0xb0: {  	s2 =	smul.u32 $0x3, s2;
	_ =	sdelay $0x1  }
0xb1: {  	s0 =	ssub.s32 s0, s2  }
0xb2: {  	_ =	swait.ge [sflag:s8], $0x3E80;
	s0 =	smul.u32 $0x1F40, s0  }
0xb3: {  	p1 =	sne.s32 s24, s11;
	[sflag:s8] =	ssyncset.done $0x0  }
0xb4: {  	[sflag:s8] =	ssyncadd.s32 $0xFFFFC180;
	s2 =	sadd.s32 @!p1 $0x203F, s0  }
0xb5: {  	[spmem:s13] =	stream.linear.scatter @!p1 [tilespmem:s2], [sflag:$0x1], $0x1, $0x38;
	[tilespmem:$0x11A60] =	vst v63  }
0xb6: {  	s2 =	simm.s32 @!p1 $0x1  }
0xb7: {  	_ =	swait.ge @!p1 [sflag:s2], $0x1  }
0xb8: {  	s22 =	sshll.u32 s24, $0x4;
	[sflag:s2] =	ssyncset.done @!p1 $0x0  }
0xb9: {  	s25 =	sand.u32 $0x10, s22;
	[sflag:s2] =	ssyncadd.s32 @!p1 $0xFFFFFFFF  }
0xba: {  	s2 =	sxor.u32 $0x10, s25;
	v4 =	vld [tilespmem:s25+$0x10]  }
0xbb: {  	v5 =	vld [tilespmem:s2+$0x60]  }
0xbc: {  	v3 =	vld [tilespmem:$0x80];
	_ =	sdelay $0x2  }
0xbd: {  	(v2sf) =	vpush v4, $0x0  }
0xbe: {  	(v2sf) =	vpush v5, $0x0  }
0xbf: {  	(v2sf) =	vpush v3, $0x0;
	_ =	sdelay $0xc  }
0xc0: {  	s22 =	spop (v2sf)  }
0xc1: {  	s26 =	spop (v2sf)  }
0xc2: {  	s28 =	spop (v2sf)  }
0xc3: {  	p2 =	seq.s32 s22, s26;
	p3 =	seq.s32 s28, s22  }
0xc4: {  	p3 =	por p2, p3  }
0xc5: {  	s26 =	sand.u32 $0x1, s24;
	v4 =	vpsel p3, $0xFFFFFFFF, v4  }
0xc6: {  	s29 =	smul.u32 $0x1F40, s26;
	[tilespmem:s25+$0x10] =	vst.msk $0x1, v4  }
0xc7: {  	v4 =	vld [tilespmem:$0x30]  }
0xc8: {  	v5 =	vld [tilespmem:s29+$0x9D40]  }
0xc9: {  	v6 =	vld [tilespmem:s25+$0x40];
	_ =	sdelay $0x3  }
0xca: {  	vm4 =	vmmov vm1;
	v5 =	vadd.f32 v5, v4  }
0xcb: {  	vm5 =	vmmov vm2;
	vm4 =	vmmov @p2 vm2;
	s22 =	sshll.u32 s26, $0x4;
	v4 =	vadd.f32 v6, v4  }
0xcc: {  	s26 =	sor.u32 $0x11A40, s22;
	vm5 =	vmmov @p3 vm1;
	[tilespmem:s29+$0x9D40] =	vst.msk vm4, v5  }
0xcd: {  	[tilespmem:s26+$0x0] =	vst.msk vm5, v4  }
0xce: {  	v4 =	vld [tilespmem:s29+$0x7DF0];
	_ =	sdelay $0x3  }
0xcf: {  	v5 =	vimm.f32 $0.0e+00  }
0xd0: {  	v4 =	vshift.insert v4, v5, s21  }
0xd1: {  	s22 =	sor.u32 $0x40, s2  }
0xd2: {  	[tilespmem:s22+$0x0] =	vst.msk $0x1, v4  }
0xd3: {  	[tilespmem:s29+$0x7DFF] =	vst.msk $0x1, v5  }
0xd4: {  	v4 =	vld [tilespmem:s0+$0x2030];
	_ =	sdelay $0x1  }
0xd5: {  	s22 =	smulhi.u32 $0xAAAAAAAB, s20;
	s0 =	simm.s32 $0x1  }
0xd6: {  	s0 =	simm.s32 @!p0 $0x0  }
0xd7: {  	s22 =	sshrl.u32 s22, $0x1;
	s0 =	smul.u32 $0x7D00, s0  }
0xd8: {  	s22 =	smul.u32 $0xFFFE8900, s22;
	v4 =	vshift.insert v4, v1, s21  }
0xd9: {  	s0 =	sshrl.u32 s0, $0x2  }
0xda: {  	s22 =	sshra.s32 s22, $0x2;
	s30 =	sadd.s32 $0x9D40, s0;
	[tilespmem:s2+$0x10] =	vst.msk $0x1, v4  }
0xdb: {  	s22 =	sadd.s32 s22, s19;
	v6 =	vld [tilespmem:s30+$0x0]  }
0xdc: {  	v7 =	vld [tilespmem:s22+$0x0];
	_ =	sdelay $0x3  }
0xdd: {  	v5 =	vadd.f32 v6, v5  }
0xde: {  	vm4 =	vne.s32 v7, $0xFFFFFFFF  }
0xdf: {  	(xrf2) =	vadd.seg.scan.f32 vm4, v5;
	_ =	sdelay $0x3  }
0xe0: {  	s31 =	sadd.s32 $0x5EC0, s0;
	v5 =	vperm.xlane v4, v1  }
0xe1: {  	v6 =	vld [tilespmem:s31+$0x0]  }
0xe2: {  	vm5 =	veq.s32 v7, v3;
	vm6 =	veq.s32 v7, v5  }
0xe3: {  	vm7 =	vgt.u32 v7, $0xFFFFFFFD;
	vm6 =	vmor vm6, vm5  }
0xe4: {  	vm6 =	vmor vm6, vm7  }
0xe5: {  	v9 =	vld [tilespmem:$0xA0];
	v7 =	vsel vm6, $0xFFFFFFFF, v7  }
0xe6: {  	v10 =	vld [tilespmem:$0x90];
	v6 =	vsel vm5, $0x0, v6;
	v8, _, _ =	vpop (xrf2)  }
0xe7: {  	v6 =	vadd.f32 v8, v6  }
0xe8: {  	s0 =	sadd.s32 $0xDBC0, s0  }
0xe9: {  	vm4 =	vmand vm4, vm3;
	[tilespmem:s0+$0x0] =	vst v6;
	(ifvalue) =	ssetifvalue $0xFFFFFFFF  }
0xea: {  	vm6 =	veq.s32 v9, $0x1;
	[hbm4b:s1+s16] =	stream.indirect_vreg.scatter [tilespmem:s0], [sflag:$0x2], $0x1, v7, vm0, $0x4038;
	v7 =	vsel vm4, $0x0, v8;
	[tilespmem:$0x11A60] =	vst v63  }
0xeb: {  	s2 =	simm.s32 $0x0;
	s22 =	sadd.s32 $0x10, s22;
	vm4 =	vmor vm6, vm5;
	v6 =	vsel vm5, v8, v10;
	v7 =	vshift.insert v7, v0, s21  }
.LBB3_7:
0xec: {  	v8 =	vld [tilespmem:s22+$0x0];
	s30 =	sadd.s32 $0x10, s30  }
0xed: {  	s31 =	sadd.s32 $0x10, s31;
	v9 =	vld [tilespmem:s30+$0x0]  }
0xee: {  	s2 =	sadd.s32 $0x10, s2;
	v10 =	vld [tilespmem:s31+$0x0]  }
0xef: {  	p2 =	slt.u32 s2, $0x1F30;
	_ =	sdelay $0x2  }
0xf0: {  	v7 =	vadd.f32 v9, v7  }
0xf1: {  	vm5 =	vne.s32 v8, $0xFFFFFFFF  }
0xf2: {  	vm6 =	vmand vm5, vm3;
	(xrf2) =	vadd.seg.scan.f32 vm5, v7;
	_ =	sdelay $0x5  }
0xf3: {  	vm7 =	veq.s32 v8, v5;
	vm5 =	veq.s32 v8, v3  }
0xf4: {  	vm8 =	vgt.u32 v8, $0xFFFFFFFD;
	vm4 =	vmor vm4, vm5;
	vm7 =	vmor vm7, vm5  }
0xf5: {  	vm7 =	vmor vm7, vm8  }
0xf6: {  	v8 =	vsel vm7, $0xFFFFFFFF, v8  }
.Ltmp13:
0xf7: {  	v7 =	vsel vm5, $0x0, v10;
	v9, _, _ =	vpop (xrf2);
	(pc) =	sbr.rel @p2 .LBB3_7-.Ltmp13, $4  }
0xf8: {  	v6 =	vsel vm5, v9, v6;
	v10 =	vadd.f32 v9, v7;
	v7 =	vsel vm6, $0x0, v9  }
0xf9: {  	s0 =	sadd.s32 $0x10, s0;
	v7 =	vshift.insert v7, v0, s21  }
0xfa: {  	s22 =	sadd.s32 $0x10, s22;
	[tilespmem:s0+$0x0] =	vst v10;
	(ifvalue) =	ssetifvalue $0xFFFFFFFF  }
0xfb: {  	[hbm4b:s1+s16] =	stream.indirect_vreg.scatter [tilespmem:s0], [sflag:$0x2], $0x1, v8, vm0, $0x4038;
	[tilespmem:$0x11A60] =	vst v63  }
0xfc: {  	v3 =	vld [tilespmem:s29+$0xFAF0];
	_ =	sdelay $0x4  }
0xfd: {  	v3 =	vshift.insert v3, v0, s21  }
0xfe: {  	s0 =	simm.s32 $0x30  }
0xff: {  	[tilespmem:s0+$0x0] =	vst.msk $0x1, v3  }
0x100: {  	v3 =	vsel vm4, $0x1, v1;
	[tilespmem:$0x90] =	vst v6  }
0x101: {  	s0 =	sadd.s32 @!p1 $0xFAFF, s29;
	[tilespmem:$0xA0] =	vst v3  }
0x102: {  	[spmem:s14] =	stream.linear.scatter @!p1 [tilespmem:s0], [sflag:$0x1], $0x1, $0x38;
	[tilespmem:$0x11A60] =	vst v63  }
0x103: {  	s0 =	simm.s32 @!p1 $0x1  }
0x104: {  	v3 =	vmctz.xlane @!p1 vm4;
	_ =	swait.ge @!p1 [sflag:s0], $0x1  }
0x105: {  	(v2sf) =	vpush @!p1 v4, $0x0  }
0x106: {  	(v2sf) =	vpush @!p1 v3, $0x0;
	_ =	sdelay $0xd  }
0x107: {  	s2 =	spop @!p1 (v2sf)  }
0x108: {  	s22 =	spop @!p1 (v2sf)  }
0x109: {  	p2 =	sne.s32 @!p1 s28, s2;
	p3 =	slt.s32 @!p1 s22, $0xF  }
0x10a: {  	[sflag:s0] =	ssyncset.done @!p1 $0x0;
	p2 =	por p2, p1;
	p3 =	por !p3, p1  }
0x10b: {  	[sflag:s0] =	ssyncadd.s32 @!p1 $0xFFFFFFFF;
	v3 =	vimm.s32 @!p2 $0xFFFFFFFF;
	s22 =	simm.s32 @p3 $0xF  }
0x10c: {  	[tilespmem:$0x80] =	vst @!p2 v3;
	s2 =	sadd.s32 @!p1 $0x90, s22  }
0x10d: {  	[spmem:s10] =	stream.linear.scatter @!p1 [tilespmem:s2], [sflag:$0x1], $0x1, $0x38;
	[tilespmem:$0x11A60] =	vst v63  }
0x10e: {  	_ =	swait.ge @!p1 [sflag:s0], $0x1  }
0x10f: {  	[sflag:s0] =	ssyncset.done @!p1 $0x0  }
0x110: {  	s2 =	simm.s32 @!p1 $0x80;
	[sflag:s0] =	ssyncadd.s32 @!p1 $0xFFFFFFFF  }
0x111: {  	[spmem:s15] =	stream.linear.scatter @!p1 [tilespmem:s2], [sflag:$0x1], $0x1, $0x38;
	[tilespmem:$0x11A60] =	vst v63  }
0x112: {  	_ =	swait.ge @!p1 [sflag:s0], $0x1  }
0x113: {  	[sflag:s0] =	ssyncset.done @!p1 $0x0  }
0x114: {  	[sflag:s0] =	ssyncadd.s32 @!p1 $0xFFFFFFFF;
	(ifvalue) =	ssetifvalue $0xFFFFFFFF;
	v3 =	vld [tilespmem:s25+$0x10];
	_ =	sdelay $0x3  }
.Ltmp14:
0x115: {  	_ = 	snop;
	(pc) =	sbr.rel .LBB3_9-.Ltmp14, $3  }
0x116: {  	_ =	sdelay $0x1  }
0x117: {  	(ifvalue) =	ssetifvalue $0xFFFFFFFF  }
0x118: {  	[hbm4b:s1+s16] =	stream.indirect_vreg.scatter [tilespmem:s26], [sflag:$0x9], $0x1, v3, vm0, $0x4038;
	[tilespmem:$0x11A60] =	vst v63  }
.LBB3_10:
0x119: {  	_ =	sfence.sel $0x180000  }
0x11a: {  	s0 =	simm.s32 $0x7;
	[bflag:$0x0] =	sbarrier.arrive $0xFFFF  }
0x11b: {  	s26 =	simm.s32 $0x8;
	[sflag:s0] =	ssyncpa.u1 $0x1  }
0x11c: {  	s28 =	simm.s32 $0x9;
	[sflag:s26] =	ssyncpa.u1 $0x1  }
0x11d: {  	[sflag:s28] =	ssyncpa.u1 $0x1  }
0x11e: {  	_ =	sfence.stream.spmem  }
0x11f: {  	s29 =	simm.s32 $0x3;
	[bflag:$0x0] =	sbarrier.arrive $0xFFFF  }
0x120: {  	s30 =	simm.s32 $0x4;
	[sflag:s29] =	ssyncpa.u1 $0x1  }
0x121: {  	s31 =	simm.s32 $0x3C;
	s2 =	stileid.u32;
	[sflag:s30] =	ssyncpa.u1 $0x1  }
0x122: {  	p0 =	sne.s32 s2, $0x0;
	[sflag:s31] =	ssyncpa.u1 $0x1  }
0x123: {  	s0 =	simm.s32 @p0 $0x1;
	_ =	sfence @p0  }
0x124: {  	[sflag:s0] =	ssyncpa.u1 @p0 $0x1;
	s0 =	simm.s32 @p0 $0x2  }
0x125: {  	[sflag:s0] =	ssyncpa.u1 @p0 $0x1  }
0x126: {  	_ =	strace @p0 $0x90000050  }
0x127: {  	[bflag:$0x2] =	sbarrier.arrive @p0 $0xFFFF  }
0x128: {  	_ =	shalt @p0  }
.LBB3_11:
0x129: {  	_ =	sfence.stream.spmem;
	s0 =	simm.s32 $0x5  }
0x12a: {  	s2 =	simm.s32 $0x80;
	s3 =	simm.s32 $0xC0;
	[sflag:s0] =	ssyncpa.u1 $0x0  }
0x12b: {  	[tilespmem:s3], [sflag:$0x5] =	stream.linear.gather [spmem:s2], $0x20, $0x38;
	[tilespmem:$0x11A60] =	vst v63  }
0x12c: {  	s2 =	simm.s32 $0x0;
	s3 =	simm.s32 $0xE0  }
0x12d: {  	[tilespmem:s3], [sflag:$0x5] =	stream.linear.gather [spmem:s2], $0x20, $0x38;
	[tilespmem:$0x11A60] =	vst v63  }
.Ltmp15:
0x12e: {  	_ = 	snop;
	(pc) =	sbr.rel .LBB3_12-.Ltmp15, $4  }
0x12f: {  	_ =	swait.ge [sflag:s0], $0x40  }
0x130: {  	[sflag:s0] =	ssyncset.done $0x0  }
0x131: {  	s31 =	simm.s32 $0x6;
	[sflag:s0] =	ssyncadd.s32 $0xFFFFFFC0  }
0x132: {  	s4 =	simm.s32 $0x0;
	[sflag:s31] =	ssyncpa.u1 $0x0  }
.LBB3_17:
0x133: {  	p0 =	sgt.u32 s5, $0x27FF  }
0x134: {  	s0 =	sshrl.u32 @!p0 s5, $0x3  }
0x135: {  	s5 =	sand.u32 @!p0 $0x7, s5;
	s6 =	simm.s32 @!p0 $0xB0;
	s0 =	sadd.s32 @!p0 s1, s0  }
0x136: {  	[tilespmem:s6], [sflag:$0x6] =	stream.linear.gather @!p0 [hbm4b:s0+s5], $0x1, $0x38;
	[tilespmem:$0x11A60] =	vst v63  }
0x137: {  	s0 =	simm.s32 @!p0 $0x6  }
0x138: {  	_ =	swait.ge @!p0 [sflag:s0], $0x1  }
0x139: {  	[sflag:s0] =	ssyncset.done @!p0 $0x0  }
0x13a: {  	[sflag:s0] =	ssyncadd.s32 @!p0 $0xFFFFFFFF  }
0x13b: {  	v2 =	vmov @!p0 s4;
	v1 =	vld.msk @!p0 [tilespmem:$0xB0], $0x1;
	_ =	sdelay $0x3  }
0x13c: {  	s0 =	simm.s32 @!p0 $0xE0  }
0x13d: {  	[tilespmem:v2+s0+$0x0], v1 =	vst.idx.ret.add.f32.msk @!p0 $0x1, v1  }
0x13e: {  	[tilespmem:s2+$0xC0] =	vst.msk $0x1, v0  }
0x13f: {  	v0 =	vld.msk [tilespmem:s4+$0xE0], $0x1;
	_ =	sdelay $0x4  }
0x140: {  	[tilespmem:s2+$0xE0] =	vst.msk $0x1, v0;
	s2 =	sadd.s32 $0x1, s2  }
.LBB3_19:
0x141: {  	s4 =	sadd.s32 $0x1, s4  }
0x142: {  	p0 =	sne.s32 s4, $0x20  }
.Ltmp16:
0x143: {  	_ = 	snop;
	(pc) =	sbr.rel @!p0 .LBB3_20-.Ltmp16, $1  }
0x144: {  	_ =	sdelay $0x3  }
.LBB3_12:
0x145: {  	v0 =	vld.msk [tilespmem:s4+$0xC0], $0x1;
	_ =	sdelay $0x4  }
0x146: {  	(v2sf) =	vpush v0, $0x0;
	_ =	sdelay $0xe  }
0x147: {  	s5 =	spop (v2sf)  }
0x148: {  	p0 =	seq.s32 s5, $0xFFFFFFFF  }
.Ltmp17:
0x149: {  	_ = 	snop;
	(pc) =	sbr.rel @p0 .LBB3_19-.Ltmp17, $1  }
0x14a: {  	_ =	sdelay $0x3  }
0x14b: {  	p0 =	slt.s32 s2, $0x1  }
.Ltmp18:
0x14c: {  	_ = 	snop;
	(pc) =	sbr.rel @p0 .LBB3_17-.Ltmp18, $1  }
0x14d: {  	_ =	sdelay $0x3  }
0x14e: {  	s0 =	simm.s32 $0xC0;
	p0 =	por $0x0, $0x0  }
0x14f: {  	v1 =	vld.msk @!p0 [tilespmem:s0+$0x0], $0x1;
	_ =	sdelay $0x4  }
0x150: {  	(v2sf) =	vpush @!p0 v1, $0x0;
	_ =	sdelay $0xd  }
0x151: {  	p2 =	sne.s32 s2, $0x1  }
.Ltmp19:
0x152: {  	s6 =	spop @!p0 (v2sf);
	(pc) =	sbr.rel @!p2 .LBB3_16-.Ltmp19, $4  }
0x153: {  	p1 =	seq.s32 @!p0 s5, s6  }
0x154: {  	s6 =	simm.s32 $0x0;
	p1 =	por !p1, p0  }
0x155: {  	s8 =	simm.s32 $0xFFFFFFFF;
	s6 =	simm.s32 @p1 $0xFFFFFFFF  }
0x156: {  	s7 =	simm.s32 $0x1;
	s6 =	smov.u32 @p0 s8  }
.LBB3_15:
0x157: {  	s8 =	smov.u32 s6;
	p0 =	sne.s32 s6, $0xFFFFFFFF  }
0x158: {  	s0 =	sadd.s32 $0x1, s0;
	s6 =	smov.u32 s7;
	s7 =	sadd.s32 $0x1, s7  }
0x159: {  	p1 =	sne.s32 s2, s7;
	v1 =	vld.msk @!p0 [tilespmem:s0+$0x0], $0x1;
	_ =	sdelay $0x4  }
0x15a: {  	(v2sf) =	vpush @!p0 v1, $0x0;
	_ =	sdelay $0xe  }
.Ltmp20:
0x15b: {  	s9 =	spop @!p0 (v2sf);
	(pc) =	sbr.rel @p1 .LBB3_15-.Ltmp20, $4  }
0x15c: {  	p2 =	seq.s32 @!p0 s5, s9  }
0x15d: {  	p2 =	por !p2, p0  }
0x15e: {  	s6 =	simm.s32 @p2 $0xFFFFFFFF  }
0x15f: {  	s6 =	smov.u32 @p0 s8  }
.LBB3_16:
0x160: {  	p0 =	sne.s32 s6, $0xFFFFFFFF  }
.Ltmp21:
0x161: {  	_ = 	snop;
	(pc) =	sbr.rel @!p0 .LBB3_17-.Ltmp21, $1  }
0x162: {  	_ =	sdelay $0x3  }
0x163: {  	v0 =	vld.msk [tilespmem:s4+$0xE0], $0x1;
	v1 =	vmov s6  }
.Ltmp22:
0x164: {  	_ = 	snop;
	(pc) =	sbr.rel .LBB3_19-.Ltmp22, $2  }
0x165: {  	_ =	sdelay $0x2  }
0x166: {  	[tilespmem:v1+s3+$0x0], v0 =	vst.idx.ret.add.f32.msk $0x1, v0  }
.LBB3_20:
0x167: {  	p0 =	slt.s32 s2, $0x1  }
.Ltmp23:
0x168: {  	_ = 	snop;
	(pc) =	sbr.rel @p0 .LBB3_24-.Ltmp23, $3  }
0x169: {  	_ =	sdelay $0x1  }
0x16a: {  	s0 =	simm.s32 $0x6  }
0x16b: {  	s3 =	simm.s32 $0x0;
	[sflag:s0] =	ssyncpa.u1 $0x1  }
0x16c: {  	s0 =	simm.s32 $0xC0  }
0x16d: {  	v0 =	vld.msk [tilespmem:s0+$0x0], $0x1;
	_ =	sdelay $0x4  }
0x16e: {  	(v2sf) =	vpush v0, $0x0;
	_ =	sdelay $0xe  }
0x16f: {  	s2 =	sadd.s32 $0xFFFFFFFF, s2;
	s4 =	spop (v2sf)  }
0x170: {  	p1 =	sne.s32 s2, $0x0;
	p0 =	sgt.u32 s4, $0x27FF  }
.Ltmp24:
0x171: {  	s5 =	sshrl.u32 @!p0 s4, $0x3;
	(pc) =	sbr.rel @!p1 .LBB3_23-.Ltmp24, $4  }
0x172: {  	s0 =	simm.s32 $0xE0;
	s4 =	sand.u32 @!p0 $0x7, s4;
	s5 =	sadd.s32 @!p0 s1, s5  }
0x173: {  	[hbm4b:s5+s4] =	stream.linear.scatter @!p0 [tilespmem:s0], [sflag:$0x5], $0x1, $0x38;
	[tilespmem:$0x11A60] =	vst v63  }
0x174: {  	s5 =	simm.s32 $0x0  }
0x175: {  	s4 =	simm.s32 $0xC1;
	s5 =	simm.s32 @!p0 $0x4  }
.LBB3_22:
0x176: {  	v0 =	vld.msk [tilespmem:s4+$0x0], $0x1;
	s2 =	sadd.s32 $0xFFFFFFFF, s2;
	s3 =	sadd.s32 s3, s5  }
0x177: {  	p0 =	sne.s32 s2, $0x0;
	_ =	sdelay $0x3  }
0x178: {  	(v2sf) =	vpush v0, $0x0;
	_ =	sdelay $0xe  }
.Ltmp25:
0x179: {  	s6 =	spop (v2sf);
	(pc) =	sbr.rel @p0 .LBB3_22-.Ltmp25, $4  }
0x17a: {  	s5 =	simm.s32 $0x0;
	p1 =	sgt.u32 s6, $0x27FF  }
0x17b: {  	s0 =	sadd.s32 $0x1, s0;
	s5 =	simm.s32 @!p1 $0x4;
	s7 =	sshrl.u32 @!p1 s6, $0x3  }
0x17c: {  	s4 =	sadd.s32 $0x1, s4;
	s6 =	sand.u32 @!p1 $0x7, s6;
	s7 =	sadd.s32 @!p1 s1, s7  }
0x17d: {  	[hbm4b:s7+s6] =	stream.linear.scatter @!p1 [tilespmem:s0], [sflag:$0x5], $0x1, $0x38;
	[tilespmem:$0x11A60] =	vst v63  }
.LBB3_23:
0x17e: {  	s0 =	sadd.s32 s3, s5  }
0x17f: {  	s3 =	sshrl.u32 s0, $0x2  }
.LBB3_24:
0x180: {  	s0 =	simm.s32 $0x5  }
0x181: {  	_ =	swait.ge [sflag:s0], s3  }
0x182: {  	s1 =	ssub.s32 $0x0, s3;
	[sflag:s0] =	ssyncset.done $0x0  }
0x183: {  	[sflag:s0] =	ssyncadd.s32 s1  }
0x184: {  	[sflag:s0] =	ssyncpa.u1 $0x1  }
0x185: {  	s29 =	simm.s32 $0x1;
	_ =	sfence  }
0x186: {  	s30 =	simm.s32 $0x2;
	[sflag:s29] =	ssyncpa.u1 $0x1  }
0x187: {  	[sflag:s30] =	ssyncpa.u1 $0x1  }
0x188: {  	_ =	strace $0x90000050  }
0x189: {  	[bflag:$0x2] =	sbarrier.arrive $0xFFFF  }
0x18a: {  	s31 =	rddreg [dreg:$0x1]  }
0x18b: {  	s0 =	sadd.s32 $0x100000, s31  }
0x18c: {  	[sflag:s0] =	ssyncadd.tile.s32 $0x1;
	_ =	shalt  }
.Lfunc_end3:
_tile_overlayer_lowered:
.L_overlay_start_3:
0x18d: {  	(tag) =	ssettag $0x3  }
0x18e: {  	s0 =	rddreg [dreg:$0x0];
	s2 =	stileid.u32  }
0x18f: {  	s1 =	rddreg [dreg:$0x1];
	p0 =	sne.s32 s2, $0x0  }
0x190: {  	s3 =	rddreg [dreg:$0x2];
	[bflag:$0x3] =	sbarrier.arrive $0xFFFF;
	s2 =	simm.s32 @!p0 $0x1C01  }
0x191: {  	[timem:s3], [sflag:s2] =	dma.local @!p0 [hbm:s0], s1  }
0x192: {  	s0 =	simm.s32 @!p0 $0x1  }
0x193: {  	_ =	swait.ge @!p0 [sflag:s0], s1  }
0x194: {  	s1 =	ssub.s32 @!p0 $0x0, s1;
	[sflag:s0] =	ssyncset.done @!p0 $0x0  }
0x195: {  	[sflag:s0] =	ssyncadd.s32 @!p0 s1  }
0x196: {  	[bflag:$0x3] =	sbarrier.arrive $0xFFFF  }
0x197: {  	_ =	shalt  }

// kernel: scatter_offload_async_start
scs
__scs_entry_jumppad:
0x0: {  	(pc) =	sbr.rel $0x88, $3  }
0x1: {  	(tag) =	ssettag $0x0;
	lr =	simm.s32 $0x1  }
0x2: {  	[smem:$0x3F90] =	sst lr;
	_ =	strace $0xD0000000  }
0x3: {  	_ = 	snop  }
0x4: {  	_ = 	snop  }
0x5: {  	_ = 	snop  }
0x6: {  	_ = 	snop  }
0x7: {  	_ = 	snop  }
__scs_overlays_trampoline_lowered:
0x8: {  	[smem:$0x3F9F] =	sst s0  }
0x9: {  	[smem:$0x3FA0] =	sst s1  }
0xa: {  	[smem:$0x3FA1] =	sst s2  }
0xb: {  	[smem:$0x3FA2] =	sst s3  }
0xc: {  	[smem:$0x3FA3] =	sst s4  }
0xd: {  	[smem:$0x3FA4] =	sst s5  }
0xe: {  	[smem:$0x3FA5] =	sst s6  }
0xf: {  	[smem:$0x3FA6] =	sst s7  }
0x10: {  	[smem:$0x3FA7] =	sst s8  }
0x11: {  	[smem:$0x3FA8] =	sst s9;
	s0 =	simm.s32 @!p0 $0x0  }
0x12: {  	s1 =	sld [smem:$0x3F8E];
	s0 =	simm.s32 @p0 $0x1  }
0x13: {  	[smem:$0x3FA9] =	sst s0;
	s0 =	simm.s32 @!p1 $0x0  }
0x14: {  	s2 =	sld [smem:$0x3F8D];
	s0 =	simm.s32 @p1 $0x1  }
0x15: {  	[smem:$0x3FAA] =	sst s0;
	s0 =	simm.s32 @!p2 $0x0  }
0x16: {  	s3 =	sld [smem:$0x3FDB];
	s0 =	simm.s32 @p2 $0x1  }
0x17: {  	s4 =	simm.s32 $0x1BF5;
	[smem:$0x3FAC] =	sst s0  }
0x18: {  	s0 =	sld [smem:$0x3F8F];
	_ =	swait.ge [sflag:s4], $0x0  }
0x19: {  	s7 =	sld [smem:$0x3F90]  }
0x1a: {  	s8 =	sadd.s32 $0xFFFFE003, lr  }
0x1b: {  	s9 =	sadd.s32 $0xFFFFFEF7, lr;
	s5 =	simm.s32 $0xFFFFFFFF;
	p2 =	slt.u32 s8, $0xFFFFF086  }
0x1c: {  	p1 =	slt.u32 s9, $0xF7A;
	s5 =	simm.s32 @!p2 $0x0  }
0x1d: {  	s5 =	simm.s32 @p1 $0x1;
	p0 =	seq.s32 s7, s2  }
0x1e: {  	s7 =	smul.u32 @!p0 $0xF7A, s2;
	p2 =	seq.s32 @!p0 s5, $0x0  }
0x1f: {  	s9 =	smul.u32 $0xF7A, s1;
	s8 =	simm.s32 @!p0 $0x1BF5;
	p2 =	por !p2, p0  }
0x20: {  	[sflag:s8] =	ssyncset.s32 @!p0 $0xFFFFF086;
	s6 =	sadd.s32 @!p0 s3, s7;
	s7 =	simm.s32 @!p0 $0x108  }
0x21: {  	s3 =	sadd.s32 s3, s9;
	s6 =	sadd.s32 @!p0 $0x88, s6;
	s7 =	simm.s32 @p2 $0x1082  }
0x22: {  	[simem:s7], [sflag:s8] =	dma.local @!p0 [hbm:s6], $0xF7A  }
0x23: {  	s9 =	sor.u32 $0xD0000000, s2;
	s6 =	simm.s32 $0x108;
	_ =	swait.ge @!p0 [sflag:s8], $0x0  }
0x24: {  	s3 =	sadd.s32 $0x88, s3;
	s6 =	simm.s32 @!p1 $0x1082;
	[sflag:s4] =	ssyncset.s32 $0xFFFFF086  }
0x25: {  	[simem:s6], [sflag:s4] =	dma.local [hbm:s3], $0xF7A  }
0x26: {  	[smem:$0x3F90] =	sst s1;
	(tag) =	ssettag s2;
	_ =	strace s9  }
0x27: {  	s1 =	sld [smem:$0x3FA0]  }
0x28: {  	s2 =	sld [smem:$0x3FA1]  }
0x29: {  	s4 =	sld [smem:$0x3FA3]  }
0x2a: {  	p0 =	seq.s32 s5, $0x0;
	s5 =	sld [smem:$0x3FA4]  }
0x2b: {  	s6 =	sld [smem:$0x3FA5]  }
0x2c: {  	s7 =	sld [smem:$0x3FA6]  }
0x2d: {  	s3 =	simm.s32 $0x108;
	s8 =	sld [smem:$0x3FA7]  }
0x2e: {  	s3 =	simm.s32 @!p0 $0x1082;
	s9 =	sld [smem:$0x3FA8]  }
0x2f: {  	lr =	sadd.s32 s0, s3;
	s0 =	sld [smem:$0x3F9F]  }
0x30: {  	s3 =	sld [smem:$0x3FA2]  }
0x31: {  	[smem:$0x3FAB] =	sst s10  }
0x32: {  	s10 =	sld [smem:$0x3FA9];
	_ =	sdelay $0x3  }
0x33: {  	p0 =	seq.s32 s10, $0x1;
	s10 =	sld [smem:$0x3FAB];
	_ =	sdelay $0x3  }
0x34: {  	[smem:$0x3FAB] =	sst s10  }
0x35: {  	s10 =	sld [smem:$0x3FAA];
	_ =	sdelay $0x3  }
0x36: {  	p1 =	seq.s32 s10, $0x1;
	s10 =	sld [smem:$0x3FAB];
	_ =	sdelay $0x3  }
0x37: {  	[smem:$0x3FAB] =	sst s10  }
0x38: {  	s10 =	sld [smem:$0x3FAC]  }
0x39: {  	_ = 	snop;
	(pc) =	sbr.ind lr, $3  }
0x3a: {  	_ = 	snop  }
0x3b: {  	_ = 	snop  }
0x3c: {  	p2 =	seq.s32 s10, $0x1;
	s10 =	sld [smem:$0x3FAB]  }
0x3d: {  	_ =	shalt  }
0x3e: {  	_ =	shalt  }
0x3f: {  	_ =	shalt  }
0x40: {  	_ =	shalt  }
0x41: {  	_ =	shalt  }
0x42: {  	_ =	shalt  }
0x43: {  	_ =	shalt  }
0x44: {  	_ =	shalt  }
0x45: {  	_ =	shalt  }
0x46: {  	_ =	shalt  }
0x47: {  	_ =	shalt  }
0x48: {  	_ =	shalt  }
0x49: {  	_ =	shalt  }
0x4a: {  	_ =	shalt  }
0x4b: {  	_ =	shalt  }
0x4c: {  	_ =	shalt  }
0x4d: {  	_ =	shalt  }
0x4e: {  	_ =	shalt  }
0x4f: {  	_ =	shalt  }
0x50: {  	_ =	shalt  }
0x51: {  	_ =	shalt  }
0x52: {  	_ =	shalt  }
0x53: {  	_ =	shalt  }
0x54: {  	_ =	shalt  }
0x55: {  	_ =	shalt  }
0x56: {  	_ =	shalt  }
0x57: {  	_ =	shalt  }
0x58: {  	_ =	shalt  }
0x59: {  	_ =	shalt  }
0x5a: {  	_ =	shalt  }
0x5b: {  	_ =	shalt  }
0x5c: {  	_ =	shalt  }
0x5d: {  	_ =	shalt  }
0x5e: {  	_ =	shalt  }
0x5f: {  	_ =	shalt  }
0x60: {  	_ =	shalt  }
0x61: {  	_ =	shalt  }
0x62: {  	_ =	shalt  }
0x63: {  	_ =	shalt  }
0x64: {  	_ =	shalt  }
0x65: {  	_ =	shalt  }
0x66: {  	_ =	shalt  }
0x67: {  	_ =	shalt  }
0x68: {  	_ =	shalt  }
0x69: {  	_ =	shalt  }
0x6a: {  	_ =	shalt  }
0x6b: {  	_ =	shalt  }
0x6c: {  	_ =	shalt  }
0x6d: {  	_ =	shalt  }
0x6e: {  	_ =	shalt  }
0x6f: {  	_ =	shalt  }
0x70: {  	_ =	shalt  }
0x71: {  	_ =	shalt  }
0x72: {  	_ =	shalt  }
0x73: {  	_ =	shalt  }
0x74: {  	_ =	shalt  }
0x75: {  	_ =	shalt  }
0x76: {  	_ =	shalt  }
0x77: {  	_ =	shalt  }
0x78: {  	_ =	shalt  }
0x79: {  	_ =	shalt  }
0x7a: {  	_ =	shalt  }
0x7b: {  	_ =	shalt  }
0x7c: {  	_ =	shalt  }
0x7d: {  	_ =	shalt  }
0x7e: {  	_ =	shalt  }
0x7f: {  	_ =	shalt  }
0x80: {  	_ =	shalt  }
0x81: {  	_ =	shalt  }
0x82: {  	_ =	shalt  }
0x83: {  	_ =	shalt  }
0x84: {  	_ =	shalt  }
0x85: {  	_ =	shalt  }
0x86: {  	_ =	shalt  }
0x87: {  	_ =	shalt  }
.Lfunc_end0:
.L_simem_size_0:
called_computation_lowered:
.L_overlay_start_0:
0x88: {  	s0 =	sld [smem:$0x3FD9]  }
0x89: {  	s1 =	sld [smem:$0x3FFE];
	_ =	sdelay $0x3  }
0x8a: {  	s0 =	sadd.s32 s1, s0  }
0x8b: {  	[smem:$0x3FB7] =	sst s0  }
0x8c: {  	_ = 	snop  }
0x8d: {  	(tm) =	ssettm $0x1  }
0x8e: {  	s14 =	sld [smem:$0x3FFB];
	_ =	sdelay $0x3  }
0x8f: {  	_ =	strace s14  }
0x90: {  	s0 =	sld [smem:$0x3FFC];
	_ =	sdelay $0x3  }
0x91: {  	_ =	strace s0  }
0x92: {  	s0 =	sld [smem:$0x3FFD];
	_ =	sdelay $0x3  }
0x93: {  	_ =	strace s0  }
0x94: {  	_ =	strace $0x8FFFFFFF  }
0x95: {  	s15 =	sld [smem:$0x3FDB];
	_ =	sdelay $0x1  }
0x96: {  	s16 =	simm.s32 $_scs_section_size  }
0x97: {  	s2 =	simm.s32 $_size__tile_overlayer_lowered;
	s3 =	simm.s32 $_tile_overlayer_lowered  }
0x98: {  	s4 =	simm.s32 $0x1BFF;
	s17 =	sshll.u32 s3, $0x1;
	s1 =	sadd.s32 s16, s15  }
0x99: {  	s18 =	simm.s32 $0x0;
	s2 =	sshll.u32 s2, $0x1;
	s3 =	sadd.s32 s17, s1  }
0x9a: {  	[timem:s18], [sflag:s4] =	dma.local [hbm:s3], s2  }
0x9b: {  	_ =	swait.ge [sflag:s4], s2  }
0x9c: {  	s2 =	ssub.s32 $0x0, s2;
	[sflag:s4] =	ssyncset.done $0x0  }
0x9d: {  	[sflag:s4] =	ssyncadd.s32 s2;
	_ =	sdelay $0x1  }
0x9e: {  	s19 =	simm.s32 $0x1B8B  }
0x9f: {  	_ =	swait.ge [sflag:s19], $0x1  }
0xa0: {  	[sflag:s19] =	ssyncset.done $0x0  }
0xa1: {  	s21 =	simm.s32 $0x1B8E;
	s20 =	sld [smem:$0x3FFE];
	[sflag:s19] =	ssyncadd.s32 $0xFFFFFFFF  }
0xa2: {  	s22 =	simm.s32 $execute0_lowered;
	[smem:$0x3FD2] =	sst s21  }
0xa3: {  	s3 =	sshll.u32 s22, $0x1;
	_ =	strace $0x80000046;
	[dreg:$0x1] =	wrdreg $0xFFFFFFFF  }
0xa4: {  	s23 =	simm.s32 $_size_execute0_lowered;
	s3 =	sadd.s32 s1, s3;
	[dreg:$0x0] =	wrdreg $0x0  }
0xa5: {  	s4 =	sshll.u32 s23, $0x1;
	[dreg:$0x2] =	wrdreg s3  }
0xa6: {  	[dreg:$0x3] =	wrdreg s4  }
0xa7: {  	[dreg:$0x4] =	wrdreg $0xC0  }
0xa8: {  	s24 =	simm.s32 $execute1_lowered;
	_ =	task [dreg:s18], $0x5FFFF  }
0xa9: {  	s3 =	sshll.u32 s24, $0x1;
	[dreg:$0x1] =	wrdreg $0xFFFFFFFF  }
0xaa: {  	s1 =	sadd.s32 s1, s3;
	[dreg:$0x0] =	wrdreg $0x60  }
0xab: {  	[dreg:$0x2] =	wrdreg s1  }
0xac: {  	[dreg:$0x3] =	wrdreg s20  }
0xad: {  	[dreg:$0x4] =	wrdreg $0x9  }
0xae: {  	_ =	task.clear_ibuf [dreg:s18], $0x5FFFF;
	_ =	strace $0x90000046  }
0xaf: {  	s25 =	simm.s32 $0x9;
	_ =	strace $0x80000048  }
0xb0: {  	_ =	swait.ge [sflag:s25], $0x1  }
0xb1: {  	[sflag:s25] =	ssyncadd.s32 $0xFFFFFFFF  }
0xb2: {  	_ =	strace $0x90000048  }
0xb3: {  	_ =	strace $0x80000049;
	[dreg:$0x1] =	wrdreg $0xFFFFFFFF  }
0xb4: {  	[dreg:$0x0] =	wrdreg $0x2030  }
0xb5: {  	[dreg:$0x2] =	wrdreg s20  }
0xb6: {  	[dreg:$0x3] =	wrdreg $0xA  }
0xb7: {  	_ =	task.clear_ibuf [dreg:s18], $0x4FFFF;
	_ =	strace $0x90000049  }
0xb8: {  	s26 =	simm.s32 $0xA;
	_ =	strace $0x8000004B  }
0xb9: {  	_ =	swait.ge [sflag:s26], $0x1  }
0xba: {  	[sflag:s26] =	ssyncadd.s32 $0xFFFFFFFF  }
0xbb: {  	_ =	strace $0x9000004B  }
0xbc: {  	_ =	sfence  }
0xbd: {  	s28 =	sld [smem:$0x0];
	_ =	sdelay $0x1  }
0xbe: {  	s29 =	srdreg.scid  }
0xbf: {  	s30 =	sshll.u32 s29, $0xD;
	s31 =	sshrl.u32 s29, $0x2  }
0xc0: {  	s2 =	sand.u32 $0x1, s29;
	s3 =	sand.u32 $0x4000, s30;
	s1 =	sadd.s32 s31, s28  }
0xc1: {  	s2 =	sor.u32 s3, s2;
	s1 =	sshll.u32 s1, $0x11  }
0xc2: {  	s1 =	sor.u32 s1, s2  }
0xc3: {  	s1 =	sadd.s32 $0x8F2B, s1  }
0xc4: {  	[sflag:s1] =	ssyncadd.remote.s32 $0x1  }
0xc5: {  	_ =	sfence.sel $0xFFFF  }
0xc6: {  	[dreg:$0x0] =	wrdreg $0xFFFFFFFF;
	(pc) =	sbr.abs _section_cstart, $3  }
0xc7: {  	[dreg:$0x1] =	wrdreg $0xFFFFFFFF  }
0xc8: {  	_ =	task.clear_ibuf [dreg:s18], $0x2FFFF;
	_ =	strace $0x9FFFFFFF  }
0xc9: {  	(tm) =	ssettm $0x7FFFFFFF  }
tec
execute0_lowered:
.L_overlay_start_1:
0x0: {  	(tag) =	ssettag $0x1  }
0x1: {  	s2 =	rddreg [dreg:$0x0]  }
0x2: {  	s4 =	rddreg [dreg:$0x1]  }
0x3: {  	s0 =	rddreg [dreg:$0x2];
	s3 =	stileid.u32  }
0x4: {  	[bflag:$0x3] =	sbarrier.arrive $0xFFFF;
	s1 =	simm.s32 $_size_execute1_lowered;
	p0 =	sne.s32 s3, $0x0  }
0x5: {  	s1 =	sshll.u32 s1, $0x1;
	s5 =	simm.s32 @!p0 $0x1C3F;
	s6 =	simm.s32 @!p0 $0x4060  }
0x6: {  	[timem:s6], [sflag:s5] =	dma.local @!p0 [hbm:s2], s1  }
0x7: {  	s2 =	smul.u32 $0x280, s3  }
.Ltmp0:
0x8: {  	s31 =	simm.s32 $0x2;
	s7 =	simm.s32 $0x280;
	(pc) =	sbr.rel .LBB2_1-.Ltmp0, $4  }
0x9: {  	s8 =	simm.s32 $0x780;
	s10 =	simm.s32 $0x0;
	s9 =	simm.s32 $0x0  }
0xa: {  	s3 =	simm.s32 $0x1;
	_ =	strace $0x80000047;
	s30 =	sshrl.u32 s2, $0x3  }
0xb: {  	s6 =	simm.s32 $0x0;
	[sflag:s3] =	ssyncpa.u1 $0x0;
	s5 =	sadd.s32 s30, s4  }
0xc: {  	s4 =	sadd.s32 $0xBE200, s4;
	[sflag:s31] =	ssyncpa.u1 $0x0;
	s5 =	sadd.s32 $0xBDC00, s5  }
.LBB2_8:
0xd: {  	p1 =	seq.s32 s9, $0x2  }
.Ltmp1:
0xe: {  	_ = 	snop;
	(pc) =	sbr.rel @p1 .LBB2_10-.Ltmp1, $1  }
0xf: {  	_ =	sdelay $0x3  }
.LBB2_9:
0x10: {  	s9 =	sadd.s32 $0x1, s9;
	s10 =	smov.u32 s2  }
.LBB2_1:
0x11: {  	p1 =	sne.s32 s9, $0x0  }
.Ltmp2:
0x12: {  	_ = 	snop;
	(pc) =	sbr.rel @!p1 .LBB2_2-.Ltmp2, $1  }
0x13: {  	_ =	sdelay $0x3  }
0x14: {  	s11 =	sand.u32 $0x1, s9  }
0x15: {  	p1 =	seq.s32 s11, $0x0  }
.Ltmp3:
0x16: {  	_ = 	snop;
	(pc) =	sbr.rel @p1 .LBB2_8-.Ltmp3, $1  }
0x17: {  	_ =	sdelay $0x3  }
0x18: {  	_ =	swait.ge [sflag:s3], $0x280  }
0x19: {  	[sflag:s3] =	ssyncset.done $0x0  }
0x1a: {  	s11 =	simm.s32 $0x0;
	p1 =	por $0x1, $0x1;
	[sflag:s3] =	ssyncadd.s32 $0xFFFFFD80  }
.LBB2_5:
0x1b: {  	v0 =	vld [tilespmem:s11+$0x280]  }
0x1c: {  	v1 =	vld [tilespmem:s11+$0x290]  }
0x1d: {  	v2 =	vld [tilespmem:s11+$0x2A0]  }
0x1e: {  	v3 =	vld [tilespmem:s11+$0x2B0]  }
0x1f: {  	v4 =	vld [tilespmem:s11+$0x2C0]  }
0x20: {  	v53 =	vld [tilespmem:s11+$0x2D0];
	[tilespmem:s11+$0x780] =	vst v0  }
0x21: {  	v54 =	vld [tilespmem:s11+$0x2E0];
	[tilespmem:s11+$0x790] =	vst v1  }
0x22: {  	v55 =	vld [tilespmem:s11+$0x2F0];
	[tilespmem:s11+$0x7A0] =	vst v2  }
0x23: {  	v56 =	vld [tilespmem:s11+$0x300];
	[tilespmem:s11+$0x7B0] =	vst v3  }
0x24: {  	v57 =	vld [tilespmem:s11+$0x310];
	[tilespmem:s11+$0x7C0] =	vst v4  }
0x25: {  	v58 =	vld [tilespmem:s11+$0x320];
	[tilespmem:s11+$0x7D0] =	vst v53  }
0x26: {  	v59 =	vld [tilespmem:s11+$0x330];
	[tilespmem:s11+$0x7E0] =	vst v54  }
0x27: {  	v60 =	vld [tilespmem:s11+$0x340];
	[tilespmem:s11+$0x7F0] =	vst v55  }
0x28: {  	v61 =	vld [tilespmem:s11+$0x350];
	[tilespmem:s11+$0x800] =	vst v56  }
0x29: {  	v62 =	vld [tilespmem:s11+$0x360];
	[tilespmem:s11+$0x810] =	vst v57  }
0x2a: {  	v63 =	vld [tilespmem:s11+$0x370];
	p2 =	por p1, p1;
	[tilespmem:s11+$0x820] =	vst v58  }
.Ltmp4:
0x2b: {  	[tilespmem:s11+$0x830] =	vst v59;
	(pc) =	sbr.rel @p2 .LBB2_5-.Ltmp4, $4  }
0x2c: {  	[tilespmem:s11+$0x840] =	vst v60  }
0x2d: {  	[tilespmem:s11+$0x850] =	vst v61  }
0x2e: {  	s12 =	simm.s32 $0x1F0;
	s13 =	simm.s32 $0x980;
	[tilespmem:s11+$0x860] =	vst v62  }
0x2f: {  	s14 =	simm.s32 $0x480;
	p1 =	por $0x0, $0x0;
	[tilespmem:s11+$0x870] =	vst v63;
	s11 =	simm.s32 $0x100  }
.LBB2_6:
0x30: {  	s12 =	sadd.s32 $0x10, s12  }
0x31: {  	v0 =	vld [tilespmem:s14+$0x0];
	p1 =	slt.u32 s12, $0x270  }
.Ltmp5:
0x32: {  	_ = 	snop;
	(pc) =	sbr.rel @p1 .LBB2_6-.Ltmp5, $2  }
0x33: {  	_ =	sdelay $0x2  }
0x34: {  	s14 =	sadd.s32 $0x10, s14;
	[tilespmem:s13+$0x0] =	vst v0;
	s13 =	sadd.s32 $0x10, s13  }
.Ltmp6:
0x35: {  	(pc) =	sbr.rel .LBB2_8-.Ltmp6, $4  }
0x36: {  	_ = 	snop  }
0x37: {  	s10 =	sshrl.u32 s10, $0x3  }
0x38: {  	s10 =	sadd.s32 s4, s10  }
0x39: {  	[hbm4b:s10+s6] =	stream.linear.scatter [tilespmem:s8], [sflag:$0x2], $0x280, $0x38;
	[tilespmem:$0xA00] =	vst v63  }
.LBB2_2:
.Ltmp7:
0x3a: {  	(pc) =	sbr.rel .LBB2_9-.Ltmp7, $2  }
0x3b: {  	_ =	sdelay $0x2  }
0x3c: {  	[tilespmem:s7], [sflag:$0x1] =	stream.linear.gather [hbm4b:s5+s6], $0x280, $0x38;
	[tilespmem:$0xA00] =	vst v63  }
.LBB2_10:
0x3d: {  	s2 =	simm.s32 $0x2  }
0x3e: {  	_ =	swait.ge [sflag:s2], $0x280  }
0x3f: {  	[sflag:s2] =	ssyncset.done $0x0  }
0x40: {  	[sflag:s2] =	ssyncadd.s32 $0xFFFFFD80  }
0x41: {  	_ =	sfence.sel $0x180000  }
0x42: {  	s3 =	simm.s32 $0x1;
	[bflag:$0x0] =	sbarrier.arrive $0xFFFF  }
0x43: {  	[sflag:s3] =	ssyncpa.u1 $0x1  }
0x44: {  	[sflag:s2] =	ssyncpa.u1 $0x1  }
0x45: {  	_ =	strace $0x90000047  }
0x46: {  	s0 =	sadd.s32 @!p0 $0x100000, s0;
	[bflag:$0x2] =	sbarrier.arrive $0xFFFF  }
0x47: {  	[sflag:s0] =	ssyncadd.tile.s32 @!p0 $0x1;
	s0 =	simm.s32 @!p0 $0x3F  }
0x48: {  	_ =	swait.ge @!p0 [sflag:s0], s1  }
0x49: {  	s1 =	ssub.s32 @!p0 $0x0, s1;
	[sflag:s0] =	ssyncset.done @!p0 $0x0  }
0x4a: {  	[sflag:s0] =	ssyncadd.s32 @!p0 s1  }
0x4b: {  	[bflag:$0x3] =	sbarrier.arrive $0xFFFF  }
0x4c: {  	_ =	shalt  }
.Lfunc_end2:
execute1_lowered:
.L_overlay_start_2:
0x4d: {  	(tag) =	ssettag $0x2  }
0x4e: {  	s0 =	rddreg [dreg:$0x0]  }
0x4f: {  	s14 =	stileid.u32;
	_ =	strace $0x8000004A;
	s2 =	simm.s32 $0x1  }
0x50: {  	v1 =	vimm.s32 $0xFFFFFFFF;
	s1 =	smin.u32 s14, $0x4;
	[sflag:s2] =	ssyncpa.u1 $0x0  }
0x51: {  	s1 =	sadd.s32 s14, s1;
	[tilespmem:$0x10] =	vst v1  }
0x52: {  	v0 =	vimm.f32 $0.0e+00;
	p0 =	slt.u32 s14, $0x4;
	[tilespmem:$0x20] =	vst v1;
	s3 =	smul.u32 $0x1F40, s1;
	s1 =	simm.s32 $0x3E80  }
0x53: {  	[tilespmem:$0x30] =	vst v0;
	s1 =	simm.s32 @!p0 $0x1F40  }
0x54: {  	[tilespmem:$0x40] =	vst v0;
	s1 =	sadd.s32 s1, s3  }
0x55: {  	[tilespmem:$0x50] =	vst v0;
	s4 =	smin.u32 s1, $0x27100  }
0x56: {  	[tilespmem:$0x60] =	vst v1;
	s9 =	ssub.s32 s4, s3  }
0x57: {  	s7 =	simm.s32 $0x2;
	s8 =	simm.s32 $0x8;
	[tilespmem:$0x70] =	vst v1;
	p0 =	sgt.s32 s9, $0x0  }
0x58: {  	s31 =	simm.s32 $0x9;
	s16 =	simm.s32 $0x0;
	[tilespmem:$0x80] =	vst v1;
	s9 =	simm.s32 @!p0 $0x0  }
0x59: {  	s17 =	simm.s32 $0xF0;
	s18 =	simm.s32 $0xFFFFFFFF;
	v1 =	vimm.s32 $0x0;
	[tilespmem:$0xB0] =	vst v0;
	s5 =	smulhi.u32 $0x10624DD3, s9  }
0x5a: {  	s19 =	simm.s32 $0xFFFFC280;
	s20 =	simm.s32 $0xFFFFFFFE;
	s21 =	simm.s32 $0xF;
	[tilespmem:$0x90] =	vst v1  }
0x5b: {  	[tilespmem:$0xA0] =	vst v1;
	[sflag:s7] =	ssyncpa.u1 $0x0;
	s7 =	simm.s32 $0x7;
	s10 =	sshrl.u32 s5, $0x9  }
0x5c: {  	s25 =	simm.s32 $0x0;
	[sflag:s7] =	ssyncpa.u1 $0x0;
	s11 =	smul.u32 $0x1F40, s10  }
0x5d: {  	s24 =	simm.s32 $0x0;
	s6 =	sadd.s32 $0xB8C00, s0;
	[sflag:s8] =	ssyncpa.u1 $0x0  }
.Ltmp8:
0x5e: {  	s23 =	smov.u32 s3;
	p0 =	sne.s32 s9, s11;
	(pc) =	sbr.rel .LBB3_1-.Ltmp8, $4  }
0x5f: {  	s1 =	sadd.s32 $0xBE200, s0;
	[sflag:s31] =	ssyncpa.u1 $0x0;
	s2 =	simm.s32 @!p0 $0x0  }
0x60: {  	s5 =	sadd.s32 $0xB3C00, s0;
	p0 =	por $0x0, $0x0;
	s9 =	sadd.s32 s2, s10  }
0x61: {  	vm0 =	vmmov $0xffff;
	v2 =	vlaneseq.u32;
	s10 =	sshll.u32 s14, $0x1;
	s14 =	sshllo.u32 s14, $0x1;
	s11 =	sadd.s32 $0x1, s9  }
0x62: {  	vm1 =	vmxor vm1, vm1;
	vm2 =	vmmov $0x1;
	vm3 =	vcmask $0x3F3C;
	s12 =	sadd.s32 $0x2, s9;
	s13 =	sor.u32 $0x81, s10;
	s15 =	sor.u32 $0x80, s10  }
.LBB3_9:
0x63: {  	p1 =	slt.u32 s24, $0x3  }
0x64: {  	s0 =	simm.s32 @!p1 $0x2  }
0x65: {  	_ =	swait.ge @!p1 [sflag:s0], $0x1F40  }
0x66: {  	[sflag:s0] =	ssyncset.done @!p1 $0x0  }
0x67: {  	[sflag:s0] =	ssyncadd.s32 @!p1 $0xFFFFE0C0;
	s0 =	simm.s32 @!p1 $0x9  }
0x68: {  	_ =	swait.ge @!p1 [sflag:s0], $0x10  }
0x69: {  	[sflag:s0] =	ssyncset.done @!p1 $0x0  }
0x6a: {  	[sflag:s0] =	ssyncadd.s32 @!p1 $0xFFFFFFF0;
	p1 =	sne.s32 s24, s12  }
.Ltmp9:
0x6b: {  	s2 =	sadd.s32 $0x1F40, s23;
	(pc) =	sbr.rel @!p1 .LBB3_10-.Ltmp9, $4  }
0x6c: {  	s22 =	smov.u32 s3;
	s31 =	sadd.s32 $0x1, s24;
	s17 =	sadd.s32 $0x1F40, s17  }
0x6d: {  	s18 =	sadd.s32 $0x1, s18;
	s25 =	smov.u32 s23;
	p2 =	slt.s32 s2, s4  }
0x6e: {  	p0 =	por !p0, !p0;
	s19 =	sadd.s32 $0x1F40, s19;
	s22 =	smov.u32 @p2 s2  }
0x6f: {  	s20 =	sadd.s32 $0x1, s20;
	s23 =	smov.u32 s22;
	s24 =	smov.u32 s31  }
.LBB3_1:
0x70: {  	p1 =	sge.u32 s24, s9  }
0x71: {  	s0 =	smulhi.u32 @!p1 $0xAAAAAAAB, s24;
	_ =	sdelay $0x1  }
0x72: {  	s0 =	sshrl.u32 @!p1 s0, $0x1  }
0x73: {  	s0 =	smul.u32 @!p1 $0x3, s0;
	_ =	sdelay $0x1  }
0x74: {  	s0 =	ssub.s32 @!p1 s24, s0  }
0x75: {  	s0 =	smul.u32 @!p1 $0x7D00, s0;
	_ =	sdelay $0x1  }
0x76: {  	s2 =	sshrl.u32 @!p1 s23, $0x3;
	s0 =	sshrl.u32 @!p1 s0, $0x2  }
0x77: {  	s22 =	sand.u32 @!p1 $0x7, s23;
	s2 =	sadd.s32 @!p1 s5, s2;
	s0 =	sadd.s32 @!p1 $0x100, s0  }
0x78: {  	[tilespmem:s0], [sflag:$0x7] =	stream.linear.gather @!p1 [hbm4b:s2+s22], $0x1F40, $0x38;
	[tilespmem:$0x11A60] =	vst v63  }
0x79: {  	s0 =	sadd.s32 $0xFFFFFFFF, s24  }
0x7a: {  	p1 =	sge.u32 s0, s9  }
.Ltmp10:
0x7b: {  	_ = 	snop;
	(pc) =	sbr.rel @p1 .LBB3_5-.Ltmp10, $1  }
0x7c: {  	_ =	sdelay $0x3  }
0x7d: {  	s2 =	smulhi.u32 $0xAAAAAAAB, s0;
	_ =	sdelay $0x1  }
0x7e: {  	s2 =	sshrl.u32 s2, $0x1  }
0x7f: {  	s2 =	smul.u32 $0x3, s2;
	_ =	sdelay $0x1  }
0x80: {  	s2 =	ssub.s32 s0, s2  }
0x81: {  	s2 =	smul.u32 $0x7D00, s2  }
0x82: {  	_ =	swait.ge [sflag:s7], $0x1F40  }
0x83: {  	[sflag:s7] =	ssyncset.done $0x0;
	s2 =	sshrl.u32 s2, $0x2  }
0x84: {  	[sflag:s7] =	ssyncadd.s32 $0xFFFFE0C0;
	(ifvalue) =	ssetifvalue $0xFFFFFFFF;
	v3 =	vld.msk [tilespmem:s2+$0x100 ss:$0x1], $0xffff;
	_ =	sdelay $0x2  }
0x85: {  	s30 =	smulhi.u32 $0xAAAAAAAB, s18;
	p1 =	sne.s32 s24, $0x1  }
0x86: {  	v4 =	vimm.s32 @!p1 $0x0  }
0x87: {  	s2 =	sshrl.u32 s30, $0x1;
	v4 =	vperm.xlane @!p1 v3, v4  }
0x88: {  	s22 =	sshll.u32 s24, $0x4;
	s2 =	smul.u32 $0xFFFE8900, s2;
	vm4 =	vlt.u32 v3, $0x2800  }
0x89: {  	s22 =	sand.u32 $0x10, s22;
	v3 =	vnsel vm4, $0xFFFFFFFE, v3;
	vm4 =	vlt.u32 @!p1 v4, $0x2800  }
0x8a: {  	s2 =	sshra.s32 s2, $0x2;
	[tilespmem:s22+$0x60] =	vst v3;
	v3 =	vnsel @!p1 vm4, $0xFFFFFFFE, v4  }
0x8b: {  	s28 =	sadd.s32 s2, s17;
	[tilespmem:$0x80] =	vst @!p1 v3  }
0x8c: {  	v3 =	vld.msk [tilespmem:s28+$0x0 ss:$0x1], $0xffff;
	_ =	sdelay $0x4  }
0x8d: {  	(xrf1) =	vunique.msk.u32 $0xffff, v3;
	_ =	sdelay $0xd  }
0x8e: {  	v4 =	vimm.s32 $0xFFFFFFFF;
	v5, _, _ =	vpop (xrf1)  }
0x8f: {  	vm5 =	vne.s32 v3, v4;
	vm4 =	veq.s32 v5, v2  }
0x90: {  	vm6 =	vlt.u32 v3, $0x2800;
	vm4 =	vmand vm5, vm4  }
0x91: {  	vm4 =	vmand vm6, vm4  }
0x92: {  	v4 =	vnsel vm4, $0xFFFFFFFF, v3  }
0x93: {  	s31 =	sand.u32 $0x1, s0  }
0x94: {  	s0 =	simm.s32 $0x1F40;
	p1 =	seq.s32 s31, $0x1  }
0x95: {  	s0 =	simm.s32 @!p1 $0x0  }
0x96: {  	s26 =	sadd.s32 $0x7DF0, s0;
	(ifvalue) =	ssetifvalue $0xFFFFFFFF  }
0x97: {  	v3 =	vperm.xlane v3, v1;
	[tilespmem:s26], [sflag:$0x8] =	stream.indirect_vreg.gather [hbm4b:s1+s16], $0x1, v4, vm0, $0x4038;
	v4 =	vnsel vm6, $0xFFFFFFFE, v4;
	[tilespmem:$0x11A60] =	vst v63  }
0x98: {  	s2 =	simm.s32 $0x0;
	s22 =	sadd.s32 $0xFFFFFFF0, s28;
	[tilespmem:s28+$0x0] =	vst v4  }
.LBB3_3:
0x99: {  	v4 =	vld.msk [tilespmem:s22+$0x0 ss:$0x1], $0xffff;
	s2 =	sadd.s32 $0x10, s2;
	v5 =	vmov v3;
	s28 =	smov.u32 s22  }
0x9a: {  	p1 =	slt.u32 s2, $0x1F30;
	_ =	sdelay $0x4  }
0x9b: {  	v3 =	vperm.xlane v4, v1;
	(xrf1) =	vunique.msk.u32 $0xffff, v4;
	_ =	sdelay $0xd  }
0x9c: {  	v6, _, _ =	vpop (xrf1)  }
0x9d: {  	vm5 =	vne.s32 v4, v5;
	vm4 =	veq.s32 v6, v2  }
0x9e: {  	vm6 =	vlt.u32 v4, $0x2800;
	vm4 =	vmand vm5, vm4  }
0x9f: {  	vm4 =	vmand vm6, vm4  }
0xa0: {  	v4 =	vnsel vm4, $0xFFFFFFFF, v4  }
.Ltmp11:
0xa1: {  	v5 =	vnsel vm6, $0xFFFFFFFE, v4;
	(pc) =	sbr.rel @p1 .LBB3_3-.Ltmp11, $3  }
0xa2: {  	_ =	sdelay $0x1  }
0xa3: {  	s22 =	sadd.s32 $0xFFFFFFF0, s22;
	s26 =	sadd.s32 $0xFFFFFFF0, s26;
	(ifvalue) =	ssetifvalue $0xFFFFFFFF  }
0xa4: {  	[tilespmem:s26], [sflag:$0x8] =	stream.indirect_vreg.gather [hbm4b:s1+s16], $0x1, v4, vm0, $0x4038;
	[tilespmem:s28+$0x0] =	vst v5  }
0xa5: {  	s2 =	sshrl.u32 s25, $0x3  }
0xa6: {  	s0 =	sadd.s32 $0x9D40, s0;
	s2 =	sadd.s32 s6, s2  }
0xa7: {  	[tilespmem:s0], [sflag:$0x8] =	stream.linear.gather [hbm:s2], $0x1F40, $0x38;
	[tilespmem:$0x11A60] =	vst v63  }
.LBB3_5:
0xa8: {  	p1 =	slt.u32 s24, $0x2  }
0xa9: {  	p2 =	sge.u32 @!p1 s24, s12  }
0xaa: {  	p1 =	por p1, p2  }
.Ltmp12:
0xab: {  	_ = 	snop;
	(pc) =	sbr.rel @p1 .LBB3_9-.Ltmp12, $1  }
0xac: {  	_ =	sdelay $0x3  }
0xad: {  	s0 =	sadd.s32 $0xFFFFFFFE, s24  }
0xae: {  	s2 =	smulhi.u32 $0xAAAAAAAB, s0;
	_ =	sdelay $0x1  }
0xaf: {  	s2 =	sshrl.u32 s2, $0x1  }
0xb0: {  	s2 =	smul.u32 $0x3, s2;
	_ =	sdelay $0x1  }
0xb1: {  	s0 =	ssub.s32 s0, s2  }
0xb2: {  	_ =	swait.ge [sflag:s8], $0x3E80;
	s0 =	smul.u32 $0x1F40, s0  }
0xb3: {  	p1 =	sne.s32 s24, s11;
	[sflag:s8] =	ssyncset.done $0x0  }
0xb4: {  	[sflag:s8] =	ssyncadd.s32 $0xFFFFC180;
	s2 =	sadd.s32 @!p1 $0x203F, s0  }
0xb5: {  	[spmem:s13] =	stream.linear.scatter @!p1 [tilespmem:s2], [sflag:$0x1], $0x1, $0x38;
	[tilespmem:$0x11A60] =	vst v63  }
0xb6: {  	s2 =	simm.s32 @!p1 $0x1  }
0xb7: {  	_ =	swait.ge @!p1 [sflag:s2], $0x1  }
0xb8: {  	s22 =	sshll.u32 s24, $0x4;
	[sflag:s2] =	ssyncset.done @!p1 $0x0  }
0xb9: {  	s25 =	sand.u32 $0x10, s22;
	[sflag:s2] =	ssyncadd.s32 @!p1 $0xFFFFFFFF  }
0xba: {  	s2 =	sxor.u32 $0x10, s25;
	v4 =	vld [tilespmem:s25+$0x10]  }
0xbb: {  	v5 =	vld [tilespmem:s2+$0x60]  }
0xbc: {  	v3 =	vld [tilespmem:$0x80];
	_ =	sdelay $0x2  }
0xbd: {  	(v2sf) =	vpush v4, $0x0  }
0xbe: {  	(v2sf) =	vpush v5, $0x0  }
0xbf: {  	(v2sf) =	vpush v3, $0x0;
	_ =	sdelay $0xc  }
0xc0: {  	s22 =	spop (v2sf)  }
0xc1: {  	s26 =	spop (v2sf)  }
0xc2: {  	s28 =	spop (v2sf)  }
0xc3: {  	p2 =	seq.s32 s22, s26;
	p3 =	seq.s32 s28, s22  }
0xc4: {  	p3 =	por p2, p3  }
0xc5: {  	s26 =	sand.u32 $0x1, s24;
	v4 =	vpsel p3, $0xFFFFFFFF, v4  }
0xc6: {  	s29 =	smul.u32 $0x1F40, s26;
	[tilespmem:s25+$0x10] =	vst.msk $0x1, v4  }
0xc7: {  	v4 =	vld [tilespmem:$0x30]  }
0xc8: {  	v5 =	vld [tilespmem:s29+$0x9D40]  }
0xc9: {  	v6 =	vld [tilespmem:s25+$0x40];
	_ =	sdelay $0x3  }
0xca: {  	vm4 =	vmmov vm1;
	v5 =	vadd.f32 v5, v4  }
0xcb: {  	vm5 =	vmmov vm2;
	vm4 =	vmmov @p2 vm2;
	s22 =	sshll.u32 s26, $0x4;
	v4 =	vadd.f32 v6, v4  }
0xcc: {  	s26 =	sor.u32 $0x11A40, s22;
	vm5 =	vmmov @p3 vm1;
	[tilespmem:s29+$0x9D40] =	vst.msk vm4, v5  }
0xcd: {  	[tilespmem:s26+$0x0] =	vst.msk vm5, v4  }
0xce: {  	v4 =	vld [tilespmem:s29+$0x7DF0];
	_ =	sdelay $0x3  }
0xcf: {  	v5 =	vimm.f32 $0.0e+00  }
0xd0: {  	v4 =	vshift.insert v4, v5, s21  }
0xd1: {  	s22 =	sor.u32 $0x40, s2  }
0xd2: {  	[tilespmem:s22+$0x0] =	vst.msk $0x1, v4  }
0xd3: {  	[tilespmem:s29+$0x7DFF] =	vst.msk $0x1, v5  }
0xd4: {  	v4 =	vld [tilespmem:s0+$0x2030];
	_ =	sdelay $0x1  }
0xd5: {  	s22 =	smulhi.u32 $0xAAAAAAAB, s20;
	s0 =	simm.s32 $0x1  }
0xd6: {  	s0 =	simm.s32 @!p0 $0x0  }
0xd7: {  	s22 =	sshrl.u32 s22, $0x1;
	s0 =	smul.u32 $0x7D00, s0  }
0xd8: {  	s22 =	smul.u32 $0xFFFE8900, s22;
	v4 =	vshift.insert v4, v1, s21  }
0xd9: {  	s0 =	sshrl.u32 s0, $0x2  }
0xda: {  	s22 =	sshra.s32 s22, $0x2;
	s30 =	sadd.s32 $0x9D40, s0;
	[tilespmem:s2+$0x10] =	vst.msk $0x1, v4  }
0xdb: {  	s22 =	sadd.s32 s22, s19;
	v6 =	vld [tilespmem:s30+$0x0]  }
0xdc: {  	v7 =	vld [tilespmem:s22+$0x0];
	_ =	sdelay $0x3  }
0xdd: {  	v5 =	vadd.f32 v6, v5  }
0xde: {  	vm4 =	vne.s32 v7, $0xFFFFFFFF  }
0xdf: {  	(xrf2) =	vadd.seg.scan.f32 vm4, v5;
	_ =	sdelay $0x3  }
0xe0: {  	s31 =	sadd.s32 $0x5EC0, s0;
	v5 =	vperm.xlane v4, v1  }
0xe1: {  	v6 =	vld [tilespmem:s31+$0x0]  }
0xe2: {  	vm5 =	veq.s32 v7, v3;
	vm6 =	veq.s32 v7, v5  }
0xe3: {  	vm7 =	vgt.u32 v7, $0xFFFFFFFD;
	vm6 =	vmor vm6, vm5  }
0xe4: {  	vm6 =	vmor vm6, vm7  }
0xe5: {  	v9 =	vld [tilespmem:$0xA0];
	v7 =	vsel vm6, $0xFFFFFFFF, v7  }
0xe6: {  	v10 =	vld [tilespmem:$0x90];
	v6 =	vsel vm5, $0x0, v6;
	v8, _, _ =	vpop (xrf2)  }
0xe7: {  	v6 =	vadd.f32 v8, v6  }
0xe8: {  	s0 =	sadd.s32 $0xDBC0, s0  }
0xe9: {  	vm4 =	vmand vm4, vm3;
	[tilespmem:s0+$0x0] =	vst v6;
	(ifvalue) =	ssetifvalue $0xFFFFFFFF  }
0xea: {  	vm6 =	veq.s32 v9, $0x1;
	[hbm4b:s1+s16] =	stream.indirect_vreg.scatter [tilespmem:s0], [sflag:$0x2], $0x1, v7, vm0, $0x4038;
	v7 =	vsel vm4, $0x0, v8;
	[tilespmem:$0x11A60] =	vst v63  }
0xeb: {  	s2 =	simm.s32 $0x0;
	s22 =	sadd.s32 $0x10, s22;
	vm4 =	vmor vm6, vm5;
	v6 =	vsel vm5, v8, v10;
	v7 =	vshift.insert v7, v0, s21  }
.LBB3_7:
0xec: {  	v8 =	vld [tilespmem:s22+$0x0];
	s30 =	sadd.s32 $0x10, s30  }
0xed: {  	s31 =	sadd.s32 $0x10, s31;
	v9 =	vld [tilespmem:s30+$0x0]  }
0xee: {  	s2 =	sadd.s32 $0x10, s2;
	v10 =	vld [tilespmem:s31+$0x0]  }
0xef: {  	p2 =	slt.u32 s2, $0x1F30;
	_ =	sdelay $0x2  }
0xf0: {  	v7 =	vadd.f32 v9, v7  }
0xf1: {  	vm5 =	vne.s32 v8, $0xFFFFFFFF  }
0xf2: {  	vm6 =	vmand vm5, vm3;
	(xrf2) =	vadd.seg.scan.f32 vm5, v7;
	_ =	sdelay $0x5  }
0xf3: {  	vm7 =	veq.s32 v8, v5;
	vm5 =	veq.s32 v8, v3  }
0xf4: {  	vm8 =	vgt.u32 v8, $0xFFFFFFFD;
	vm4 =	vmor vm4, vm5;
	vm7 =	vmor vm7, vm5  }
0xf5: {  	vm7 =	vmor vm7, vm8  }
0xf6: {  	v8 =	vsel vm7, $0xFFFFFFFF, v8  }
.Ltmp13:
0xf7: {  	v7 =	vsel vm5, $0x0, v10;
	v9, _, _ =	vpop (xrf2);
	(pc) =	sbr.rel @p2 .LBB3_7-.Ltmp13, $4  }
0xf8: {  	v6 =	vsel vm5, v9, v6;
	v10 =	vadd.f32 v9, v7;
	v7 =	vsel vm6, $0x0, v9  }
0xf9: {  	s0 =	sadd.s32 $0x10, s0;
	v7 =	vshift.insert v7, v0, s21  }
0xfa: {  	s22 =	sadd.s32 $0x10, s22;
	[tilespmem:s0+$0x0] =	vst v10;
	(ifvalue) =	ssetifvalue $0xFFFFFFFF  }
0xfb: {  	[hbm4b:s1+s16] =	stream.indirect_vreg.scatter [tilespmem:s0], [sflag:$0x2], $0x1, v8, vm0, $0x4038;
	[tilespmem:$0x11A60] =	vst v63  }
0xfc: {  	v3 =	vld [tilespmem:s29+$0xFAF0];
	_ =	sdelay $0x4  }
0xfd: {  	v3 =	vshift.insert v3, v0, s21  }
0xfe: {  	s0 =	simm.s32 $0x30  }
0xff: {  	[tilespmem:s0+$0x0] =	vst.msk $0x1, v3  }
0x100: {  	v3 =	vsel vm4, $0x1, v1;
	[tilespmem:$0x90] =	vst v6  }
0x101: {  	s0 =	sadd.s32 @!p1 $0xFAFF, s29;
	[tilespmem:$0xA0] =	vst v3  }
0x102: {  	[spmem:s14] =	stream.linear.scatter @!p1 [tilespmem:s0], [sflag:$0x1], $0x1, $0x38;
	[tilespmem:$0x11A60] =	vst v63  }
0x103: {  	s0 =	simm.s32 @!p1 $0x1  }
0x104: {  	v3 =	vmctz.xlane @!p1 vm4;
	_ =	swait.ge @!p1 [sflag:s0], $0x1  }
0x105: {  	(v2sf) =	vpush @!p1 v4, $0x0  }
0x106: {  	(v2sf) =	vpush @!p1 v3, $0x0;
	_ =	sdelay $0xd  }
0x107: {  	s2 =	spop @!p1 (v2sf)  }
0x108: {  	s22 =	spop @!p1 (v2sf)  }
0x109: {  	p2 =	sne.s32 @!p1 s28, s2;
	p3 =	slt.s32 @!p1 s22, $0xF  }
0x10a: {  	[sflag:s0] =	ssyncset.done @!p1 $0x0;
	p2 =	por p2, p1;
	p3 =	por !p3, p1  }
0x10b: {  	[sflag:s0] =	ssyncadd.s32 @!p1 $0xFFFFFFFF;
	v3 =	vimm.s32 @!p2 $0xFFFFFFFF;
	s22 =	simm.s32 @p3 $0xF  }
0x10c: {  	[tilespmem:$0x80] =	vst @!p2 v3;
	s2 =	sadd.s32 @!p1 $0x90, s22  }
0x10d: {  	[spmem:s10] =	stream.linear.scatter @!p1 [tilespmem:s2], [sflag:$0x1], $0x1, $0x38;
	[tilespmem:$0x11A60] =	vst v63  }
0x10e: {  	_ =	swait.ge @!p1 [sflag:s0], $0x1  }
0x10f: {  	[sflag:s0] =	ssyncset.done @!p1 $0x0  }
0x110: {  	s2 =	simm.s32 @!p1 $0x80;
	[sflag:s0] =	ssyncadd.s32 @!p1 $0xFFFFFFFF  }
0x111: {  	[spmem:s15] =	stream.linear.scatter @!p1 [tilespmem:s2], [sflag:$0x1], $0x1, $0x38;
	[tilespmem:$0x11A60] =	vst v63  }
0x112: {  	_ =	swait.ge @!p1 [sflag:s0], $0x1  }
0x113: {  	[sflag:s0] =	ssyncset.done @!p1 $0x0  }
0x114: {  	[sflag:s0] =	ssyncadd.s32 @!p1 $0xFFFFFFFF;
	(ifvalue) =	ssetifvalue $0xFFFFFFFF;
	v3 =	vld [tilespmem:s25+$0x10];
	_ =	sdelay $0x3  }
.Ltmp14:
0x115: {  	_ = 	snop;
	(pc) =	sbr.rel .LBB3_9-.Ltmp14, $3  }
0x116: {  	_ =	sdelay $0x1  }
0x117: {  	(ifvalue) =	ssetifvalue $0xFFFFFFFF  }
0x118: {  	[hbm4b:s1+s16] =	stream.indirect_vreg.scatter [tilespmem:s26], [sflag:$0x9], $0x1, v3, vm0, $0x4038;
	[tilespmem:$0x11A60] =	vst v63  }
.LBB3_10:
0x119: {  	_ =	sfence.sel $0x180000  }
0x11a: {  	s0 =	simm.s32 $0x7;
	[bflag:$0x0] =	sbarrier.arrive $0xFFFF  }
0x11b: {  	s26 =	simm.s32 $0x8;
	[sflag:s0] =	ssyncpa.u1 $0x1  }
0x11c: {  	s28 =	simm.s32 $0x9;
	[sflag:s26] =	ssyncpa.u1 $0x1  }
0x11d: {  	[sflag:s28] =	ssyncpa.u1 $0x1  }
0x11e: {  	_ =	sfence.stream.spmem  }
0x11f: {  	s29 =	simm.s32 $0x3;
	[bflag:$0x0] =	sbarrier.arrive $0xFFFF  }
0x120: {  	s30 =	simm.s32 $0x4;
	[sflag:s29] =	ssyncpa.u1 $0x1  }
0x121: {  	s31 =	simm.s32 $0x3C;
	s2 =	stileid.u32;
	[sflag:s30] =	ssyncpa.u1 $0x1  }
0x122: {  	p0 =	sne.s32 s2, $0x0;
	[sflag:s31] =	ssyncpa.u1 $0x1  }
0x123: {  	s0 =	simm.s32 @p0 $0x1;
	_ =	sfence @p0  }
0x124: {  	[sflag:s0] =	ssyncpa.u1 @p0 $0x1;
	s0 =	simm.s32 @p0 $0x2  }
0x125: {  	[sflag:s0] =	ssyncpa.u1 @p0 $0x1  }
0x126: {  	_ =	strace @p0 $0x9000004A  }
0x127: {  	[bflag:$0x2] =	sbarrier.arrive @p0 $0xFFFF  }
0x128: {  	_ =	shalt @p0  }
.LBB3_11:
0x129: {  	_ =	sfence.stream.spmem;
	s0 =	simm.s32 $0x5  }
0x12a: {  	s2 =	simm.s32 $0x80;
	s3 =	simm.s32 $0xC0;
	[sflag:s0] =	ssyncpa.u1 $0x0  }
0x12b: {  	[tilespmem:s3], [sflag:$0x5] =	stream.linear.gather [spmem:s2], $0x20, $0x38;
	[tilespmem:$0x11A60] =	vst v63  }
0x12c: {  	s2 =	simm.s32 $0x0;
	s3 =	simm.s32 $0xE0  }
0x12d: {  	[tilespmem:s3], [sflag:$0x5] =	stream.linear.gather [spmem:s2], $0x20, $0x38;
	[tilespmem:$0x11A60] =	vst v63  }
.Ltmp15:
0x12e: {  	_ = 	snop;
	(pc) =	sbr.rel .LBB3_12-.Ltmp15, $4  }
0x12f: {  	_ =	swait.ge [sflag:s0], $0x40  }
0x130: {  	[sflag:s0] =	ssyncset.done $0x0  }
0x131: {  	s31 =	simm.s32 $0x6;
	[sflag:s0] =	ssyncadd.s32 $0xFFFFFFC0  }
0x132: {  	s4 =	simm.s32 $0x0;
	[sflag:s31] =	ssyncpa.u1 $0x0  }
.LBB3_17:
0x133: {  	p0 =	sgt.u32 s5, $0x27FF  }
0x134: {  	s0 =	sshrl.u32 @!p0 s5, $0x3  }
0x135: {  	s5 =	sand.u32 @!p0 $0x7, s5;
	s6 =	simm.s32 @!p0 $0xB0;
	s0 =	sadd.s32 @!p0 s1, s0  }
0x136: {  	[tilespmem:s6], [sflag:$0x6] =	stream.linear.gather @!p0 [hbm4b:s0+s5], $0x1, $0x38;
	[tilespmem:$0x11A60] =	vst v63  }
0x137: {  	s0 =	simm.s32 @!p0 $0x6  }
0x138: {  	_ =	swait.ge @!p0 [sflag:s0], $0x1  }
0x139: {  	[sflag:s0] =	ssyncset.done @!p0 $0x0  }
0x13a: {  	[sflag:s0] =	ssyncadd.s32 @!p0 $0xFFFFFFFF  }
0x13b: {  	v2 =	vmov @!p0 s4;
	v1 =	vld.msk @!p0 [tilespmem:$0xB0], $0x1;
	_ =	sdelay $0x3  }
0x13c: {  	s0 =	simm.s32 @!p0 $0xE0  }
0x13d: {  	[tilespmem:v2+s0+$0x0], v1 =	vst.idx.ret.add.f32.msk @!p0 $0x1, v1  }
0x13e: {  	[tilespmem:s2+$0xC0] =	vst.msk $0x1, v0  }
0x13f: {  	v0 =	vld.msk [tilespmem:s4+$0xE0], $0x1;
	_ =	sdelay $0x4  }
0x140: {  	[tilespmem:s2+$0xE0] =	vst.msk $0x1, v0;
	s2 =	sadd.s32 $0x1, s2  }
.LBB3_19:
0x141: {  	s4 =	sadd.s32 $0x1, s4  }
0x142: {  	p0 =	sne.s32 s4, $0x20  }
.Ltmp16:
0x143: {  	_ = 	snop;
	(pc) =	sbr.rel @!p0 .LBB3_20-.Ltmp16, $1  }
0x144: {  	_ =	sdelay $0x3  }
.LBB3_12:
0x145: {  	v0 =	vld.msk [tilespmem:s4+$0xC0], $0x1;
	_ =	sdelay $0x4  }
0x146: {  	(v2sf) =	vpush v0, $0x0;
	_ =	sdelay $0xe  }
0x147: {  	s5 =	spop (v2sf)  }
0x148: {  	p0 =	seq.s32 s5, $0xFFFFFFFF  }
.Ltmp17:
0x149: {  	_ = 	snop;
	(pc) =	sbr.rel @p0 .LBB3_19-.Ltmp17, $1  }
0x14a: {  	_ =	sdelay $0x3  }
0x14b: {  	p0 =	slt.s32 s2, $0x1  }
.Ltmp18:
0x14c: {  	_ = 	snop;
	(pc) =	sbr.rel @p0 .LBB3_17-.Ltmp18, $1  }
0x14d: {  	_ =	sdelay $0x3  }
0x14e: {  	s0 =	simm.s32 $0xC0;
	p0 =	por $0x0, $0x0  }
0x14f: {  	v1 =	vld.msk @!p0 [tilespmem:s0+$0x0], $0x1;
	_ =	sdelay $0x4  }
0x150: {  	(v2sf) =	vpush @!p0 v1, $0x0;
	_ =	sdelay $0xd  }
0x151: {  	p2 =	sne.s32 s2, $0x1  }
.Ltmp19:
0x152: {  	s6 =	spop @!p0 (v2sf);
	(pc) =	sbr.rel @!p2 .LBB3_16-.Ltmp19, $4  }
0x153: {  	p1 =	seq.s32 @!p0 s5, s6  }
0x154: {  	s6 =	simm.s32 $0x0;
	p1 =	por !p1, p0  }
0x155: {  	s8 =	simm.s32 $0xFFFFFFFF;
	s6 =	simm.s32 @p1 $0xFFFFFFFF  }
0x156: {  	s7 =	simm.s32 $0x1;
	s6 =	smov.u32 @p0 s8  }
.LBB3_15:
0x157: {  	s8 =	smov.u32 s6;
	p0 =	sne.s32 s6, $0xFFFFFFFF  }
0x158: {  	s0 =	sadd.s32 $0x1, s0;
	s6 =	smov.u32 s7;
	s7 =	sadd.s32 $0x1, s7  }
0x159: {  	p1 =	sne.s32 s2, s7;
	v1 =	vld.msk @!p0 [tilespmem:s0+$0x0], $0x1;
	_ =	sdelay $0x4  }
0x15a: {  	(v2sf) =	vpush @!p0 v1, $0x0;
	_ =	sdelay $0xe  }
.Ltmp20:
0x15b: {  	s9 =	spop @!p0 (v2sf);
	(pc) =	sbr.rel @p1 .LBB3_15-.Ltmp20, $4  }
0x15c: {  	p2 =	seq.s32 @!p0 s5, s9  }
0x15d: {  	p2 =	por !p2, p0  }
0x15e: {  	s6 =	simm.s32 @p2 $0xFFFFFFFF  }
0x15f: {  	s6 =	smov.u32 @p0 s8  }
.LBB3_16:
0x160: {  	p0 =	sne.s32 s6, $0xFFFFFFFF  }
.Ltmp21:
0x161: {  	_ = 	snop;
	(pc) =	sbr.rel @!p0 .LBB3_17-.Ltmp21, $1  }
0x162: {  	_ =	sdelay $0x3  }
0x163: {  	v0 =	vld.msk [tilespmem:s4+$0xE0], $0x1;
	v1 =	vmov s6  }
.Ltmp22:
0x164: {  	_ = 	snop;
	(pc) =	sbr.rel .LBB3_19-.Ltmp22, $2  }
0x165: {  	_ =	sdelay $0x2  }
0x166: {  	[tilespmem:v1+s3+$0x0], v0 =	vst.idx.ret.add.f32.msk $0x1, v0  }
.LBB3_20:
0x167: {  	p0 =	slt.s32 s2, $0x1  }
.Ltmp23:
0x168: {  	_ = 	snop;
	(pc) =	sbr.rel @p0 .LBB3_24-.Ltmp23, $3  }
0x169: {  	_ =	sdelay $0x1  }
0x16a: {  	s0 =	simm.s32 $0x6  }
0x16b: {  	s3 =	simm.s32 $0x0;
	[sflag:s0] =	ssyncpa.u1 $0x1  }
0x16c: {  	s0 =	simm.s32 $0xC0  }
0x16d: {  	v0 =	vld.msk [tilespmem:s0+$0x0], $0x1;
	_ =	sdelay $0x4  }
0x16e: {  	(v2sf) =	vpush v0, $0x0;
	_ =	sdelay $0xe  }
0x16f: {  	s2 =	sadd.s32 $0xFFFFFFFF, s2;
	s4 =	spop (v2sf)  }
0x170: {  	p1 =	sne.s32 s2, $0x0;
	p0 =	sgt.u32 s4, $0x27FF  }
.Ltmp24:
0x171: {  	s5 =	sshrl.u32 @!p0 s4, $0x3;
	(pc) =	sbr.rel @!p1 .LBB3_23-.Ltmp24, $4  }
0x172: {  	s0 =	simm.s32 $0xE0;
	s4 =	sand.u32 @!p0 $0x7, s4;
	s5 =	sadd.s32 @!p0 s1, s5  }
0x173: {  	[hbm4b:s5+s4] =	stream.linear.scatter @!p0 [tilespmem:s0], [sflag:$0x5], $0x1, $0x38;
	[tilespmem:$0x11A60] =	vst v63  }
0x174: {  	s5 =	simm.s32 $0x0  }
0x175: {  	s4 =	simm.s32 $0xC1;
	s5 =	simm.s32 @!p0 $0x4  }
.LBB3_22:
0x176: {  	v0 =	vld.msk [tilespmem:s4+$0x0], $0x1;
	s2 =	sadd.s32 $0xFFFFFFFF, s2;
	s3 =	sadd.s32 s3, s5  }
0x177: {  	p0 =	sne.s32 s2, $0x0;
	_ =	sdelay $0x3  }
0x178: {  	(v2sf) =	vpush v0, $0x0;
	_ =	sdelay $0xe  }
.Ltmp25:
0x179: {  	s6 =	spop (v2sf);
	(pc) =	sbr.rel @p0 .LBB3_22-.Ltmp25, $4  }
0x17a: {  	s5 =	simm.s32 $0x0;
	p1 =	sgt.u32 s6, $0x27FF  }
0x17b: {  	s0 =	sadd.s32 $0x1, s0;
	s5 =	simm.s32 @!p1 $0x4;
	s7 =	sshrl.u32 @!p1 s6, $0x3  }
0x17c: {  	s4 =	sadd.s32 $0x1, s4;
	s6 =	sand.u32 @!p1 $0x7, s6;
	s7 =	sadd.s32 @!p1 s1, s7  }
0x17d: {  	[hbm4b:s7+s6] =	stream.linear.scatter @!p1 [tilespmem:s0], [sflag:$0x5], $0x1, $0x38;
	[tilespmem:$0x11A60] =	vst v63  }
.LBB3_23:
0x17e: {  	s0 =	sadd.s32 s3, s5  }
0x17f: {  	s3 =	sshrl.u32 s0, $0x2  }
.LBB3_24:
0x180: {  	s0 =	simm.s32 $0x5  }
0x181: {  	_ =	swait.ge [sflag:s0], s3  }
0x182: {  	s1 =	ssub.s32 $0x0, s3;
	[sflag:s0] =	ssyncset.done $0x0  }
0x183: {  	[sflag:s0] =	ssyncadd.s32 s1  }
0x184: {  	[sflag:s0] =	ssyncpa.u1 $0x1  }
0x185: {  	s29 =	simm.s32 $0x1;
	_ =	sfence  }
0x186: {  	s30 =	simm.s32 $0x2;
	[sflag:s29] =	ssyncpa.u1 $0x1  }
0x187: {  	[sflag:s30] =	ssyncpa.u1 $0x1  }
0x188: {  	_ =	strace $0x9000004A  }
0x189: {  	[bflag:$0x2] =	sbarrier.arrive $0xFFFF  }
0x18a: {  	s31 =	rddreg [dreg:$0x1]  }
0x18b: {  	s0 =	sadd.s32 $0x100000, s31  }
0x18c: {  	[sflag:s0] =	ssyncadd.tile.s32 $0x1;
	_ =	shalt  }
.Lfunc_end3:
_tile_overlayer_lowered:
.L_overlay_start_3:
0x18d: {  	(tag) =	ssettag $0x3  }
0x18e: {  	s0 =	rddreg [dreg:$0x0];
	s2 =	stileid.u32  }
0x18f: {  	s1 =	rddreg [dreg:$0x1];
	p0 =	sne.s32 s2, $0x0  }
0x190: {  	s3 =	rddreg [dreg:$0x2];
	[bflag:$0x3] =	sbarrier.arrive $0xFFFF;
	s2 =	simm.s32 @!p0 $0x1C01  }
0x191: {  	[timem:s3], [sflag:s2] =	dma.local @!p0 [hbm:s0], s1  }
0x192: {  	s0 =	simm.s32 @!p0 $0x1  }
0x193: {  	_ =	swait.ge @!p0 [sflag:s0], s1  }
0x194: {  	s1 =	ssub.s32 @!p0 $0x0, s1;
	[sflag:s0] =	ssyncset.done @!p0 $0x0  }
0x195: {  	[sflag:s0] =	ssyncadd.s32 @!p0 s1  }
0x196: {  	[bflag:$0x3] =	sbarrier.arrive $0xFFFF  }
0x197: {  	_ =	shalt  }

</sc_bundles>
